<compile_context>
chip_gen: v7x
topology: tpu7x:2x2x1
jax: 0.10.2.dev20260603
libtpu: 0.0.44.dev20260713+nightly
codegen_flags: <defaults>
</compile_context>

<pallas_src>
import functools

import jax
import jax.numpy as jnp
from jax import lax
from jax.experimental import pallas as pl
from jax.experimental.pallas import tpu as pltpu
from jax.experimental.pallas import tpu_sc as plsc


@functools.lru_cache(maxsize=None)
def _make_rel_pos_kernel(q_len, v_len, in_dim, out_dim):
    info = plsc.get_sparse_core_info()
    nc, ns = info.num_cores, info.num_subcores
    nw = nc * ns

    mp = (in_dim - 1) // 2
    pre = q_len - 1 - mp
    suf_start = pre + in_dim
    r_len = q_len + v_len - 1
    assert suf_start + (v_len - 1 - mp) == r_len
    assert q_len % nw == 0 and nw % 8 == 0 and in_dim % 8 == 1
    assert out_dim % 8 == 0 and v_len % 128 == 0
    rows_per_w = q_len // nw
    n_tk = out_dim // 8
    n_tj = v_len // 128

    wd = r_len - 7
    assert wd % 8 == 0 and wd <= 131071 // out_dim
    ph_w = in_dim + 7
    pre_end = pre + 1
    suf_fill = ((suf_start - 7) // 8) * 8
    assert pre_end % 8 == 0 and pre_end >= 16 and suf_fill + 8 >= suf_start - 7
    assert wd % 8 == 0 and (wd - suf_fill) % 8 == 0

    mesh = plsc.VectorSubcoreMesh(core_axis_name="c", subcore_axis_name="s")

    unroll = 1
    assert rows_per_w % unroll == 0

    @functools.partial(
        pl.kernel,
        out_type=jax.ShapeDtypeStruct((q_len, n_tk, n_tj, 8, 128),
                                      jnp.float32),
        mesh=mesh,
        scratch_types=[
            pltpu.VMEM((out_dim, wd), jnp.float32),
            pltpu.SemaphoreType.DMA,
        ],
        compiler_params=pltpu.CompilerParams(use_tc_tiling_on_sc=False),
    )
    def rel_pos(phases_hbm, runs_hbm, out_hbm, w_v, sem):
        wid = lax.axis_index("s") * nc + lax.axis_index("c")
        off = lax.rem(jnp.int32(q_len - 1) - wid, jnp.int32(8))
        u_b = jnp.int32(pre) - off
        delta = lax.rem(u_b, jnp.int32(8))
        a = pl.multiple_of(u_b - delta, 8)

        pltpu.sync_copy(runs_hbm.at[:, pl.ds(0, pre_end)],
                        w_v.at[:, pl.ds(0, pre_end)])
        pltpu.sync_copy(runs_hbm.at[:, pl.ds(pre_end, wd - suf_fill)],
                        w_v.at[:, pl.ds(suf_fill, wd - suf_fill)])
        pltpu.sync_copy(phases_hbm.at[:, delta], w_v.at[:, pl.ds(a, ph_w)])

        def fire(t, carry):
            handles = []
            for r in range(unroll):
                i = wid + (t * unroll + r) * nw
                u0 = pl.multiple_of(jnp.int32(q_len - 1) - i - off, 8)
                for tk in range(n_tk):
                    for tj in range(n_tj):
                        src = w_v.at[
                            pl.ds(8 * tk, 8),
                            pl.ds(pl.multiple_of(u0 + 128 * tj, 8), 128)]
                        handles.append(
                            pltpu.async_copy(src, out_hbm.at[i, tk, tj], sem))
            for h in handles:
                h.wait()
            return carry

        lax.fori_loop(0, rows_per_w // unroll, fire, 0)

    return rel_pos


def kernel(q, v, embeddings):
    q_len = q.shape[1]
    v_len = v.shape[1]
    in_dim, out_dim = embeddings.shape
    rel_pos = _make_rel_pos_kernel(q_len, v_len, in_dim, out_dim)

    emb_t = embeddings.T
    first = emb_t[:, :1]
    last = emb_t[:, -1:]
    ph_w = in_dim + 7
    base = jnp.concatenate(
        [jnp.broadcast_to(first, (out_dim, 7)), emb_t,
         jnp.broadcast_to(last, (out_dim, 7))], axis=1)
    idx = (7 - jnp.arange(8))[:, None] + jnp.arange(ph_w)[None, :]
    phases = base[:, idx]
    mp = (in_dim - 1) // 2
    pre_end = q_len - mp
    r_len = q_len + v_len - 1
    wd = r_len - 7
    suf_fill = ((pre_end - 1 + in_dim - 7) // 8) * 8
    runs = jnp.concatenate(
        [jnp.broadcast_to(first, (out_dim, pre_end)),
         jnp.broadcast_to(last, (out_dim, wd - suf_fill))], axis=1)

    f5 = rel_pos(phases, runs)
    out_t = f5.transpose(0, 1, 3, 2, 4).reshape(q_len, out_dim, v_len)
    return out_t.transpose(0, 2, 1)

# --- scband reference (transcript-rebuilt; emitter-appended) ---
"""Pipeline reference for scband-relative-position-embedding-30940944400769 (READ-ONLY COPY).

The authoritative reference and input builder live on the scoring server;
editing this copy changes nothing except your own understanding.
"""

import jax, jax.numpy as jnp
import numpy as np

INPUT_DIM = 129
OUTPUT_DIM = 32


def setup_inputs(seed: int = 0) -> dict:
    key = jax.random.key(seed)
    k1, k2, k3 = jax.random.split(key, 3)
    q = jax.random.normal(k1, (2, 2048, 1024), dtype=jnp.float32)
    v = jax.random.normal(k2, (2, 2048, 1024), dtype=jnp.float32)
    embeddings = jax.random.normal(k3, (INPUT_DIM, OUTPUT_DIM), dtype=jnp.float32) * 0.02
    return {"q": q, "v": v, "embeddings": embeddings}


def reference(q, v, embeddings):
    # compute_position_ids from the original module (the intended call path):
    # relative positions between query and value timesteps, clipped to a
    # max relative distance, shifted to be non-negative, then a gather
    # into the (input_dim, output_dim) embedding table.
    q_len = q.shape[1]
    v_len = v.shape[1]
    q_idxs = jnp.arange(0, q_len, dtype=jnp.int32)[:, None]
    v_idxs = jnp.arange(0, v_len, dtype=jnp.int32)[None, :]
    pos_ids = v_idxs - q_idxs
    max_position = (INPUT_DIM - 1) // 2
    pos_ids = jnp.clip(pos_ids, -max_position, max_position)
    pos_ids = pos_ids + max_position
    # K.gather(self.embeddings, pos_ids)
    out = jnp.take(embeddings, pos_ids, axis=0)
    return out

if __name__ == "__main__":
    import jax
    _d = setup_inputs()
    print(jax.jit(kernel)(*tuple(_d.values())))

</pallas_src>

<mosaic_0001>
#map = affine_map<(d0, d1) -> (0, 0, 0)>
#map1 = affine_map<(d0, d1) -> (0, 0)>
#map2 = affine_map<(d0, d1) -> (0, 0, 0, 0, 0)>
module attributes {stable_mosaic.version = 14 : i64} {
  func.func @rel_pos(%arg0: i32, %arg1: i32, %arg2: memref<32x8x136xf32, #tpu.memory_space<hbm>>, %arg3: memref<32x3968xf32, #tpu.memory_space<hbm>>, %arg4: memref<2048x4x16x8x128xf32, #tpu.memory_space<hbm>>, %arg5: memref<32x4088xf32, #tpu.memory_space<vmem>>, %arg6: memref<!tpu.dma_semaphore, #tpu.memory_space<semaphore_mem>>) attributes {dimension_semantics = [#tpu.dimension_semantics<core_parallel>, #tpu.dimension_semantics<subcore_parallel>], iteration_bounds = array<i64: 2, 16>, scalar_prefetch = 0 : i64, scratch_operands = 2 : i64, tpu.core_type = #tpu.core_type<sc_vector_subcore>, window_params = [{transform_indices = #map}, {transform_indices = #map1}, {transform_indices = #map2}]} {
    %mul3A = arith.constant 2 : i32
    %mul3A_0 = arith.muli %arg1, %mul3A : i32
    %add3A = arith.addi %mul3A_0, %arg0 : i32
    %sub3A = arith.constant 2047 : i32
    %sub3A_1 = arith.subi %sub3A, %add3A : i32
    %rem3A = arith.constant 8 : i32
    %rem3A_2 = arith.remsi %sub3A_1, %rem3A : i32
    %sub3A_3 = arith.constant 1983 : i32
    %sub3A_4 = arith.subi %sub3A_3, %rem3A_2 : i32
    %rem3A_5 = arith.constant 8 : i32
    %rem3A_6 = arith.remsi %sub3A_4, %rem3A_5 : i32
    %sub3A_7 = arith.subi %sub3A_4, %rem3A_6 : i32
    %multiple_of3A = tpu.assume_multiple %sub3A_7, 8 : i32
    "tpu.region"() ({
      %run_scoped3A = tpu.sem_alloc : memref<!tpu.dma_semaphore, #tpu.memory_space<semaphore_mem>>
      %dma_start3A = arith.constant 0 : i32
      %dma_start3A_13 = arith.constant 0 : i32
      %dma_start3A_14 = tpu.memref_slice %arg5[%dma_start3A, %dma_start3A_13] : memref<32x4088xf32, #tpu.memory_space<vmem>> -> memref<32x1984xf32, #tpu.memory_space<vmem>>
      %dma_start3A_15 = arith.constant 0 : i32
      %dma_start3A_16 = arith.constant 0 : i32
      %dma_start3A_17 = tpu.memref_slice %arg3[%dma_start3A_15, %dma_start3A_16] : memref<32x3968xf32, #tpu.memory_space<hbm>> -> memref<32x1984xf32, #tpu.memory_space<hbm>>
      %dma_start3A_18 = arith.constant 0 : i32
      %dma_start3A_19 = arith.constant 0 : i32
      %dma_start3A_20 = tpu.memref_slice %arg5[%dma_start3A_18, %dma_start3A_19] : memref<32x4088xf32, #tpu.memory_space<vmem>> -> memref<32x1984xf32, #tpu.memory_space<vmem>>
      %dma_start3A_21 = arith.constant 0 : i32
      %dma_start3A_22 = arith.constant 0 : i32
      %dma_start3A_23 = tpu.memref_slice %arg3[%dma_start3A_21, %dma_start3A_22] : memref<32x3968xf32, #tpu.memory_space<hbm>> -> memref<32x1984xf32, #tpu.memory_space<hbm>>
      tpu.enqueue_dma source(%dma_start3A_23 : memref<32x1984xf32, #tpu.memory_space<hbm>>) target(%dma_start3A_20 : memref<32x1984xf32, #tpu.memory_space<vmem>>) target_semaphore(%run_scoped3A : memref<!tpu.dma_semaphore, #tpu.memory_space<semaphore_mem>>)
      %dma_wait3A = arith.constant 0 : i32
      %dma_wait3A_24 = arith.constant 0 : i32
      %dma_wait3A_25 = tpu.memref_slice %arg5[%dma_wait3A, %dma_wait3A_24] : memref<32x4088xf32, #tpu.memory_space<vmem>> -> memref<32x1984xf32, #tpu.memory_space<vmem>>
      %dma_wait3A_26 = arith.constant 0 : i32
      %dma_wait3A_27 = arith.constant 0 : i32
      %dma_wait3A_28 = tpu.memref_slice %arg3[%dma_wait3A_26, %dma_wait3A_27] : memref<32x3968xf32, #tpu.memory_space<hbm>> -> memref<32x1984xf32, #tpu.memory_space<hbm>>
      %dma_wait3A_29 = arith.constant 0 : i32
      %dma_wait3A_30 = arith.constant 0 : i32
      %dma_wait3A_31 = tpu.memref_slice %arg5[%dma_wait3A_29, %dma_wait3A_30] : memref<32x4088xf32, #tpu.memory_space<vmem>> -> memref<32x1984xf32, #tpu.memory_space<vmem>>
      %dma_wait3A_32 = arith.constant 0 : i32
      %dma_wait3A_33 = arith.constant 0 : i32
      %dma_wait3A_34 = tpu.memref_slice %arg3[%dma_wait3A_32, %dma_wait3A_33] : memref<32x3968xf32, #tpu.memory_space<hbm>> -> memref<32x1984xf32, #tpu.memory_space<hbm>>
      tpu.wait_dma2 semaphore(%run_scoped3A : memref<!tpu.dma_semaphore, #tpu.memory_space<semaphore_mem>>) src(%dma_wait3A_34 : memref<32x1984xf32, #tpu.memory_space<hbm>>) dst(%dma_wait3A_31 : memref<32x1984xf32, #tpu.memory_space<vmem>>)
      tpu.yield
    }) : () -> ()
    "tpu.region"() ({
      %run_scoped3A = tpu.sem_alloc : memref<!tpu.dma_semaphore, #tpu.memory_space<semaphore_mem>>
      %dma_start3A = arith.constant 0 : i32
      %dma_start3A_13 = arith.constant 2104 : i32
      %dma_start3A_14 = tpu.memref_slice %arg5[%dma_start3A, %dma_start3A_13] : memref<32x4088xf32, #tpu.memory_space<vmem>> -> memref<32x1984xf32, #tpu.memory_space<vmem>>
      %dma_start3A_15 = arith.constant 0 : i32
      %dma_start3A_16 = arith.constant 1984 : i32
      %dma_start3A_17 = tpu.memref_slice %arg3[%dma_start3A_15, %dma_start3A_16] : memref<32x3968xf32, #tpu.memory_space<hbm>> -> memref<32x1984xf32, #tpu.memory_space<hbm>>
      %dma_start3A_18 = arith.constant 0 : i32
      %dma_start3A_19 = arith.constant 2104 : i32
      %dma_start3A_20 = tpu.memref_slice %arg5[%dma_start3A_18, %dma_start3A_19] : memref<32x4088xf32, #tpu.memory_space<vmem>> -> memref<32x1984xf32, #tpu.memory_space<vmem>>
      %dma_start3A_21 = arith.constant 0 : i32
      %dma_start3A_22 = arith.constant 1984 : i32
      %dma_start3A_23 = tpu.memref_slice %arg3[%dma_start3A_21, %dma_start3A_22] : memref<32x3968xf32, #tpu.memory_space<hbm>> -> memref<32x1984xf32, #tpu.memory_space<hbm>>
      tpu.enqueue_dma source(%dma_start3A_23 : memref<32x1984xf32, #tpu.memory_space<hbm>>) target(%dma_start3A_20 : memref<32x1984xf32, #tpu.memory_space<vmem>>) target_semaphore(%run_scoped3A : memref<!tpu.dma_semaphore, #tpu.memory_space<semaphore_mem>>)
      %dma_wait3A = arith.constant 0 : i32
      %dma_wait3A_24 = arith.constant 2104 : i32
      %dma_wait3A_25 = tpu.memref_slice %arg5[%dma_wait3A, %dma_wait3A_24] : memref<32x4088xf32, #tpu.memory_space<vmem>> -> memref<32x1984xf32, #tpu.memory_space<vmem>>
      %dma_wait3A_26 = arith.constant 0 : i32
      %dma_wait3A_27 = arith.constant 1984 : i32
      %dma_wait3A_28 = tpu.memref_slice %arg3[%dma_wait3A_26, %dma_wait3A_27] : memref<32x3968xf32, #tpu.memory_space<hbm>> -> memref<32x1984xf32, #tpu.memory_space<hbm>>
      %dma_wait3A_29 = arith.constant 0 : i32
      %dma_wait3A_30 = arith.constant 2104 : i32
      %dma_wait3A_31 = tpu.memref_slice %arg5[%dma_wait3A_29, %dma_wait3A_30] : memref<32x4088xf32, #tpu.memory_space<vmem>> -> memref<32x1984xf32, #tpu.memory_space<vmem>>
      %dma_wait3A_32 = arith.constant 0 : i32
      %dma_wait3A_33 = arith.constant 1984 : i32
      %dma_wait3A_34 = tpu.memref_slice %arg3[%dma_wait3A_32, %dma_wait3A_33] : memref<32x3968xf32, #tpu.memory_space<hbm>> -> memref<32x1984xf32, #tpu.memory_space<hbm>>
      tpu.wait_dma2 semaphore(%run_scoped3A : memref<!tpu.dma_semaphore, #tpu.memory_space<semaphore_mem>>) src(%dma_wait3A_34 : memref<32x1984xf32, #tpu.memory_space<hbm>>) dst(%dma_wait3A_31 : memref<32x1984xf32, #tpu.memory_space<vmem>>)
      tpu.yield
    }) : () -> ()
    "tpu.region"() ({
      %run_scoped3A = tpu.sem_alloc : memref<!tpu.dma_semaphore, #tpu.memory_space<semaphore_mem>>
      %dma_start3A = arith.constant 0 : i32
      %dma_start3A_13 = tpu.memref_slice %arg5[%dma_start3A, %multiple_of3A] : memref<32x4088xf32, #tpu.memory_space<vmem>> -> memref<32x136xf32, #tpu.memory_space<vmem>>
      %dma_start3A_14 = arith.constant 0 : i32
      %dma_start3A_15 = arith.constant 0 : i32
      %dma_start3A_16 = tpu.memref_slice %arg2[%dma_start3A_14, %rem3A_6, %dma_start3A_15] : memref<32x8x136xf32, #tpu.memory_space<hbm>> -> memref<32x1x136xf32, #tpu.memory_space<hbm>>
      %dma_start3A_17 = tpu.memref_squeeze %dma_start3A_16 : memref<32x1x136xf32, #tpu.memory_space<hbm>> -> memref<32x136xf32, #tpu.memory_space<hbm>>
      %dma_start3A_18 = arith.constant 0 : i32
      %dma_start3A_19 = tpu.memref_slice %arg5[%dma_start3A_18, %multiple_of3A] : memref<32x4088xf32, #tpu.memory_space<vmem>> -> memref<32x136xf32, #tpu.memory_space<vmem>>
      %dma_start3A_20 = arith.constant 0 : i32
      %dma_start3A_21 = arith.constant 0 : i32
      %dma_start3A_22 = tpu.memref_slice %arg2[%dma_start3A_20, %rem3A_6, %dma_start3A_21] : memref<32x8x136xf32, #tpu.memory_space<hbm>> -> memref<32x1x136xf32, #tpu.memory_space<hbm>>
      %dma_start3A_23 = tpu.memref_squeeze %dma_start3A_22 : memref<32x1x136xf32, #tpu.memory_space<hbm>> -> memref<32x136xf32, #tpu.memory_space<hbm>>
      tpu.enqueue_dma source(%dma_start3A_23 : memref<32x136xf32, #tpu.memory_space<hbm>>) target(%dma_start3A_19 : memref<32x136xf32, #tpu.memory_space<vmem>>) target_semaphore(%run_scoped3A : memref<!tpu.dma_semaphore, #tpu.memory_space<semaphore_mem>>)
      %dma_wait3A = arith.constant 0 : i32
      %dma_wait3A_24 = tpu.memref_slice %arg5[%dma_wait3A, %multiple_of3A] : memref<32x4088xf32, #tpu.memory_space<vmem>> -> memref<32x136xf32, #tpu.memory_space<vmem>>
      %dma_wait3A_25 = arith.constant 0 : i32
      %dma_wait3A_26 = arith.constant 0 : i32
      %dma_wait3A_27 = tpu.memref_slice %arg2[%dma_wait3A_25, %rem3A_6, %dma_wait3A_26] : memref<32x8x136xf32, #tpu.memory_space<hbm>> -> memref<32x1x136xf32, #tpu.memory_space<hbm>>
      %dma_wait3A_28 = tpu.memref_squeeze %dma_wait3A_27 : memref<32x1x136xf32, #tpu.memory_space<hbm>> -> memref<32x136xf32, #tpu.memory_space<hbm>>
      %dma_wait3A_29 = arith.constant 0 : i32
      %dma_wait3A_30 = tpu.memref_slice %arg5[%dma_wait3A_29, %multiple_of3A] : memref<32x4088xf32, #tpu.memory_space<vmem>> -> memref<32x136xf32, #tpu.memory_space<vmem>>
      %dma_wait3A_31 = arith.constant 0 : i32
      %dma_wait3A_32 = arith.constant 0 : i32
      %dma_wait3A_33 = tpu.memref_slice %arg2[%dma_wait3A_31, %rem3A_6, %dma_wait3A_32] : memref<32x8x136xf32, #tpu.memory_space<hbm>> -> memref<32x1x136xf32, #tpu.memory_space<hbm>>
      %dma_wait3A_34 = tpu.memref_squeeze %dma_wait3A_33 : memref<32x1x136xf32, #tpu.memory_space<hbm>> -> memref<32x136xf32, #tpu.memory_space<hbm>>
      tpu.wait_dma2 semaphore(%run_scoped3A : memref<!tpu.dma_semaphore, #tpu.memory_space<semaphore_mem>>) src(%dma_wait3A_34 : memref<32x136xf32, #tpu.memory_space<hbm>>) dst(%dma_wait3A_30 : memref<32x136xf32, #tpu.memory_space<vmem>>)
      tpu.yield
    }) : () -> ()
    %scan3A = arith.constant 0 : i32
    %scan3A_8 = arith.constant 0 : i32
    %scan3A_9 = arith.constant 64 : i32
    %scan3A_10 = arith.addi %scan3A_8, %scan3A_9 : i32
    %scan3A_11 = arith.constant 1 : i32
    scf.for %scan3A_13 = %scan3A_8 to %scan3A_10 step %scan3A_11  : i32 {
      %mul3A_14 = arith.constant 1 : i32
      %mul3A_15 = arith.muli %scan3A_13, %mul3A_14 : i32
      %add3A_16 = arith.constant 0 : i32
      %add3A_17 = arith.addi %mul3A_15, %add3A_16 : i32
      %mul3A_18 = arith.constant 32 : i32
      %mul3A_19 = arith.muli %add3A_17, %mul3A_18 : i32
      %add3A_20 = arith.addi %add3A, %mul3A_19 : i32
      %sub3A_21 = arith.constant 2047 : i32
      %sub3A_22 = arith.subi %sub3A_21, %add3A_20 : i32
      %sub3A_23 = arith.subi %sub3A_22, %rem3A_2 : i32
      %multiple_of3A_24 = tpu.assume_multiple %sub3A_23, 8 : i32
      %add3A_25 = arith.constant 0 : i32
      %add3A_26 = arith.addi %multiple_of3A_24, %add3A_25 : i32
      %multiple_of3A_27 = tpu.assume_multiple %add3A_26, 8 : i32
      %dma_start3A = arith.constant 0 : i32
      %dma_start3A_28 = arith.constant 0 : i32
      %dma_start3A_29 = arith.constant 0 : i32
      %dma_start3A_30 = tpu.memref_slice %arg5[%dma_start3A_29, %multiple_of3A_27] : memref<32x4088xf32, #tpu.memory_space<vmem>> -> memref<8x128xf32, #tpu.memory_space<vmem>>
      %dma_start3A_31 = arith.constant 0 : i32
      %dma_start3A_32 = arith.constant 0 : i32
      %dma_start3A_33 = tpu.memref_slice %arg4[%add3A_20, %dma_start3A, %dma_start3A_28, %dma_start3A_31, %dma_start3A_32] : memref<2048x4x16x8x128xf32, #tpu.memory_space<hbm>> -> memref<1x1x1x8x128xf32, #tpu.memory_space<hbm>>
      %dma_start3A_34 = tpu.memref_squeeze %dma_start3A_33 : memref<1x1x1x8x128xf32, #tpu.memory_space<hbm>> -> memref<8x128xf32, #tpu.memory_space<hbm>>
      %dma_start3A_35 = arith.constant 0 : i32
      %dma_start3A_36 = arith.constant 0 : i32
      %dma_start3A_37 = tpu.memref_slice %arg4[%add3A_20, %dma_start3A, %dma_start3A_28, %dma_start3A_35, %dma_start3A_36] : memref<2048x4x16x8x128xf32, #tpu.memory_space<hbm>> -> memref<1x1x1x8x128xf32, #tpu.memory_space<hbm>>
      %dma_start3A_38 = tpu.memref_squeeze %dma_start3A_37 : memref<1x1x1x8x128xf32, #tpu.memory_space<hbm>> -> memref<8x128xf32, #tpu.memory_space<hbm>>
      %dma_start3A_39 = arith.constant 0 : i32
      %dma_start3A_40 = tpu.memref_slice %arg5[%dma_start3A_39, %multiple_of3A_27] : memref<32x4088xf32, #tpu.memory_space<vmem>> -> memref<8x128xf32, #tpu.memory_space<vmem>>
      tpu.enqueue_dma source(%dma_start3A_40 : memref<8x128xf32, #tpu.memory_space<vmem>>) target(%dma_start3A_38 : memref<8x128xf32, #tpu.memory_space<hbm>>) target_semaphore(%arg6 : memref<!tpu.dma_semaphore, #tpu.memory_space<semaphore_mem>>)
      %add3A_41 = arith.constant 128 : i32
      %add3A_42 = arith.addi %multiple_of3A_24, %add3A_41 : i32
      %multiple_of3A_43 = tpu.assume_multiple %add3A_42, 8 : i32
      %dma_start3A_44 = arith.constant 0 : i32
      %dma_start3A_45 = arith.constant 1 : i32
      %dma_start3A_46 = arith.constant 0 : i32
      %dma_start3A_47 = tpu.memref_slice %arg5[%dma_start3A_46, %multiple_of3A_43] : memref<32x4088xf32, #tpu.memory_space<vmem>> -> memref<8x128xf32, #tpu.memory_space<vmem>>
      %dma_start3A_48 = arith.constant 0 : i32
      %dma_start3A_49 = arith.constant 0 : i32
      %dma_start3A_50 = tpu.memref_slice %arg4[%add3A_20, %dma_start3A_44, %dma_start3A_45, %dma_start3A_48, %dma_start3A_49] : memref<2048x4x16x8x128xf32, #tpu.memory_space<hbm>> -> memref<1x1x1x8x128xf32, #tpu.memory_space<hbm>>
      %dma_start3A_51 = tpu.memref_squeeze %dma_start3A_50 : memref<1x1x1x8x128xf32, #tpu.memory_space<hbm>> -> memref<8x128xf32, #tpu.memory_space<hbm>>
      %dma_start3A_52 = arith.constant 0 : i32
      %dma_start3A_53 = arith.constant 0 : i32
      %dma_start3A_54 = tpu.memref_slice %arg4[%add3A_20, %dma_start3A_44, %dma_start3A_45, %dma_start3A_52, %dma_start3A_53] : memref<2048x4x16x8x128xf32, #tpu.memory_space<hbm>> -> memref<1x1x1x8x128xf32, #tpu.memory_space<hbm>>
      %dma_start3A_55 = tpu.memref_squeeze %dma_start3A_54 : memref<1x1x1x8x128xf32, #tpu.memory_space<hbm>> -> memref<8x128xf32, #tpu.memory_space<hbm>>
      %dma_start3A_56 = arith.constant 0 : i32
      %dma_start3A_57 = tpu.memref_slice %arg5[%dma_start3A_56, %multiple_of3A_43] : memref<32x4088xf32, #tpu.memory_space<vmem>> -> memref<8x128xf32, #tpu.memory_space<vmem>>
      tpu.enqueue_dma source(%dma_start3A_57 : memref<8x128xf32, #tpu.memory_space<vmem>>) target(%dma_start3A_55 : memref<8x128xf32, #tpu.memory_space<hbm>>) target_semaphore(%arg6 : memref<!tpu.dma_semaphore, #tpu.memory_space<semaphore_mem>>)
      %add3A_58 = arith.constant 256 : i32
      %add3A_59 = arith.addi %multiple_of3A_24, %add3A_58 : i32
      %multiple_of3A_60 = tpu.assume_multiple %add3A_59, 8 : i32
      %dma_start3A_61 = arith.constant 0 : i32
      %dma_start3A_62 = arith.constant 2 : i32
      %dma_start3A_63 = arith.constant 0 : i32
      %dma_start3A_64 = tpu.memref_slice %arg5[%dma_start3A_63, %multiple_of3A_60] : memref<32x4088xf32, #tpu.memory_space<vmem>> -> memref<8x128xf32, #tpu.memory_space<vmem>>
      %dma_start3A_65 = arith.constant 0 : i32
      %dma_start3A_66 = arith.constant 0 : i32
      %dma_start3A_67 = tpu.memref_slice %arg4[%add3A_20, %dma_start3A_61, %dma_start3A_62, %dma_start3A_65, %dma_start3A_66] : memref<2048x4x16x8x128xf32, #tpu.memory_space<hbm>> -> memref<1x1x1x8x128xf32, #tpu.memory_space<hbm>>
      %dma_start3A_68 = tpu.memref_squeeze %dma_start3A_67 : memref<1x1x1x8x128xf32, #tpu.memory_space<hbm>> -> memref<8x128xf32, #tpu.memory_space<hbm>>
      %dma_start3A_69 = arith.constant 0 : i32
      %dma_start3A_70 = arith.constant 0 : i32
      %dma_start3A_71 = tpu.memref_slice %arg4[%add3A_20, %dma_start3A_61, %dma_start3A_62, %dma_start3A_69, %dma_start3A_70] : memref<2048x4x16x8x128xf32, #tpu.memory_space<hbm>> -> memref<1x1x1x8x128xf32, #tpu.memory_space<hbm>>
      %dma_start3A_72 = tpu.memref_squeeze %dma_start3A_71 : memref<1x1x1x8x128xf32, #tpu.memory_space<hbm>> -> memref<8x128xf32, #tpu.memory_space<hbm>>
      %dma_start3A_73 = arith.constant 0 : i32
      %dma_start3A_74 = tpu.memref_slice %arg5[%dma_start3A_73, %multiple_of3A_60] : memref<32x4088xf32, #tpu.memory_space<vmem>> -> memref<8x128xf32, #tpu.memory_space<vmem>>
      tpu.enqueue_dma source(%dma_start3A_74 : memref<8x128xf32, #tpu.memory_space<vmem>>) target(%dma_start3A_72 : memref<8x128xf32, #tpu.memory_space<hbm>>) target_semaphore(%arg6 : memref<!tpu.dma_semaphore, #tpu.memory_space<semaphore_mem>>)
      %add3A_75 = arith.constant 384 : i32
      %add3A_76 = arith.addi %multiple_of3A_24, %add3A_75 : i32
      %multiple_of3A_77 = tpu.assume_multiple %add3A_76, 8 : i32
      %dma_start3A_78 = arith.constant 0 : i32
      %dma_start3A_79 = arith.constant 3 : i32
      %dma_start3A_80 = arith.constant 0 : i32
      %dma_start3A_81 = tpu.memref_slice %arg5[%dma_start3A_80, %multiple_of3A_77] : memref<32x4088xf32, #tpu.memory_space<vmem>> -> memref<8x128xf32, #tpu.memory_space<vmem>>
      %dma_start3A_82 = arith.constant 0 : i32
      %dma_start3A_83 = arith.constant 0 : i32
      %dma_start3A_84 = tpu.memref_slice %arg4[%add3A_20, %dma_start3A_78, %dma_start3A_79, %dma_start3A_82, %dma_start3A_83] : memref<2048x4x16x8x128xf32, #tpu.memory_space<hbm>> -> memref<1x1x1x8x128xf32, #tpu.memory_space<hbm>>
      %dma_start3A_85 = tpu.memref_squeeze %dma_start3A_84 : memref<1x1x1x8x128xf32, #tpu.memory_space<hbm>> -> memref<8x128xf32, #tpu.memory_space<hbm>>
      %dma_start3A_86 = arith.constant 0 : i32
      %dma_start3A_87 = arith.constant 0 : i32
      %dma_start3A_88 = tpu.memref_slice %arg4[%add3A_20, %dma_start3A_78, %dma_start3A_79, %dma_start3A_86, %dma_start3A_87] : memref<2048x4x16x8x128xf32, #tpu.memory_space<hbm>> -> memref<1x1x1x8x128xf32, #tpu.memory_space<hbm>>
      %dma_start3A_89 = tpu.memref_squeeze %dma_start3A_88 : memref<1x1x1x8x128xf32, #tpu.memory_space<hbm>> -> memref<8x128xf32, #tpu.memory_space<hbm>>
      %dma_start3A_90 = arith.constant 0 : i32
      %dma_start3A_91 = tpu.memref_slice %arg5[%dma_start3A_90, %multiple_of3A_77] : memref<32x4088xf32, #tpu.memory_space<vmem>> -> memref<8x128xf32, #tpu.memory_space<vmem>>
      tpu.enqueue_dma source(%dma_start3A_91 : memref<8x128xf32, #tpu.memory_space<vmem>>) target(%dma_start3A_89 : memref<8x128xf32, #tpu.memory_space<hbm>>) target_semaphore(%arg6 : memref<!tpu.dma_semaphore, #tpu.memory_space<semaphore_mem>>)
      %add3A_92 = arith.constant 512 : i32
      %add3A_93 = arith.addi %multiple_of3A_24, %add3A_92 : i32
      %multiple_of3A_94 = tpu.assume_multiple %add3A_93, 8 : i32
      %dma_start3A_95 = arith.constant 0 : i32
      %dma_start3A_96 = arith.constant 4 : i32
      %dma_start3A_97 = arith.constant 0 : i32
      %dma_start3A_98 = tpu.memref_slice %arg5[%dma_start3A_97, %multiple_of3A_94] : memref<32x4088xf32, #tpu.memory_space<vmem>> -> memref<8x128xf32, #tpu.memory_space<vmem>>
      %dma_start3A_99 = arith.constant 0 : i32
      %dma_start3A_100 = arith.constant 0 : i32
      %dma_start3A_101 = tpu.memref_slice %arg4[%add3A_20, %dma_start3A_95, %dma_start3A_96, %dma_start3A_99, %dma_start3A_100] : memref<2048x4x16x8x128xf32, #tpu.memory_space<hbm>> -> memref<1x1x1x8x128xf32, #tpu.memory_space<hbm>>
      %dma_start3A_102 = tpu.memref_squeeze %dma_start3A_101 : memref<1x1x1x8x128xf32, #tpu.memory_space<hbm>> -> memref<8x128xf32, #tpu.memory_space<hbm>>
      %dma_start3A_103 = arith.constant 0 : i32
      %dma_start3A_104 = arith.constant 0 : i32
      %dma_start3A_105 = tpu.memref_slice %arg4[%add3A_20, %dma_start3A_95, %dma_start3A_96, %dma_start3A_103, %dma_start3A_104] : memref<2048x4x16x8x128xf32, #tpu.memory_space<hbm>> -> memref<1x1x1x8x128xf32, #tpu.memory_space<hbm>>
      %dma_start3A_106 = tpu.memref_squeeze %dma_start3A_105 : memref<1x1x1x8x128xf32, #tpu.memory_space<hbm>> -> memref<8x128xf32, #tpu.memory_space<hbm>>
      %dma_start3A_107 = arith.constant 0 : i32
      %dma_start3A_108 = tpu.memref_slice %arg5[%dma_start3A_107, %multiple_of3A_94] : memref<32x4088xf32, #tpu.memory_space<vmem>> -> memref<8x128xf32, #tpu.memory_space<vmem>>
      tpu.enqueue_dma source(%dma_start3A_108 : memref<8x128xf32, #tpu.memory_space<vmem>>) target(%dma_start3A_106 : memref<8x128xf32, #tpu.memory_space<hbm>>) target_semaphore(%arg6 : memref<!tpu.dma_semaphore, #tpu.memory_space<semaphore_mem>>)
      %add3A_109 = arith.constant 640 : i32
      %add3A_110 = arith.addi %multiple_of3A_24, %add3A_109 : i32
      %multiple_of3A_111 = tpu.assume_multiple %add3A_110, 8 : i32
      %dma_start3A_112 = arith.constant 0 : i32
      %dma_start3A_113 = arith.constant 5 : i32
      %dma_start3A_114 = arith.constant 0 : i32
      %dma_start3A_115 = tpu.memref_slice %arg5[%dma_start3A_114, %multiple_of3A_111] : memref<32x4088xf32, #tpu.memory_space<vmem>> -> memref<8x128xf32, #tpu.memory_space<vmem>>
      %dma_start3A_116 = arith.constant 0 : i32
      %dma_start3A_117 = arith.constant 0 : i32
      %dma_start3A_118 = tpu.memref_slice %arg4[%add3A_20, %dma_start3A_112, %dma_start3A_113, %dma_start3A_116, %dma_start3A_117] : memref<2048x4x16x8x128xf32, #tpu.memory_space<hbm>> -> memref<1x1x1x8x128xf32, #tpu.memory_space<hbm>>
      %dma_start3A_119 = tpu.memref_squeeze %dma_start3A_118 : memref<1x1x1x8x128xf32, #tpu.memory_space<hbm>> -> memref<8x128xf32, #tpu.memory_space<hbm>>
      %dma_start3A_120 = arith.constant 0 : i32
      %dma_start3A_121 = arith.constant 0 : i32
      %dma_start3A_122 = tpu.memref_slice %arg4[%add3A_20, %dma_start3A_112, %dma_start3A_113, %dma_start3A_120, %dma_start3A_121] : memref<2048x4x16x8x128xf32, #tpu.memory_space<hbm>> -> memref<1x1x1x8x128xf32, #tpu.memory_space<hbm>>
      %dma_start3A_123 = tpu.memref_squeeze %dma_start3A_122 : memref<1x1x1x8x128xf32, #tpu.memory_space<hbm>> -> memref<8x128xf32, #tpu.memory_space<hbm>>
      %dma_start3A_124 = arith.constant 0 : i32
      %dma_start3A_125 = tpu.memref_slice %arg5[%dma_start3A_124, %multiple_of3A_111] : memref<32x4088xf32, #tpu.memory_space<vmem>> -> memref<8x128xf32, #tpu.memory_space<vmem>>
      tpu.enqueue_dma source(%dma_start3A_125 : memref<8x128xf32, #tpu.memory_space<vmem>>) target(%dma_start3A_123 : memref<8x128xf32, #tpu.memory_space<hbm>>) target_semaphore(%arg6 : memref<!tpu.dma_semaphore, #tpu.memory_space<semaphore_mem>>)
      %add3A_126 = arith.constant 768 : i32
      %add3A_127 = arith.addi %multiple_of3A_24, %add3A_126 : i32
      %multiple_of3A_128 = tpu.assume_multiple %add3A_127, 8 : i32
      %dma_start3A_129 = arith.constant 0 : i32
      %dma_start3A_130 = arith.constant 6 : i32
      %dma_start3A_131 = arith.constant 0 : i32
      %dma_start3A_132 = tpu.memref_slice %arg5[%dma_start3A_131, %multiple_of3A_128] : memref<32x4088xf32, #tpu.memory_space<vmem>> -> memref<8x128xf32, #tpu.memory_space<vmem>>
      %dma_start3A_133 = arith.constant 0 : i32
      %dma_start3A_134 = arith.constant 0 : i32
      %dma_start3A_135 = tpu.memref_slice %arg4[%add3A_20, %dma_start3A_129, %dma_start3A_130, %dma_start3A_133, %dma_start3A_134] : memref<2048x4x16x8x128xf32, #tpu.memory_space<hbm>> -> memref<1x1x1x8x128xf32, #tpu.memory_space<hbm>>
      %dma_start3A_136 = tpu.memref_squeeze %dma_start3A_135 : memref<1x1x1x8x128xf32, #tpu.memory_space<hbm>> -> memref<8x128xf32, #tpu.memory_space<hbm>>
      %dma_start3A_137 = arith.constant 0 : i32
      %dma_start3A_138 = arith.constant 0 : i32
      %dma_start3A_139 = tpu.memref_slice %arg4[%add3A_20, %dma_start3A_129, %dma_start3A_130, %dma_start3A_137, %dma_start3A_138] : memref<2048x4x16x8x128xf32, #tpu.memory_space<hbm>> -> memref<1x1x1x8x128xf32, #tpu.memory_space<hbm>>
      %dma_start3A_140 = tpu.memref_squeeze %dma_start3A_139 : memref<1x1x1x8x128xf32, #tpu.memory_space<hbm>> -> memref<8x128xf32, #tpu.memory_space<hbm>>
      %dma_start3A_141 = arith.constant 0 : i32
      %dma_start3A_142 = tpu.memref_slice %arg5[%dma_start3A_141, %multiple_of3A_128] : memref<32x4088xf32, #tpu.memory_space<vmem>> -> memref<8x128xf32, #tpu.memory_space<vmem>>
      tpu.enqueue_dma source(%dma_start3A_142 : memref<8x128xf32, #tpu.memory_space<vmem>>) target(%dma_start3A_140 : memref<8x128xf32, #tpu.memory_space<hbm>>) target_semaphore(%arg6 : memref<!tpu.dma_semaphore, #tpu.memory_space<semaphore_mem>>)
      %add3A_143 = arith.constant 896 : i32
      %add3A_144 = arith.addi %multiple_of3A_24, %add3A_143 : i32
      %multiple_of3A_145 = tpu.assume_multiple %add3A_144, 8 : i32
      %dma_start3A_146 = arith.constant 0 : i32
      %dma_start3A_147 = arith.constant 7 : i32
      %dma_start3A_148 = arith.constant 0 : i32
      %dma_start3A_149 = tpu.memref_slice %arg5[%dma_start3A_148, %multiple_of3A_145] : memref<32x4088xf32, #tpu.memory_space<vmem>> -> memref<8x128xf32, #tpu.memory_space<vmem>>
      %dma_start3A_150 = arith.constant 0 : i32
      %dma_start3A_151 = arith.constant 0 : i32
      %dma_start3A_152 = tpu.memref_slice %arg4[%add3A_20, %dma_start3A_146, %dma_start3A_147, %dma_start3A_150, %dma_start3A_151] : memref<2048x4x16x8x128xf32, #tpu.memory_space<hbm>> -> memref<1x1x1x8x128xf32, #tpu.memory_space<hbm>>
      %dma_start3A_153 = tpu.memref_squeeze %dma_start3A_152 : memref<1x1x1x8x128xf32, #tpu.memory_space<hbm>> -> memref<8x128xf32, #tpu.memory_space<hbm>>
      %dma_start3A_154 = arith.constant 0 : i32
      %dma_start3A_155 = arith.constant 0 : i32
      %dma_start3A_156 = tpu.memref_slice %arg4[%add3A_20, %dma_start3A_146, %dma_start3A_147, %dma_start3A_154, %dma_start3A_155] : memref<2048x4x16x8x128xf32, #tpu.memory_space<hbm>> -> memref<1x1x1x8x128xf32, #tpu.memory_space<hbm>>
      %dma_start3A_157 = tpu.memref_squeeze %dma_start3A_156 : memref<1x1x1x8x128xf32, #tpu.memory_space<hbm>> -> memref<8x128xf32, #tpu.memory_space<hbm>>
      %dma_start3A_158 = arith.constant 0 : i32
      %dma_start3A_159 = tpu.memref_slice %arg5[%dma_start3A_158, %multiple_of3A_145] : memref<32x4088xf32, #tpu.memory_space<vmem>> -> memref<8x128xf32, #tpu.memory_space<vmem>>
      tpu.enqueue_dma source(%dma_start3A_159 : memref<8x128xf32, #tpu.memory_space<vmem>>) target(%dma_start3A_157 : memref<8x128xf32, #tpu.memory_space<hbm>>) target_semaphore(%arg6 : memref<!tpu.dma_semaphore, #tpu.memory_space<semaphore_mem>>)
      %add3A_160 = arith.constant 1024 : i32
      %add3A_161 = arith.addi %multiple_of3A_24, %add3A_160 : i32
      %multiple_of3A_162 = tpu.assume_multiple %add3A_161, 8 : i32
      %dma_start3A_163 = arith.constant 0 : i32
      %dma_start3A_164 = arith.constant 8 : i32
      %dma_start3A_165 = arith.constant 0 : i32
      %dma_start3A_166 = tpu.memref_slice %arg5[%dma_start3A_165, %multiple_of3A_162] : memref<32x4088xf32, #tpu.memory_space<vmem>> -> memref<8x128xf32, #tpu.memory_space<vmem>>
      %dma_start3A_167 = arith.constant 0 : i32
      %dma_start3A_168 = arith.constant 0 : i32
      %dma_start3A_169 = tpu.memref_slice %arg4[%add3A_20, %dma_start3A_163, %dma_start3A_164, %dma_start3A_167, %dma_start3A_168] : memref<2048x4x16x8x128xf32, #tpu.memory_space<hbm>> -> memref<1x1x1x8x128xf32, #tpu.memory_space<hbm>>
      %dma_start3A_170 = tpu.memref_squeeze %dma_start3A_169 : memref<1x1x1x8x128xf32, #tpu.memory_space<hbm>> -> memref<8x128xf32, #tpu.memory_space<hbm>>
      %dma_start3A_171 = arith.constant 0 : i32
      %dma_start3A_172 = arith.constant 0 : i32
      %dma_start3A_173 = tpu.memref_slice %arg4[%add3A_20, %dma_start3A_163, %dma_start3A_164, %dma_start3A_171, %dma_start3A_172] : memref<2048x4x16x8x128xf32, #tpu.memory_space<hbm>> -> memref<1x1x1x8x128xf32, #tpu.memory_space<hbm>>
      %dma_start3A_174 = tpu.memref_squeeze %dma_start3A_173 : memref<1x1x1x8x128xf32, #tpu.memory_space<hbm>> -> memref<8x128xf32, #tpu.memory_space<hbm>>
      %dma_start3A_175 = arith.constant 0 : i32
      %dma_start3A_176 = tpu.memref_slice %arg5[%dma_start3A_175, %multiple_of3A_162] : memref<32x4088xf32, #tpu.memory_space<vmem>> -> memref<8x128xf32, #tpu.memory_space<vmem>>
      tpu.enqueue_dma source(%dma_start3A_176 : memref<8x128xf32, #tpu.memory_space<vmem>>) target(%dma_start3A_174 : memref<8x128xf32, #tpu.memory_space<hbm>>) target_semaphore(%arg6 : memref<!tpu.dma_semaphore, #tpu.memory_space<semaphore_mem>>)
      %add3A_177 = arith.constant 1152 : i32
      %add3A_178 = arith.addi %multiple_of3A_24, %add3A_177 : i32
      %multiple_of3A_179 = tpu.assume_multiple %add3A_178, 8 : i32
      %dma_start3A_180 = arith.constant 0 : i32
      %dma_start3A_181 = arith.constant 9 : i32
      %dma_start3A_182 = arith.constant 0 : i32
      %dma_start3A_183 = tpu.memref_slice %arg5[%dma_start3A_182, %multiple_of3A_179] : memref<32x4088xf32, #tpu.memory_space<vmem>> -> memref<8x128xf32, #tpu.memory_space<vmem>>
      %dma_start3A_184 = arith.constant 0 : i32
      %dma_start3A_185 = arith.constant 0 : i32
      %dma_start3A_186 = tpu.memref_slice %arg4[%add3A_20, %dma_start3A_180, %dma_start3A_181, %dma_start3A_184, %dma_start3A_185] : memref<2048x4x16x8x128xf32, #tpu.memory_space<hbm>> -> memref<1x1x1x8x128xf32, #tpu.memory_space<hbm>>
      %dma_start3A_187 = tpu.memref_squeeze %dma_start3A_186 : memref<1x1x1x8x128xf32, #tpu.memory_space<hbm>> -> memref<8x128xf32, #tpu.memory_space<hbm>>
      %dma_start3A_188 = arith.constant 0 : i32
      %dma_start3A_189 = arith.constant 0 : i32
      %dma_start3A_190 = tpu.memref_slice %arg4[%add3A_20, %dma_start3A_180, %dma_start3A_181, %dma_start3A_188, %dma_start3A_189] : memref<2048x4x16x8x128xf32, #tpu.memory_space<hbm>> -> memref<1x1x1x8x128xf32, #tpu.memory_space<hbm>>
      %dma_start3A_191 = tpu.memref_squeeze %dma_start3A_190 : memref<1x1x1x8x128xf32, #tpu.memory_space<hbm>> -> memref<8x128xf32, #tpu.memory_space<hbm>>
      %dma_start3A_192 = arith.constant 0 : i32
      %dma_start3A_193 = tpu.memref_slice %arg5[%dma_start3A_192, %multiple_of3A_179] : memref<32x4088xf32, #tpu.memory_space<vmem>> -> memref<8x128xf32, #tpu.memory_space<vmem>>
      tpu.enqueue_dma source(%dma_start3A_193 : memref<8x128xf32, #tpu.memory_space<vmem>>) target(%dma_start3A_191 : memref<8x128xf32, #tpu.memory_space<hbm>>) target_semaphore(%arg6 : memref<!tpu.dma_semaphore, #tpu.memory_space<semaphore_mem>>)
      %add3A_194 = arith.constant 1280 : i32
      %add3A_195 = arith.addi %multiple_of3A_24, %add3A_194 : i32
      %multiple_of3A_196 = tpu.assume_multiple %add3A_195, 8 : i32
      %dma_start3A_197 = arith.constant 0 : i32
      %dma_start3A_198 = arith.constant 10 : i32
      %dma_start3A_199 = arith.constant 0 : i32
      %dma_start3A_200 = tpu.memref_slice %arg5[%dma_start3A_199, %multiple_of3A_196] : memref<32x4088xf32, #tpu.memory_space<vmem>> -> memref<8x128xf32, #tpu.memory_space<vmem>>
      %dma_start3A_201 = arith.constant 0 : i32
      %dma_start3A_202 = arith.constant 0 : i32
      %dma_start3A_203 = tpu.memref_slice %arg4[%add3A_20, %dma_start3A_197, %dma_start3A_198, %dma_start3A_201, %dma_start3A_202] : memref<2048x4x16x8x128xf32, #tpu.memory_space<hbm>> -> memref<1x1x1x8x128xf32, #tpu.memory_space<hbm>>
      %dma_start3A_204 = tpu.memref_squeeze %dma_start3A_203 : memref<1x1x1x8x128xf32, #tpu.memory_space<hbm>> -> memref<8x128xf32, #tpu.memory_space<hbm>>
      %dma_start3A_205 = arith.constant 0 : i32
      %dma_start3A_206 = arith.constant 0 : i32
      %dma_start3A_207 = tpu.memref_slice %arg4[%add3A_20, %dma_start3A_197, %dma_start3A_198, %dma_start3A_205, %dma_start3A_206] : memref<2048x4x16x8x128xf32, #tpu.memory_space<hbm>> -> memref<1x1x1x8x128xf32, #tpu.memory_space<hbm>>
      %dma_start3A_208 = tpu.memref_squeeze %dma_start3A_207 : memref<1x1x1x8x128xf32, #tpu.memory_space<hbm>> -> memref<8x128xf32, #tpu.memory_space<hbm>>
      %dma_start3A_209 = arith.constant 0 : i32
      %dma_start3A_210 = tpu.memref_slice %arg5[%dma_start3A_209, %multiple_of3A_196] : memref<32x4088xf32, #tpu.memory_space<vmem>> -> memref<8x128xf32, #tpu.memory_space<vmem>>
      tpu.enqueue_dma source(%dma_start3A_210 : memref<8x128xf32, #tpu.memory_space<vmem>>) target(%dma_start3A_208 : memref<8x128xf32, #tpu.memory_space<hbm>>) target_semaphore(%arg6 : memref<!tpu.dma_semaphore, #tpu.memory_space<semaphore_mem>>)
      %add3A_211 = arith.constant 1408 : i32
      %add3A_212 = arith.addi %multiple_of3A_24, %add3A_211 : i32
      %multiple_of3A_213 = tpu.assume_multiple %add3A_212, 8 : i32
      %dma_start3A_214 = arith.constant 0 : i32
      %dma_start3A_215 = arith.constant 11 : i32
      %dma_start3A_216 = arith.constant 0 : i32
      %dma_start3A_217 = tpu.memref_slice %arg5[%dma_start3A_216, %multiple_of3A_213] : memref<32x4088xf32, #tpu.memory_space<vmem>> -> memref<8x128xf32, #tpu.memory_space<vmem>>
      %dma_start3A_218 = arith.constant 0 : i32
      %dma_start3A_219 = arith.constant 0 : i32
      %dma_start3A_220 = tpu.memref_slice %arg4[%add3A_20, %dma_start3A_214, %dma_start3A_215, %dma_start3A_218, %dma_start3A_219] : memref<2048x4x16x8x128xf32, #tpu.memory_space<hbm>> -> memref<1x1x1x8x128xf32, #tpu.memory_space<hbm>>
      %dma_start3A_221 = tpu.memref_squeeze %dma_start3A_220 : memref<1x1x1x8x128xf32, #tpu.memory_space<hbm>> -> memref<8x128xf32, #tpu.memory_space<hbm>>
      %dma_start3A_222 = arith.constant 0 : i32
      %dma_start3A_223 = arith.constant 0 : i32
      %dma_start3A_224 = tpu.memref_slice %arg4[%add3A_20, %dma_start3A_214, %dma_start3A_215, %dma_start3A_222, %dma_start3A_223] : memref<2048x4x16x8x128xf32, #tpu.memory_space<hbm>> -> memref<1x1x1x8x128xf32, #tpu.memory_space<hbm>>
      %dma_start3A_225 = tpu.memref_squeeze %dma_start3A_224 : memref<1x1x1x8x128xf32, #tpu.memory_space<hbm>> -> memref<8x128xf32, #tpu.memory_space<hbm>>
      %dma_start3A_226 = arith.constant 0 : i32
      %dma_start3A_227 = tpu.memref_slice %arg5[%dma_start3A_226, %multiple_of3A_213] : memref<32x4088xf32, #tpu.memory_space<vmem>> -> memref<8x128xf32, #tpu.memory_space<vmem>>
      tpu.enqueue_dma source(%dma_start3A_227 : memref<8x128xf32, #tpu.memory_space<vmem>>) target(%dma_start3A_225 : memref<8x128xf32, #tpu.memory_space<hbm>>) target_semaphore(%arg6 : memref<!tpu.dma_semaphore, #tpu.memory_space<semaphore_mem>>)
      %add3A_228 = arith.constant 1536 : i32
      %add3A_229 = arith.addi %multiple_of3A_24, %add3A_228 : i32
      %multiple_of3A_230 = tpu.assume_multiple %add3A_229, 8 : i32
      %dma_start3A_231 = arith.constant 0 : i32
      %dma_start3A_232 = arith.constant 12 : i32
      %dma_start3A_233 = arith.constant 0 : i32
      %dma_start3A_234 = tpu.memref_slice %arg5[%dma_start3A_233, %multiple_of3A_230] : memref<32x4088xf32, #tpu.memory_space<vmem>> -> memref<8x128xf32, #tpu.memory_space<vmem>>
      %dma_start3A_235 = arith.constant 0 : i32
      %dma_start3A_236 = arith.constant 0 : i32
      %dma_start3A_237 = tpu.memref_slice %arg4[%add3A_20, %dma_start3A_231, %dma_start3A_232, %dma_start3A_235, %dma_start3A_236] : memref<2048x4x16x8x128xf32, #tpu.memory_space<hbm>> -> memref<1x1x1x8x128xf32, #tpu.memory_space<hbm>>
      %dma_start3A_238 = tpu.memref_squeeze %dma_start3A_237 : memref<1x1x1x8x128xf32, #tpu.memory_space<hbm>> -> memref<8x128xf32, #tpu.memory_space<hbm>>
      %dma_start3A_239 = arith.constant 0 : i32
      %dma_start3A_240 = arith.constant 0 : i32
      %dma_start3A_241 = tpu.memref_slice %arg4[%add3A_20, %dma_start3A_231, %dma_start3A_232, %dma_start3A_239, %dma_start3A_240] : memref<2048x4x16x8x128xf32, #tpu.memory_space<hbm>> -> memref<1x1x1x8x128xf32, #tpu.memory_space<hbm>>
      %dma_start3A_242 = tpu.memref_squeeze %dma_start3A_241 : memref<1x1x1x8x128xf32, #tpu.memory_space<hbm>> -> memref<8x128xf32, #tpu.memory_space<hbm>>
      %dma_start3A_243 = arith.constant 0 : i32
      %dma_start3A_244 = tpu.memref_slice %arg5[%dma_start3A_243, %multiple_of3A_230] : memref<32x4088xf32, #tpu.memory_space<vmem>> -> memref<8x128xf32, #tpu.memory_space<vmem>>
      tpu.enqueue_dma source(%dma_start3A_244 : memref<8x128xf32, #tpu.memory_space<vmem>>) target(%dma_start3A_242 : memref<8x128xf32, #tpu.memory_space<hbm>>) target_semaphore(%arg6 : memref<!tpu.dma_semaphore, #tpu.memory_space<semaphore_mem>>)
      %add3A_245 = arith.constant 1664 : i32
      %add3A_246 = arith.addi %multiple_of3A_24, %add3A_245 : i32
      %multiple_of3A_247 = tpu.assume_multiple %add3A_246, 8 : i32
      %dma_start3A_248 = arith.constant 0 : i32
      %dma_start3A_249 = arith.constant 13 : i32
      %dma_start3A_250 = arith.constant 0 : i32
      %dma_start3A_251 = tpu.memref_slice %arg5[%dma_start3A_250, %multiple_of3A_247] : memref<32x4088xf32, #tpu.memory_space<vmem>> -> memref<8x128xf32, #tpu.memory_space<vmem>>
      %dma_start3A_252 = arith.constant 0 : i32
      %dma_start3A_253 = arith.constant 0 : i32
      %dma_start3A_254 = tpu.memref_slice %arg4[%add3A_20, %dma_start3A_248, %dma_start3A_249, %dma_start3A_252, %dma_start3A_253] : memref<2048x4x16x8x128xf32, #tpu.memory_space<hbm>> -> memref<1x1x1x8x128xf32, #tpu.memory_space<hbm>>
      %dma_start3A_255 = tpu.memref_squeeze %dma_start3A_254 : memref<1x1x1x8x128xf32, #tpu.memory_space<hbm>> -> memref<8x128xf32, #tpu.memory_space<hbm>>
      %dma_start3A_256 = arith.constant 0 : i32
      %dma_start3A_257 = arith.constant 0 : i32
      %dma_start3A_258 = tpu.memref_slice %arg4[%add3A_20, %dma_start3A_248, %dma_start3A_249, %dma_start3A_256, %dma_start3A_257] : memref<2048x4x16x8x128xf32, #tpu.memory_space<hbm>> -> memref<1x1x1x8x128xf32, #tpu.memory_space<hbm>>
      %dma_start3A_259 = tpu.memref_squeeze %dma_start3A_258 : memref<1x1x1x8x128xf32, #tpu.memory_space<hbm>> -> memref<8x128xf32, #tpu.memory_space<hbm>>
      %dma_start3A_260 = arith.constant 0 : i32
      %dma_start3A_261 = tpu.memref_slice %arg5[%dma_start3A_260, %multiple_of3A_247] : memref<32x4088xf32, #tpu.memory_space<vmem>> -> memref<8x128xf32, #tpu.memory_space<vmem>>
      tpu.enqueue_dma source(%dma_start3A_261 : memref<8x128xf32, #tpu.memory_space<vmem>>) target(%dma_start3A_259 : memref<8x128xf32, #tpu.memory_space<hbm>>) target_semaphore(%arg6 : memref<!tpu.dma_semaphore, #tpu.memory_space<semaphore_mem>>)
      %add3A_262 = arith.constant 1792 : i32
      %add3A_263 = arith.addi %multiple_of3A_24, %add3A_262 : i32
      %multiple_of3A_264 = tpu.assume_multiple %add3A_263, 8 : i32
      %dma_start3A_265 = arith.constant 0 : i32
      %dma_start3A_266 = arith.constant 14 : i32
      %dma_start3A_267 = arith.constant 0 : i32
      %dma_start3A_268 = tpu.memref_slice %arg5[%dma_start3A_267, %multiple_of3A_264] : memref<32x4088xf32, #tpu.memory_space<vmem>> -> memref<8x128xf32, #tpu.memory_space<vmem>>
      %dma_start3A_269 = arith.constant 0 : i32
      %dma_start3A_270 = arith.constant 0 : i32
      %dma_start3A_271 = tpu.memref_slice %arg4[%add3A_20, %dma_start3A_265, %dma_start3A_266, %dma_start3A_269, %dma_start3A_270] : memref<2048x4x16x8x128xf32, #tpu.memory_space<hbm>> -> memref<1x1x1x8x128xf32, #tpu.memory_space<hbm>>
      %dma_start3A_272 = tpu.memref_squeeze %dma_start3A_271 : memref<1x1x1x8x128xf32, #tpu.memory_space<hbm>> -> memref<8x128xf32, #tpu.memory_space<hbm>>
      %dma_start3A_273 = arith.constant 0 : i32
      %dma_start3A_274 = arith.constant 0 : i32
      %dma_start3A_275 = tpu.memref_slice %arg4[%add3A_20, %dma_start3A_265, %dma_start3A_266, %dma_start3A_273, %dma_start3A_274] : memref<2048x4x16x8x128xf32, #tpu.memory_space<hbm>> -> memref<1x1x1x8x128xf32, #tpu.memory_space<hbm>>
      %dma_start3A_276 = tpu.memref_squeeze %dma_start3A_275 : memref<1x1x1x8x128xf32, #tpu.memory_space<hbm>> -> memref<8x128xf32, #tpu.memory_space<hbm>>
      %dma_start3A_277 = arith.constant 0 : i32
      %dma_start3A_278 = tpu.memref_slice %arg5[%dma_start3A_277, %multiple_of3A_264] : memref<32x4088xf32, #tpu.memory_space<vmem>> -> memref<8x128xf32, #tpu.memory_space<vmem>>
      tpu.enqueue_dma source(%dma_start3A_278 : memref<8x128xf32, #tpu.memory_space<vmem>>) target(%dma_start3A_276 : memref<8x128xf32, #tpu.memory_space<hbm>>) target_semaphore(%arg6 : memref<!tpu.dma_semaphore, #tpu.memory_space<semaphore_mem>>)
      %add3A_279 = arith.constant 1920 : i32
      %add3A_280 = arith.addi %multiple_of3A_24, %add3A_279 : i32
      %multiple_of3A_281 = tpu.assume_multiple %add3A_280, 8 : i32
      %dma_start3A_282 = arith.constant 0 : i32
      %dma_start3A_283 = arith.constant 15 : i32
      %dma_start3A_284 = arith.constant 0 : i32
      %dma_start3A_285 = tpu.memref_slice %arg5[%dma_start3A_284, %multiple_of3A_281] : memref<32x4088xf32, #tpu.memory_space<vmem>> -> memref<8x128xf32, #tpu.memory_space<vmem>>
      %dma_start3A_286 = arith.constant 0 : i32
      %dma_start3A_287 = arith.constant 0 : i32
      %dma_start3A_288 = tpu.memref_slice %arg4[%add3A_20, %dma_start3A_282, %dma_start3A_283, %dma_start3A_286, %dma_start3A_287] : memref<2048x4x16x8x128xf32, #tpu.memory_space<hbm>> -> memref<1x1x1x8x128xf32, #tpu.memory_space<hbm>>
      %dma_start3A_289 = tpu.memref_squeeze %dma_start3A_288 : memref<1x1x1x8x128xf32, #tpu.memory_space<hbm>> -> memref<8x128xf32, #tpu.memory_space<hbm>>
      %dma_start3A_290 = arith.constant 0 : i32
      %dma_start3A_291 = arith.constant 0 : i32
      %dma_start3A_292 = tpu.memref_slice %arg4[%add3A_20, %dma_start3A_282, %dma_start3A_283, %dma_start3A_290, %dma_start3A_291] : memref<2048x4x16x8x128xf32, #tpu.memory_space<hbm>> -> memref<1x1x1x8x128xf32, #tpu.memory_space<hbm>>
      %dma_start3A_293 = tpu.memref_squeeze %dma_start3A_292 : memref<1x1x1x8x128xf32, #tpu.memory_space<hbm>> -> memref<8x128xf32, #tpu.memory_space<hbm>>
      %dma_start3A_294 = arith.constant 0 : i32
      %dma_start3A_295 = tpu.memref_slice %arg5[%dma_start3A_294, %multiple_of3A_281] : memref<32x4088xf32, #tpu.memory_space<vmem>> -> memref<8x128xf32, #tpu.memory_space<vmem>>
      tpu.enqueue_dma source(%dma_start3A_295 : memref<8x128xf32, #tpu.memory_space<vmem>>) target(%dma_start3A_293 : memref<8x128xf32, #tpu.memory_space<hbm>>) target_semaphore(%arg6 : memref<!tpu.dma_semaphore, #tpu.memory_space<semaphore_mem>>)
      %add3A_296 = arith.constant 0 : i32
      %add3A_297 = arith.addi %multiple_of3A_24, %add3A_296 : i32
      %multiple_of3A_298 = tpu.assume_multiple %add3A_297, 8 : i32
      %dma_start3A_299 = arith.constant 1 : i32
      %dma_start3A_300 = arith.constant 0 : i32
      %dma_start3A_301 = arith.constant 8 : i32
      %dma_start3A_302 = tpu.memref_slice %arg5[%dma_start3A_301, %multiple_of3A_298] : memref<32x4088xf32, #tpu.memory_space<vmem>> -> memref<8x128xf32, #tpu.memory_space<vmem>>
      %dma_start3A_303 = arith.constant 0 : i32
      %dma_start3A_304 = arith.constant 0 : i32
      %dma_start3A_305 = tpu.memref_slice %arg4[%add3A_20, %dma_start3A_299, %dma_start3A_300, %dma_start3A_303, %dma_start3A_304] : memref<2048x4x16x8x128xf32, #tpu.memory_space<hbm>> -> memref<1x1x1x8x128xf32, #tpu.memory_space<hbm>>
      %dma_start3A_306 = tpu.memref_squeeze %dma_start3A_305 : memref<1x1x1x8x128xf32, #tpu.memory_space<hbm>> -> memref<8x128xf32, #tpu.memory_space<hbm>>
      %dma_start3A_307 = arith.constant 0 : i32
      %dma_start3A_308 = arith.constant 0 : i32
      %dma_start3A_309 = tpu.memref_slice %arg4[%add3A_20, %dma_start3A_299, %dma_start3A_300, %dma_start3A_307, %dma_start3A_308] : memref<2048x4x16x8x128xf32, #tpu.memory_space<hbm>> -> memref<1x1x1x8x128xf32, #tpu.memory_space<hbm>>
      %dma_start3A_310 = tpu.memref_squeeze %dma_start3A_309 : memref<1x1x1x8x128xf32, #tpu.memory_space<hbm>> -> memref<8x128xf32, #tpu.memory_space<hbm>>
      %dma_start3A_311 = arith.constant 8 : i32
      %dma_start3A_312 = tpu.memref_slice %arg5[%dma_start3A_311, %multiple_of3A_298] : memref<32x4088xf32, #tpu.memory_space<vmem>> -> memref<8x128xf32, #tpu.memory_space<vmem>>
      tpu.enqueue_dma source(%dma_start3A_312 : memref<8x128xf32, #tpu.memory_space<vmem>>) target(%dma_start3A_310 : memref<8x128xf32, #tpu.memory_space<hbm>>) target_semaphore(%arg6 : memref<!tpu.dma_semaphore, #tpu.memory_space<semaphore_mem>>)
      %add3A_313 = arith.constant 128 : i32
      %add3A_314 = arith.addi %multiple_of3A_24, %add3A_313 : i32
      %multiple_of3A_315 = tpu.assume_multiple %add3A_314, 8 : i32
      %dma_start3A_316 = arith.constant 1 : i32
      %dma_start3A_317 = arith.constant 1 : i32
      %dma_start3A_318 = arith.constant 8 : i32
      %dma_start3A_319 = tpu.memref_slice %arg5[%dma_start3A_318, %multiple_of3A_315] : memref<32x4088xf32, #tpu.memory_space<vmem>> -> memref<8x128xf32, #tpu.memory_space<vmem>>
      %dma_start3A_320 = arith.constant 0 : i32
      %dma_start3A_321 = arith.constant 0 : i32
      %dma_start3A_322 = tpu.memref_slice %arg4[%add3A_20, %dma_start3A_316, %dma_start3A_317, %dma_start3A_320, %dma_start3A_321] : memref<2048x4x16x8x128xf32, #tpu.memory_space<hbm>> -> memref<1x1x1x8x128xf32, #tpu.memory_space<hbm>>
      %dma_start3A_323 = tpu.memref_squeeze %dma_start3A_322 : memref<1x1x1x8x128xf32, #tpu.memory_space<hbm>> -> memref<8x128xf32, #tpu.memory_space<hbm>>
      %dma_start3A_324 = arith.constant 0 : i32
      %dma_start3A_325 = arith.constant 0 : i32
      %dma_start3A_326 = tpu.memref_slice %arg4[%add3A_20, %dma_start3A_316, %dma_start3A_317, %dma_start3A_324, %dma_start3A_325] : memref<2048x4x16x8x128xf32, #tpu.memory_space<hbm>> -> memref<1x1x1x8x128xf32, #tpu.memory_space<hbm>>
      %dma_start3A_327 = tpu.memref_squeeze %dma_start3A_326 : memref<1x1x1x8x128xf32, #tpu.memory_space<hbm>> -> memref<8x128xf32, #tpu.memory_space<hbm>>
      %dma_start3A_328 = arith.constant 8 : i32
      %dma_start3A_329 = tpu.memref_slice %arg5[%dma_start3A_328, %multiple_of3A_315] : memref<32x4088xf32, #tpu.memory_space<vmem>> -> memref<8x128xf32, #tpu.memory_space<vmem>>
      tpu.enqueue_dma source(%dma_start3A_329 : memref<8x128xf32, #tpu.memory_space<vmem>>) target(%dma_start3A_327 : memref<8x128xf32, #tpu.memory_space<hbm>>) target_semaphore(%arg6 : memref<!tpu.dma_semaphore, #tpu.memory_space<semaphore_mem>>)
      %add3A_330 = arith.constant 256 : i32
      %add3A_331 = arith.addi %multiple_of3A_24, %add3A_330 : i32
      %multiple_of3A_332 = tpu.assume_multiple %add3A_331, 8 : i32
      %dma_start3A_333 = arith.constant 1 : i32
      %dma_start3A_334 = arith.constant 2 : i32
      %dma_start3A_335 = arith.constant 8 : i32
      %dma_start3A_336 = tpu.memref_slice %arg5[%dma_start3A_335, %multiple_of3A_332] : memref<32x4088xf32, #tpu.memory_space<vmem>> -> memref<8x128xf32, #tpu.memory_space<vmem>>
      %dma_start3A_337 = arith.constant 0 : i32
      %dma_start3A_338 = arith.constant 0 : i32
      %dma_start3A_339 = tpu.memref_slice %arg4[%add3A_20, %dma_start3A_333, %dma_start3A_334, %dma_start3A_337, %dma_start3A_338] : memref<2048x4x16x8x128xf32, #tpu.memory_space<hbm>> -> memref<1x1x1x8x128xf32, #tpu.memory_space<hbm>>
      %dma_start3A_340 = tpu.memref_squeeze %dma_start3A_339 : memref<1x1x1x8x128xf32, #tpu.memory_space<hbm>> -> memref<8x128xf32, #tpu.memory_space<hbm>>
      %dma_start3A_341 = arith.constant 0 : i32
      %dma_start3A_342 = arith.constant 0 : i32
      %dma_start3A_343 = tpu.memref_slice %arg4[%add3A_20, %dma_start3A_333, %dma_start3A_334, %dma_start3A_341, %dma_start3A_342] : memref<2048x4x16x8x128xf32, #tpu.memory_space<hbm>> -> memref<1x1x1x8x128xf32, #tpu.memory_space<hbm>>
      %dma_start3A_344 = tpu.memref_squeeze %dma_start3A_343 : memref<1x1x1x8x128xf32, #tpu.memory_space<hbm>> -> memref<8x128xf32, #tpu.memory_space<hbm>>
      %dma_start3A_345 = arith.constant 8 : i32
      %dma_start3A_346 = tpu.memref_slice %arg5[%dma_start3A_345, %multiple_of3A_332] : memref<32x4088xf32, #tpu.memory_space<vmem>> -> memref<8x128xf32, #tpu.memory_space<vmem>>
      tpu.enqueue_dma source(%dma_start3A_346 : memref<8x128xf32, #tpu.memory_space<vmem>>) target(%dma_start3A_344 : memref<8x128xf32, #tpu.memory_space<hbm>>) target_semaphore(%arg6 : memref<!tpu.dma_semaphore, #tpu.memory_space<semaphore_mem>>)
      %add3A_347 = arith.constant 384 : i32
      %add3A_348 = arith.addi %multiple_of3A_24, %add3A_347 : i32
      %multiple_of3A_349 = tpu.assume_multiple %add3A_348, 8 : i32
      %dma_start3A_350 = arith.constant 1 : i32
      %dma_start3A_351 = arith.constant 3 : i32
      %dma_start3A_352 = arith.constant 8 : i32
      %dma_start3A_353 = tpu.memref_slice %arg5[%dma_start3A_352, %multiple_of3A_349] : memref<32x4088xf32, #tpu.memory_space<vmem>> -> memref<8x128xf32, #tpu.memory_space<vmem>>
      %dma_start3A_354 = arith.constant 0 : i32
      %dma_start3A_355 = arith.constant 0 : i32
      %dma_start3A_356 = tpu.memref_slice %arg4[%add3A_20, %dma_start3A_350, %dma_start3A_351, %dma_start3A_354, %dma_start3A_355] : memref<2048x4x16x8x128xf32, #tpu.memory_space<hbm>> -> memref<1x1x1x8x128xf32, #tpu.memory_space<hbm>>
      %dma_start3A_357 = tpu.memref_squeeze %dma_start3A_356 : memref<1x1x1x8x128xf32, #tpu.memory_space<hbm>> -> memref<8x128xf32, #tpu.memory_space<hbm>>
      %dma_start3A_358 = arith.constant 0 : i32
      %dma_start3A_359 = arith.constant 0 : i32
      %dma_start3A_360 = tpu.memref_slice %arg4[%add3A_20, %dma_start3A_350, %dma_start3A_351, %dma_start3A_358, %dma_start3A_359] : memref<2048x4x16x8x128xf32, #tpu.memory_space<hbm>> -> memref<1x1x1x8x128xf32, #tpu.memory_space<hbm>>
      %dma_start3A_361 = tpu.memref_squeeze %dma_start3A_360 : memref<1x1x1x8x128xf32, #tpu.memory_space<hbm>> -> memref<8x128xf32, #tpu.memory_space<hbm>>
      %dma_start3A_362 = arith.constant 8 : i32
      %dma_start3A_363 = tpu.memref_slice %arg5[%dma_start3A_362, %multiple_of3A_349] : memref<32x4088xf32, #tpu.memory_space<vmem>> -> memref<8x128xf32, #tpu.memory_space<vmem>>
      tpu.enqueue_dma source(%dma_start3A_363 : memref<8x128xf32, #tpu.memory_space<vmem>>) target(%dma_start3A_361 : memref<8x128xf32, #tpu.memory_space<hbm>>) target_semaphore(%arg6 : memref<!tpu.dma_semaphore, #tpu.memory_space<semaphore_mem>>)
      %add3A_364 = arith.constant 512 : i32
      %add3A_365 = arith.addi %multiple_of3A_24, %add3A_364 : i32
      %multiple_of3A_366 = tpu.assume_multiple %add3A_365, 8 : i32
      %dma_start3A_367 = arith.constant 1 : i32
      %dma_start3A_368 = arith.constant 4 : i32
      %dma_start3A_369 = arith.constant 8 : i32
      %dma_start3A_370 = tpu.memref_slice %arg5[%dma_start3A_369, %multiple_of3A_366] : memref<32x4088xf32, #tpu.memory_space<vmem>> -> memref<8x128xf32, #tpu.memory_space<vmem>>
      %dma_start3A_371 = arith.constant 0 : i32
      %dma_start3A_372 = arith.constant 0 : i32
      %dma_start3A_373 = tpu.memref_slice %arg4[%add3A_20, %dma_start3A_367, %dma_start3A_368, %dma_start3A_371, %dma_start3A_372] : memref<2048x4x16x8x128xf32, #tpu.memory_space<hbm>> -> memref<1x1x1x8x128xf32, #tpu.memory_space<hbm>>
      %dma_start3A_374 = tpu.memref_squeeze %dma_start3A_373 : memref<1x1x1x8x128xf32, #tpu.memory_space<hbm>> -> memref<8x128xf32, #tpu.memory_space<hbm>>
      %dma_start3A_375 = arith.constant 0 : i32
      %dma_start3A_376 = arith.constant 0 : i32
      %dma_start3A_377 = tpu.memref_slice %arg4[%add3A_20, %dma_start3A_367, %dma_start3A_368, %dma_start3A_375, %dma_start3A_376] : memref<2048x4x16x8x128xf32, #tpu.memory_space<hbm>> -> memref<1x1x1x8x128xf32, #tpu.memory_space<hbm>>
      %dma_start3A_378 = tpu.memref_squeeze %dma_start3A_377 : memref<1x1x1x8x128xf32, #tpu.memory_space<hbm>> -> memref<8x128xf32, #tpu.memory_space<hbm>>
      %dma_start3A_379 = arith.constant 8 : i32
      %dma_start3A_380 = tpu.memref_slice %arg5[%dma_start3A_379, %multiple_of3A_366] : memref<32x4088xf32, #tpu.memory_space<vmem>> -> memref<8x128xf32, #tpu.memory_space<vmem>>
      tpu.enqueue_dma source(%dma_start3A_380 : memref<8x128xf32, #tpu.memory_space<vmem>>) target(%dma_start3A_378 : memref<8x128xf32, #tpu.memory_space<hbm>>) target_semaphore(%arg6 : memref<!tpu.dma_semaphore, #tpu.memory_space<semaphore_mem>>)
      %add3A_381 = arith.constant 640 : i32
      %add3A_382 = arith.addi %multiple_of3A_24, %add3A_381 : i32
      %multiple_of3A_383 = tpu.assume_multiple %add3A_382, 8 : i32
      %dma_start3A_384 = arith.constant 1 : i32
      %dma_start3A_385 = arith.constant 5 : i32
      %dma_start3A_386 = arith.constant 8 : i32
      %dma_start3A_387 = tpu.memref_slice %arg5[%dma_start3A_386, %multiple_of3A_383] : memref<32x4088xf32, #tpu.memory_space<vmem>> -> memref<8x128xf32, #tpu.memory_space<vmem>>
      %dma_start3A_388 = arith.constant 0 : i32
      %dma_start3A_389 = arith.constant 0 : i32
      %dma_start3A_390 = tpu.memref_slice %arg4[%add3A_20, %dma_start3A_384, %dma_start3A_385, %dma_start3A_388, %dma_start3A_389] : memref<2048x4x16x8x128xf32, #tpu.memory_space<hbm>> -> memref<1x1x1x8x128xf32, #tpu.memory_space<hbm>>
      %dma_start3A_391 = tpu.memref_squeeze %dma_start3A_390 : memref<1x1x1x8x128xf32, #tpu.memory_space<hbm>> -> memref<8x128xf32, #tpu.memory_space<hbm>>
      %dma_start3A_392 = arith.constant 0 : i32
      %dma_start3A_393 = arith.constant 0 : i32
      %dma_start3A_394 = tpu.memref_slice %arg4[%add3A_20, %dma_start3A_384, %dma_start3A_385, %dma_start3A_392, %dma_start3A_393] : memref<2048x4x16x8x128xf32, #tpu.memory_space<hbm>> -> memref<1x1x1x8x128xf32, #tpu.memory_space<hbm>>
      %dma_start3A_395 = tpu.memref_squeeze %dma_start3A_394 : memref<1x1x1x8x128xf32, #tpu.memory_space<hbm>> -> memref<8x128xf32, #tpu.memory_space<hbm>>
      %dma_start3A_396 = arith.constant 8 : i32
      %dma_start3A_397 = tpu.memref_slice %arg5[%dma_start3A_396, %multiple_of3A_383] : memref<32x4088xf32, #tpu.memory_space<vmem>> -> memref<8x128xf32, #tpu.memory_space<vmem>>
      tpu.enqueue_dma source(%dma_start3A_397 : memref<8x128xf32, #tpu.memory_space<vmem>>) target(%dma_start3A_395 : memref<8x128xf32, #tpu.memory_space<hbm>>) target_semaphore(%arg6 : memref<!tpu.dma_semaphore, #tpu.memory_space<semaphore_mem>>)
      %add3A_398 = arith.constant 768 : i32
      %add3A_399 = arith.addi %multiple_of3A_24, %add3A_398 : i32
      %multiple_of3A_400 = tpu.assume_multiple %add3A_399, 8 : i32
      %dma_start3A_401 = arith.constant 1 : i32
      %dma_start3A_402 = arith.constant 6 : i32
      %dma_start3A_403 = arith.constant 8 : i32
      %dma_start3A_404 = tpu.memref_slice %arg5[%dma_start3A_403, %multiple_of3A_400] : memref<32x4088xf32, #tpu.memory_space<vmem>> -> memref<8x128xf32, #tpu.memory_space<vmem>>
      %dma_start3A_405 = arith.constant 0 : i32
      %dma_start3A_406 = arith.constant 0 : i32
      %dma_start3A_407 = tpu.memref_slice %arg4[%add3A_20, %dma_start3A_401, %dma_start3A_402, %dma_start3A_405, %dma_start3A_406] : memref<2048x4x16x8x128xf32, #tpu.memory_space<hbm>> -> memref<1x1x1x8x128xf32, #tpu.memory_space<hbm>>
      %dma_start3A_408 = tpu.memref_squeeze %dma_start3A_407 : memref<1x1x1x8x128xf32, #tpu.memory_space<hbm>> -> memref<8x128xf32, #tpu.memory_space<hbm>>
      %dma_start3A_409 = arith.constant 0 : i32
      %dma_start3A_410 = arith.constant 0 : i32
      %dma_start3A_411 = tpu.memref_slice %arg4[%add3A_20, %dma_start3A_401, %dma_start3A_402, %dma_start3A_409, %dma_start3A_410] : memref<2048x4x16x8x128xf32, #tpu.memory_space<hbm>> -> memref<1x1x1x8x128xf32, #tpu.memory_space<hbm>>
      %dma_start3A_412 = tpu.memref_squeeze %dma_start3A_411 : memref<1x1x1x8x128xf32, #tpu.memory_space<hbm>> -> memref<8x128xf32, #tpu.memory_space<hbm>>
      %dma_start3A_413 = arith.constant 8 : i32
      %dma_start3A_414 = tpu.memref_slice %arg5[%dma_start3A_413, %multiple_of3A_400] : memref<32x4088xf32, #tpu.memory_space<vmem>> -> memref<8x128xf32, #tpu.memory_space<vmem>>
      tpu.enqueue_dma source(%dma_start3A_414 : memref<8x128xf32, #tpu.memory_space<vmem>>) target(%dma_start3A_412 : memref<8x128xf32, #tpu.memory_space<hbm>>) target_semaphore(%arg6 : memref<!tpu.dma_semaphore, #tpu.memory_space<semaphore_mem>>)
      %add3A_415 = arith.constant 896 : i32
      %add3A_416 = arith.addi %multiple_of3A_24, %add3A_415 : i32
      %multiple_of3A_417 = tpu.assume_multiple %add3A_416, 8 : i32
      %dma_start3A_418 = arith.constant 1 : i32
      %dma_start3A_419 = arith.constant 7 : i32
      %dma_start3A_420 = arith.constant 8 : i32
      %dma_start3A_421 = tpu.memref_slice %arg5[%dma_start3A_420, %multiple_of3A_417] : memref<32x4088xf32, #tpu.memory_space<vmem>> -> memref<8x128xf32, #tpu.memory_space<vmem>>
      %dma_start3A_422 = arith.constant 0 : i32
      %dma_start3A_423 = arith.constant 0 : i32
      %dma_start3A_424 = tpu.memref_slice %arg4[%add3A_20, %dma_start3A_418, %dma_start3A_419, %dma_start3A_422, %dma_start3A_423] : memref<2048x4x16x8x128xf32, #tpu.memory_space<hbm>> -> memref<1x1x1x8x128xf32, #tpu.memory_space<hbm>>
      %dma_start3A_425 = tpu.memref_squeeze %dma_start3A_424 : memref<1x1x1x8x128xf32, #tpu.memory_space<hbm>> -> memref<8x128xf32, #tpu.memory_space<hbm>>
      %dma_start3A_426 = arith.constant 0 : i32
      %dma_start3A_427 = arith.constant 0 : i32
      %dma_start3A_428 = tpu.memref_slice %arg4[%add3A_20, %dma_start3A_418, %dma_start3A_419, %dma_start3A_426, %dma_start3A_427] : memref<2048x4x16x8x128xf32, #tpu.memory_space<hbm>> -> memref<1x1x1x8x128xf32, #tpu.memory_space<hbm>>
      %dma_start3A_429 = tpu.memref_squeeze %dma_start3A_428 : memref<1x1x1x8x128xf32, #tpu.memory_space<hbm>> -> memref<8x128xf32, #tpu.memory_space<hbm>>
      %dma_start3A_430 = arith.constant 8 : i32
      %dma_start3A_431 = tpu.memref_slice %arg5[%dma_start3A_430, %multiple_of3A_417] : memref<32x4088xf32, #tpu.memory_space<vmem>> -> memref<8x128xf32, #tpu.memory_space<vmem>>
      tpu.enqueue_dma source(%dma_start3A_431 : memref<8x128xf32, #tpu.memory_space<vmem>>) target(%dma_start3A_429 : memref<8x128xf32, #tpu.memory_space<hbm>>) target_semaphore(%arg6 : memref<!tpu.dma_semaphore, #tpu.memory_space<semaphore_mem>>)
      %add3A_432 = arith.constant 1024 : i32
      %add3A_433 = arith.addi %multiple_of3A_24, %add3A_432 : i32
      %multiple_of3A_434 = tpu.assume_multiple %add3A_433, 8 : i32
      %dma_start3A_435 = arith.constant 1 : i32
      %dma_start3A_436 = arith.constant 8 : i32
      %dma_start3A_437 = arith.constant 8 : i32
      %dma_start3A_438 = tpu.memref_slice %arg5[%dma_start3A_437, %multiple_of3A_434] : memref<32x4088xf32, #tpu.memory_space<vmem>> -> memref<8x128xf32, #tpu.memory_space<vmem>>
      %dma_start3A_439 = arith.constant 0 : i32
      %dma_start3A_440 = arith.constant 0 : i32
      %dma_start3A_441 = tpu.memref_slice %arg4[%add3A_20, %dma_start3A_435, %dma_start3A_436, %dma_start3A_439, %dma_start3A_440] : memref<2048x4x16x8x128xf32, #tpu.memory_space<hbm>> -> memref<1x1x1x8x128xf32, #tpu.memory_space<hbm>>
      %dma_start3A_442 = tpu.memref_squeeze %dma_start3A_441 : memref<1x1x1x8x128xf32, #tpu.memory_space<hbm>> -> memref<8x128xf32, #tpu.memory_space<hbm>>
      %dma_start3A_443 = arith.constant 0 : i32
      %dma_start3A_444 = arith.constant 0 : i32
      %dma_start3A_445 = tpu.memref_slice %arg4[%add3A_20, %dma_start3A_435, %dma_start3A_436, %dma_start3A_443, %dma_start3A_444] : memref<2048x4x16x8x128xf32, #tpu.memory_space<hbm>> -> memref<1x1x1x8x128xf32, #tpu.memory_space<hbm>>
      %dma_start3A_446 = tpu.memref_squeeze %dma_start3A_445 : memref<1x1x1x8x128xf32, #tpu.memory_space<hbm>> -> memref<8x128xf32, #tpu.memory_space<hbm>>
      %dma_start3A_447 = arith.constant 8 : i32
      %dma_start3A_448 = tpu.memref_slice %arg5[%dma_start3A_447, %multiple_of3A_434] : memref<32x4088xf32, #tpu.memory_space<vmem>> -> memref<8x128xf32, #tpu.memory_space<vmem>>
      tpu.enqueue_dma source(%dma_start3A_448 : memref<8x128xf32, #tpu.memory_space<vmem>>) target(%dma_start3A_446 : memref<8x128xf32, #tpu.memory_space<hbm>>) target_semaphore(%arg6 : memref<!tpu.dma_semaphore, #tpu.memory_space<semaphore_mem>>)
      %add3A_449 = arith.constant 1152 : i32
      %add3A_450 = arith.addi %multiple_of3A_24, %add3A_449 : i32
      %multiple_of3A_451 = tpu.assume_multiple %add3A_450, 8 : i32
      %dma_start3A_452 = arith.constant 1 : i32
      %dma_start3A_453 = arith.constant 9 : i32
      %dma_start3A_454 = arith.constant 8 : i32
      %dma_start3A_455 = tpu.memref_slice %arg5[%dma_start3A_454, %multiple_of3A_451] : memref<32x4088xf32, #tpu.memory_space<vmem>> -> memref<8x128xf32, #tpu.memory_space<vmem>>
      %dma_start3A_456 = arith.constant 0 : i32
      %dma_start3A_457 = arith.constant 0 : i32
      %dma_start3A_458 = tpu.memref_slice %arg4[%add3A_20, %dma_start3A_452, %dma_start3A_453, %dma_start3A_456, %dma_start3A_457] : memref<2048x4x16x8x128xf32, #tpu.memory_space<hbm>> -> memref<1x1x1x8x128xf32, #tpu.memory_space<hbm>>
      %dma_start3A_459 = tpu.memref_squeeze %dma_start3A_458 : memref<1x1x1x8x128xf32, #tpu.memory_space<hbm>> -> memref<8x128xf32, #tpu.memory_space<hbm>>
      %dma_start3A_460 = arith.constant 0 : i32
      %dma_start3A_461 = arith.constant 0 : i32
      %dma_start3A_462 = tpu.memref_slice %arg4[%add3A_20, %dma_start3A_452, %dma_start3A_453, %dma_start3A_460, %dma_start3A_461] : memref<2048x4x16x8x128xf32, #tpu.memory_space<hbm>> -> memref<1x1x1x8x128xf32, #tpu.memory_space<hbm>>
      %dma_start3A_463 = tpu.memref_squeeze %dma_start3A_462 : memref<1x1x1x8x128xf32, #tpu.memory_space<hbm>> -> memref<8x128xf32, #tpu.memory_space<hbm>>
      %dma_start3A_464 = arith.constant 8 : i32
      %dma_start3A_465 = tpu.memref_slice %arg5[%dma_start3A_464, %multiple_of3A_451] : memref<32x4088xf32, #tpu.memory_space<vmem>> -> memref<8x128xf32, #tpu.memory_space<vmem>>
      tpu.enqueue_dma source(%dma_start3A_465 : memref<8x128xf32, #tpu.memory_space<vmem>>) target(%dma_start3A_463 : memref<8x128xf32, #tpu.memory_space<hbm>>) target_semaphore(%arg6 : memref<!tpu.dma_semaphore, #tpu.memory_space<semaphore_mem>>)
      %add3A_466 = arith.constant 1280 : i32
      %add3A_467 = arith.addi %multiple_of3A_24, %add3A_466 : i32
      %multiple_of3A_468 = tpu.assume_multiple %add3A_467, 8 : i32
      %dma_start3A_469 = arith.constant 1 : i32
      %dma_start3A_470 = arith.constant 10 : i32
      %dma_start3A_471 = arith.constant 8 : i32
      %dma_start3A_472 = tpu.memref_slice %arg5[%dma_start3A_471, %multiple_of3A_468] : memref<32x4088xf32, #tpu.memory_space<vmem>> -> memref<8x128xf32, #tpu.memory_space<vmem>>
      %dma_start3A_473 = arith.constant 0 : i32
      %dma_start3A_474 = arith.constant 0 : i32
      %dma_start3A_475 = tpu.memref_slice %arg4[%add3A_20, %dma_start3A_469, %dma_start3A_470, %dma_start3A_473, %dma_start3A_474] : memref<2048x4x16x8x128xf32, #tpu.memory_space<hbm>> -> memref<1x1x1x8x128xf32, #tpu.memory_space<hbm>>
      %dma_start3A_476 = tpu.memref_squeeze %dma_start3A_475 : memref<1x1x1x8x128xf32, #tpu.memory_space<hbm>> -> memref<8x128xf32, #tpu.memory_space<hbm>>
      %dma_start3A_477 = arith.constant 0 : i32
      %dma_start3A_478 = arith.constant 0 : i32
      %dma_start3A_479 = tpu.memref_slice %arg4[%add3A_20, %dma_start3A_469, %dma_start3A_470, %dma_start3A_477, %dma_start3A_478] : memref<2048x4x16x8x128xf32, #tpu.memory_space<hbm>> -> memref<1x1x1x8x128xf32, #tpu.memory_space<hbm>>
      %dma_start3A_480 = tpu.memref_squeeze %dma_start3A_479 : memref<1x1x1x8x128xf32, #tpu.memory_space<hbm>> -> memref<8x128xf32, #tpu.memory_space<hbm>>
      %dma_start3A_481 = arith.constant 8 : i32
      %dma_start3A_482 = tpu.memref_slice %arg5[%dma_start3A_481, %multiple_of3A_468] : memref<32x4088xf32, #tpu.memory_space<vmem>> -> memref<8x128xf32, #tpu.memory_space<vmem>>
      tpu.enqueue_dma source(%dma_start3A_482 : memref<8x128xf32, #tpu.memory_space<vmem>>) target(%dma_start3A_480 : memref<8x128xf32, #tpu.memory_space<hbm>>) target_semaphore(%arg6 : memref<!tpu.dma_semaphore, #tpu.memory_space<semaphore_mem>>)
      %add3A_483 = arith.constant 1408 : i32
      %add3A_484 = arith.addi %multiple_of3A_24, %add3A_483 : i32
      %multiple_of3A_485 = tpu.assume_multiple %add3A_484, 8 : i32
      %dma_start3A_486 = arith.constant 1 : i32
      %dma_start3A_487 = arith.constant 11 : i32
      %dma_start3A_488 = arith.constant 8 : i32
      %dma_start3A_489 = tpu.memref_slice %arg5[%dma_start3A_488, %multiple_of3A_485] : memref<32x4088xf32, #tpu.memory_space<vmem>> -> memref<8x128xf32, #tpu.memory_space<vmem>>
      %dma_start3A_490 = arith.constant 0 : i32
      %dma_start3A_491 = arith.constant 0 : i32
      %dma_start3A_492 = tpu.memref_slice %arg4[%add3A_20, %dma_start3A_486, %dma_start3A_487, %dma_start3A_490, %dma_start3A_491] : memref<2048x4x16x8x128xf32, #tpu.memory_space<hbm>> -> memref<1x1x1x8x128xf32, #tpu.memory_space<hbm>>
      %dma_start3A_493 = tpu.memref_squeeze %dma_start3A_492 : memref<1x1x1x8x128xf32, #tpu.memory_space<hbm>> -> memref<8x128xf32, #tpu.memory_space<hbm>>
      %dma_start3A_494 = arith.constant 0 : i32
      %dma_start3A_495 = arith.constant 0 : i32
      %dma_start3A_496 = tpu.memref_slice %arg4[%add3A_20, %dma_start3A_486, %dma_start3A_487, %dma_start3A_494, %dma_start3A_495] : memref<2048x4x16x8x128xf32, #tpu.memory_space<hbm>> -> memref<1x1x1x8x128xf32, #tpu.memory_space<hbm>>
      %dma_start3A_497 = tpu.memref_squeeze %dma_start3A_496 : memref<1x1x1x8x128xf32, #tpu.memory_space<hbm>> -> memref<8x128xf32, #tpu.memory_space<hbm>>
      %dma_start3A_498 = arith.constant 8 : i32
      %dma_start3A_499 = tpu.memref_slice %arg5[%dma_start3A_498, %multiple_of3A_485] : memref<32x4088xf32, #tpu.memory_space<vmem>> -> memref<8x128xf32, #tpu.memory_space<vmem>>
      tpu.enqueue_dma source(%dma_start3A_499 : memref<8x128xf32, #tpu.memory_space<vmem>>) target(%dma_start3A_497 : memref<8x128xf32, #tpu.memory_space<hbm>>) target_semaphore(%arg6 : memref<!tpu.dma_semaphore, #tpu.memory_space<semaphore_mem>>)
      %add3A_500 = arith.constant 1536 : i32
      %add3A_501 = arith.addi %multiple_of3A_24, %add3A_500 : i32
      %multiple_of3A_502 = tpu.assume_multiple %add3A_501, 8 : i32
      %dma_start3A_503 = arith.constant 1 : i32
      %dma_start3A_504 = arith.constant 12 : i32
      %dma_start3A_505 = arith.constant 8 : i32
      %dma_start3A_506 = tpu.memref_slice %arg5[%dma_start3A_505, %multiple_of3A_502] : memref<32x4088xf32, #tpu.memory_space<vmem>> -> memref<8x128xf32, #tpu.memory_space<vmem>>
      %dma_start3A_507 = arith.constant 0 : i32
      %dma_start3A_508 = arith.constant 0 : i32
      %dma_start3A_509 = tpu.memref_slice %arg4[%add3A_20, %dma_start3A_503, %dma_start3A_504, %dma_start3A_507, %dma_start3A_508] : memref<2048x4x16x8x128xf32, #tpu.memory_space<hbm>> -> memref<1x1x1x8x128xf32, #tpu.memory_space<hbm>>
      %dma_start3A_510 = tpu.memref_squeeze %dma_start3A_509 : memref<1x1x1x8x128xf32, #tpu.memory_space<hbm>> -> memref<8x128xf32, #tpu.memory_space<hbm>>
      %dma_start3A_511 = arith.constant 0 : i32
      %dma_start3A_512 = arith.constant 0 : i32
      %dma_start3A_513 = tpu.memref_slice %arg4[%add3A_20, %dma_start3A_503, %dma_start3A_504, %dma_start3A_511, %dma_start3A_512] : memref<2048x4x16x8x128xf32, #tpu.memory_space<hbm>> -> memref<1x1x1x8x128xf32, #tpu.memory_space<hbm>>
      %dma_start3A_514 = tpu.memref_squeeze %dma_start3A_513 : memref<1x1x1x8x128xf32, #tpu.memory_space<hbm>> -> memref<8x128xf32, #tpu.memory_space<hbm>>
      %dma_start3A_515 = arith.constant 8 : i32
      %dma_start3A_516 = tpu.memref_slice %arg5[%dma_start3A_515, %multiple_of3A_502] : memref<32x4088xf32, #tpu.memory_space<vmem>> -> memref<8x128xf32, #tpu.memory_space<vmem>>
      tpu.enqueue_dma source(%dma_start3A_516 : memref<8x128xf32, #tpu.memory_space<vmem>>) target(%dma_start3A_514 : memref<8x128xf32, #tpu.memory_space<hbm>>) target_semaphore(%arg6 : memref<!tpu.dma_semaphore, #tpu.memory_space<semaphore_mem>>)
      %add3A_517 = arith.constant 1664 : i32
      %add3A_518 = arith.addi %multiple_of3A_24, %add3A_517 : i32
      %multiple_of3A_519 = tpu.assume_multiple %add3A_518, 8 : i32
      %dma_start3A_520 = arith.constant 1 : i32
      %dma_start3A_521 = arith.constant 13 : i32
      %dma_start3A_522 = arith.constant 8 : i32
      %dma_start3A_523 = tpu.memref_slice %arg5[%dma_start3A_522, %multiple_of3A_519] : memref<32x4088xf32, #tpu.memory_space<vmem>> -> memref<8x128xf32, #tpu.memory_space<vmem>>
      %dma_start3A_524 = arith.constant 0 : i32
      %dma_start3A_525 = arith.constant 0 : i32
      %dma_start3A_526 = tpu.memref_slice %arg4[%add3A_20, %dma_start3A_520, %dma_start3A_521, %dma_start3A_524, %dma_start3A_525] : memref<2048x4x16x8x128xf32, #tpu.memory_space<hbm>> -> memref<1x1x1x8x128xf32, #tpu.memory_space<hbm>>
      %dma_start3A_527 = tpu.memref_squeeze %dma_start3A_526 : memref<1x1x1x8x128xf32, #tpu.memory_space<hbm>> -> memref<8x128xf32, #tpu.memory_space<hbm>>
      %dma_start3A_528 = arith.constant 0 : i32
      %dma_start3A_529 = arith.constant 0 : i32
      %dma_start3A_530 = tpu.memref_slice %arg4[%add3A_20, %dma_start3A_520, %dma_start3A_521, %dma_start3A_528, %dma_start3A_529] : memref<2048x4x16x8x128xf32, #tpu.memory_space<hbm>> -> memref<1x1x1x8x128xf32, #tpu.memory_space<hbm>>
      %dma_start3A_531 = tpu.memref_squeeze %dma_start3A_530 : memref<1x1x1x8x128xf32, #tpu.memory_space<hbm>> -> memref<8x128xf32, #tpu.memory_space<hbm>>
      %dma_start3A_532 = arith.constant 8 : i32
      %dma_start3A_533 = tpu.memref_slice %arg5[%dma_start3A_532, %multiple_of3A_519] : memref<32x4088xf32, #tpu.memory_space<vmem>> -> memref<8x128xf32, #tpu.memory_space<vmem>>
      tpu.enqueue_dma source(%dma_start3A_533 : memref<8x128xf32, #tpu.memory_space<vmem>>) target(%dma_start3A_531 : memref<8x128xf32, #tpu.memory_space<hbm>>) target_semaphore(%arg6 : memref<!tpu.dma_semaphore, #tpu.memory_space<semaphore_mem>>)
      %add3A_534 = arith.constant 1792 : i32
      %add3A_535 = arith.addi %multiple_of3A_24, %add3A_534 : i32
      %multiple_of3A_536 = tpu.assume_multiple %add3A_535, 8 : i32
      %dma_start3A_537 = arith.constant 1 : i32
      %dma_start3A_538 = arith.constant 14 : i32
      %dma_start3A_539 = arith.constant 8 : i32
      %dma_start3A_540 = tpu.memref_slice %arg5[%dma_start3A_539, %multiple_of3A_536] : memref<32x4088xf32, #tpu.memory_space<vmem>> -> memref<8x128xf32, #tpu.memory_space<vmem>>
      %dma_start3A_541 = arith.constant 0 : i32
      %dma_start3A_542 = arith.constant 0 : i32
      %dma_start3A_543 = tpu.memref_slice %arg4[%add3A_20, %dma_start3A_537, %dma_start3A_538, %dma_start3A_541, %dma_start3A_542] : memref<2048x4x16x8x128xf32, #tpu.memory_space<hbm>> -> memref<1x1x1x8x128xf32, #tpu.memory_space<hbm>>
      %dma_start3A_544 = tpu.memref_squeeze %dma_start3A_543 : memref<1x1x1x8x128xf32, #tpu.memory_space<hbm>> -> memref<8x128xf32, #tpu.memory_space<hbm>>
      %dma_start3A_545 = arith.constant 0 : i32
      %dma_start3A_546 = arith.constant 0 : i32
      %dma_start3A_547 = tpu.memref_slice %arg4[%add3A_20, %dma_start3A_537, %dma_start3A_538, %dma_start3A_545, %dma_start3A_546] : memref<2048x4x16x8x128xf32, #tpu.memory_space<hbm>> -> memref<1x1x1x8x128xf32, #tpu.memory_space<hbm>>
      %dma_start3A_548 = tpu.memref_squeeze %dma_start3A_547 : memref<1x1x1x8x128xf32, #tpu.memory_space<hbm>> -> memref<8x128xf32, #tpu.memory_space<hbm>>
      %dma_start3A_549 = arith.constant 8 : i32
      %dma_start3A_550 = tpu.memref_slice %arg5[%dma_start3A_549, %multiple_of3A_536] : memref<32x4088xf32, #tpu.memory_space<vmem>> -> memref<8x128xf32, #tpu.memory_space<vmem>>
      tpu.enqueue_dma source(%dma_start3A_550 : memref<8x128xf32, #tpu.memory_space<vmem>>) target(%dma_start3A_548 : memref<8x128xf32, #tpu.memory_space<hbm>>) target_semaphore(%arg6 : memref<!tpu.dma_semaphore, #tpu.memory_space<semaphore_mem>>)
      %add3A_551 = arith.constant 1920 : i32
      %add3A_552 = arith.addi %multiple_of3A_24, %add3A_551 : i32
      %multiple_of3A_553 = tpu.assume_multiple %add3A_552, 8 : i32
      %dma_start3A_554 = arith.constant 1 : i32
      %dma_start3A_555 = arith.constant 15 : i32
      %dma_start3A_556 = arith.constant 8 : i32
      %dma_start3A_557 = tpu.memref_slice %arg5[%dma_start3A_556, %multiple_of3A_553] : memref<32x4088xf32, #tpu.memory_space<vmem>> -> memref<8x128xf32, #tpu.memory_space<vmem>>
      %dma_start3A_558 = arith.constant 0 : i32
      %dma_start3A_559 = arith.constant 0 : i32
      %dma_start3A_560 = tpu.memref_slice %arg4[%add3A_20, %dma_start3A_554, %dma_start3A_555, %dma_start3A_558, %dma_start3A_559] : memref<2048x4x16x8x128xf32, #tpu.memory_space<hbm>> -> memref<1x1x1x8x128xf32, #tpu.memory_space<hbm>>
      %dma_start3A_561 = tpu.memref_squeeze %dma_start3A_560 : memref<1x1x1x8x128xf32, #tpu.memory_space<hbm>> -> memref<8x128xf32, #tpu.memory_space<hbm>>
      %dma_start3A_562 = arith.constant 0 : i32
      %dma_start3A_563 = arith.constant 0 : i32
      %dma_start3A_564 = tpu.memref_slice %arg4[%add3A_20, %dma_start3A_554, %dma_start3A_555, %dma_start3A_562, %dma_start3A_563] : memref<2048x4x16x8x128xf32, #tpu.memory_space<hbm>> -> memref<1x1x1x8x128xf32, #tpu.memory_space<hbm>>
      %dma_start3A_565 = tpu.memref_squeeze %dma_start3A_564 : memref<1x1x1x8x128xf32, #tpu.memory_space<hbm>> -> memref<8x128xf32, #tpu.memory_space<hbm>>
      %dma_start3A_566 = arith.constant 8 : i32
      %dma_start3A_567 = tpu.memref_slice %arg5[%dma_start3A_566, %multiple_of3A_553] : memref<32x4088xf32, #tpu.memory_space<vmem>> -> memref<8x128xf32, #tpu.memory_space<vmem>>
      tpu.enqueue_dma source(%dma_start3A_567 : memref<8x128xf32, #tpu.memory_space<vmem>>) target(%dma_start3A_565 : memref<8x128xf32, #tpu.memory_space<hbm>>) target_semaphore(%arg6 : memref<!tpu.dma_semaphore, #tpu.memory_space<semaphore_mem>>)
      %add3A_568 = arith.constant 0 : i32
      %add3A_569 = arith.addi %multiple_of3A_24, %add3A_568 : i32
      %multiple_of3A_570 = tpu.assume_multiple %add3A_569, 8 : i32
      %dma_start3A_571 = arith.constant 2 : i32
      %dma_start3A_572 = arith.constant 0 : i32
      %dma_start3A_573 = arith.constant 16 : i32
      %dma_start3A_574 = tpu.memref_slice %arg5[%dma_start3A_573, %multiple_of3A_570] : memref<32x4088xf32, #tpu.memory_space<vmem>> -> memref<8x128xf32, #tpu.memory_space<vmem>>
      %dma_start3A_575 = arith.constant 0 : i32
      %dma_start3A_576 = arith.constant 0 : i32
      %dma_start3A_577 = tpu.memref_slice %arg4[%add3A_20, %dma_start3A_571, %dma_start3A_572, %dma_start3A_575, %dma_start3A_576] : memref<2048x4x16x8x128xf32, #tpu.memory_space<hbm>> -> memref<1x1x1x8x128xf32, #tpu.memory_space<hbm>>
      %dma_start3A_578 = tpu.memref_squeeze %dma_start3A_577 : memref<1x1x1x8x128xf32, #tpu.memory_space<hbm>> -> memref<8x128xf32, #tpu.memory_space<hbm>>
      %dma_start3A_579 = arith.constant 0 : i32
      %dma_start3A_580 = arith.constant 0 : i32
      %dma_start3A_581 = tpu.memref_slice %arg4[%add3A_20, %dma_start3A_571, %dma_start3A_572, %dma_start3A_579, %dma_start3A_580] : memref<2048x4x16x8x128xf32, #tpu.memory_space<hbm>> -> memref<1x1x1x8x128xf32, #tpu.memory_space<hbm>>
      %dma_start3A_582 = tpu.memref_squeeze %dma_start3A_581 : memref<1x1x1x8x128xf32, #tpu.memory_space<hbm>> -> memref<8x128xf32, #tpu.memory_space<hbm>>
      %dma_start3A_583 = arith.constant 16 : i32
      %dma_start3A_584 = tpu.memref_slice %arg5[%dma_start3A_583, %multiple_of3A_570] : memref<32x4088xf32, #tpu.memory_space<vmem>> -> memref<8x128xf32, #tpu.memory_space<vmem>>
      tpu.enqueue_dma source(%dma_start3A_584 : memref<8x128xf32, #tpu.memory_space<vmem>>) target(%dma_start3A_582 : memref<8x128xf32, #tpu.memory_space<hbm>>) target_semaphore(%arg6 : memref<!tpu.dma_semaphore, #tpu.memory_space<semaphore_mem>>)
      %add3A_585 = arith.constant 128 : i32
      %add3A_586 = arith.addi %multiple_of3A_24, %add3A_585 : i32
      %multiple_of3A_587 = tpu.assume_multiple %add3A_586, 8 : i32
      %dma_start3A_588 = arith.constant 2 : i32
      %dma_start3A_589 = arith.constant 1 : i32
      %dma_start3A_590 = arith.constant 16 : i32
      %dma_start3A_591 = tpu.memref_slice %arg5[%dma_start3A_590, %multiple_of3A_587] : memref<32x4088xf32, #tpu.memory_space<vmem>> -> memref<8x128xf32, #tpu.memory_space<vmem>>
      %dma_start3A_592 = arith.constant 0 : i32
      %dma_start3A_593 = arith.constant 0 : i32
      %dma_start3A_594 = tpu.memref_slice %arg4[%add3A_20, %dma_start3A_588, %dma_start3A_589, %dma_start3A_592, %dma_start3A_593] : memref<2048x4x16x8x128xf32, #tpu.memory_space<hbm>> -> memref<1x1x1x8x128xf32, #tpu.memory_space<hbm>>
      %dma_start3A_595 = tpu.memref_squeeze %dma_start3A_594 : memref<1x1x1x8x128xf32, #tpu.memory_space<hbm>> -> memref<8x128xf32, #tpu.memory_space<hbm>>
      %dma_start3A_596 = arith.constant 0 : i32
      %dma_start3A_597 = arith.constant 0 : i32
      %dma_start3A_598 = tpu.memref_slice %arg4[%add3A_20, %dma_start3A_588, %dma_start3A_589, %dma_start3A_596, %dma_start3A_597] : memref<2048x4x16x8x128xf32, #tpu.memory_space<hbm>> -> memref<1x1x1x8x128xf32, #tpu.memory_space<hbm>>
      %dma_start3A_599 = tpu.memref_squeeze %dma_start3A_598 : memref<1x1x1x8x128xf32, #tpu.memory_space<hbm>> -> memref<8x128xf32, #tpu.memory_space<hbm>>
      %dma_start3A_600 = arith.constant 16 : i32
      %dma_start3A_601 = tpu.memref_slice %arg5[%dma_start3A_600, %multiple_of3A_587] : memref<32x4088xf32, #tpu.memory_space<vmem>> -> memref<8x128xf32, #tpu.memory_space<vmem>>
      tpu.enqueue_dma source(%dma_start3A_601 : memref<8x128xf32, #tpu.memory_space<vmem>>) target(%dma_start3A_599 : memref<8x128xf32, #tpu.memory_space<hbm>>) target_semaphore(%arg6 : memref<!tpu.dma_semaphore, #tpu.memory_space<semaphore_mem>>)
      %add3A_602 = arith.constant 256 : i32
      %add3A_603 = arith.addi %multiple_of3A_24, %add3A_602 : i32
      %multiple_of3A_604 = tpu.assume_multiple %add3A_603, 8 : i32
      %dma_start3A_605 = arith.constant 2 : i32
      %dma_start3A_606 = arith.constant 2 : i32
      %dma_start3A_607 = arith.constant 16 : i32
      %dma_start3A_608 = tpu.memref_slice %arg5[%dma_start3A_607, %multiple_of3A_604] : memref<32x4088xf32, #tpu.memory_space<vmem>> -> memref<8x128xf32, #tpu.memory_space<vmem>>
      %dma_start3A_609 = arith.constant 0 : i32
      %dma_start3A_610 = arith.constant 0 : i32
      %dma_start3A_611 = tpu.memref_slice %arg4[%add3A_20, %dma_start3A_605, %dma_start3A_606, %dma_start3A_609, %dma_start3A_610] : memref<2048x4x16x8x128xf32, #tpu.memory_space<hbm>> -> memref<1x1x1x8x128xf32, #tpu.memory_space<hbm>>
      %dma_start3A_612 = tpu.memref_squeeze %dma_start3A_611 : memref<1x1x1x8x128xf32, #tpu.memory_space<hbm>> -> memref<8x128xf32, #tpu.memory_space<hbm>>
      %dma_start3A_613 = arith.constant 0 : i32
      %dma_start3A_614 = arith.constant 0 : i32
      %dma_start3A_615 = tpu.memref_slice %arg4[%add3A_20, %dma_start3A_605, %dma_start3A_606, %dma_start3A_613, %dma_start3A_614] : memref<2048x4x16x8x128xf32, #tpu.memory_space<hbm>> -> memref<1x1x1x8x128xf32, #tpu.memory_space<hbm>>
      %dma_start3A_616 = tpu.memref_squeeze %dma_start3A_615 : memref<1x1x1x8x128xf32, #tpu.memory_space<hbm>> -> memref<8x128xf32, #tpu.memory_space<hbm>>
      %dma_start3A_617 = arith.constant 16 : i32
      %dma_start3A_618 = tpu.memref_slice %arg5[%dma_start3A_617, %multiple_of3A_604] : memref<32x4088xf32, #tpu.memory_space<vmem>> -> memref<8x128xf32, #tpu.memory_space<vmem>>
      tpu.enqueue_dma source(%dma_start3A_618 : memref<8x128xf32, #tpu.memory_space<vmem>>) target(%dma_start3A_616 : memref<8x128xf32, #tpu.memory_space<hbm>>) target_semaphore(%arg6 : memref<!tpu.dma_semaphore, #tpu.memory_space<semaphore_mem>>)
      %add3A_619 = arith.constant 384 : i32
      %add3A_620 = arith.addi %multiple_of3A_24, %add3A_619 : i32
      %multiple_of3A_621 = tpu.assume_multiple %add3A_620, 8 : i32
      %dma_start3A_622 = arith.constant 2 : i32
      %dma_start3A_623 = arith.constant 3 : i32
      %dma_start3A_624 = arith.constant 16 : i32
      %dma_start3A_625 = tpu.memref_slice %arg5[%dma_start3A_624, %multiple_of3A_621] : memref<32x4088xf32, #tpu.memory_space<vmem>> -> memref<8x128xf32, #tpu.memory_space<vmem>>
      %dma_start3A_626 = arith.constant 0 : i32
      %dma_start3A_627 = arith.constant 0 : i32
      %dma_start3A_628 = tpu.memref_slice %arg4[%add3A_20, %dma_start3A_622, %dma_start3A_623, %dma_start3A_626, %dma_start3A_627] : memref<2048x4x16x8x128xf32, #tpu.memory_space<hbm>> -> memref<1x1x1x8x128xf32, #tpu.memory_space<hbm>>
      %dma_start3A_629 = tpu.memref_squeeze %dma_start3A_628 : memref<1x1x1x8x128xf32, #tpu.memory_space<hbm>> -> memref<8x128xf32, #tpu.memory_space<hbm>>
      %dma_start3A_630 = arith.constant 0 : i32
      %dma_start3A_631 = arith.constant 0 : i32
      %dma_start3A_632 = tpu.memref_slice %arg4[%add3A_20, %dma_start3A_622, %dma_start3A_623, %dma_start3A_630, %dma_start3A_631] : memref<2048x4x16x8x128xf32, #tpu.memory_space<hbm>> -> memref<1x1x1x8x128xf32, #tpu.memory_space<hbm>>
      %dma_start3A_633 = tpu.memref_squeeze %dma_start3A_632 : memref<1x1x1x8x128xf32, #tpu.memory_space<hbm>> -> memref<8x128xf32, #tpu.memory_space<hbm>>
      %dma_start3A_634 = arith.constant 16 : i32
      %dma_start3A_635 = tpu.memref_slice %arg5[%dma_start3A_634, %multiple_of3A_621] : memref<32x4088xf32, #tpu.memory_space<vmem>> -> memref<8x128xf32, #tpu.memory_space<vmem>>
      tpu.enqueue_dma source(%dma_start3A_635 : memref<8x128xf32, #tpu.memory_space<vmem>>) target(%dma_start3A_633 : memref<8x128xf32, #tpu.memory_space<hbm>>) target_semaphore(%arg6 : memref<!tpu.dma_semaphore, #tpu.memory_space<semaphore_mem>>)
      %add3A_636 = arith.constant 512 : i32
      %add3A_637 = arith.addi %multiple_of3A_24, %add3A_636 : i32
      %multiple_of3A_638 = tpu.assume_multiple %add3A_637, 8 : i32
      %dma_start3A_639 = arith.constant 2 : i32
      %dma_start3A_640 = arith.constant 4 : i32
      %dma_start3A_641 = arith.constant 16 : i32
      %dma_start3A_642 = tpu.memref_slice %arg5[%dma_start3A_641, %multiple_of3A_638] : memref<32x4088xf32, #tpu.memory_space<vmem>> -> memref<8x128xf32, #tpu.memory_space<vmem>>
      %dma_start3A_643 = arith.constant 0 : i32
      %dma_start3A_644 = arith.constant 0 : i32
      %dma_start3A_645 = tpu.memref_slice %arg4[%add3A_20, %dma_start3A_639, %dma_start3A_640, %dma_start3A_643, %dma_start3A_644] : memref<2048x4x16x8x128xf32, #tpu.memory_space<hbm>> -> memref<1x1x1x8x128xf32, #tpu.memory_space<hbm>>
      %dma_start3A_646 = tpu.memref_squeeze %dma_start3A_645 : memref<1x1x1x8x128xf32, #tpu.memory_space<hbm>> -> memref<8x128xf32, #tpu.memory_space<hbm>>
      %dma_start3A_647 = arith.constant 0 : i32
      %dma_start3A_648 = arith.constant 0 : i32
      %dma_start3A_649 = tpu.memref_slice %arg4[%add3A_20, %dma_start3A_639, %dma_start3A_640, %dma_start3A_647, %dma_start3A_648] : memref<2048x4x16x8x128xf32, #tpu.memory_space<hbm>> -> memref<1x1x1x8x128xf32, #tpu.memory_space<hbm>>
      %dma_start3A_650 = tpu.memref_squeeze %dma_start3A_649 : memref<1x1x1x8x128xf32, #tpu.memory_space<hbm>> -> memref<8x128xf32, #tpu.memory_space<hbm>>
      %dma_start3A_651 = arith.constant 16 : i32
      %dma_start3A_652 = tpu.memref_slice %arg5[%dma_start3A_651, %multiple_of3A_638] : memref<32x4088xf32, #tpu.memory_space<vmem>> -> memref<8x128xf32, #tpu.memory_space<vmem>>
      tpu.enqueue_dma source(%dma_start3A_652 : memref<8x128xf32, #tpu.memory_space<vmem>>) target(%dma_start3A_650 : memref<8x128xf32, #tpu.memory_space<hbm>>) target_semaphore(%arg6 : memref<!tpu.dma_semaphore, #tpu.memory_space<semaphore_mem>>)
      %add3A_653 = arith.constant 640 : i32
      %add3A_654 = arith.addi %multiple_of3A_24, %add3A_653 : i32
      %multiple_of3A_655 = tpu.assume_multiple %add3A_654, 8 : i32
      %dma_start3A_656 = arith.constant 2 : i32
      %dma_start3A_657 = arith.constant 5 : i32
      %dma_start3A_658 = arith.constant 16 : i32
      %dma_start3A_659 = tpu.memref_slice %arg5[%dma_start3A_658, %multiple_of3A_655] : memref<32x4088xf32, #tpu.memory_space<vmem>> -> memref<8x128xf32, #tpu.memory_space<vmem>>
      %dma_start3A_660 = arith.constant 0 : i32
      %dma_start3A_661 = arith.constant 0 : i32
      %dma_start3A_662 = tpu.memref_slice %arg4[%add3A_20, %dma_start3A_656, %dma_start3A_657, %dma_start3A_660, %dma_start3A_661] : memref<2048x4x16x8x128xf32, #tpu.memory_space<hbm>> -> memref<1x1x1x8x128xf32, #tpu.memory_space<hbm>>
      %dma_start3A_663 = tpu.memref_squeeze %dma_start3A_662 : memref<1x1x1x8x128xf32, #tpu.memory_space<hbm>> -> memref<8x128xf32, #tpu.memory_space<hbm>>
      %dma_start3A_664 = arith.constant 0 : i32
      %dma_start3A_665 = arith.constant 0 : i32
      %dma_start3A_666 = tpu.memref_slice %arg4[%add3A_20, %dma_start3A_656, %dma_start3A_657, %dma_start3A_664, %dma_start3A_665] : memref<2048x4x16x8x128xf32, #tpu.memory_space<hbm>> -> memref<1x1x1x8x128xf32, #tpu.memory_space<hbm>>
      %dma_start3A_667 = tpu.memref_squeeze %dma_start3A_666 : memref<1x1x1x8x128xf32, #tpu.memory_space<hbm>> -> memref<8x128xf32, #tpu.memory_space<hbm>>
      %dma_start3A_668 = arith.constant 16 : i32
      %dma_start3A_669 = tpu.memref_slice %arg5[%dma_start3A_668, %multiple_of3A_655] : memref<32x4088xf32, #tpu.memory_space<vmem>> -> memref<8x128xf32, #tpu.memory_space<vmem>>
      tpu.enqueue_dma source(%dma_start3A_669 : memref<8x128xf32, #tpu.memory_space<vmem>>) target(%dma_start3A_667 : memref<8x128xf32, #tpu.memory_space<hbm>>) target_semaphore(%arg6 : memref<!tpu.dma_semaphore, #tpu.memory_space<semaphore_mem>>)
      %add3A_670 = arith.constant 768 : i32
      %add3A_671 = arith.addi %multiple_of3A_24, %add3A_670 : i32
      %multiple_of3A_672 = tpu.assume_multiple %add3A_671, 8 : i32
      %dma_start3A_673 = arith.constant 2 : i32
      %dma_start3A_674 = arith.constant 6 : i32
      %dma_start3A_675 = arith.constant 16 : i32
      %dma_start3A_676 = tpu.memref_slice %arg5[%dma_start3A_675, %multiple_of3A_672] : memref<32x4088xf32, #tpu.memory_space<vmem>> -> memref<8x128xf32, #tpu.memory_space<vmem>>
      %dma_start3A_677 = arith.constant 0 : i32
      %dma_start3A_678 = arith.constant 0 : i32
      %dma_start3A_679 = tpu.memref_slice %arg4[%add3A_20, %dma_start3A_673, %dma_start3A_674, %dma_start3A_677, %dma_start3A_678] : memref<2048x4x16x8x128xf32, #tpu.memory_space<hbm>> -> memref<1x1x1x8x128xf32, #tpu.memory_space<hbm>>
      %dma_start3A_680 = tpu.memref_squeeze %dma_start3A_679 : memref<1x1x1x8x128xf32, #tpu.memory_space<hbm>> -> memref<8x128xf32, #tpu.memory_space<hbm>>
      %dma_start3A_681 = arith.constant 0 : i32
      %dma_start3A_682 = arith.constant 0 : i32
      %dma_start3A_683 = tpu.memref_slice %arg4[%add3A_20, %dma_start3A_673, %dma_start3A_674, %dma_start3A_681, %dma_start3A_682] : memref<2048x4x16x8x128xf32, #tpu.memory_space<hbm>> -> memref<1x1x1x8x128xf32, #tpu.memory_space<hbm>>
      %dma_start3A_684 = tpu.memref_squeeze %dma_start3A_683 : memref<1x1x1x8x128xf32, #tpu.memory_space<hbm>> -> memref<8x128xf32, #tpu.memory_space<hbm>>
      %dma_start3A_685 = arith.constant 16 : i32
      %dma_start3A_686 = tpu.memref_slice %arg5[%dma_start3A_685, %multiple_of3A_672] : memref<32x4088xf32, #tpu.memory_space<vmem>> -> memref<8x128xf32, #tpu.memory_space<vmem>>
      tpu.enqueue_dma source(%dma_start3A_686 : memref<8x128xf32, #tpu.memory_space<vmem>>) target(%dma_start3A_684 : memref<8x128xf32, #tpu.memory_space<hbm>>) target_semaphore(%arg6 : memref<!tpu.dma_semaphore, #tpu.memory_space<semaphore_mem>>)
      %add3A_687 = arith.constant 896 : i32
      %add3A_688 = arith.addi %multiple_of3A_24, %add3A_687 : i32
      %multiple_of3A_689 = tpu.assume_multiple %add3A_688, 8 : i32
      %dma_start3A_690 = arith.constant 2 : i32
      %dma_start3A_691 = arith.constant 7 : i32
      %dma_start3A_692 = arith.constant 16 : i32
      %dma_start3A_693 = tpu.memref_slice %arg5[%dma_start3A_692, %multiple_of3A_689] : memref<32x4088xf32, #tpu.memory_space<vmem>> -> memref<8x128xf32, #tpu.memory_space<vmem>>
      %dma_start3A_694 = arith.constant 0 : i32
      %dma_start3A_695 = arith.constant 0 : i32
      %dma_start3A_696 = tpu.memref_slice %arg4[%add3A_20, %dma_start3A_690, %dma_start3A_691, %dma_start3A_694, %dma_start3A_695] : memref<2048x4x16x8x128xf32, #tpu.memory_space<hbm>> -> memref<1x1x1x8x128xf32, #tpu.memory_space<hbm>>
      %dma_start3A_697 = tpu.memref_squeeze %dma_start3A_696 : memref<1x1x1x8x128xf32, #tpu.memory_space<hbm>> -> memref<8x128xf32, #tpu.memory_space<hbm>>
      %dma_start3A_698 = arith.constant 0 : i32
      %dma_start3A_699 = arith.constant 0 : i32
      %dma_start3A_700 = tpu.memref_slice %arg4[%add3A_20, %dma_start3A_690, %dma_start3A_691, %dma_start3A_698, %dma_start3A_699] : memref<2048x4x16x8x128xf32, #tpu.memory_space<hbm>> -> memref<1x1x1x8x128xf32, #tpu.memory_space<hbm>>
      %dma_start3A_701 = tpu.memref_squeeze %dma_start3A_700 : memref<1x1x1x8x128xf32, #tpu.memory_space<hbm>> -> memref<8x128xf32, #tpu.memory_space<hbm>>
      %dma_start3A_702 = arith.constant 16 : i32
      %dma_start3A_703 = tpu.memref_slice %arg5[%dma_start3A_702, %multiple_of3A_689] : memref<32x4088xf32, #tpu.memory_space<vmem>> -> memref<8x128xf32, #tpu.memory_space<vmem>>
      tpu.enqueue_dma source(%dma_start3A_703 : memref<8x128xf32, #tpu.memory_space<vmem>>) target(%dma_start3A_701 : memref<8x128xf32, #tpu.memory_space<hbm>>) target_semaphore(%arg6 : memref<!tpu.dma_semaphore, #tpu.memory_space<semaphore_mem>>)
      %add3A_704 = arith.constant 1024 : i32
      %add3A_705 = arith.addi %multiple_of3A_24, %add3A_704 : i32
      %multiple_of3A_706 = tpu.assume_multiple %add3A_705, 8 : i32
      %dma_start3A_707 = arith.constant 2 : i32
      %dma_start3A_708 = arith.constant 8 : i32
      %dma_start3A_709 = arith.constant 16 : i32
      %dma_start3A_710 = tpu.memref_slice %arg5[%dma_start3A_709, %multiple_of3A_706] : memref<32x4088xf32, #tpu.memory_space<vmem>> -> memref<8x128xf32, #tpu.memory_space<vmem>>
      %dma_start3A_711 = arith.constant 0 : i32
      %dma_start3A_712 = arith.constant 0 : i32
      %dma_start3A_713 = tpu.memref_slice %arg4[%add3A_20, %dma_start3A_707, %dma_start3A_708, %dma_start3A_711, %dma_start3A_712] : memref<2048x4x16x8x128xf32, #tpu.memory_space<hbm>> -> memref<1x1x1x8x128xf32, #tpu.memory_space<hbm>>
      %dma_start3A_714 = tpu.memref_squeeze %dma_start3A_713 : memref<1x1x1x8x128xf32, #tpu.memory_space<hbm>> -> memref<8x128xf32, #tpu.memory_space<hbm>>
      %dma_start3A_715 = arith.constant 0 : i32
      %dma_start3A_716 = arith.constant 0 : i32
      %dma_start3A_717 = tpu.memref_slice %arg4[%add3A_20, %dma_start3A_707, %dma_start3A_708, %dma_start3A_715, %dma_start3A_716] : memref<2048x4x16x8x128xf32, #tpu.memory_space<hbm>> -> memref<1x1x1x8x128xf32, #tpu.memory_space<hbm>>
      %dma_start3A_718 = tpu.memref_squeeze %dma_start3A_717 : memref<1x1x1x8x128xf32, #tpu.memory_space<hbm>> -> memref<8x128xf32, #tpu.memory_space<hbm>>
      %dma_start3A_719 = arith.constant 16 : i32
      %dma_start3A_720 = tpu.memref_slice %arg5[%dma_start3A_719, %multiple_of3A_706] : memref<32x4088xf32, #tpu.memory_space<vmem>> -> memref<8x128xf32, #tpu.memory_space<vmem>>
      tpu.enqueue_dma source(%dma_start3A_720 : memref<8x128xf32, #tpu.memory_space<vmem>>) target(%dma_start3A_718 : memref<8x128xf32, #tpu.memory_space<hbm>>) target_semaphore(%arg6 : memref<!tpu.dma_semaphore, #tpu.memory_space<semaphore_mem>>)
      %add3A_721 = arith.constant 1152 : i32
      %add3A_722 = arith.addi %multiple_of3A_24, %add3A_721 : i32
      %multiple_of3A_723 = tpu.assume_multiple %add3A_722, 8 : i32
      %dma_start3A_724 = arith.constant 2 : i32
      %dma_start3A_725 = arith.constant 9 : i32
      %dma_start3A_726 = arith.constant 16 : i32
      %dma_start3A_727 = tpu.memref_slice %arg5[%dma_start3A_726, %multiple_of3A_723] : memref<32x4088xf32, #tpu.memory_space<vmem>> -> memref<8x128xf32, #tpu.memory_space<vmem>>
      %dma_start3A_728 = arith.constant 0 : i32
      %dma_start3A_729 = arith.constant 0 : i32
      %dma_start3A_730 = tpu.memref_slice %arg4[%add3A_20, %dma_start3A_724, %dma_start3A_725, %dma_start3A_728, %dma_start3A_729] : memref<2048x4x16x8x128xf32, #tpu.memory_space<hbm>> -> memref<1x1x1x8x128xf32, #tpu.memory_space<hbm>>
      %dma_start3A_731 = tpu.memref_squeeze %dma_start3A_730 : memref<1x1x1x8x128xf32, #tpu.memory_space<hbm>> -> memref<8x128xf32, #tpu.memory_space<hbm>>
      %dma_start3A_732 = arith.constant 0 : i32
      %dma_start3A_733 = arith.constant 0 : i32
      %dma_start3A_734 = tpu.memref_slice %arg4[%add3A_20, %dma_start3A_724, %dma_start3A_725, %dma_start3A_732, %dma_start3A_733] : memref<2048x4x16x8x128xf32, #tpu.memory_space<hbm>> -> memref<1x1x1x8x128xf32, #tpu.memory_space<hbm>>
      %dma_start3A_735 = tpu.memref_squeeze %dma_start3A_734 : memref<1x1x1x8x128xf32, #tpu.memory_space<hbm>> -> memref<8x128xf32, #tpu.memory_space<hbm>>
      %dma_start3A_736 = arith.constant 16 : i32
      %dma_start3A_737 = tpu.memref_slice %arg5[%dma_start3A_736, %multiple_of3A_723] : memref<32x4088xf32, #tpu.memory_space<vmem>> -> memref<8x128xf32, #tpu.memory_space<vmem>>
      tpu.enqueue_dma source(%dma_start3A_737 : memref<8x128xf32, #tpu.memory_space<vmem>>) target(%dma_start3A_735 : memref<8x128xf32, #tpu.memory_space<hbm>>) target_semaphore(%arg6 : memref<!tpu.dma_semaphore, #tpu.memory_space<semaphore_mem>>)
      %add3A_738 = arith.constant 1280 : i32
      %add3A_739 = arith.addi %multiple_of3A_24, %add3A_738 : i32
      %multiple_of3A_740 = tpu.assume_multiple %add3A_739, 8 : i32
      %dma_start3A_741 = arith.constant 2 : i32
      %dma_start3A_742 = arith.constant 10 : i32
      %dma_start3A_743 = arith.constant 16 : i32
      %dma_start3A_744 = tpu.memref_slice %arg5[%dma_start3A_743, %multiple_of3A_740] : memref<32x4088xf32, #tpu.memory_space<vmem>> -> memref<8x128xf32, #tpu.memory_space<vmem>>
      %dma_start3A_745 = arith.constant 0 : i32
      %dma_start3A_746 = arith.constant 0 : i32
      %dma_start3A_747 = tpu.memref_slice %arg4[%add3A_20, %dma_start3A_741, %dma_start3A_742, %dma_start3A_745, %dma_start3A_746] : memref<2048x4x16x8x128xf32, #tpu.memory_space<hbm>> -> memref<1x1x1x8x128xf32, #tpu.memory_space<hbm>>
      %dma_start3A_748 = tpu.memref_squeeze %dma_start3A_747 : memref<1x1x1x8x128xf32, #tpu.memory_space<hbm>> -> memref<8x128xf32, #tpu.memory_space<hbm>>
      %dma_start3A_749 = arith.constant 0 : i32
      %dma_start3A_750 = arith.constant 0 : i32
      %dma_start3A_751 = tpu.memref_slice %arg4[%add3A_20, %dma_start3A_741, %dma_start3A_742, %dma_start3A_749, %dma_start3A_750] : memref<2048x4x16x8x128xf32, #tpu.memory_space<hbm>> -> memref<1x1x1x8x128xf32, #tpu.memory_space<hbm>>
      %dma_start3A_752 = tpu.memref_squeeze %dma_start3A_751 : memref<1x1x1x8x128xf32, #tpu.memory_space<hbm>> -> memref<8x128xf32, #tpu.memory_space<hbm>>
      %dma_start3A_753 = arith.constant 16 : i32
      %dma_start3A_754 = tpu.memref_slice %arg5[%dma_start3A_753, %multiple_of3A_740] : memref<32x4088xf32, #tpu.memory_space<vmem>> -> memref<8x128xf32, #tpu.memory_space<vmem>>
      tpu.enqueue_dma source(%dma_start3A_754 : memref<8x128xf32, #tpu.memory_space<vmem>>) target(%dma_start3A_752 : memref<8x128xf32, #tpu.memory_space<hbm>>) target_semaphore(%arg6 : memref<!tpu.dma_semaphore, #tpu.memory_space<semaphore_mem>>)
      %add3A_755 = arith.constant 1408 : i32
      %add3A_756 = arith.addi %multiple_of3A_24, %add3A_755 : i32
      %multiple_of3A_757 = tpu.assume_multiple %add3A_756, 8 : i32
      %dma_start3A_758 = arith.constant 2 : i32
      %dma_start3A_759 = arith.constant 11 : i32
      %dma_start3A_760 = arith.constant 16 : i32
      %dma_start3A_761 = tpu.memref_slice %arg5[%dma_start3A_760, %multiple_of3A_757] : memref<32x4088xf32, #tpu.memory_space<vmem>> -> memref<8x128xf32, #tpu.memory_space<vmem>>
      %dma_start3A_762 = arith.constant 0 : i32
      %dma_start3A_763 = arith.constant 0 : i32
      %dma_start3A_764 = tpu.memref_slice %arg4[%add3A_20, %dma_start3A_758, %dma_start3A_759, %dma_start3A_762, %dma_start3A_763] : memref<2048x4x16x8x128xf32, #tpu.memory_space<hbm>> -> memref<1x1x1x8x128xf32, #tpu.memory_space<hbm>>
      %dma_start3A_765 = tpu.memref_squeeze %dma_start3A_764 : memref<1x1x1x8x128xf32, #tpu.memory_space<hbm>> -> memref<8x128xf32, #tpu.memory_space<hbm>>
      %dma_start3A_766 = arith.constant 0 : i32
      %dma_start3A_767 = arith.constant 0 : i32
      %dma_start3A_768 = tpu.memref_slice %arg4[%add3A_20, %dma_start3A_758, %dma_start3A_759, %dma_start3A_766, %dma_start3A_767] : memref<2048x4x16x8x128xf32, #tpu.memory_space<hbm>> -> memref<1x1x1x8x128xf32, #tpu.memory_space<hbm>>
      %dma_start3A_769 = tpu.memref_squeeze %dma_start3A_768 : memref<1x1x1x8x128xf32, #tpu.memory_space<hbm>> -> memref<8x128xf32, #tpu.memory_space<hbm>>
      %dma_start3A_770 = arith.constant 16 : i32
      %dma_start3A_771 = tpu.memref_slice %arg5[%dma_start3A_770, %multiple_of3A_757] : memref<32x4088xf32, #tpu.memory_space<vmem>> -> memref<8x128xf32, #tpu.memory_space<vmem>>
      tpu.enqueue_dma source(%dma_start3A_771 : memref<8x128xf32, #tpu.memory_space<vmem>>) target(%dma_start3A_769 : memref<8x128xf32, #tpu.memory_space<hbm>>) target_semaphore(%arg6 : memref<!tpu.dma_semaphore, #tpu.memory_space<semaphore_mem>>)
      %add3A_772 = arith.constant 1536 : i32
      %add3A_773 = arith.addi %multiple_of3A_24, %add3A_772 : i32
      %multiple_of3A_774 = tpu.assume_multiple %add3A_773, 8 : i32
      %dma_start3A_775 = arith.constant 2 : i32
      %dma_start3A_776 = arith.constant 12 : i32
      %dma_start3A_777 = arith.constant 16 : i32
      %dma_start3A_778 = tpu.memref_slice %arg5[%dma_start3A_777, %multiple_of3A_774] : memref<32x4088xf32, #tpu.memory_space<vmem>> -> memref<8x128xf32, #tpu.memory_space<vmem>>
      %dma_start3A_779 = arith.constant 0 : i32
      %dma_start3A_780 = arith.constant 0 : i32
      %dma_start3A_781 = tpu.memref_slice %arg4[%add3A_20, %dma_start3A_775, %dma_start3A_776, %dma_start3A_779, %dma_start3A_780] : memref<2048x4x16x8x128xf32, #tpu.memory_space<hbm>> -> memref<1x1x1x8x128xf32, #tpu.memory_space<hbm>>
      %dma_start3A_782 = tpu.memref_squeeze %dma_start3A_781 : memref<1x1x1x8x128xf32, #tpu.memory_space<hbm>> -> memref<8x128xf32, #tpu.memory_space<hbm>>
      %dma_start3A_783 = arith.constant 0 : i32
      %dma_start3A_784 = arith.constant 0 : i32
      %dma_start3A_785 = tpu.memref_slice %arg4[%add3A_20, %dma_start3A_775, %dma_start3A_776, %dma_start3A_783, %dma_start3A_784] : memref<2048x4x16x8x128xf32, #tpu.memory_space<hbm>> -> memref<1x1x1x8x128xf32, #tpu.memory_space<hbm>>
      %dma_start3A_786 = tpu.memref_squeeze %dma_start3A_785 : memref<1x1x1x8x128xf32, #tpu.memory_space<hbm>> -> memref<8x128xf32, #tpu.memory_space<hbm>>
      %dma_start3A_787 = arith.constant 16 : i32
      %dma_start3A_788 = tpu.memref_slice %arg5[%dma_start3A_787, %multiple_of3A_774] : memref<32x4088xf32, #tpu.memory_space<vmem>> -> memref<8x128xf32, #tpu.memory_space<vmem>>
      tpu.enqueue_dma source(%dma_start3A_788 : memref<8x128xf32, #tpu.memory_space<vmem>>) target(%dma_start3A_786 : memref<8x128xf32, #tpu.memory_space<hbm>>) target_semaphore(%arg6 : memref<!tpu.dma_semaphore, #tpu.memory_space<semaphore_mem>>)
      %add3A_789 = arith.constant 1664 : i32
      %add3A_790 = arith.addi %multiple_of3A_24, %add3A_789 : i32
      %multiple_of3A_791 = tpu.assume_multiple %add3A_790, 8 : i32
      %dma_start3A_792 = arith.constant 2 : i32
      %dma_start3A_793 = arith.constant 13 : i32
      %dma_start3A_794 = arith.constant 16 : i32
      %dma_start3A_795 = tpu.memref_slice %arg5[%dma_start3A_794, %multiple_of3A_791] : memref<32x4088xf32, #tpu.memory_space<vmem>> -> memref<8x128xf32, #tpu.memory_space<vmem>>
      %dma_start3A_796 = arith.constant 0 : i32
      %dma_start3A_797 = arith.constant 0 : i32
      %dma_start3A_798 = tpu.memref_slice %arg4[%add3A_20, %dma_start3A_792, %dma_start3A_793, %dma_start3A_796, %dma_start3A_797] : memref<2048x4x16x8x128xf32, #tpu.memory_space<hbm>> -> memref<1x1x1x8x128xf32, #tpu.memory_space<hbm>>
      %dma_start3A_799 = tpu.memref_squeeze %dma_start3A_798 : memref<1x1x1x8x128xf32, #tpu.memory_space<hbm>> -> memref<8x128xf32, #tpu.memory_space<hbm>>
      %dma_start3A_800 = arith.constant 0 : i32
      %dma_start3A_801 = arith.constant 0 : i32
      %dma_start3A_802 = tpu.memref_slice %arg4[%add3A_20, %dma_start3A_792, %dma_start3A_793, %dma_start3A_800, %dma_start3A_801] : memref<2048x4x16x8x128xf32, #tpu.memory_space<hbm>> -> memref<1x1x1x8x128xf32, #tpu.memory_space<hbm>>
      %dma_start3A_803 = tpu.memref_squeeze %dma_start3A_802 : memref<1x1x1x8x128xf32, #tpu.memory_space<hbm>> -> memref<8x128xf32, #tpu.memory_space<hbm>>
      %dma_start3A_804 = arith.constant 16 : i32
      %dma_start3A_805 = tpu.memref_slice %arg5[%dma_start3A_804, %multiple_of3A_791] : memref<32x4088xf32, #tpu.memory_space<vmem>> -> memref<8x128xf32, #tpu.memory_space<vmem>>
      tpu.enqueue_dma source(%dma_start3A_805 : memref<8x128xf32, #tpu.memory_space<vmem>>) target(%dma_start3A_803 : memref<8x128xf32, #tpu.memory_space<hbm>>) target_semaphore(%arg6 : memref<!tpu.dma_semaphore, #tpu.memory_space<semaphore_mem>>)
      %add3A_806 = arith.constant 1792 : i32
      %add3A_807 = arith.addi %multiple_of3A_24, %add3A_806 : i32
      %multiple_of3A_808 = tpu.assume_multiple %add3A_807, 8 : i32
      %dma_start3A_809 = arith.constant 2 : i32
      %dma_start3A_810 = arith.constant 14 : i32
      %dma_start3A_811 = arith.constant 16 : i32
      %dma_start3A_812 = tpu.memref_slice %arg5[%dma_start3A_811, %multiple_of3A_808] : memref<32x4088xf32, #tpu.memory_space<vmem>> -> memref<8x128xf32, #tpu.memory_space<vmem>>
      %dma_start3A_813 = arith.constant 0 : i32
      %dma_start3A_814 = arith.constant 0 : i32
      %dma_start3A_815 = tpu.memref_slice %arg4[%add3A_20, %dma_start3A_809, %dma_start3A_810, %dma_start3A_813, %dma_start3A_814] : memref<2048x4x16x8x128xf32, #tpu.memory_space<hbm>> -> memref<1x1x1x8x128xf32, #tpu.memory_space<hbm>>
      %dma_start3A_816 = tpu.memref_squeeze %dma_start3A_815 : memref<1x1x1x8x128xf32, #tpu.memory_space<hbm>> -> memref<8x128xf32, #tpu.memory_space<hbm>>
      %dma_start3A_817 = arith.constant 0 : i32
      %dma_start3A_818 = arith.constant 0 : i32
      %dma_start3A_819 = tpu.memref_slice %arg4[%add3A_20, %dma_start3A_809, %dma_start3A_810, %dma_start3A_817, %dma_start3A_818] : memref<2048x4x16x8x128xf32, #tpu.memory_space<hbm>> -> memref<1x1x1x8x128xf32, #tpu.memory_space<hbm>>
      %dma_start3A_820 = tpu.memref_squeeze %dma_start3A_819 : memref<1x1x1x8x128xf32, #tpu.memory_space<hbm>> -> memref<8x128xf32, #tpu.memory_space<hbm>>
      %dma_start3A_821 = arith.constant 16 : i32
      %dma_start3A_822 = tpu.memref_slice %arg5[%dma_start3A_821, %multiple_of3A_808] : memref<32x4088xf32, #tpu.memory_space<vmem>> -> memref<8x128xf32, #tpu.memory_space<vmem>>
      tpu.enqueue_dma source(%dma_start3A_822 : memref<8x128xf32, #tpu.memory_space<vmem>>) target(%dma_start3A_820 : memref<8x128xf32, #tpu.memory_space<hbm>>) target_semaphore(%arg6 : memref<!tpu.dma_semaphore, #tpu.memory_space<semaphore_mem>>)
      %add3A_823 = arith.constant 1920 : i32
      %add3A_824 = arith.addi %multiple_of3A_24, %add3A_823 : i32
      %multiple_of3A_825 = tpu.assume_multiple %add3A_824, 8 : i32
      %dma_start3A_826 = arith.constant 2 : i32
      %dma_start3A_827 = arith.constant 15 : i32
      %dma_start3A_828 = arith.constant 16 : i32
      %dma_start3A_829 = tpu.memref_slice %arg5[%dma_start3A_828, %multiple_of3A_825] : memref<32x4088xf32, #tpu.memory_space<vmem>> -> memref<8x128xf32, #tpu.memory_space<vmem>>
      %dma_start3A_830 = arith.constant 0 : i32
      %dma_start3A_831 = arith.constant 0 : i32
      %dma_start3A_832 = tpu.memref_slice %arg4[%add3A_20, %dma_start3A_826, %dma_start3A_827, %dma_start3A_830, %dma_start3A_831] : memref<2048x4x16x8x128xf32, #tpu.memory_space<hbm>> -> memref<1x1x1x8x128xf32, #tpu.memory_space<hbm>>
      %dma_start3A_833 = tpu.memref_squeeze %dma_start3A_832 : memref<1x1x1x8x128xf32, #tpu.memory_space<hbm>> -> memref<8x128xf32, #tpu.memory_space<hbm>>
      %dma_start3A_834 = arith.constant 0 : i32
      %dma_start3A_835 = arith.constant 0 : i32
      %dma_start3A_836 = tpu.memref_slice %arg4[%add3A_20, %dma_start3A_826, %dma_start3A_827, %dma_start3A_834, %dma_start3A_835] : memref<2048x4x16x8x128xf32, #tpu.memory_space<hbm>> -> memref<1x1x1x8x128xf32, #tpu.memory_space<hbm>>
      %dma_start3A_837 = tpu.memref_squeeze %dma_start3A_836 : memref<1x1x1x8x128xf32, #tpu.memory_space<hbm>> -> memref<8x128xf32, #tpu.memory_space<hbm>>
      %dma_start3A_838 = arith.constant 16 : i32
      %dma_start3A_839 = tpu.memref_slice %arg5[%dma_start3A_838, %multiple_of3A_825] : memref<32x4088xf32, #tpu.memory_space<vmem>> -> memref<8x128xf32, #tpu.memory_space<vmem>>
      tpu.enqueue_dma source(%dma_start3A_839 : memref<8x128xf32, #tpu.memory_space<vmem>>) target(%dma_start3A_837 : memref<8x128xf32, #tpu.memory_space<hbm>>) target_semaphore(%arg6 : memref<!tpu.dma_semaphore, #tpu.memory_space<semaphore_mem>>)
      %add3A_840 = arith.constant 0 : i32
      %add3A_841 = arith.addi %multiple_of3A_24, %add3A_840 : i32
      %multiple_of3A_842 = tpu.assume_multiple %add3A_841, 8 : i32
      %dma_start3A_843 = arith.constant 3 : i32
      %dma_start3A_844 = arith.constant 0 : i32
      %dma_start3A_845 = arith.constant 24 : i32
      %dma_start3A_846 = tpu.memref_slice %arg5[%dma_start3A_845, %multiple_of3A_842] : memref<32x4088xf32, #tpu.memory_space<vmem>> -> memref<8x128xf32, #tpu.memory_space<vmem>>
      %dma_start3A_847 = arith.constant 0 : i32
      %dma_start3A_848 = arith.constant 0 : i32
      %dma_start3A_849 = tpu.memref_slice %arg4[%add3A_20, %dma_start3A_843, %dma_start3A_844, %dma_start3A_847, %dma_start3A_848] : memref<2048x4x16x8x128xf32, #tpu.memory_space<hbm>> -> memref<1x1x1x8x128xf32, #tpu.memory_space<hbm>>
      %dma_start3A_850 = tpu.memref_squeeze %dma_start3A_849 : memref<1x1x1x8x128xf32, #tpu.memory_space<hbm>> -> memref<8x128xf32, #tpu.memory_space<hbm>>
      %dma_start3A_851 = arith.constant 0 : i32
      %dma_start3A_852 = arith.constant 0 : i32
      %dma_start3A_853 = tpu.memref_slice %arg4[%add3A_20, %dma_start3A_843, %dma_start3A_844, %dma_start3A_851, %dma_start3A_852] : memref<2048x4x16x8x128xf32, #tpu.memory_space<hbm>> -> memref<1x1x1x8x128xf32, #tpu.memory_space<hbm>>
      %dma_start3A_854 = tpu.memref_squeeze %dma_start3A_853 : memref<1x1x1x8x128xf32, #tpu.memory_space<hbm>> -> memref<8x128xf32, #tpu.memory_space<hbm>>
      %dma_start3A_855 = arith.constant 24 : i32
      %dma_start3A_856 = tpu.memref_slice %arg5[%dma_start3A_855, %multiple_of3A_842] : memref<32x4088xf32, #tpu.memory_space<vmem>> -> memref<8x128xf32, #tpu.memory_space<vmem>>
      tpu.enqueue_dma source(%dma_start3A_856 : memref<8x128xf32, #tpu.memory_space<vmem>>) target(%dma_start3A_854 : memref<8x128xf32, #tpu.memory_space<hbm>>) target_semaphore(%arg6 : memref<!tpu.dma_semaphore, #tpu.memory_space<semaphore_mem>>)
      %add3A_857 = arith.constant 128 : i32
      %add3A_858 = arith.addi %multiple_of3A_24, %add3A_857 : i32
      %multiple_of3A_859 = tpu.assume_multiple %add3A_858, 8 : i32
      %dma_start3A_860 = arith.constant 3 : i32
      %dma_start3A_861 = arith.constant 1 : i32
      %dma_start3A_862 = arith.constant 24 : i32
      %dma_start3A_863 = tpu.memref_slice %arg5[%dma_start3A_862, %multiple_of3A_859] : memref<32x4088xf32, #tpu.memory_space<vmem>> -> memref<8x128xf32, #tpu.memory_space<vmem>>
      %dma_start3A_864 = arith.constant 0 : i32
      %dma_start3A_865 = arith.constant 0 : i32
      %dma_start3A_866 = tpu.memref_slice %arg4[%add3A_20, %dma_start3A_860, %dma_start3A_861, %dma_start3A_864, %dma_start3A_865] : memref<2048x4x16x8x128xf32, #tpu.memory_space<hbm>> -> memref<1x1x1x8x128xf32, #tpu.memory_space<hbm>>
      %dma_start3A_867 = tpu.memref_squeeze %dma_start3A_866 : memref<1x1x1x8x128xf32, #tpu.memory_space<hbm>> -> memref<8x128xf32, #tpu.memory_space<hbm>>
      %dma_start3A_868 = arith.constant 0 : i32
      %dma_start3A_869 = arith.constant 0 : i32
      %dma_start3A_870 = tpu.memref_slice %arg4[%add3A_20, %dma_start3A_860, %dma_start3A_861, %dma_start3A_868, %dma_start3A_869] : memref<2048x4x16x8x128xf32, #tpu.memory_space<hbm>> -> memref<1x1x1x8x128xf32, #tpu.memory_space<hbm>>
      %dma_start3A_871 = tpu.memref_squeeze %dma_start3A_870 : memref<1x1x1x8x128xf32, #tpu.memory_space<hbm>> -> memref<8x128xf32, #tpu.memory_space<hbm>>
      %dma_start3A_872 = arith.constant 24 : i32
      %dma_start3A_873 = tpu.memref_slice %arg5[%dma_start3A_872, %multiple_of3A_859] : memref<32x4088xf32, #tpu.memory_space<vmem>> -> memref<8x128xf32, #tpu.memory_space<vmem>>
      tpu.enqueue_dma source(%dma_start3A_873 : memref<8x128xf32, #tpu.memory_space<vmem>>) target(%dma_start3A_871 : memref<8x128xf32, #tpu.memory_space<hbm>>) target_semaphore(%arg6 : memref<!tpu.dma_semaphore, #tpu.memory_space<semaphore_mem>>)
      %add3A_874 = arith.constant 256 : i32
      %add3A_875 = arith.addi %multiple_of3A_24, %add3A_874 : i32
      %multiple_of3A_876 = tpu.assume_multiple %add3A_875, 8 : i32
      %dma_start3A_877 = arith.constant 3 : i32
      %dma_start3A_878 = arith.constant 2 : i32
      %dma_start3A_879 = arith.constant 24 : i32
      %dma_start3A_880 = tpu.memref_slice %arg5[%dma_start3A_879, %multiple_of3A_876] : memref<32x4088xf32, #tpu.memory_space<vmem>> -> memref<8x128xf32, #tpu.memory_space<vmem>>
      %dma_start3A_881 = arith.constant 0 : i32
      %dma_start3A_882 = arith.constant 0 : i32
      %dma_start3A_883 = tpu.memref_slice %arg4[%add3A_20, %dma_start3A_877, %dma_start3A_878, %dma_start3A_881, %dma_start3A_882] : memref<2048x4x16x8x128xf32, #tpu.memory_space<hbm>> -> memref<1x1x1x8x128xf32, #tpu.memory_space<hbm>>
      %dma_start3A_884 = tpu.memref_squeeze %dma_start3A_883 : memref<1x1x1x8x128xf32, #tpu.memory_space<hbm>> -> memref<8x128xf32, #tpu.memory_space<hbm>>
      %dma_start3A_885 = arith.constant 0 : i32
      %dma_start3A_886 = arith.constant 0 : i32
      %dma_start3A_887 = tpu.memref_slice %arg4[%add3A_20, %dma_start3A_877, %dma_start3A_878, %dma_start3A_885, %dma_start3A_886] : memref<2048x4x16x8x128xf32, #tpu.memory_space<hbm>> -> memref<1x1x1x8x128xf32, #tpu.memory_space<hbm>>
      %dma_start3A_888 = tpu.memref_squeeze %dma_start3A_887 : memref<1x1x1x8x128xf32, #tpu.memory_space<hbm>> -> memref<8x128xf32, #tpu.memory_space<hbm>>
      %dma_start3A_889 = arith.constant 24 : i32
      %dma_start3A_890 = tpu.memref_slice %arg5[%dma_start3A_889, %multiple_of3A_876] : memref<32x4088xf32, #tpu.memory_space<vmem>> -> memref<8x128xf32, #tpu.memory_space<vmem>>
      tpu.enqueue_dma source(%dma_start3A_890 : memref<8x128xf32, #tpu.memory_space<vmem>>) target(%dma_start3A_888 : memref<8x128xf32, #tpu.memory_space<hbm>>) target_semaphore(%arg6 : memref<!tpu.dma_semaphore, #tpu.memory_space<semaphore_mem>>)
      %add3A_891 = arith.constant 384 : i32
      %add3A_892 = arith.addi %multiple_of3A_24, %add3A_891 : i32
      %multiple_of3A_893 = tpu.assume_multiple %add3A_892, 8 : i32
      %dma_start3A_894 = arith.constant 3 : i32
      %dma_start3A_895 = arith.constant 3 : i32
      %dma_start3A_896 = arith.constant 24 : i32
      %dma_start3A_897 = tpu.memref_slice %arg5[%dma_start3A_896, %multiple_of3A_893] : memref<32x4088xf32, #tpu.memory_space<vmem>> -> memref<8x128xf32, #tpu.memory_space<vmem>>
      %dma_start3A_898 = arith.constant 0 : i32
      %dma_start3A_899 = arith.constant 0 : i32
      %dma_start3A_900 = tpu.memref_slice %arg4[%add3A_20, %dma_start3A_894, %dma_start3A_895, %dma_start3A_898, %dma_start3A_899] : memref<2048x4x16x8x128xf32, #tpu.memory_space<hbm>> -> memref<1x1x1x8x128xf32, #tpu.memory_space<hbm>>
      %dma_start3A_901 = tpu.memref_squeeze %dma_start3A_900 : memref<1x1x1x8x128xf32, #tpu.memory_space<hbm>> -> memref<8x128xf32, #tpu.memory_space<hbm>>
      %dma_start3A_902 = arith.constant 0 : i32
      %dma_start3A_903 = arith.constant 0 : i32
      %dma_start3A_904 = tpu.memref_slice %arg4[%add3A_20, %dma_start3A_894, %dma_start3A_895, %dma_start3A_902, %dma_start3A_903] : memref<2048x4x16x8x128xf32, #tpu.memory_space<hbm>> -> memref<1x1x1x8x128xf32, #tpu.memory_space<hbm>>
      %dma_start3A_905 = tpu.memref_squeeze %dma_start3A_904 : memref<1x1x1x8x128xf32, #tpu.memory_space<hbm>> -> memref<8x128xf32, #tpu.memory_space<hbm>>
      %dma_start3A_906 = arith.constant 24 : i32
      %dma_start3A_907 = tpu.memref_slice %arg5[%dma_start3A_906, %multiple_of3A_893] : memref<32x4088xf32, #tpu.memory_space<vmem>> -> memref<8x128xf32, #tpu.memory_space<vmem>>
      tpu.enqueue_dma source(%dma_start3A_907 : memref<8x128xf32, #tpu.memory_space<vmem>>) target(%dma_start3A_905 : memref<8x128xf32, #tpu.memory_space<hbm>>) target_semaphore(%arg6 : memref<!tpu.dma_semaphore, #tpu.memory_space<semaphore_mem>>)
      %add3A_908 = arith.constant 512 : i32
      %add3A_909 = arith.addi %multiple_of3A_24, %add3A_908 : i32
      %multiple_of3A_910 = tpu.assume_multiple %add3A_909, 8 : i32
      %dma_start3A_911 = arith.constant 3 : i32
      %dma_start3A_912 = arith.constant 4 : i32
      %dma_start3A_913 = arith.constant 24 : i32
      %dma_start3A_914 = tpu.memref_slice %arg5[%dma_start3A_913, %multiple_of3A_910] : memref<32x4088xf32, #tpu.memory_space<vmem>> -> memref<8x128xf32, #tpu.memory_space<vmem>>
      %dma_start3A_915 = arith.constant 0 : i32
      %dma_start3A_916 = arith.constant 0 : i32
      %dma_start3A_917 = tpu.memref_slice %arg4[%add3A_20, %dma_start3A_911, %dma_start3A_912, %dma_start3A_915, %dma_start3A_916] : memref<2048x4x16x8x128xf32, #tpu.memory_space<hbm>> -> memref<1x1x1x8x128xf32, #tpu.memory_space<hbm>>
      %dma_start3A_918 = tpu.memref_squeeze %dma_start3A_917 : memref<1x1x1x8x128xf32, #tpu.memory_space<hbm>> -> memref<8x128xf32, #tpu.memory_space<hbm>>
      %dma_start3A_919 = arith.constant 0 : i32
      %dma_start3A_920 = arith.constant 0 : i32
      %dma_start3A_921 = tpu.memref_slice %arg4[%add3A_20, %dma_start3A_911, %dma_start3A_912, %dma_start3A_919, %dma_start3A_920] : memref<2048x4x16x8x128xf32, #tpu.memory_space<hbm>> -> memref<1x1x1x8x128xf32, #tpu.memory_space<hbm>>
      %dma_start3A_922 = tpu.memref_squeeze %dma_start3A_921 : memref<1x1x1x8x128xf32, #tpu.memory_space<hbm>> -> memref<8x128xf32, #tpu.memory_space<hbm>>
      %dma_start3A_923 = arith.constant 24 : i32
      %dma_start3A_924 = tpu.memref_slice %arg5[%dma_start3A_923, %multiple_of3A_910] : memref<32x4088xf32, #tpu.memory_space<vmem>> -> memref<8x128xf32, #tpu.memory_space<vmem>>
      tpu.enqueue_dma source(%dma_start3A_924 : memref<8x128xf32, #tpu.memory_space<vmem>>) target(%dma_start3A_922 : memref<8x128xf32, #tpu.memory_space<hbm>>) target_semaphore(%arg6 : memref<!tpu.dma_semaphore, #tpu.memory_space<semaphore_mem>>)
      %add3A_925 = arith.constant 640 : i32
      %add3A_926 = arith.addi %multiple_of3A_24, %add3A_925 : i32
      %multiple_of3A_927 = tpu.assume_multiple %add3A_926, 8 : i32
      %dma_start3A_928 = arith.constant 3 : i32
      %dma_start3A_929 = arith.constant 5 : i32
      %dma_start3A_930 = arith.constant 24 : i32
      %dma_start3A_931 = tpu.memref_slice %arg5[%dma_start3A_930, %multiple_of3A_927] : memref<32x4088xf32, #tpu.memory_space<vmem>> -> memref<8x128xf32, #tpu.memory_space<vmem>>
      %dma_start3A_932 = arith.constant 0 : i32
      %dma_start3A_933 = arith.constant 0 : i32
      %dma_start3A_934 = tpu.memref_slice %arg4[%add3A_20, %dma_start3A_928, %dma_start3A_929, %dma_start3A_932, %dma_start3A_933] : memref<2048x4x16x8x128xf32, #tpu.memory_space<hbm>> -> memref<1x1x1x8x128xf32, #tpu.memory_space<hbm>>
      %dma_start3A_935 = tpu.memref_squeeze %dma_start3A_934 : memref<1x1x1x8x128xf32, #tpu.memory_space<hbm>> -> memref<8x128xf32, #tpu.memory_space<hbm>>
      %dma_start3A_936 = arith.constant 0 : i32
      %dma_start3A_937 = arith.constant 0 : i32
      %dma_start3A_938 = tpu.memref_slice %arg4[%add3A_20, %dma_start3A_928, %dma_start3A_929, %dma_start3A_936, %dma_start3A_937] : memref<2048x4x16x8x128xf32, #tpu.memory_space<hbm>> -> memref<1x1x1x8x128xf32, #tpu.memory_space<hbm>>
      %dma_start3A_939 = tpu.memref_squeeze %dma_start3A_938 : memref<1x1x1x8x128xf32, #tpu.memory_space<hbm>> -> memref<8x128xf32, #tpu.memory_space<hbm>>
      %dma_start3A_940 = arith.constant 24 : i32
      %dma_start3A_941 = tpu.memref_slice %arg5[%dma_start3A_940, %multiple_of3A_927] : memref<32x4088xf32, #tpu.memory_space<vmem>> -> memref<8x128xf32, #tpu.memory_space<vmem>>
      tpu.enqueue_dma source(%dma_start3A_941 : memref<8x128xf32, #tpu.memory_space<vmem>>) target(%dma_start3A_939 : memref<8x128xf32, #tpu.memory_space<hbm>>) target_semaphore(%arg6 : memref<!tpu.dma_semaphore, #tpu.memory_space<semaphore_mem>>)
      %add3A_942 = arith.constant 768 : i32
      %add3A_943 = arith.addi %multiple_of3A_24, %add3A_942 : i32
      %multiple_of3A_944 = tpu.assume_multiple %add3A_943, 8 : i32
      %dma_start3A_945 = arith.constant 3 : i32
      %dma_start3A_946 = arith.constant 6 : i32
      %dma_start3A_947 = arith.constant 24 : i32
      %dma_start3A_948 = tpu.memref_slice %arg5[%dma_start3A_947, %multiple_of3A_944] : memref<32x4088xf32, #tpu.memory_space<vmem>> -> memref<8x128xf32, #tpu.memory_space<vmem>>
      %dma_start3A_949 = arith.constant 0 : i32
      %dma_start3A_950 = arith.constant 0 : i32
      %dma_start3A_951 = tpu.memref_slice %arg4[%add3A_20, %dma_start3A_945, %dma_start3A_946, %dma_start3A_949, %dma_start3A_950] : memref<2048x4x16x8x128xf32, #tpu.memory_space<hbm>> -> memref<1x1x1x8x128xf32, #tpu.memory_space<hbm>>
      %dma_start3A_952 = tpu.memref_squeeze %dma_start3A_951 : memref<1x1x1x8x128xf32, #tpu.memory_space<hbm>> -> memref<8x128xf32, #tpu.memory_space<hbm>>
      %dma_start3A_953 = arith.constant 0 : i32
      %dma_start3A_954 = arith.constant 0 : i32
      %dma_start3A_955 = tpu.memref_slice %arg4[%add3A_20, %dma_start3A_945, %dma_start3A_946, %dma_start3A_953, %dma_start3A_954] : memref<2048x4x16x8x128xf32, #tpu.memory_space<hbm>> -> memref<1x1x1x8x128xf32, #tpu.memory_space<hbm>>
      %dma_start3A_956 = tpu.memref_squeeze %dma_start3A_955 : memref<1x1x1x8x128xf32, #tpu.memory_space<hbm>> -> memref<8x128xf32, #tpu.memory_space<hbm>>
      %dma_start3A_957 = arith.constant 24 : i32
      %dma_start3A_958 = tpu.memref_slice %arg5[%dma_start3A_957, %multiple_of3A_944] : memref<32x4088xf32, #tpu.memory_space<vmem>> -> memref<8x128xf32, #tpu.memory_space<vmem>>
      tpu.enqueue_dma source(%dma_start3A_958 : memref<8x128xf32, #tpu.memory_space<vmem>>) target(%dma_start3A_956 : memref<8x128xf32, #tpu.memory_space<hbm>>) target_semaphore(%arg6 : memref<!tpu.dma_semaphore, #tpu.memory_space<semaphore_mem>>)
      %add3A_959 = arith.constant 896 : i32
      %add3A_960 = arith.addi %multiple_of3A_24, %add3A_959 : i32
      %multiple_of3A_961 = tpu.assume_multiple %add3A_960, 8 : i32
      %dma_start3A_962 = arith.constant 3 : i32
      %dma_start3A_963 = arith.constant 7 : i32
      %dma_start3A_964 = arith.constant 24 : i32
      %dma_start3A_965 = tpu.memref_slice %arg5[%dma_start3A_964, %multiple_of3A_961] : memref<32x4088xf32, #tpu.memory_space<vmem>> -> memref<8x128xf32, #tpu.memory_space<vmem>>
      %dma_start3A_966 = arith.constant 0 : i32
      %dma_start3A_967 = arith.constant 0 : i32
      %dma_start3A_968 = tpu.memref_slice %arg4[%add3A_20, %dma_start3A_962, %dma_start3A_963, %dma_start3A_966, %dma_start3A_967] : memref<2048x4x16x8x128xf32, #tpu.memory_space<hbm>> -> memref<1x1x1x8x128xf32, #tpu.memory_space<hbm>>
      %dma_start3A_969 = tpu.memref_squeeze %dma_start3A_968 : memref<1x1x1x8x128xf32, #tpu.memory_space<hbm>> -> memref<8x128xf32, #tpu.memory_space<hbm>>
      %dma_start3A_970 = arith.constant 0 : i32
      %dma_start3A_971 = arith.constant 0 : i32
      %dma_start3A_972 = tpu.memref_slice %arg4[%add3A_20, %dma_start3A_962, %dma_start3A_963, %dma_start3A_970, %dma_start3A_971] : memref<2048x4x16x8x128xf32, #tpu.memory_space<hbm>> -> memref<1x1x1x8x128xf32, #tpu.memory_space<hbm>>
      %dma_start3A_973 = tpu.memref_squeeze %dma_start3A_972 : memref<1x1x1x8x128xf32, #tpu.memory_space<hbm>> -> memref<8x128xf32, #tpu.memory_space<hbm>>
      %dma_start3A_974 = arith.constant 24 : i32
      %dma_start3A_975 = tpu.memref_slice %arg5[%dma_start3A_974, %multiple_of3A_961] : memref<32x4088xf32, #tpu.memory_space<vmem>> -> memref<8x128xf32, #tpu.memory_space<vmem>>
      tpu.enqueue_dma source(%dma_start3A_975 : memref<8x128xf32, #tpu.memory_space<vmem>>) target(%dma_start3A_973 : memref<8x128xf32, #tpu.memory_space<hbm>>) target_semaphore(%arg6 : memref<!tpu.dma_semaphore, #tpu.memory_space<semaphore_mem>>)
      %add3A_976 = arith.constant 1024 : i32
      %add3A_977 = arith.addi %multiple_of3A_24, %add3A_976 : i32
      %multiple_of3A_978 = tpu.assume_multiple %add3A_977, 8 : i32
      %dma_start3A_979 = arith.constant 3 : i32
      %dma_start3A_980 = arith.constant 8 : i32
      %dma_start3A_981 = arith.constant 24 : i32
      %dma_start3A_982 = tpu.memref_slice %arg5[%dma_start3A_981, %multiple_of3A_978] : memref<32x4088xf32, #tpu.memory_space<vmem>> -> memref<8x128xf32, #tpu.memory_space<vmem>>
      %dma_start3A_983 = arith.constant 0 : i32
      %dma_start3A_984 = arith.constant 0 : i32
      %dma_start3A_985 = tpu.memref_slice %arg4[%add3A_20, %dma_start3A_979, %dma_start3A_980, %dma_start3A_983, %dma_start3A_984] : memref<2048x4x16x8x128xf32, #tpu.memory_space<hbm>> -> memref<1x1x1x8x128xf32, #tpu.memory_space<hbm>>
      %dma_start3A_986 = tpu.memref_squeeze %dma_start3A_985 : memref<1x1x1x8x128xf32, #tpu.memory_space<hbm>> -> memref<8x128xf32, #tpu.memory_space<hbm>>
      %dma_start3A_987 = arith.constant 0 : i32
      %dma_start3A_988 = arith.constant 0 : i32
      %dma_start3A_989 = tpu.memref_slice %arg4[%add3A_20, %dma_start3A_979, %dma_start3A_980, %dma_start3A_987, %dma_start3A_988] : memref<2048x4x16x8x128xf32, #tpu.memory_space<hbm>> -> memref<1x1x1x8x128xf32, #tpu.memory_space<hbm>>
      %dma_start3A_990 = tpu.memref_squeeze %dma_start3A_989 : memref<1x1x1x8x128xf32, #tpu.memory_space<hbm>> -> memref<8x128xf32, #tpu.memory_space<hbm>>
      %dma_start3A_991 = arith.constant 24 : i32
      %dma_start3A_992 = tpu.memref_slice %arg5[%dma_start3A_991, %multiple_of3A_978] : memref<32x4088xf32, #tpu.memory_space<vmem>> -> memref<8x128xf32, #tpu.memory_space<vmem>>
      tpu.enqueue_dma source(%dma_start3A_992 : memref<8x128xf32, #tpu.memory_space<vmem>>) target(%dma_start3A_990 : memref<8x128xf32, #tpu.memory_space<hbm>>) target_semaphore(%arg6 : memref<!tpu.dma_semaphore, #tpu.memory_space<semaphore_mem>>)
      %add3A_993 = arith.constant 1152 : i32
      %add3A_994 = arith.addi %multiple_of3A_24, %add3A_993 : i32
      %multiple_of3A_995 = tpu.assume_multiple %add3A_994, 8 : i32
      %dma_start3A_996 = arith.constant 3 : i32
      %dma_start3A_997 = arith.constant 9 : i32
      %dma_start3A_998 = arith.constant 24 : i32
      %dma_start3A_999 = tpu.memref_slice %arg5[%dma_start3A_998, %multiple_of3A_995] : memref<32x4088xf32, #tpu.memory_space<vmem>> -> memref<8x128xf32, #tpu.memory_space<vmem>>
      %dma_start3A_1000 = arith.constant 0 : i32
      %dma_start3A_1001 = arith.constant 0 : i32
      %dma_start3A_1002 = tpu.memref_slice %arg4[%add3A_20, %dma_start3A_996, %dma_start3A_997, %dma_start3A_1000, %dma_start3A_1001] : memref<2048x4x16x8x128xf32, #tpu.memory_space<hbm>> -> memref<1x1x1x8x128xf32, #tpu.memory_space<hbm>>
      %dma_start3A_1003 = tpu.memref_squeeze %dma_start3A_1002 : memref<1x1x1x8x128xf32, #tpu.memory_space<hbm>> -> memref<8x128xf32, #tpu.memory_space<hbm>>
      %dma_start3A_1004 = arith.constant 0 : i32
      %dma_start3A_1005 = arith.constant 0 : i32
      %dma_start3A_1006 = tpu.memref_slice %arg4[%add3A_20, %dma_start3A_996, %dma_start3A_997, %dma_start3A_1004, %dma_start3A_1005] : memref<2048x4x16x8x128xf32, #tpu.memory_space<hbm>> -> memref<1x1x1x8x128xf32, #tpu.memory_space<hbm>>
      %dma_start3A_1007 = tpu.memref_squeeze %dma_start3A_1006 : memref<1x1x1x8x128xf32, #tpu.memory_space<hbm>> -> memref<8x128xf32, #tpu.memory_space<hbm>>
      %dma_start3A_1008 = arith.constant 24 : i32
      %dma_start3A_1009 = tpu.memref_slice %arg5[%dma_start3A_1008, %multiple_of3A_995] : memref<32x4088xf32, #tpu.memory_space<vmem>> -> memref<8x128xf32, #tpu.memory_space<vmem>>
      tpu.enqueue_dma source(%dma_start3A_1009 : memref<8x128xf32, #tpu.memory_space<vmem>>) target(%dma_start3A_1007 : memref<8x128xf32, #tpu.memory_space<hbm>>) target_semaphore(%arg6 : memref<!tpu.dma_semaphore, #tpu.memory_space<semaphore_mem>>)
      %add3A_1010 = arith.constant 1280 : i32
      %add3A_1011 = arith.addi %multiple_of3A_24, %add3A_1010 : i32
      %multiple_of3A_1012 = tpu.assume_multiple %add3A_1011, 8 : i32
      %dma_start3A_1013 = arith.constant 3 : i32
      %dma_start3A_1014 = arith.constant 10 : i32
      %dma_start3A_1015 = arith.constant 24 : i32
      %dma_start3A_1016 = tpu.memref_slice %arg5[%dma_start3A_1015, %multiple_of3A_1012] : memref<32x4088xf32, #tpu.memory_space<vmem>> -> memref<8x128xf32, #tpu.memory_space<vmem>>
      %dma_start3A_1017 = arith.constant 0 : i32
      %dma_start3A_1018 = arith.constant 0 : i32
      %dma_start3A_1019 = tpu.memref_slice %arg4[%add3A_20, %dma_start3A_1013, %dma_start3A_1014, %dma_start3A_1017, %dma_start3A_1018] : memref<2048x4x16x8x128xf32, #tpu.memory_space<hbm>> -> memref<1x1x1x8x128xf32, #tpu.memory_space<hbm>>
      %dma_start3A_1020 = tpu.memref_squeeze %dma_start3A_1019 : memref<1x1x1x8x128xf32, #tpu.memory_space<hbm>> -> memref<8x128xf32, #tpu.memory_space<hbm>>
      %dma_start3A_1021 = arith.constant 0 : i32
      %dma_start3A_1022 = arith.constant 0 : i32
      %dma_start3A_1023 = tpu.memref_slice %arg4[%add3A_20, %dma_start3A_1013, %dma_start3A_1014, %dma_start3A_1021, %dma_start3A_1022] : memref<2048x4x16x8x128xf32, #tpu.memory_space<hbm>> -> memref<1x1x1x8x128xf32, #tpu.memory_space<hbm>>
      %dma_start3A_1024 = tpu.memref_squeeze %dma_start3A_1023 : memref<1x1x1x8x128xf32, #tpu.memory_space<hbm>> -> memref<8x128xf32, #tpu.memory_space<hbm>>
      %dma_start3A_1025 = arith.constant 24 : i32
      %dma_start3A_1026 = tpu.memref_slice %arg5[%dma_start3A_1025, %multiple_of3A_1012] : memref<32x4088xf32, #tpu.memory_space<vmem>> -> memref<8x128xf32, #tpu.memory_space<vmem>>
      tpu.enqueue_dma source(%dma_start3A_1026 : memref<8x128xf32, #tpu.memory_space<vmem>>) target(%dma_start3A_1024 : memref<8x128xf32, #tpu.memory_space<hbm>>) target_semaphore(%arg6 : memref<!tpu.dma_semaphore, #tpu.memory_space<semaphore_mem>>)
      %add3A_1027 = arith.constant 1408 : i32
      %add3A_1028 = arith.addi %multiple_of3A_24, %add3A_1027 : i32
      %multiple_of3A_1029 = tpu.assume_multiple %add3A_1028, 8 : i32
      %dma_start3A_1030 = arith.constant 3 : i32
      %dma_start3A_1031 = arith.constant 11 : i32
      %dma_start3A_1032 = arith.constant 24 : i32
      %dma_start3A_1033 = tpu.memref_slice %arg5[%dma_start3A_1032, %multiple_of3A_1029] : memref<32x4088xf32, #tpu.memory_space<vmem>> -> memref<8x128xf32, #tpu.memory_space<vmem>>
      %dma_start3A_1034 = arith.constant 0 : i32
      %dma_start3A_1035 = arith.constant 0 : i32
      %dma_start3A_1036 = tpu.memref_slice %arg4[%add3A_20, %dma_start3A_1030, %dma_start3A_1031, %dma_start3A_1034, %dma_start3A_1035] : memref<2048x4x16x8x128xf32, #tpu.memory_space<hbm>> -> memref<1x1x1x8x128xf32, #tpu.memory_space<hbm>>
      %dma_start3A_1037 = tpu.memref_squeeze %dma_start3A_1036 : memref<1x1x1x8x128xf32, #tpu.memory_space<hbm>> -> memref<8x128xf32, #tpu.memory_space<hbm>>
      %dma_start3A_1038 = arith.constant 0 : i32
      %dma_start3A_1039 = arith.constant 0 : i32
      %dma_start3A_1040 = tpu.memref_slice %arg4[%add3A_20, %dma_start3A_1030, %dma_start3A_1031, %dma_start3A_1038, %dma_start3A_1039] : memref<2048x4x16x8x128xf32, #tpu.memory_space<hbm>> -> memref<1x1x1x8x128xf32, #tpu.memory_space<hbm>>
      %dma_start3A_1041 = tpu.memref_squeeze %dma_start3A_1040 : memref<1x1x1x8x128xf32, #tpu.memory_space<hbm>> -> memref<8x128xf32, #tpu.memory_space<hbm>>
      %dma_start3A_1042 = arith.constant 24 : i32
      %dma_start3A_1043 = tpu.memref_slice %arg5[%dma_start3A_1042, %multiple_of3A_1029] : memref<32x4088xf32, #tpu.memory_space<vmem>> -> memref<8x128xf32, #tpu.memory_space<vmem>>
      tpu.enqueue_dma source(%dma_start3A_1043 : memref<8x128xf32, #tpu.memory_space<vmem>>) target(%dma_start3A_1041 : memref<8x128xf32, #tpu.memory_space<hbm>>) target_semaphore(%arg6 : memref<!tpu.dma_semaphore, #tpu.memory_space<semaphore_mem>>)
      %add3A_1044 = arith.constant 1536 : i32
      %add3A_1045 = arith.addi %multiple_of3A_24, %add3A_1044 : i32
      %multiple_of3A_1046 = tpu.assume_multiple %add3A_1045, 8 : i32
      %dma_start3A_1047 = arith.constant 3 : i32
      %dma_start3A_1048 = arith.constant 12 : i32
      %dma_start3A_1049 = arith.constant 24 : i32
      %dma_start3A_1050 = tpu.memref_slice %arg5[%dma_start3A_1049, %multiple_of3A_1046] : memref<32x4088xf32, #tpu.memory_space<vmem>> -> memref<8x128xf32, #tpu.memory_space<vmem>>
      %dma_start3A_1051 = arith.constant 0 : i32
      %dma_start3A_1052 = arith.constant 0 : i32
      %dma_start3A_1053 = tpu.memref_slice %arg4[%add3A_20, %dma_start3A_1047, %dma_start3A_1048, %dma_start3A_1051, %dma_start3A_1052] : memref<2048x4x16x8x128xf32, #tpu.memory_space<hbm>> -> memref<1x1x1x8x128xf32, #tpu.memory_space<hbm>>
      %dma_start3A_1054 = tpu.memref_squeeze %dma_start3A_1053 : memref<1x1x1x8x128xf32, #tpu.memory_space<hbm>> -> memref<8x128xf32, #tpu.memory_space<hbm>>
      %dma_start3A_1055 = arith.constant 0 : i32
      %dma_start3A_1056 = arith.constant 0 : i32
      %dma_start3A_1057 = tpu.memref_slice %arg4[%add3A_20, %dma_start3A_1047, %dma_start3A_1048, %dma_start3A_1055, %dma_start3A_1056] : memref<2048x4x16x8x128xf32, #tpu.memory_space<hbm>> -> memref<1x1x1x8x128xf32, #tpu.memory_space<hbm>>
      %dma_start3A_1058 = tpu.memref_squeeze %dma_start3A_1057 : memref<1x1x1x8x128xf32, #tpu.memory_space<hbm>> -> memref<8x128xf32, #tpu.memory_space<hbm>>
      %dma_start3A_1059 = arith.constant 24 : i32
      %dma_start3A_1060 = tpu.memref_slice %arg5[%dma_start3A_1059, %multiple_of3A_1046] : memref<32x4088xf32, #tpu.memory_space<vmem>> -> memref<8x128xf32, #tpu.memory_space<vmem>>
      tpu.enqueue_dma source(%dma_start3A_1060 : memref<8x128xf32, #tpu.memory_space<vmem>>) target(%dma_start3A_1058 : memref<8x128xf32, #tpu.memory_space<hbm>>) target_semaphore(%arg6 : memref<!tpu.dma_semaphore, #tpu.memory_space<semaphore_mem>>)
      %add3A_1061 = arith.constant 1664 : i32
      %add3A_1062 = arith.addi %multiple_of3A_24, %add3A_1061 : i32
      %multiple_of3A_1063 = tpu.assume_multiple %add3A_1062, 8 : i32
      %dma_start3A_1064 = arith.constant 3 : i32
      %dma_start3A_1065 = arith.constant 13 : i32
      %dma_start3A_1066 = arith.constant 24 : i32
      %dma_start3A_1067 = tpu.memref_slice %arg5[%dma_start3A_1066, %multiple_of3A_1063] : memref<32x4088xf32, #tpu.memory_space<vmem>> -> memref<8x128xf32, #tpu.memory_space<vmem>>
      %dma_start3A_1068 = arith.constant 0 : i32
      %dma_start3A_1069 = arith.constant 0 : i32
      %dma_start3A_1070 = tpu.memref_slice %arg4[%add3A_20, %dma_start3A_1064, %dma_start3A_1065, %dma_start3A_1068, %dma_start3A_1069] : memref<2048x4x16x8x128xf32, #tpu.memory_space<hbm>> -> memref<1x1x1x8x128xf32, #tpu.memory_space<hbm>>
      %dma_start3A_1071 = tpu.memref_squeeze %dma_start3A_1070 : memref<1x1x1x8x128xf32, #tpu.memory_space<hbm>> -> memref<8x128xf32, #tpu.memory_space<hbm>>
      %dma_start3A_1072 = arith.constant 0 : i32
      %dma_start3A_1073 = arith.constant 0 : i32
      %dma_start3A_1074 = tpu.memref_slice %arg4[%add3A_20, %dma_start3A_1064, %dma_start3A_1065, %dma_start3A_1072, %dma_start3A_1073] : memref<2048x4x16x8x128xf32, #tpu.memory_space<hbm>> -> memref<1x1x1x8x128xf32, #tpu.memory_space<hbm>>
      %dma_start3A_1075 = tpu.memref_squeeze %dma_start3A_1074 : memref<1x1x1x8x128xf32, #tpu.memory_space<hbm>> -> memref<8x128xf32, #tpu.memory_space<hbm>>
      %dma_start3A_1076 = arith.constant 24 : i32
      %dma_start3A_1077 = tpu.memref_slice %arg5[%dma_start3A_1076, %multiple_of3A_1063] : memref<32x4088xf32, #tpu.memory_space<vmem>> -> memref<8x128xf32, #tpu.memory_space<vmem>>
      tpu.enqueue_dma source(%dma_start3A_1077 : memref<8x128xf32, #tpu.memory_space<vmem>>) target(%dma_start3A_1075 : memref<8x128xf32, #tpu.memory_space<hbm>>) target_semaphore(%arg6 : memref<!tpu.dma_semaphore, #tpu.memory_space<semaphore_mem>>)
      %add3A_1078 = arith.constant 1792 : i32
      %add3A_1079 = arith.addi %multiple_of3A_24, %add3A_1078 : i32
      %multiple_of3A_1080 = tpu.assume_multiple %add3A_1079, 8 : i32
      %dma_start3A_1081 = arith.constant 3 : i32
      %dma_start3A_1082 = arith.constant 14 : i32
      %dma_start3A_1083 = arith.constant 24 : i32
      %dma_start3A_1084 = tpu.memref_slice %arg5[%dma_start3A_1083, %multiple_of3A_1080] : memref<32x4088xf32, #tpu.memory_space<vmem>> -> memref<8x128xf32, #tpu.memory_space<vmem>>
      %dma_start3A_1085 = arith.constant 0 : i32
      %dma_start3A_1086 = arith.constant 0 : i32
      %dma_start3A_1087 = tpu.memref_slice %arg4[%add3A_20, %dma_start3A_1081, %dma_start3A_1082, %dma_start3A_1085, %dma_start3A_1086] : memref<2048x4x16x8x128xf32, #tpu.memory_space<hbm>> -> memref<1x1x1x8x128xf32, #tpu.memory_space<hbm>>
      %dma_start3A_1088 = tpu.memref_squeeze %dma_start3A_1087 : memref<1x1x1x8x128xf32, #tpu.memory_space<hbm>> -> memref<8x128xf32, #tpu.memory_space<hbm>>
      %dma_start3A_1089 = arith.constant 0 : i32
      %dma_start3A_1090 = arith.constant 0 : i32
      %dma_start3A_1091 = tpu.memref_slice %arg4[%add3A_20, %dma_start3A_1081, %dma_start3A_1082, %dma_start3A_1089, %dma_start3A_1090] : memref<2048x4x16x8x128xf32, #tpu.memory_space<hbm>> -> memref<1x1x1x8x128xf32, #tpu.memory_space<hbm>>
      %dma_start3A_1092 = tpu.memref_squeeze %dma_start3A_1091 : memref<1x1x1x8x128xf32, #tpu.memory_space<hbm>> -> memref<8x128xf32, #tpu.memory_space<hbm>>
      %dma_start3A_1093 = arith.constant 24 : i32
      %dma_start3A_1094 = tpu.memref_slice %arg5[%dma_start3A_1093, %multiple_of3A_1080] : memref<32x4088xf32, #tpu.memory_space<vmem>> -> memref<8x128xf32, #tpu.memory_space<vmem>>
      tpu.enqueue_dma source(%dma_start3A_1094 : memref<8x128xf32, #tpu.memory_space<vmem>>) target(%dma_start3A_1092 : memref<8x128xf32, #tpu.memory_space<hbm>>) target_semaphore(%arg6 : memref<!tpu.dma_semaphore, #tpu.memory_space<semaphore_mem>>)
      %add3A_1095 = arith.constant 1920 : i32
      %add3A_1096 = arith.addi %multiple_of3A_24, %add3A_1095 : i32
      %multiple_of3A_1097 = tpu.assume_multiple %add3A_1096, 8 : i32
      %dma_start3A_1098 = arith.constant 3 : i32
      %dma_start3A_1099 = arith.constant 15 : i32
      %dma_start3A_1100 = arith.constant 24 : i32
      %dma_start3A_1101 = tpu.memref_slice %arg5[%dma_start3A_1100, %multiple_of3A_1097] : memref<32x4088xf32, #tpu.memory_space<vmem>> -> memref<8x128xf32, #tpu.memory_space<vmem>>
      %dma_start3A_1102 = arith.constant 0 : i32
      %dma_start3A_1103 = arith.constant 0 : i32
      %dma_start3A_1104 = tpu.memref_slice %arg4[%add3A_20, %dma_start3A_1098, %dma_start3A_1099, %dma_start3A_1102, %dma_start3A_1103] : memref<2048x4x16x8x128xf32, #tpu.memory_space<hbm>> -> memref<1x1x1x8x128xf32, #tpu.memory_space<hbm>>
      %dma_start3A_1105 = tpu.memref_squeeze %dma_start3A_1104 : memref<1x1x1x8x128xf32, #tpu.memory_space<hbm>> -> memref<8x128xf32, #tpu.memory_space<hbm>>
      %dma_start3A_1106 = arith.constant 0 : i32
      %dma_start3A_1107 = arith.constant 0 : i32
      %dma_start3A_1108 = tpu.memref_slice %arg4[%add3A_20, %dma_start3A_1098, %dma_start3A_1099, %dma_start3A_1106, %dma_start3A_1107] : memref<2048x4x16x8x128xf32, #tpu.memory_space<hbm>> -> memref<1x1x1x8x128xf32, #tpu.memory_space<hbm>>
      %dma_start3A_1109 = tpu.memref_squeeze %dma_start3A_1108 : memref<1x1x1x8x128xf32, #tpu.memory_space<hbm>> -> memref<8x128xf32, #tpu.memory_space<hbm>>
      %dma_start3A_1110 = arith.constant 24 : i32
      %dma_start3A_1111 = tpu.memref_slice %arg5[%dma_start3A_1110, %multiple_of3A_1097] : memref<32x4088xf32, #tpu.memory_space<vmem>> -> memref<8x128xf32, #tpu.memory_space<vmem>>
      tpu.enqueue_dma source(%dma_start3A_1111 : memref<8x128xf32, #tpu.memory_space<vmem>>) target(%dma_start3A_1109 : memref<8x128xf32, #tpu.memory_space<hbm>>) target_semaphore(%arg6 : memref<!tpu.dma_semaphore, #tpu.memory_space<semaphore_mem>>)
      %dma_wait3A = arith.constant 0 : i32
      %dma_wait3A_1112 = arith.constant 0 : i32
      %dma_wait3A_1113 = arith.constant 0 : i32
      %dma_wait3A_1114 = tpu.memref_slice %arg5[%dma_wait3A_1113, %multiple_of3A_27] : memref<32x4088xf32, #tpu.memory_space<vmem>> -> memref<8x128xf32, #tpu.memory_space<vmem>>
      %dma_wait3A_1115 = arith.constant 0 : i32
      %dma_wait3A_1116 = arith.constant 0 : i32
      %dma_wait3A_1117 = tpu.memref_slice %arg4[%add3A_20, %dma_wait3A, %dma_wait3A_1112, %dma_wait3A_1115, %dma_wait3A_1116] : memref<2048x4x16x8x128xf32, #tpu.memory_space<hbm>> -> memref<1x1x1x8x128xf32, #tpu.memory_space<hbm>>
      %dma_wait3A_1118 = tpu.memref_squeeze %dma_wait3A_1117 : memref<1x1x1x8x128xf32, #tpu.memory_space<hbm>> -> memref<8x128xf32, #tpu.memory_space<hbm>>
      %dma_wait3A_1119 = arith.constant 0 : i32
      %dma_wait3A_1120 = arith.constant 0 : i32
      %dma_wait3A_1121 = tpu.memref_slice %arg4[%add3A_20, %dma_wait3A, %dma_wait3A_1112, %dma_wait3A_1119, %dma_wait3A_1120] : memref<2048x4x16x8x128xf32, #tpu.memory_space<hbm>> -> memref<1x1x1x8x128xf32, #tpu.memory_space<hbm>>
      %dma_wait3A_1122 = tpu.memref_squeeze %dma_wait3A_1121 : memref<1x1x1x8x128xf32, #tpu.memory_space<hbm>> -> memref<8x128xf32, #tpu.memory_space<hbm>>
      %dma_wait3A_1123 = arith.constant 0 : i32
      %dma_wait3A_1124 = tpu.memref_slice %arg5[%dma_wait3A_1123, %multiple_of3A_27] : memref<32x4088xf32, #tpu.memory_space<vmem>> -> memref<8x128xf32, #tpu.memory_space<vmem>>
      tpu.wait_dma2 semaphore(%arg6 : memref<!tpu.dma_semaphore, #tpu.memory_space<semaphore_mem>>) src(%dma_wait3A_1124 : memref<8x128xf32, #tpu.memory_space<vmem>>) dst(%dma_wait3A_1122 : memref<8x128xf32, #tpu.memory_space<hbm>>)
      %dma_wait3A_1125 = arith.constant 0 : i32
      %dma_wait3A_1126 = arith.constant 1 : i32
      %dma_wait3A_1127 = arith.constant 0 : i32
      %dma_wait3A_1128 = tpu.memref_slice %arg5[%dma_wait3A_1127, %multiple_of3A_43] : memref<32x4088xf32, #tpu.memory_space<vmem>> -> memref<8x128xf32, #tpu.memory_space<vmem>>
      %dma_wait3A_1129 = arith.constant 0 : i32
      %dma_wait3A_1130 = arith.constant 0 : i32
      %dma_wait3A_1131 = tpu.memref_slice %arg4[%add3A_20, %dma_wait3A_1125, %dma_wait3A_1126, %dma_wait3A_1129, %dma_wait3A_1130] : memref<2048x4x16x8x128xf32, #tpu.memory_space<hbm>> -> memref<1x1x1x8x128xf32, #tpu.memory_space<hbm>>
      %dma_wait3A_1132 = tpu.memref_squeeze %dma_wait3A_1131 : memref<1x1x1x8x128xf32, #tpu.memory_space<hbm>> -> memref<8x128xf32, #tpu.memory_space<hbm>>
      %dma_wait3A_1133 = arith.constant 0 : i32
      %dma_wait3A_1134 = arith.constant 0 : i32
      %dma_wait3A_1135 = tpu.memref_slice %arg4[%add3A_20, %dma_wait3A_1125, %dma_wait3A_1126, %dma_wait3A_1133, %dma_wait3A_1134] : memref<2048x4x16x8x128xf32, #tpu.memory_space<hbm>> -> memref<1x1x1x8x128xf32, #tpu.memory_space<hbm>>
      %dma_wait3A_1136 = tpu.memref_squeeze %dma_wait3A_1135 : memref<1x1x1x8x128xf32, #tpu.memory_space<hbm>> -> memref<8x128xf32, #tpu.memory_space<hbm>>
      %dma_wait3A_1137 = arith.constant 0 : i32
      %dma_wait3A_1138 = tpu.memref_slice %arg5[%dma_wait3A_1137, %multiple_of3A_43] : memref<32x4088xf32, #tpu.memory_space<vmem>> -> memref<8x128xf32, #tpu.memory_space<vmem>>
      tpu.wait_dma2 semaphore(%arg6 : memref<!tpu.dma_semaphore, #tpu.memory_space<semaphore_mem>>) src(%dma_wait3A_1138 : memref<8x128xf32, #tpu.memory_space<vmem>>) dst(%dma_wait3A_1136 : memref<8x128xf32, #tpu.memory_space<hbm>>)
      %dma_wait3A_1139 = arith.constant 0 : i32
      %dma_wait3A_1140 = arith.constant 2 : i32
      %dma_wait3A_1141 = arith.constant 0 : i32
      %dma_wait3A_1142 = tpu.memref_slice %arg5[%dma_wait3A_1141, %multiple_of3A_60] : memref<32x4088xf32, #tpu.memory_space<vmem>> -> memref<8x128xf32, #tpu.memory_space<vmem>>
      %dma_wait3A_1143 = arith.constant 0 : i32
      %dma_wait3A_1144 = arith.constant 0 : i32
      %dma_wait3A_1145 = tpu.memref_slice %arg4[%add3A_20, %dma_wait3A_1139, %dma_wait3A_1140, %dma_wait3A_1143, %dma_wait3A_1144] : memref<2048x4x16x8x128xf32, #tpu.memory_space<hbm>> -> memref<1x1x1x8x128xf32, #tpu.memory_space<hbm>>
      %dma_wait3A_1146 = tpu.memref_squeeze %dma_wait3A_1145 : memref<1x1x1x8x128xf32, #tpu.memory_space<hbm>> -> memref<8x128xf32, #tpu.memory_space<hbm>>
      %dma_wait3A_1147 = arith.constant 0 : i32
      %dma_wait3A_1148 = arith.constant 0 : i32
      %dma_wait3A_1149 = tpu.memref_slice %arg4[%add3A_20, %dma_wait3A_1139, %dma_wait3A_1140, %dma_wait3A_1147, %dma_wait3A_1148] : memref<2048x4x16x8x128xf32, #tpu.memory_space<hbm>> -> memref<1x1x1x8x128xf32, #tpu.memory_space<hbm>>
      %dma_wait3A_1150 = tpu.memref_squeeze %dma_wait3A_1149 : memref<1x1x1x8x128xf32, #tpu.memory_space<hbm>> -> memref<8x128xf32, #tpu.memory_space<hbm>>
      %dma_wait3A_1151 = arith.constant 0 : i32
      %dma_wait3A_1152 = tpu.memref_slice %arg5[%dma_wait3A_1151, %multiple_of3A_60] : memref<32x4088xf32, #tpu.memory_space<vmem>> -> memref<8x128xf32, #tpu.memory_space<vmem>>
      tpu.wait_dma2 semaphore(%arg6 : memref<!tpu.dma_semaphore, #tpu.memory_space<semaphore_mem>>) src(%dma_wait3A_1152 : memref<8x128xf32, #tpu.memory_space<vmem>>) dst(%dma_wait3A_1150 : memref<8x128xf32, #tpu.memory_space<hbm>>)
      %dma_wait3A_1153 = arith.constant 0 : i32
      %dma_wait3A_1154 = arith.constant 3 : i32
      %dma_wait3A_1155 = arith.constant 0 : i32
      %dma_wait3A_1156 = tpu.memref_slice %arg5[%dma_wait3A_1155, %multiple_of3A_77] : memref<32x4088xf32, #tpu.memory_space<vmem>> -> memref<8x128xf32, #tpu.memory_space<vmem>>
      %dma_wait3A_1157 = arith.constant 0 : i32
      %dma_wait3A_1158 = arith.constant 0 : i32
      %dma_wait3A_1159 = tpu.memref_slice %arg4[%add3A_20, %dma_wait3A_1153, %dma_wait3A_1154, %dma_wait3A_1157, %dma_wait3A_1158] : memref<2048x4x16x8x128xf32, #tpu.memory_space<hbm>> -> memref<1x1x1x8x128xf32, #tpu.memory_space<hbm>>
      %dma_wait3A_1160 = tpu.memref_squeeze %dma_wait3A_1159 : memref<1x1x1x8x128xf32, #tpu.memory_space<hbm>> -> memref<8x128xf32, #tpu.memory_space<hbm>>
      %dma_wait3A_1161 = arith.constant 0 : i32
      %dma_wait3A_1162 = arith.constant 0 : i32
      %dma_wait3A_1163 = tpu.memref_slice %arg4[%add3A_20, %dma_wait3A_1153, %dma_wait3A_1154, %dma_wait3A_1161, %dma_wait3A_1162] : memref<2048x4x16x8x128xf32, #tpu.memory_space<hbm>> -> memref<1x1x1x8x128xf32, #tpu.memory_space<hbm>>
      %dma_wait3A_1164 = tpu.memref_squeeze %dma_wait3A_1163 : memref<1x1x1x8x128xf32, #tpu.memory_space<hbm>> -> memref<8x128xf32, #tpu.memory_space<hbm>>
      %dma_wait3A_1165 = arith.constant 0 : i32
      %dma_wait3A_1166 = tpu.memref_slice %arg5[%dma_wait3A_1165, %multiple_of3A_77] : memref<32x4088xf32, #tpu.memory_space<vmem>> -> memref<8x128xf32, #tpu.memory_space<vmem>>
      tpu.wait_dma2 semaphore(%arg6 : memref<!tpu.dma_semaphore, #tpu.memory_space<semaphore_mem>>) src(%dma_wait3A_1166 : memref<8x128xf32, #tpu.memory_space<vmem>>) dst(%dma_wait3A_1164 : memref<8x128xf32, #tpu.memory_space<hbm>>)
      %dma_wait3A_1167 = arith.constant 0 : i32
      %dma_wait3A_1168 = arith.constant 4 : i32
      %dma_wait3A_1169 = arith.constant 0 : i32
      %dma_wait3A_1170 = tpu.memref_slice %arg5[%dma_wait3A_1169, %multiple_of3A_94] : memref<32x4088xf32, #tpu.memory_space<vmem>> -> memref<8x128xf32, #tpu.memory_space<vmem>>
      %dma_wait3A_1171 = arith.constant 0 : i32
      %dma_wait3A_1172 = arith.constant 0 : i32
      %dma_wait3A_1173 = tpu.memref_slice %arg4[%add3A_20, %dma_wait3A_1167, %dma_wait3A_1168, %dma_wait3A_1171, %dma_wait3A_1172] : memref<2048x4x16x8x128xf32, #tpu.memory_space<hbm>> -> memref<1x1x1x8x128xf32, #tpu.memory_space<hbm>>
      %dma_wait3A_1174 = tpu.memref_squeeze %dma_wait3A_1173 : memref<1x1x1x8x128xf32, #tpu.memory_space<hbm>> -> memref<8x128xf32, #tpu.memory_space<hbm>>
      %dma_wait3A_1175 = arith.constant 0 : i32
      %dma_wait3A_1176 = arith.constant 0 : i32
      %dma_wait3A_1177 = tpu.memref_slice %arg4[%add3A_20, %dma_wait3A_1167, %dma_wait3A_1168, %dma_wait3A_1175, %dma_wait3A_1176] : memref<2048x4x16x8x128xf32, #tpu.memory_space<hbm>> -> memref<1x1x1x8x128xf32, #tpu.memory_space<hbm>>
      %dma_wait3A_1178 = tpu.memref_squeeze %dma_wait3A_1177 : memref<1x1x1x8x128xf32, #tpu.memory_space<hbm>> -> memref<8x128xf32, #tpu.memory_space<hbm>>
      %dma_wait3A_1179 = arith.constant 0 : i32
      %dma_wait3A_1180 = tpu.memref_slice %arg5[%dma_wait3A_1179, %multiple_of3A_94] : memref<32x4088xf32, #tpu.memory_space<vmem>> -> memref<8x128xf32, #tpu.memory_space<vmem>>
      tpu.wait_dma2 semaphore(%arg6 : memref<!tpu.dma_semaphore, #tpu.memory_space<semaphore_mem>>) src(%dma_wait3A_1180 : memref<8x128xf32, #tpu.memory_space<vmem>>) dst(%dma_wait3A_1178 : memref<8x128xf32, #tpu.memory_space<hbm>>)
      %dma_wait3A_1181 = arith.constant 0 : i32
      %dma_wait3A_1182 = arith.constant 5 : i32
      %dma_wait3A_1183 = arith.constant 0 : i32
      %dma_wait3A_1184 = tpu.memref_slice %arg5[%dma_wait3A_1183, %multiple_of3A_111] : memref<32x4088xf32, #tpu.memory_space<vmem>> -> memref<8x128xf32, #tpu.memory_space<vmem>>
      %dma_wait3A_1185 = arith.constant 0 : i32
      %dma_wait3A_1186 = arith.constant 0 : i32
      %dma_wait3A_1187 = tpu.memref_slice %arg4[%add3A_20, %dma_wait3A_1181, %dma_wait3A_1182, %dma_wait3A_1185, %dma_wait3A_1186] : memref<2048x4x16x8x128xf32, #tpu.memory_space<hbm>> -> memref<1x1x1x8x128xf32, #tpu.memory_space<hbm>>
      %dma_wait3A_1188 = tpu.memref_squeeze %dma_wait3A_1187 : memref<1x1x1x8x128xf32, #tpu.memory_space<hbm>> -> memref<8x128xf32, #tpu.memory_space<hbm>>
      %dma_wait3A_1189 = arith.constant 0 : i32
      %dma_wait3A_1190 = arith.constant 0 : i32
      %dma_wait3A_1191 = tpu.memref_slice %arg4[%add3A_20, %dma_wait3A_1181, %dma_wait3A_1182, %dma_wait3A_1189, %dma_wait3A_1190] : memref<2048x4x16x8x128xf32, #tpu.memory_space<hbm>> -> memref<1x1x1x8x128xf32, #tpu.memory_space<hbm>>
      %dma_wait3A_1192 = tpu.memref_squeeze %dma_wait3A_1191 : memref<1x1x1x8x128xf32, #tpu.memory_space<hbm>> -> memref<8x128xf32, #tpu.memory_space<hbm>>
      %dma_wait3A_1193 = arith.constant 0 : i32
      %dma_wait3A_1194 = tpu.memref_slice %arg5[%dma_wait3A_1193, %multiple_of3A_111] : memref<32x4088xf32, #tpu.memory_space<vmem>> -> memref<8x128xf32, #tpu.memory_space<vmem>>
      tpu.wait_dma2 semaphore(%arg6 : memref<!tpu.dma_semaphore, #tpu.memory_space<semaphore_mem>>) src(%dma_wait3A_1194 : memref<8x128xf32, #tpu.memory_space<vmem>>) dst(%dma_wait3A_1192 : memref<8x128xf32, #tpu.memory_space<hbm>>)
      %dma_wait3A_1195 = arith.constant 0 : i32
      %dma_wait3A_1196 = arith.constant 6 : i32
      %dma_wait3A_1197 = arith.constant 0 : i32
      %dma_wait3A_1198 = tpu.memref_slice %arg5[%dma_wait3A_1197, %multiple_of3A_128] : memref<32x4088xf32, #tpu.memory_space<vmem>> -> memref<8x128xf32, #tpu.memory_space<vmem>>
      %dma_wait3A_1199 = arith.constant 0 : i32
      %dma_wait3A_1200 = arith.constant 0 : i32
      %dma_wait3A_1201 = tpu.memref_slice %arg4[%add3A_20, %dma_wait3A_1195, %dma_wait3A_1196, %dma_wait3A_1199, %dma_wait3A_1200] : memref<2048x4x16x8x128xf32, #tpu.memory_space<hbm>> -> memref<1x1x1x8x128xf32, #tpu.memory_space<hbm>>
      %dma_wait3A_1202 = tpu.memref_squeeze %dma_wait3A_1201 : memref<1x1x1x8x128xf32, #tpu.memory_space<hbm>> -> memref<8x128xf32, #tpu.memory_space<hbm>>
      %dma_wait3A_1203 = arith.constant 0 : i32
      %dma_wait3A_1204 = arith.constant 0 : i32
      %dma_wait3A_1205 = tpu.memref_slice %arg4[%add3A_20, %dma_wait3A_1195, %dma_wait3A_1196, %dma_wait3A_1203, %dma_wait3A_1204] : memref<2048x4x16x8x128xf32, #tpu.memory_space<hbm>> -> memref<1x1x1x8x128xf32, #tpu.memory_space<hbm>>
      %dma_wait3A_1206 = tpu.memref_squeeze %dma_wait3A_1205 : memref<1x1x1x8x128xf32, #tpu.memory_space<hbm>> -> memref<8x128xf32, #tpu.memory_space<hbm>>
      %dma_wait3A_1207 = arith.constant 0 : i32
      %dma_wait3A_1208 = tpu.memref_slice %arg5[%dma_wait3A_1207, %multiple_of3A_128] : memref<32x4088xf32, #tpu.memory_space<vmem>> -> memref<8x128xf32, #tpu.memory_space<vmem>>
      tpu.wait_dma2 semaphore(%arg6 : memref<!tpu.dma_semaphore, #tpu.memory_space<semaphore_mem>>) src(%dma_wait3A_1208 : memref<8x128xf32, #tpu.memory_space<vmem>>) dst(%dma_wait3A_1206 : memref<8x128xf32, #tpu.memory_space<hbm>>)
      %dma_wait3A_1209 = arith.constant 0 : i32
      %dma_wait3A_1210 = arith.constant 7 : i32
      %dma_wait3A_1211 = arith.constant 0 : i32
      %dma_wait3A_1212 = tpu.memref_slice %arg5[%dma_wait3A_1211, %multiple_of3A_145] : memref<32x4088xf32, #tpu.memory_space<vmem>> -> memref<8x128xf32, #tpu.memory_space<vmem>>
      %dma_wait3A_1213 = arith.constant 0 : i32
      %dma_wait3A_1214 = arith.constant 0 : i32
      %dma_wait3A_1215 = tpu.memref_slice %arg4[%add3A_20, %dma_wait3A_1209, %dma_wait3A_1210, %dma_wait3A_1213, %dma_wait3A_1214] : memref<2048x4x16x8x128xf32, #tpu.memory_space<hbm>> -> memref<1x1x1x8x128xf32, #tpu.memory_space<hbm>>
      %dma_wait3A_1216 = tpu.memref_squeeze %dma_wait3A_1215 : memref<1x1x1x8x128xf32, #tpu.memory_space<hbm>> -> memref<8x128xf32, #tpu.memory_space<hbm>>
      %dma_wait3A_1217 = arith.constant 0 : i32
      %dma_wait3A_1218 = arith.constant 0 : i32
      %dma_wait3A_1219 = tpu.memref_slice %arg4[%add3A_20, %dma_wait3A_1209, %dma_wait3A_1210, %dma_wait3A_1217, %dma_wait3A_1218] : memref<2048x4x16x8x128xf32, #tpu.memory_space<hbm>> -> memref<1x1x1x8x128xf32, #tpu.memory_space<hbm>>
      %dma_wait3A_1220 = tpu.memref_squeeze %dma_wait3A_1219 : memref<1x1x1x8x128xf32, #tpu.memory_space<hbm>> -> memref<8x128xf32, #tpu.memory_space<hbm>>
      %dma_wait3A_1221 = arith.constant 0 : i32
      %dma_wait3A_1222 = tpu.memref_slice %arg5[%dma_wait3A_1221, %multiple_of3A_145] : memref<32x4088xf32, #tpu.memory_space<vmem>> -> memref<8x128xf32, #tpu.memory_space<vmem>>
      tpu.wait_dma2 semaphore(%arg6 : memref<!tpu.dma_semaphore, #tpu.memory_space<semaphore_mem>>) src(%dma_wait3A_1222 : memref<8x128xf32, #tpu.memory_space<vmem>>) dst(%dma_wait3A_1220 : memref<8x128xf32, #tpu.memory_space<hbm>>)
      %dma_wait3A_1223 = arith.constant 0 : i32
      %dma_wait3A_1224 = arith.constant 8 : i32
      %dma_wait3A_1225 = arith.constant 0 : i32
      %dma_wait3A_1226 = tpu.memref_slice %arg5[%dma_wait3A_1225, %multiple_of3A_162] : memref<32x4088xf32, #tpu.memory_space<vmem>> -> memref<8x128xf32, #tpu.memory_space<vmem>>
      %dma_wait3A_1227 = arith.constant 0 : i32
      %dma_wait3A_1228 = arith.constant 0 : i32
      %dma_wait3A_1229 = tpu.memref_slice %arg4[%add3A_20, %dma_wait3A_1223, %dma_wait3A_1224, %dma_wait3A_1227, %dma_wait3A_1228] : memref<2048x4x16x8x128xf32, #tpu.memory_space<hbm>> -> memref<1x1x1x8x128xf32, #tpu.memory_space<hbm>>
      %dma_wait3A_1230 = tpu.memref_squeeze %dma_wait3A_1229 : memref<1x1x1x8x128xf32, #tpu.memory_space<hbm>> -> memref<8x128xf32, #tpu.memory_space<hbm>>
      %dma_wait3A_1231 = arith.constant 0 : i32
      %dma_wait3A_1232 = arith.constant 0 : i32
      %dma_wait3A_1233 = tpu.memref_slice %arg4[%add3A_20, %dma_wait3A_1223, %dma_wait3A_1224, %dma_wait3A_1231, %dma_wait3A_1232] : memref<2048x4x16x8x128xf32, #tpu.memory_space<hbm>> -> memref<1x1x1x8x128xf32, #tpu.memory_space<hbm>>
      %dma_wait3A_1234 = tpu.memref_squeeze %dma_wait3A_1233 : memref<1x1x1x8x128xf32, #tpu.memory_space<hbm>> -> memref<8x128xf32, #tpu.memory_space<hbm>>
      %dma_wait3A_1235 = arith.constant 0 : i32
      %dma_wait3A_1236 = tpu.memref_slice %arg5[%dma_wait3A_1235, %multiple_of3A_162] : memref<32x4088xf32, #tpu.memory_space<vmem>> -> memref<8x128xf32, #tpu.memory_space<vmem>>
      tpu.wait_dma2 semaphore(%arg6 : memref<!tpu.dma_semaphore, #tpu.memory_space<semaphore_mem>>) src(%dma_wait3A_1236 : memref<8x128xf32, #tpu.memory_space<vmem>>) dst(%dma_wait3A_1234 : memref<8x128xf32, #tpu.memory_space<hbm>>)
      %dma_wait3A_1237 = arith.constant 0 : i32
      %dma_wait3A_1238 = arith.constant 9 : i32
      %dma_wait3A_1239 = arith.constant 0 : i32
      %dma_wait3A_1240 = tpu.memref_slice %arg5[%dma_wait3A_1239, %multiple_of3A_179] : memref<32x4088xf32, #tpu.memory_space<vmem>> -> memref<8x128xf32, #tpu.memory_space<vmem>>
      %dma_wait3A_1241 = arith.constant 0 : i32
      %dma_wait3A_1242 = arith.constant 0 : i32
      %dma_wait3A_1243 = tpu.memref_slice %arg4[%add3A_20, %dma_wait3A_1237, %dma_wait3A_1238, %dma_wait3A_1241, %dma_wait3A_1242] : memref<2048x4x16x8x128xf32, #tpu.memory_space<hbm>> -> memref<1x1x1x8x128xf32, #tpu.memory_space<hbm>>
      %dma_wait3A_1244 = tpu.memref_squeeze %dma_wait3A_1243 : memref<1x1x1x8x128xf32, #tpu.memory_space<hbm>> -> memref<8x128xf32, #tpu.memory_space<hbm>>
      %dma_wait3A_1245 = arith.constant 0 : i32
      %dma_wait3A_1246 = arith.constant 0 : i32
      %dma_wait3A_1247 = tpu.memref_slice %arg4[%add3A_20, %dma_wait3A_1237, %dma_wait3A_1238, %dma_wait3A_1245, %dma_wait3A_1246] : memref<2048x4x16x8x128xf32, #tpu.memory_space<hbm>> -> memref<1x1x1x8x128xf32, #tpu.memory_space<hbm>>
      %dma_wait3A_1248 = tpu.memref_squeeze %dma_wait3A_1247 : memref<1x1x1x8x128xf32, #tpu.memory_space<hbm>> -> memref<8x128xf32, #tpu.memory_space<hbm>>
      %dma_wait3A_1249 = arith.constant 0 : i32
      %dma_wait3A_1250 = tpu.memref_slice %arg5[%dma_wait3A_1249, %multiple_of3A_179] : memref<32x4088xf32, #tpu.memory_space<vmem>> -> memref<8x128xf32, #tpu.memory_space<vmem>>
      tpu.wait_dma2 semaphore(%arg6 : memref<!tpu.dma_semaphore, #tpu.memory_space<semaphore_mem>>) src(%dma_wait3A_1250 : memref<8x128xf32, #tpu.memory_space<vmem>>) dst(%dma_wait3A_1248 : memref<8x128xf32, #tpu.memory_space<hbm>>)
      %dma_wait3A_1251 = arith.constant 0 : i32
      %dma_wait3A_1252 = arith.constant 10 : i32
      %dma_wait3A_1253 = arith.constant 0 : i32
      %dma_wait3A_1254 = tpu.memref_slice %arg5[%dma_wait3A_1253, %multiple_of3A_196] : memref<32x4088xf32, #tpu.memory_space<vmem>> -> memref<8x128xf32, #tpu.memory_space<vmem>>
      %dma_wait3A_1255 = arith.constant 0 : i32
      %dma_wait3A_1256 = arith.constant 0 : i32
      %dma_wait3A_1257 = tpu.memref_slice %arg4[%add3A_20, %dma_wait3A_1251, %dma_wait3A_1252, %dma_wait3A_1255, %dma_wait3A_1256] : memref<2048x4x16x8x128xf32, #tpu.memory_space<hbm>> -> memref<1x1x1x8x128xf32, #tpu.memory_space<hbm>>
      %dma_wait3A_1258 = tpu.memref_squeeze %dma_wait3A_1257 : memref<1x1x1x8x128xf32, #tpu.memory_space<hbm>> -> memref<8x128xf32, #tpu.memory_space<hbm>>
      %dma_wait3A_1259 = arith.constant 0 : i32
      %dma_wait3A_1260 = arith.constant 0 : i32
      %dma_wait3A_1261 = tpu.memref_slice %arg4[%add3A_20, %dma_wait3A_1251, %dma_wait3A_1252, %dma_wait3A_1259, %dma_wait3A_1260] : memref<2048x4x16x8x128xf32, #tpu.memory_space<hbm>> -> memref<1x1x1x8x128xf32, #tpu.memory_space<hbm>>
      %dma_wait3A_1262 = tpu.memref_squeeze %dma_wait3A_1261 : memref<1x1x1x8x128xf32, #tpu.memory_space<hbm>> -> memref<8x128xf32, #tpu.memory_space<hbm>>
      %dma_wait3A_1263 = arith.constant 0 : i32
      %dma_wait3A_1264 = tpu.memref_slice %arg5[%dma_wait3A_1263, %multiple_of3A_196] : memref<32x4088xf32, #tpu.memory_space<vmem>> -> memref<8x128xf32, #tpu.memory_space<vmem>>
      tpu.wait_dma2 semaphore(%arg6 : memref<!tpu.dma_semaphore, #tpu.memory_space<semaphore_mem>>) src(%dma_wait3A_1264 : memref<8x128xf32, #tpu.memory_space<vmem>>) dst(%dma_wait3A_1262 : memref<8x128xf32, #tpu.memory_space<hbm>>)
      %dma_wait3A_1265 = arith.constant 0 : i32
      %dma_wait3A_1266 = arith.constant 11 : i32
      %dma_wait3A_1267 = arith.constant 0 : i32
      %dma_wait3A_1268 = tpu.memref_slice %arg5[%dma_wait3A_1267, %multiple_of3A_213] : memref<32x4088xf32, #tpu.memory_space<vmem>> -> memref<8x128xf32, #tpu.memory_space<vmem>>
      %dma_wait3A_1269 = arith.constant 0 : i32
      %dma_wait3A_1270 = arith.constant 0 : i32
      %dma_wait3A_1271 = tpu.memref_slice %arg4[%add3A_20, %dma_wait3A_1265, %dma_wait3A_1266, %dma_wait3A_1269, %dma_wait3A_1270] : memref<2048x4x16x8x128xf32, #tpu.memory_space<hbm>> -> memref<1x1x1x8x128xf32, #tpu.memory_space<hbm>>
      %dma_wait3A_1272 = tpu.memref_squeeze %dma_wait3A_1271 : memref<1x1x1x8x128xf32, #tpu.memory_space<hbm>> -> memref<8x128xf32, #tpu.memory_space<hbm>>
      %dma_wait3A_1273 = arith.constant 0 : i32
      %dma_wait3A_1274 = arith.constant 0 : i32
      %dma_wait3A_1275 = tpu.memref_slice %arg4[%add3A_20, %dma_wait3A_1265, %dma_wait3A_1266, %dma_wait3A_1273, %dma_wait3A_1274] : memref<2048x4x16x8x128xf32, #tpu.memory_space<hbm>> -> memref<1x1x1x8x128xf32, #tpu.memory_space<hbm>>
      %dma_wait3A_1276 = tpu.memref_squeeze %dma_wait3A_1275 : memref<1x1x1x8x128xf32, #tpu.memory_space<hbm>> -> memref<8x128xf32, #tpu.memory_space<hbm>>
      %dma_wait3A_1277 = arith.constant 0 : i32
      %dma_wait3A_1278 = tpu.memref_slice %arg5[%dma_wait3A_1277, %multiple_of3A_213] : memref<32x4088xf32, #tpu.memory_space<vmem>> -> memref<8x128xf32, #tpu.memory_space<vmem>>
      tpu.wait_dma2 semaphore(%arg6 : memref<!tpu.dma_semaphore, #tpu.memory_space<semaphore_mem>>) src(%dma_wait3A_1278 : memref<8x128xf32, #tpu.memory_space<vmem>>) dst(%dma_wait3A_1276 : memref<8x128xf32, #tpu.memory_space<hbm>>)
      %dma_wait3A_1279 = arith.constant 0 : i32
      %dma_wait3A_1280 = arith.constant 12 : i32
      %dma_wait3A_1281 = arith.constant 0 : i32
      %dma_wait3A_1282 = tpu.memref_slice %arg5[%dma_wait3A_1281, %multiple_of3A_230] : memref<32x4088xf32, #tpu.memory_space<vmem>> -> memref<8x128xf32, #tpu.memory_space<vmem>>
      %dma_wait3A_1283 = arith.constant 0 : i32
      %dma_wait3A_1284 = arith.constant 0 : i32
      %dma_wait3A_1285 = tpu.memref_slice %arg4[%add3A_20, %dma_wait3A_1279, %dma_wait3A_1280, %dma_wait3A_1283, %dma_wait3A_1284] : memref<2048x4x16x8x128xf32, #tpu.memory_space<hbm>> -> memref<1x1x1x8x128xf32, #tpu.memory_space<hbm>>
      %dma_wait3A_1286 = tpu.memref_squeeze %dma_wait3A_1285 : memref<1x1x1x8x128xf32, #tpu.memory_space<hbm>> -> memref<8x128xf32, #tpu.memory_space<hbm>>
      %dma_wait3A_1287 = arith.constant 0 : i32
      %dma_wait3A_1288 = arith.constant 0 : i32
      %dma_wait3A_1289 = tpu.memref_slice %arg4[%add3A_20, %dma_wait3A_1279, %dma_wait3A_1280, %dma_wait3A_1287, %dma_wait3A_1288] : memref<2048x4x16x8x128xf32, #tpu.memory_space<hbm>> -> memref<1x1x1x8x128xf32, #tpu.memory_space<hbm>>
      %dma_wait3A_1290 = tpu.memref_squeeze %dma_wait3A_1289 : memref<1x1x1x8x128xf32, #tpu.memory_space<hbm>> -> memref<8x128xf32, #tpu.memory_space<hbm>>
      %dma_wait3A_1291 = arith.constant 0 : i32
      %dma_wait3A_1292 = tpu.memref_slice %arg5[%dma_wait3A_1291, %multiple_of3A_230] : memref<32x4088xf32, #tpu.memory_space<vmem>> -> memref<8x128xf32, #tpu.memory_space<vmem>>
      tpu.wait_dma2 semaphore(%arg6 : memref<!tpu.dma_semaphore, #tpu.memory_space<semaphore_mem>>) src(%dma_wait3A_1292 : memref<8x128xf32, #tpu.memory_space<vmem>>) dst(%dma_wait3A_1290 : memref<8x128xf32, #tpu.memory_space<hbm>>)
      %dma_wait3A_1293 = arith.constant 0 : i32
      %dma_wait3A_1294 = arith.constant 13 : i32
      %dma_wait3A_1295 = arith.constant 0 : i32
      %dma_wait3A_1296 = tpu.memref_slice %arg5[%dma_wait3A_1295, %multiple_of3A_247] : memref<32x4088xf32, #tpu.memory_space<vmem>> -> memref<8x128xf32, #tpu.memory_space<vmem>>
      %dma_wait3A_1297 = arith.constant 0 : i32
      %dma_wait3A_1298 = arith.constant 0 : i32
      %dma_wait3A_1299 = tpu.memref_slice %arg4[%add3A_20, %dma_wait3A_1293, %dma_wait3A_1294, %dma_wait3A_1297, %dma_wait3A_1298] : memref<2048x4x16x8x128xf32, #tpu.memory_space<hbm>> -> memref<1x1x1x8x128xf32, #tpu.memory_space<hbm>>
      %dma_wait3A_1300 = tpu.memref_squeeze %dma_wait3A_1299 : memref<1x1x1x8x128xf32, #tpu.memory_space<hbm>> -> memref<8x128xf32, #tpu.memory_space<hbm>>
      %dma_wait3A_1301 = arith.constant 0 : i32
      %dma_wait3A_1302 = arith.constant 0 : i32
      %dma_wait3A_1303 = tpu.memref_slice %arg4[%add3A_20, %dma_wait3A_1293, %dma_wait3A_1294, %dma_wait3A_1301, %dma_wait3A_1302] : memref<2048x4x16x8x128xf32, #tpu.memory_space<hbm>> -> memref<1x1x1x8x128xf32, #tpu.memory_space<hbm>>
      %dma_wait3A_1304 = tpu.memref_squeeze %dma_wait3A_1303 : memref<1x1x1x8x128xf32, #tpu.memory_space<hbm>> -> memref<8x128xf32, #tpu.memory_space<hbm>>
      %dma_wait3A_1305 = arith.constant 0 : i32
      %dma_wait3A_1306 = tpu.memref_slice %arg5[%dma_wait3A_1305, %multiple_of3A_247] : memref<32x4088xf32, #tpu.memory_space<vmem>> -> memref<8x128xf32, #tpu.memory_space<vmem>>
      tpu.wait_dma2 semaphore(%arg6 : memref<!tpu.dma_semaphore, #tpu.memory_space<semaphore_mem>>) src(%dma_wait3A_1306 : memref<8x128xf32, #tpu.memory_space<vmem>>) dst(%dma_wait3A_1304 : memref<8x128xf32, #tpu.memory_space<hbm>>)
      %dma_wait3A_1307 = arith.constant 0 : i32
      %dma_wait3A_1308 = arith.constant 14 : i32
      %dma_wait3A_1309 = arith.constant 0 : i32
      %dma_wait3A_1310 = tpu.memref_slice %arg5[%dma_wait3A_1309, %multiple_of3A_264] : memref<32x4088xf32, #tpu.memory_space<vmem>> -> memref<8x128xf32, #tpu.memory_space<vmem>>
      %dma_wait3A_1311 = arith.constant 0 : i32
      %dma_wait3A_1312 = arith.constant 0 : i32
      %dma_wait3A_1313 = tpu.memref_slice %arg4[%add3A_20, %dma_wait3A_1307, %dma_wait3A_1308, %dma_wait3A_1311, %dma_wait3A_1312] : memref<2048x4x16x8x128xf32, #tpu.memory_space<hbm>> -> memref<1x1x1x8x128xf32, #tpu.memory_space<hbm>>
      %dma_wait3A_1314 = tpu.memref_squeeze %dma_wait3A_1313 : memref<1x1x1x8x128xf32, #tpu.memory_space<hbm>> -> memref<8x128xf32, #tpu.memory_space<hbm>>
      %dma_wait3A_1315 = arith.constant 0 : i32
      %dma_wait3A_1316 = arith.constant 0 : i32
      %dma_wait3A_1317 = tpu.memref_slice %arg4[%add3A_20, %dma_wait3A_1307, %dma_wait3A_1308, %dma_wait3A_1315, %dma_wait3A_1316] : memref<2048x4x16x8x128xf32, #tpu.memory_space<hbm>> -> memref<1x1x1x8x128xf32, #tpu.memory_space<hbm>>
      %dma_wait3A_1318 = tpu.memref_squeeze %dma_wait3A_1317 : memref<1x1x1x8x128xf32, #tpu.memory_space<hbm>> -> memref<8x128xf32, #tpu.memory_space<hbm>>
      %dma_wait3A_1319 = arith.constant 0 : i32
      %dma_wait3A_1320 = tpu.memref_slice %arg5[%dma_wait3A_1319, %multiple_of3A_264] : memref<32x4088xf32, #tpu.memory_space<vmem>> -> memref<8x128xf32, #tpu.memory_space<vmem>>
      tpu.wait_dma2 semaphore(%arg6 : memref<!tpu.dma_semaphore, #tpu.memory_space<semaphore_mem>>) src(%dma_wait3A_1320 : memref<8x128xf32, #tpu.memory_space<vmem>>) dst(%dma_wait3A_1318 : memref<8x128xf32, #tpu.memory_space<hbm>>)
      %dma_wait3A_1321 = arith.constant 0 : i32
      %dma_wait3A_1322 = arith.constant 15 : i32
      %dma_wait3A_1323 = arith.constant 0 : i32
      %dma_wait3A_1324 = tpu.memref_slice %arg5[%dma_wait3A_1323, %multiple_of3A_281] : memref<32x4088xf32, #tpu.memory_space<vmem>> -> memref<8x128xf32, #tpu.memory_space<vmem>>
      %dma_wait3A_1325 = arith.constant 0 : i32
      %dma_wait3A_1326 = arith.constant 0 : i32
      %dma_wait3A_1327 = tpu.memref_slice %arg4[%add3A_20, %dma_wait3A_1321, %dma_wait3A_1322, %dma_wait3A_1325, %dma_wait3A_1326] : memref<2048x4x16x8x128xf32, #tpu.memory_space<hbm>> -> memref<1x1x1x8x128xf32, #tpu.memory_space<hbm>>
      %dma_wait3A_1328 = tpu.memref_squeeze %dma_wait3A_1327 : memref<1x1x1x8x128xf32, #tpu.memory_space<hbm>> -> memref<8x128xf32, #tpu.memory_space<hbm>>
      %dma_wait3A_1329 = arith.constant 0 : i32
      %dma_wait3A_1330 = arith.constant 0 : i32
      %dma_wait3A_1331 = tpu.memref_slice %arg4[%add3A_20, %dma_wait3A_1321, %dma_wait3A_1322, %dma_wait3A_1329, %dma_wait3A_1330] : memref<2048x4x16x8x128xf32, #tpu.memory_space<hbm>> -> memref<1x1x1x8x128xf32, #tpu.memory_space<hbm>>
      %dma_wait3A_1332 = tpu.memref_squeeze %dma_wait3A_1331 : memref<1x1x1x8x128xf32, #tpu.memory_space<hbm>> -> memref<8x128xf32, #tpu.memory_space<hbm>>
      %dma_wait3A_1333 = arith.constant 0 : i32
      %dma_wait3A_1334 = tpu.memref_slice %arg5[%dma_wait3A_1333, %multiple_of3A_281] : memref<32x4088xf32, #tpu.memory_space<vmem>> -> memref<8x128xf32, #tpu.memory_space<vmem>>
      tpu.wait_dma2 semaphore(%arg6 : memref<!tpu.dma_semaphore, #tpu.memory_space<semaphore_mem>>) src(%dma_wait3A_1334 : memref<8x128xf32, #tpu.memory_space<vmem>>) dst(%dma_wait3A_1332 : memref<8x128xf32, #tpu.memory_space<hbm>>)
      %dma_wait3A_1335 = arith.constant 1 : i32
      %dma_wait3A_1336 = arith.constant 0 : i32
      %dma_wait3A_1337 = arith.constant 8 : i32
      %dma_wait3A_1338 = tpu.memref_slice %arg5[%dma_wait3A_1337, %multiple_of3A_298] : memref<32x4088xf32, #tpu.memory_space<vmem>> -> memref<8x128xf32, #tpu.memory_space<vmem>>
      %dma_wait3A_1339 = arith.constant 0 : i32
      %dma_wait3A_1340 = arith.constant 0 : i32
      %dma_wait3A_1341 = tpu.memref_slice %arg4[%add3A_20, %dma_wait3A_1335, %dma_wait3A_1336, %dma_wait3A_1339, %dma_wait3A_1340] : memref<2048x4x16x8x128xf32, #tpu.memory_space<hbm>> -> memref<1x1x1x8x128xf32, #tpu.memory_space<hbm>>
      %dma_wait3A_1342 = tpu.memref_squeeze %dma_wait3A_1341 : memref<1x1x1x8x128xf32, #tpu.memory_space<hbm>> -> memref<8x128xf32, #tpu.memory_space<hbm>>
      %dma_wait3A_1343 = arith.constant 0 : i32
      %dma_wait3A_1344 = arith.constant 0 : i32
      %dma_wait3A_1345 = tpu.memref_slice %arg4[%add3A_20, %dma_wait3A_1335, %dma_wait3A_1336, %dma_wait3A_1343, %dma_wait3A_1344] : memref<2048x4x16x8x128xf32, #tpu.memory_space<hbm>> -> memref<1x1x1x8x128xf32, #tpu.memory_space<hbm>>
      %dma_wait3A_1346 = tpu.memref_squeeze %dma_wait3A_1345 : memref<1x1x1x8x128xf32, #tpu.memory_space<hbm>> -> memref<8x128xf32, #tpu.memory_space<hbm>>
      %dma_wait3A_1347 = arith.constant 8 : i32
      %dma_wait3A_1348 = tpu.memref_slice %arg5[%dma_wait3A_1347, %multiple_of3A_298] : memref<32x4088xf32, #tpu.memory_space<vmem>> -> memref<8x128xf32, #tpu.memory_space<vmem>>
      tpu.wait_dma2 semaphore(%arg6 : memref<!tpu.dma_semaphore, #tpu.memory_space<semaphore_mem>>) src(%dma_wait3A_1348 : memref<8x128xf32, #tpu.memory_space<vmem>>) dst(%dma_wait3A_1346 : memref<8x128xf32, #tpu.memory_space<hbm>>)
      %dma_wait3A_1349 = arith.constant 1 : i32
      %dma_wait3A_1350 = arith.constant 1 : i32
      %dma_wait3A_1351 = arith.constant 8 : i32
      %dma_wait3A_1352 = tpu.memref_slice %arg5[%dma_wait3A_1351, %multiple_of3A_315] : memref<32x4088xf32, #tpu.memory_space<vmem>> -> memref<8x128xf32, #tpu.memory_space<vmem>>
      %dma_wait3A_1353 = arith.constant 0 : i32
      %dma_wait3A_1354 = arith.constant 0 : i32
      %dma_wait3A_1355 = tpu.memref_slice %arg4[%add3A_20, %dma_wait3A_1349, %dma_wait3A_1350, %dma_wait3A_1353, %dma_wait3A_1354] : memref<2048x4x16x8x128xf32, #tpu.memory_space<hbm>> -> memref<1x1x1x8x128xf32, #tpu.memory_space<hbm>>
      %dma_wait3A_1356 = tpu.memref_squeeze %dma_wait3A_1355 : memref<1x1x1x8x128xf32, #tpu.memory_space<hbm>> -> memref<8x128xf32, #tpu.memory_space<hbm>>
      %dma_wait3A_1357 = arith.constant 0 : i32
      %dma_wait3A_1358 = arith.constant 0 : i32
      %dma_wait3A_1359 = tpu.memref_slice %arg4[%add3A_20, %dma_wait3A_1349, %dma_wait3A_1350, %dma_wait3A_1357, %dma_wait3A_1358] : memref<2048x4x16x8x128xf32, #tpu.memory_space<hbm>> -> memref<1x1x1x8x128xf32, #tpu.memory_space<hbm>>
      %dma_wait3A_1360 = tpu.memref_squeeze %dma_wait3A_1359 : memref<1x1x1x8x128xf32, #tpu.memory_space<hbm>> -> memref<8x128xf32, #tpu.memory_space<hbm>>
      %dma_wait3A_1361 = arith.constant 8 : i32
      %dma_wait3A_1362 = tpu.memref_slice %arg5[%dma_wait3A_1361, %multiple_of3A_315] : memref<32x4088xf32, #tpu.memory_space<vmem>> -> memref<8x128xf32, #tpu.memory_space<vmem>>
      tpu.wait_dma2 semaphore(%arg6 : memref<!tpu.dma_semaphore, #tpu.memory_space<semaphore_mem>>) src(%dma_wait3A_1362 : memref<8x128xf32, #tpu.memory_space<vmem>>) dst(%dma_wait3A_1360 : memref<8x128xf32, #tpu.memory_space<hbm>>)
      %dma_wait3A_1363 = arith.constant 1 : i32
      %dma_wait3A_1364 = arith.constant 2 : i32
      %dma_wait3A_1365 = arith.constant 8 : i32
      %dma_wait3A_1366 = tpu.memref_slice %arg5[%dma_wait3A_1365, %multiple_of3A_332] : memref<32x4088xf32, #tpu.memory_space<vmem>> -> memref<8x128xf32, #tpu.memory_space<vmem>>
      %dma_wait3A_1367 = arith.constant 0 : i32
      %dma_wait3A_1368 = arith.constant 0 : i32
      %dma_wait3A_1369 = tpu.memref_slice %arg4[%add3A_20, %dma_wait3A_1363, %dma_wait3A_1364, %dma_wait3A_1367, %dma_wait3A_1368] : memref<2048x4x16x8x128xf32, #tpu.memory_space<hbm>> -> memref<1x1x1x8x128xf32, #tpu.memory_space<hbm>>
      %dma_wait3A_1370 = tpu.memref_squeeze %dma_wait3A_1369 : memref<1x1x1x8x128xf32, #tpu.memory_space<hbm>> -> memref<8x128xf32, #tpu.memory_space<hbm>>
      %dma_wait3A_1371 = arith.constant 0 : i32
      %dma_wait3A_1372 = arith.constant 0 : i32
      %dma_wait3A_1373 = tpu.memref_slice %arg4[%add3A_20, %dma_wait3A_1363, %dma_wait3A_1364, %dma_wait3A_1371, %dma_wait3A_1372] : memref<2048x4x16x8x128xf32, #tpu.memory_space<hbm>> -> memref<1x1x1x8x128xf32, #tpu.memory_space<hbm>>
      %dma_wait3A_1374 = tpu.memref_squeeze %dma_wait3A_1373 : memref<1x1x1x8x128xf32, #tpu.memory_space<hbm>> -> memref<8x128xf32, #tpu.memory_space<hbm>>
      %dma_wait3A_1375 = arith.constant 8 : i32
      %dma_wait3A_1376 = tpu.memref_slice %arg5[%dma_wait3A_1375, %multiple_of3A_332] : memref<32x4088xf32, #tpu.memory_space<vmem>> -> memref<8x128xf32, #tpu.memory_space<vmem>>
      tpu.wait_dma2 semaphore(%arg6 : memref<!tpu.dma_semaphore, #tpu.memory_space<semaphore_mem>>) src(%dma_wait3A_1376 : memref<8x128xf32, #tpu.memory_space<vmem>>) dst(%dma_wait3A_1374 : memref<8x128xf32, #tpu.memory_space<hbm>>)
      %dma_wait3A_1377 = arith.constant 1 : i32
      %dma_wait3A_1378 = arith.constant 3 : i32
      %dma_wait3A_1379 = arith.constant 8 : i32
      %dma_wait3A_1380 = tpu.memref_slice %arg5[%dma_wait3A_1379, %multiple_of3A_349] : memref<32x4088xf32, #tpu.memory_space<vmem>> -> memref<8x128xf32, #tpu.memory_space<vmem>>
      %dma_wait3A_1381 = arith.constant 0 : i32
      %dma_wait3A_1382 = arith.constant 0 : i32
      %dma_wait3A_1383 = tpu.memref_slice %arg4[%add3A_20, %dma_wait3A_1377, %dma_wait3A_1378, %dma_wait3A_1381, %dma_wait3A_1382] : memref<2048x4x16x8x128xf32, #tpu.memory_space<hbm>> -> memref<1x1x1x8x128xf32, #tpu.memory_space<hbm>>
      %dma_wait3A_1384 = tpu.memref_squeeze %dma_wait3A_1383 : memref<1x1x1x8x128xf32, #tpu.memory_space<hbm>> -> memref<8x128xf32, #tpu.memory_space<hbm>>
      %dma_wait3A_1385 = arith.constant 0 : i32
      %dma_wait3A_1386 = arith.constant 0 : i32
      %dma_wait3A_1387 = tpu.memref_slice %arg4[%add3A_20, %dma_wait3A_1377, %dma_wait3A_1378, %dma_wait3A_1385, %dma_wait3A_1386] : memref<2048x4x16x8x128xf32, #tpu.memory_space<hbm>> -> memref<1x1x1x8x128xf32, #tpu.memory_space<hbm>>
      %dma_wait3A_1388 = tpu.memref_squeeze %dma_wait3A_1387 : memref<1x1x1x8x128xf32, #tpu.memory_space<hbm>> -> memref<8x128xf32, #tpu.memory_space<hbm>>
      %dma_wait3A_1389 = arith.constant 8 : i32
      %dma_wait3A_1390 = tpu.memref_slice %arg5[%dma_wait3A_1389, %multiple_of3A_349] : memref<32x4088xf32, #tpu.memory_space<vmem>> -> memref<8x128xf32, #tpu.memory_space<vmem>>
      tpu.wait_dma2 semaphore(%arg6 : memref<!tpu.dma_semaphore, #tpu.memory_space<semaphore_mem>>) src(%dma_wait3A_1390 : memref<8x128xf32, #tpu.memory_space<vmem>>) dst(%dma_wait3A_1388 : memref<8x128xf32, #tpu.memory_space<hbm>>)
      %dma_wait3A_1391 = arith.constant 1 : i32
      %dma_wait3A_1392 = arith.constant 4 : i32
      %dma_wait3A_1393 = arith.constant 8 : i32
      %dma_wait3A_1394 = tpu.memref_slice %arg5[%dma_wait3A_1393, %multiple_of3A_366] : memref<32x4088xf32, #tpu.memory_space<vmem>> -> memref<8x128xf32, #tpu.memory_space<vmem>>
      %dma_wait3A_1395 = arith.constant 0 : i32
      %dma_wait3A_1396 = arith.constant 0 : i32
      %dma_wait3A_1397 = tpu.memref_slice %arg4[%add3A_20, %dma_wait3A_1391, %dma_wait3A_1392, %dma_wait3A_1395, %dma_wait3A_1396] : memref<2048x4x16x8x128xf32, #tpu.memory_space<hbm>> -> memref<1x1x1x8x128xf32, #tpu.memory_space<hbm>>
      %dma_wait3A_1398 = tpu.memref_squeeze %dma_wait3A_1397 : memref<1x1x1x8x128xf32, #tpu.memory_space<hbm>> -> memref<8x128xf32, #tpu.memory_space<hbm>>
      %dma_wait3A_1399 = arith.constant 0 : i32
      %dma_wait3A_1400 = arith.constant 0 : i32
      %dma_wait3A_1401 = tpu.memref_slice %arg4[%add3A_20, %dma_wait3A_1391, %dma_wait3A_1392, %dma_wait3A_1399, %dma_wait3A_1400] : memref<2048x4x16x8x128xf32, #tpu.memory_space<hbm>> -> memref<1x1x1x8x128xf32, #tpu.memory_space<hbm>>
      %dma_wait3A_1402 = tpu.memref_squeeze %dma_wait3A_1401 : memref<1x1x1x8x128xf32, #tpu.memory_space<hbm>> -> memref<8x128xf32, #tpu.memory_space<hbm>>
      %dma_wait3A_1403 = arith.constant 8 : i32
      %dma_wait3A_1404 = tpu.memref_slice %arg5[%dma_wait3A_1403, %multiple_of3A_366] : memref<32x4088xf32, #tpu.memory_space<vmem>> -> memref<8x128xf32, #tpu.memory_space<vmem>>
      tpu.wait_dma2 semaphore(%arg6 : memref<!tpu.dma_semaphore, #tpu.memory_space<semaphore_mem>>) src(%dma_wait3A_1404 : memref<8x128xf32, #tpu.memory_space<vmem>>) dst(%dma_wait3A_1402 : memref<8x128xf32, #tpu.memory_space<hbm>>)
      %dma_wait3A_1405 = arith.constant 1 : i32
      %dma_wait3A_1406 = arith.constant 5 : i32
      %dma_wait3A_1407 = arith.constant 8 : i32
      %dma_wait3A_1408 = tpu.memref_slice %arg5[%dma_wait3A_1407, %multiple_of3A_383] : memref<32x4088xf32, #tpu.memory_space<vmem>> -> memref<8x128xf32, #tpu.memory_space<vmem>>
      %dma_wait3A_1409 = arith.constant 0 : i32
      %dma_wait3A_1410 = arith.constant 0 : i32
      %dma_wait3A_1411 = tpu.memref_slice %arg4[%add3A_20, %dma_wait3A_1405, %dma_wait3A_1406, %dma_wait3A_1409, %dma_wait3A_1410] : memref<2048x4x16x8x128xf32, #tpu.memory_space<hbm>> -> memref<1x1x1x8x128xf32, #tpu.memory_space<hbm>>
      %dma_wait3A_1412 = tpu.memref_squeeze %dma_wait3A_1411 : memref<1x1x1x8x128xf32, #tpu.memory_space<hbm>> -> memref<8x128xf32, #tpu.memory_space<hbm>>
      %dma_wait3A_1413 = arith.constant 0 : i32
      %dma_wait3A_1414 = arith.constant 0 : i32
      %dma_wait3A_1415 = tpu.memref_slice %arg4[%add3A_20, %dma_wait3A_1405, %dma_wait3A_1406, %dma_wait3A_1413, %dma_wait3A_1414] : memref<2048x4x16x8x128xf32, #tpu.memory_space<hbm>> -> memref<1x1x1x8x128xf32, #tpu.memory_space<hbm>>
      %dma_wait3A_1416 = tpu.memref_squeeze %dma_wait3A_1415 : memref<1x1x1x8x128xf32, #tpu.memory_space<hbm>> -> memref<8x128xf32, #tpu.memory_space<hbm>>
      %dma_wait3A_1417 = arith.constant 8 : i32
      %dma_wait3A_1418 = tpu.memref_slice %arg5[%dma_wait3A_1417, %multiple_of3A_383] : memref<32x4088xf32, #tpu.memory_space<vmem>> -> memref<8x128xf32, #tpu.memory_space<vmem>>
      tpu.wait_dma2 semaphore(%arg6 : memref<!tpu.dma_semaphore, #tpu.memory_space<semaphore_mem>>) src(%dma_wait3A_1418 : memref<8x128xf32, #tpu.memory_space<vmem>>) dst(%dma_wait3A_1416 : memref<8x128xf32, #tpu.memory_space<hbm>>)
      %dma_wait3A_1419 = arith.constant 1 : i32
      %dma_wait3A_1420 = arith.constant 6 : i32
      %dma_wait3A_1421 = arith.constant 8 : i32
      %dma_wait3A_1422 = tpu.memref_slice %arg5[%dma_wait3A_1421, %multiple_of3A_400] : memref<32x4088xf32, #tpu.memory_space<vmem>> -> memref<8x128xf32, #tpu.memory_space<vmem>>
      %dma_wait3A_1423 = arith.constant 0 : i32
      %dma_wait3A_1424 = arith.constant 0 : i32
      %dma_wait3A_1425 = tpu.memref_slice %arg4[%add3A_20, %dma_wait3A_1419, %dma_wait3A_1420, %dma_wait3A_1423, %dma_wait3A_1424] : memref<2048x4x16x8x128xf32, #tpu.memory_space<hbm>> -> memref<1x1x1x8x128xf32, #tpu.memory_space<hbm>>
      %dma_wait3A_1426 = tpu.memref_squeeze %dma_wait3A_1425 : memref<1x1x1x8x128xf32, #tpu.memory_space<hbm>> -> memref<8x128xf32, #tpu.memory_space<hbm>>
      %dma_wait3A_1427 = arith.constant 0 : i32
      %dma_wait3A_1428 = arith.constant 0 : i32
      %dma_wait3A_1429 = tpu.memref_slice %arg4[%add3A_20, %dma_wait3A_1419, %dma_wait3A_1420, %dma_wait3A_1427, %dma_wait3A_1428] : memref<2048x4x16x8x128xf32, #tpu.memory_space<hbm>> -> memref<1x1x1x8x128xf32, #tpu.memory_space<hbm>>
      %dma_wait3A_1430 = tpu.memref_squeeze %dma_wait3A_1429 : memref<1x1x1x8x128xf32, #tpu.memory_space<hbm>> -> memref<8x128xf32, #tpu.memory_space<hbm>>
      %dma_wait3A_1431 = arith.constant 8 : i32
      %dma_wait3A_1432 = tpu.memref_slice %arg5[%dma_wait3A_1431, %multiple_of3A_400] : memref<32x4088xf32, #tpu.memory_space<vmem>> -> memref<8x128xf32, #tpu.memory_space<vmem>>
      tpu.wait_dma2 semaphore(%arg6 : memref<!tpu.dma_semaphore, #tpu.memory_space<semaphore_mem>>) src(%dma_wait3A_1432 : memref<8x128xf32, #tpu.memory_space<vmem>>) dst(%dma_wait3A_1430 : memref<8x128xf32, #tpu.memory_space<hbm>>)
      %dma_wait3A_1433 = arith.constant 1 : i32
      %dma_wait3A_1434 = arith.constant 7 : i32
      %dma_wait3A_1435 = arith.constant 8 : i32
      %dma_wait3A_1436 = tpu.memref_slice %arg5[%dma_wait3A_1435, %multiple_of3A_417] : memref<32x4088xf32, #tpu.memory_space<vmem>> -> memref<8x128xf32, #tpu.memory_space<vmem>>
      %dma_wait3A_1437 = arith.constant 0 : i32
      %dma_wait3A_1438 = arith.constant 0 : i32
      %dma_wait3A_1439 = tpu.memref_slice %arg4[%add3A_20, %dma_wait3A_1433, %dma_wait3A_1434, %dma_wait3A_1437, %dma_wait3A_1438] : memref<2048x4x16x8x128xf32, #tpu.memory_space<hbm>> -> memref<1x1x1x8x128xf32, #tpu.memory_space<hbm>>
      %dma_wait3A_1440 = tpu.memref_squeeze %dma_wait3A_1439 : memref<1x1x1x8x128xf32, #tpu.memory_space<hbm>> -> memref<8x128xf32, #tpu.memory_space<hbm>>
      %dma_wait3A_1441 = arith.constant 0 : i32
      %dma_wait3A_1442 = arith.constant 0 : i32
      %dma_wait3A_1443 = tpu.memref_slice %arg4[%add3A_20, %dma_wait3A_1433, %dma_wait3A_1434, %dma_wait3A_1441, %dma_wait3A_1442] : memref<2048x4x16x8x128xf32, #tpu.memory_space<hbm>> -> memref<1x1x1x8x128xf32, #tpu.memory_space<hbm>>
      %dma_wait3A_1444 = tpu.memref_squeeze %dma_wait3A_1443 : memref<1x1x1x8x128xf32, #tpu.memory_space<hbm>> -> memref<8x128xf32, #tpu.memory_space<hbm>>
      %dma_wait3A_1445 = arith.constant 8 : i32
      %dma_wait3A_1446 = tpu.memref_slice %arg5[%dma_wait3A_1445, %multiple_of3A_417] : memref<32x4088xf32, #tpu.memory_space<vmem>> -> memref<8x128xf32, #tpu.memory_space<vmem>>
      tpu.wait_dma2 semaphore(%arg6 : memref<!tpu.dma_semaphore, #tpu.memory_space<semaphore_mem>>) src(%dma_wait3A_1446 : memref<8x128xf32, #tpu.memory_space<vmem>>) dst(%dma_wait3A_1444 : memref<8x128xf32, #tpu.memory_space<hbm>>)
      %dma_wait3A_1447 = arith.constant 1 : i32
      %dma_wait3A_1448 = arith.constant 8 : i32
      %dma_wait3A_1449 = arith.constant 8 : i32
      %dma_wait3A_1450 = tpu.memref_slice %arg5[%dma_wait3A_1449, %multiple_of3A_434] : memref<32x4088xf32, #tpu.memory_space<vmem>> -> memref<8x128xf32, #tpu.memory_space<vmem>>
      %dma_wait3A_1451 = arith.constant 0 : i32
      %dma_wait3A_1452 = arith.constant 0 : i32
      %dma_wait3A_1453 = tpu.memref_slice %arg4[%add3A_20, %dma_wait3A_1447, %dma_wait3A_1448, %dma_wait3A_1451, %dma_wait3A_1452] : memref<2048x4x16x8x128xf32, #tpu.memory_space<hbm>> -> memref<1x1x1x8x128xf32, #tpu.memory_space<hbm>>
      %dma_wait3A_1454 = tpu.memref_squeeze %dma_wait3A_1453 : memref<1x1x1x8x128xf32, #tpu.memory_space<hbm>> -> memref<8x128xf32, #tpu.memory_space<hbm>>
      %dma_wait3A_1455 = arith.constant 0 : i32
      %dma_wait3A_1456 = arith.constant 0 : i32
      %dma_wait3A_1457 = tpu.memref_slice %arg4[%add3A_20, %dma_wait3A_1447, %dma_wait3A_1448, %dma_wait3A_1455, %dma_wait3A_1456] : memref<2048x4x16x8x128xf32, #tpu.memory_space<hbm>> -> memref<1x1x1x8x128xf32, #tpu.memory_space<hbm>>
      %dma_wait3A_1458 = tpu.memref_squeeze %dma_wait3A_1457 : memref<1x1x1x8x128xf32, #tpu.memory_space<hbm>> -> memref<8x128xf32, #tpu.memory_space<hbm>>
      %dma_wait3A_1459 = arith.constant 8 : i32
      %dma_wait3A_1460 = tpu.memref_slice %arg5[%dma_wait3A_1459, %multiple_of3A_434] : memref<32x4088xf32, #tpu.memory_space<vmem>> -> memref<8x128xf32, #tpu.memory_space<vmem>>
      tpu.wait_dma2 semaphore(%arg6 : memref<!tpu.dma_semaphore, #tpu.memory_space<semaphore_mem>>) src(%dma_wait3A_1460 : memref<8x128xf32, #tpu.memory_space<vmem>>) dst(%dma_wait3A_1458 : memref<8x128xf32, #tpu.memory_space<hbm>>)
      %dma_wait3A_1461 = arith.constant 1 : i32
      %dma_wait3A_1462 = arith.constant 9 : i32
      %dma_wait3A_1463 = arith.constant 8 : i32
      %dma_wait3A_1464 = tpu.memref_slice %arg5[%dma_wait3A_1463, %multiple_of3A_451] : memref<32x4088xf32, #tpu.memory_space<vmem>> -> memref<8x128xf32, #tpu.memory_space<vmem>>
      %dma_wait3A_1465 = arith.constant 0 : i32
      %dma_wait3A_1466 = arith.constant 0 : i32
      %dma_wait3A_1467 = tpu.memref_slice %arg4[%add3A_20, %dma_wait3A_1461, %dma_wait3A_1462, %dma_wait3A_1465, %dma_wait3A_1466] : memref<2048x4x16x8x128xf32, #tpu.memory_space<hbm>> -> memref<1x1x1x8x128xf32, #tpu.memory_space<hbm>>
      %dma_wait3A_1468 = tpu.memref_squeeze %dma_wait3A_1467 : memref<1x1x1x8x128xf32, #tpu.memory_space<hbm>> -> memref<8x128xf32, #tpu.memory_space<hbm>>
      %dma_wait3A_1469 = arith.constant 0 : i32
      %dma_wait3A_1470 = arith.constant 0 : i32
      %dma_wait3A_1471 = tpu.memref_slice %arg4[%add3A_20, %dma_wait3A_1461, %dma_wait3A_1462, %dma_wait3A_1469, %dma_wait3A_1470] : memref<2048x4x16x8x128xf32, #tpu.memory_space<hbm>> -> memref<1x1x1x8x128xf32, #tpu.memory_space<hbm>>
      %dma_wait3A_1472 = tpu.memref_squeeze %dma_wait3A_1471 : memref<1x1x1x8x128xf32, #tpu.memory_space<hbm>> -> memref<8x128xf32, #tpu.memory_space<hbm>>
      %dma_wait3A_1473 = arith.constant 8 : i32
      %dma_wait3A_1474 = tpu.memref_slice %arg5[%dma_wait3A_1473, %multiple_of3A_451] : memref<32x4088xf32, #tpu.memory_space<vmem>> -> memref<8x128xf32, #tpu.memory_space<vmem>>
      tpu.wait_dma2 semaphore(%arg6 : memref<!tpu.dma_semaphore, #tpu.memory_space<semaphore_mem>>) src(%dma_wait3A_1474 : memref<8x128xf32, #tpu.memory_space<vmem>>) dst(%dma_wait3A_1472 : memref<8x128xf32, #tpu.memory_space<hbm>>)
      %dma_wait3A_1475 = arith.constant 1 : i32
      %dma_wait3A_1476 = arith.constant 10 : i32
      %dma_wait3A_1477 = arith.constant 8 : i32
      %dma_wait3A_1478 = tpu.memref_slice %arg5[%dma_wait3A_1477, %multiple_of3A_468] : memref<32x4088xf32, #tpu.memory_space<vmem>> -> memref<8x128xf32, #tpu.memory_space<vmem>>
      %dma_wait3A_1479 = arith.constant 0 : i32
      %dma_wait3A_1480 = arith.constant 0 : i32
      %dma_wait3A_1481 = tpu.memref_slice %arg4[%add3A_20, %dma_wait3A_1475, %dma_wait3A_1476, %dma_wait3A_1479, %dma_wait3A_1480] : memref<2048x4x16x8x128xf32, #tpu.memory_space<hbm>> -> memref<1x1x1x8x128xf32, #tpu.memory_space<hbm>>
      %dma_wait3A_1482 = tpu.memref_squeeze %dma_wait3A_1481 : memref<1x1x1x8x128xf32, #tpu.memory_space<hbm>> -> memref<8x128xf32, #tpu.memory_space<hbm>>
      %dma_wait3A_1483 = arith.constant 0 : i32
      %dma_wait3A_1484 = arith.constant 0 : i32
      %dma_wait3A_1485 = tpu.memref_slice %arg4[%add3A_20, %dma_wait3A_1475, %dma_wait3A_1476, %dma_wait3A_1483, %dma_wait3A_1484] : memref<2048x4x16x8x128xf32, #tpu.memory_space<hbm>> -> memref<1x1x1x8x128xf32, #tpu.memory_space<hbm>>
      %dma_wait3A_1486 = tpu.memref_squeeze %dma_wait3A_1485 : memref<1x1x1x8x128xf32, #tpu.memory_space<hbm>> -> memref<8x128xf32, #tpu.memory_space<hbm>>
      %dma_wait3A_1487 = arith.constant 8 : i32
      %dma_wait3A_1488 = tpu.memref_slice %arg5[%dma_wait3A_1487, %multiple_of3A_468] : memref<32x4088xf32, #tpu.memory_space<vmem>> -> memref<8x128xf32, #tpu.memory_space<vmem>>
      tpu.wait_dma2 semaphore(%arg6 : memref<!tpu.dma_semaphore, #tpu.memory_space<semaphore_mem>>) src(%dma_wait3A_1488 : memref<8x128xf32, #tpu.memory_space<vmem>>) dst(%dma_wait3A_1486 : memref<8x128xf32, #tpu.memory_space<hbm>>)
      %dma_wait3A_1489 = arith.constant 1 : i32
      %dma_wait3A_1490 = arith.constant 11 : i32
      %dma_wait3A_1491 = arith.constant 8 : i32
      %dma_wait3A_1492 = tpu.memref_slice %arg5[%dma_wait3A_1491, %multiple_of3A_485] : memref<32x4088xf32, #tpu.memory_space<vmem>> -> memref<8x128xf32, #tpu.memory_space<vmem>>
      %dma_wait3A_1493 = arith.constant 0 : i32
      %dma_wait3A_1494 = arith.constant 0 : i32
      %dma_wait3A_1495 = tpu.memref_slice %arg4[%add3A_20, %dma_wait3A_1489, %dma_wait3A_1490, %dma_wait3A_1493, %dma_wait3A_1494] : memref<2048x4x16x8x128xf32, #tpu.memory_space<hbm>> -> memref<1x1x1x8x128xf32, #tpu.memory_space<hbm>>
      %dma_wait3A_1496 = tpu.memref_squeeze %dma_wait3A_1495 : memref<1x1x1x8x128xf32, #tpu.memory_space<hbm>> -> memref<8x128xf32, #tpu.memory_space<hbm>>
      %dma_wait3A_1497 = arith.constant 0 : i32
      %dma_wait3A_1498 = arith.constant 0 : i32
      %dma_wait3A_1499 = tpu.memref_slice %arg4[%add3A_20, %dma_wait3A_1489, %dma_wait3A_1490, %dma_wait3A_1497, %dma_wait3A_1498] : memref<2048x4x16x8x128xf32, #tpu.memory_space<hbm>> -> memref<1x1x1x8x128xf32, #tpu.memory_space<hbm>>
      %dma_wait3A_1500 = tpu.memref_squeeze %dma_wait3A_1499 : memref<1x1x1x8x128xf32, #tpu.memory_space<hbm>> -> memref<8x128xf32, #tpu.memory_space<hbm>>
      %dma_wait3A_1501 = arith.constant 8 : i32
      %dma_wait3A_1502 = tpu.memref_slice %arg5[%dma_wait3A_1501, %multiple_of3A_485] : memref<32x4088xf32, #tpu.memory_space<vmem>> -> memref<8x128xf32, #tpu.memory_space<vmem>>
      tpu.wait_dma2 semaphore(%arg6 : memref<!tpu.dma_semaphore, #tpu.memory_space<semaphore_mem>>) src(%dma_wait3A_1502 : memref<8x128xf32, #tpu.memory_space<vmem>>) dst(%dma_wait3A_1500 : memref<8x128xf32, #tpu.memory_space<hbm>>)
      %dma_wait3A_1503 = arith.constant 1 : i32
      %dma_wait3A_1504 = arith.constant 12 : i32
      %dma_wait3A_1505 = arith.constant 8 : i32
      %dma_wait3A_1506 = tpu.memref_slice %arg5[%dma_wait3A_1505, %multiple_of3A_502] : memref<32x4088xf32, #tpu.memory_space<vmem>> -> memref<8x128xf32, #tpu.memory_space<vmem>>
      %dma_wait3A_1507 = arith.constant 0 : i32
      %dma_wait3A_1508 = arith.constant 0 : i32
      %dma_wait3A_1509 = tpu.memref_slice %arg4[%add3A_20, %dma_wait3A_1503, %dma_wait3A_1504, %dma_wait3A_1507, %dma_wait3A_1508] : memref<2048x4x16x8x128xf32, #tpu.memory_space<hbm>> -> memref<1x1x1x8x128xf32, #tpu.memory_space<hbm>>
      %dma_wait3A_1510 = tpu.memref_squeeze %dma_wait3A_1509 : memref<1x1x1x8x128xf32, #tpu.memory_space<hbm>> -> memref<8x128xf32, #tpu.memory_space<hbm>>
      %dma_wait3A_1511 = arith.constant 0 : i32
      %dma_wait3A_1512 = arith.constant 0 : i32
      %dma_wait3A_1513 = tpu.memref_slice %arg4[%add3A_20, %dma_wait3A_1503, %dma_wait3A_1504, %dma_wait3A_1511, %dma_wait3A_1512] : memref<2048x4x16x8x128xf32, #tpu.memory_space<hbm>> -> memref<1x1x1x8x128xf32, #tpu.memory_space<hbm>>
      %dma_wait3A_1514 = tpu.memref_squeeze %dma_wait3A_1513 : memref<1x1x1x8x128xf32, #tpu.memory_space<hbm>> -> memref<8x128xf32, #tpu.memory_space<hbm>>
      %dma_wait3A_1515 = arith.constant 8 : i32
      %dma_wait3A_1516 = tpu.memref_slice %arg5[%dma_wait3A_1515, %multiple_of3A_502] : memref<32x4088xf32, #tpu.memory_space<vmem>> -> memref<8x128xf32, #tpu.memory_space<vmem>>
      tpu.wait_dma2 semaphore(%arg6 : memref<!tpu.dma_semaphore, #tpu.memory_space<semaphore_mem>>) src(%dma_wait3A_1516 : memref<8x128xf32, #tpu.memory_space<vmem>>) dst(%dma_wait3A_1514 : memref<8x128xf32, #tpu.memory_space<hbm>>)
      %dma_wait3A_1517 = arith.constant 1 : i32
      %dma_wait3A_1518 = arith.constant 13 : i32
      %dma_wait3A_1519 = arith.constant 8 : i32
      %dma_wait3A_1520 = tpu.memref_slice %arg5[%dma_wait3A_1519, %multiple_of3A_519] : memref<32x4088xf32, #tpu.memory_space<vmem>> -> memref<8x128xf32, #tpu.memory_space<vmem>>
      %dma_wait3A_1521 = arith.constant 0 : i32
      %dma_wait3A_1522 = arith.constant 0 : i32
      %dma_wait3A_1523 = tpu.memref_slice %arg4[%add3A_20, %dma_wait3A_1517, %dma_wait3A_1518, %dma_wait3A_1521, %dma_wait3A_1522] : memref<2048x4x16x8x128xf32, #tpu.memory_space<hbm>> -> memref<1x1x1x8x128xf32, #tpu.memory_space<hbm>>
      %dma_wait3A_1524 = tpu.memref_squeeze %dma_wait3A_1523 : memref<1x1x1x8x128xf32, #tpu.memory_space<hbm>> -> memref<8x128xf32, #tpu.memory_space<hbm>>
      %dma_wait3A_1525 = arith.constant 0 : i32
      %dma_wait3A_1526 = arith.constant 0 : i32
      %dma_wait3A_1527 = tpu.memref_slice %arg4[%add3A_20, %dma_wait3A_1517, %dma_wait3A_1518, %dma_wait3A_1525, %dma_wait3A_1526] : memref<2048x4x16x8x128xf32, #tpu.memory_space<hbm>> -> memref<1x1x1x8x128xf32, #tpu.memory_space<hbm>>
      %dma_wait3A_1528 = tpu.memref_squeeze %dma_wait3A_1527 : memref<1x1x1x8x128xf32, #tpu.memory_space<hbm>> -> memref<8x128xf32, #tpu.memory_space<hbm>>
      %dma_wait3A_1529 = arith.constant 8 : i32
      %dma_wait3A_1530 = tpu.memref_slice %arg5[%dma_wait3A_1529, %multiple_of3A_519] : memref<32x4088xf32, #tpu.memory_space<vmem>> -> memref<8x128xf32, #tpu.memory_space<vmem>>
      tpu.wait_dma2 semaphore(%arg6 : memref<!tpu.dma_semaphore, #tpu.memory_space<semaphore_mem>>) src(%dma_wait3A_1530 : memref<8x128xf32, #tpu.memory_space<vmem>>) dst(%dma_wait3A_1528 : memref<8x128xf32, #tpu.memory_space<hbm>>)
      %dma_wait3A_1531 = arith.constant 1 : i32
      %dma_wait3A_1532 = arith.constant 14 : i32
      %dma_wait3A_1533 = arith.constant 8 : i32
      %dma_wait3A_1534 = tpu.memref_slice %arg5[%dma_wait3A_1533, %multiple_of3A_536] : memref<32x4088xf32, #tpu.memory_space<vmem>> -> memref<8x128xf32, #tpu.memory_space<vmem>>
      %dma_wait3A_1535 = arith.constant 0 : i32
      %dma_wait3A_1536 = arith.constant 0 : i32
      %dma_wait3A_1537 = tpu.memref_slice %arg4[%add3A_20, %dma_wait3A_1531, %dma_wait3A_1532, %dma_wait3A_1535, %dma_wait3A_1536] : memref<2048x4x16x8x128xf32, #tpu.memory_space<hbm>> -> memref<1x1x1x8x128xf32, #tpu.memory_space<hbm>>
      %dma_wait3A_1538 = tpu.memref_squeeze %dma_wait3A_1537 : memref<1x1x1x8x128xf32, #tpu.memory_space<hbm>> -> memref<8x128xf32, #tpu.memory_space<hbm>>
      %dma_wait3A_1539 = arith.constant 0 : i32
      %dma_wait3A_1540 = arith.constant 0 : i32
      %dma_wait3A_1541 = tpu.memref_slice %arg4[%add3A_20, %dma_wait3A_1531, %dma_wait3A_1532, %dma_wait3A_1539, %dma_wait3A_1540] : memref<2048x4x16x8x128xf32, #tpu.memory_space<hbm>> -> memref<1x1x1x8x128xf32, #tpu.memory_space<hbm>>
      %dma_wait3A_1542 = tpu.memref_squeeze %dma_wait3A_1541 : memref<1x1x1x8x128xf32, #tpu.memory_space<hbm>> -> memref<8x128xf32, #tpu.memory_space<hbm>>
      %dma_wait3A_1543 = arith.constant 8 : i32
      %dma_wait3A_1544 = tpu.memref_slice %arg5[%dma_wait3A_1543, %multiple_of3A_536] : memref<32x4088xf32, #tpu.memory_space<vmem>> -> memref<8x128xf32, #tpu.memory_space<vmem>>
      tpu.wait_dma2 semaphore(%arg6 : memref<!tpu.dma_semaphore, #tpu.memory_space<semaphore_mem>>) src(%dma_wait3A_1544 : memref<8x128xf32, #tpu.memory_space<vmem>>) dst(%dma_wait3A_1542 : memref<8x128xf32, #tpu.memory_space<hbm>>)
      %dma_wait3A_1545 = arith.constant 1 : i32
      %dma_wait3A_1546 = arith.constant 15 : i32
      %dma_wait3A_1547 = arith.constant 8 : i32
      %dma_wait3A_1548 = tpu.memref_slice %arg5[%dma_wait3A_1547, %multiple_of3A_553] : memref<32x4088xf32, #tpu.memory_space<vmem>> -> memref<8x128xf32, #tpu.memory_space<vmem>>
      %dma_wait3A_1549 = arith.constant 0 : i32
      %dma_wait3A_1550 = arith.constant 0 : i32
      %dma_wait3A_1551 = tpu.memref_slice %arg4[%add3A_20, %dma_wait3A_1545, %dma_wait3A_1546, %dma_wait3A_1549, %dma_wait3A_1550] : memref<2048x4x16x8x128xf32, #tpu.memory_space<hbm>> -> memref<1x1x1x8x128xf32, #tpu.memory_space<hbm>>
      %dma_wait3A_1552 = tpu.memref_squeeze %dma_wait3A_1551 : memref<1x1x1x8x128xf32, #tpu.memory_space<hbm>> -> memref<8x128xf32, #tpu.memory_space<hbm>>
      %dma_wait3A_1553 = arith.constant 0 : i32
      %dma_wait3A_1554 = arith.constant 0 : i32
      %dma_wait3A_1555 = tpu.memref_slice %arg4[%add3A_20, %dma_wait3A_1545, %dma_wait3A_1546, %dma_wait3A_1553, %dma_wait3A_1554] : memref<2048x4x16x8x128xf32, #tpu.memory_space<hbm>> -> memref<1x1x1x8x128xf32, #tpu.memory_space<hbm>>
      %dma_wait3A_1556 = tpu.memref_squeeze %dma_wait3A_1555 : memref<1x1x1x8x128xf32, #tpu.memory_space<hbm>> -> memref<8x128xf32, #tpu.memory_space<hbm>>
      %dma_wait3A_1557 = arith.constant 8 : i32
      %dma_wait3A_1558 = tpu.memref_slice %arg5[%dma_wait3A_1557, %multiple_of3A_553] : memref<32x4088xf32, #tpu.memory_space<vmem>> -> memref<8x128xf32, #tpu.memory_space<vmem>>
      tpu.wait_dma2 semaphore(%arg6 : memref<!tpu.dma_semaphore, #tpu.memory_space<semaphore_mem>>) src(%dma_wait3A_1558 : memref<8x128xf32, #tpu.memory_space<vmem>>) dst(%dma_wait3A_1556 : memref<8x128xf32, #tpu.memory_space<hbm>>)
      %dma_wait3A_1559 = arith.constant 2 : i32
      %dma_wait3A_1560 = arith.constant 0 : i32
      %dma_wait3A_1561 = arith.constant 16 : i32
      %dma_wait3A_1562 = tpu.memref_slice %arg5[%dma_wait3A_1561, %multiple_of3A_570] : memref<32x4088xf32, #tpu.memory_space<vmem>> -> memref<8x128xf32, #tpu.memory_space<vmem>>
      %dma_wait3A_1563 = arith.constant 0 : i32
      %dma_wait3A_1564 = arith.constant 0 : i32
      %dma_wait3A_1565 = tpu.memref_slice %arg4[%add3A_20, %dma_wait3A_1559, %dma_wait3A_1560, %dma_wait3A_1563, %dma_wait3A_1564] : memref<2048x4x16x8x128xf32, #tpu.memory_space<hbm>> -> memref<1x1x1x8x128xf32, #tpu.memory_space<hbm>>
      %dma_wait3A_1566 = tpu.memref_squeeze %dma_wait3A_1565 : memref<1x1x1x8x128xf32, #tpu.memory_space<hbm>> -> memref<8x128xf32, #tpu.memory_space<hbm>>
      %dma_wait3A_1567 = arith.constant 0 : i32
      %dma_wait3A_1568 = arith.constant 0 : i32
      %dma_wait3A_1569 = tpu.memref_slice %arg4[%add3A_20, %dma_wait3A_1559, %dma_wait3A_1560, %dma_wait3A_1567, %dma_wait3A_1568] : memref<2048x4x16x8x128xf32, #tpu.memory_space<hbm>> -> memref<1x1x1x8x128xf32, #tpu.memory_space<hbm>>
      %dma_wait3A_1570 = tpu.memref_squeeze %dma_wait3A_1569 : memref<1x1x1x8x128xf32, #tpu.memory_space<hbm>> -> memref<8x128xf32, #tpu.memory_space<hbm>>
      %dma_wait3A_1571 = arith.constant 16 : i32
      %dma_wait3A_1572 = tpu.memref_slice %arg5[%dma_wait3A_1571, %multiple_of3A_570] : memref<32x4088xf32, #tpu.memory_space<vmem>> -> memref<8x128xf32, #tpu.memory_space<vmem>>
      tpu.wait_dma2 semaphore(%arg6 : memref<!tpu.dma_semaphore, #tpu.memory_space<semaphore_mem>>) src(%dma_wait3A_1572 : memref<8x128xf32, #tpu.memory_space<vmem>>) dst(%dma_wait3A_1570 : memref<8x128xf32, #tpu.memory_space<hbm>>)
      %dma_wait3A_1573 = arith.constant 2 : i32
      %dma_wait3A_1574 = arith.constant 1 : i32
      %dma_wait3A_1575 = arith.constant 16 : i32
      %dma_wait3A_1576 = tpu.memref_slice %arg5[%dma_wait3A_1575, %multiple_of3A_587] : memref<32x4088xf32, #tpu.memory_space<vmem>> -> memref<8x128xf32, #tpu.memory_space<vmem>>
      %dma_wait3A_1577 = arith.constant 0 : i32
      %dma_wait3A_1578 = arith.constant 0 : i32
      %dma_wait3A_1579 = tpu.memref_slice %arg4[%add3A_20, %dma_wait3A_1573, %dma_wait3A_1574, %dma_wait3A_1577, %dma_wait3A_1578] : memref<2048x4x16x8x128xf32, #tpu.memory_space<hbm>> -> memref<1x1x1x8x128xf32, #tpu.memory_space<hbm>>
      %dma_wait3A_1580 = tpu.memref_squeeze %dma_wait3A_1579 : memref<1x1x1x8x128xf32, #tpu.memory_space<hbm>> -> memref<8x128xf32, #tpu.memory_space<hbm>>
      %dma_wait3A_1581 = arith.constant 0 : i32
      %dma_wait3A_1582 = arith.constant 0 : i32
      %dma_wait3A_1583 = tpu.memref_slice %arg4[%add3A_20, %dma_wait3A_1573, %dma_wait3A_1574, %dma_wait3A_1581, %dma_wait3A_1582] : memref<2048x4x16x8x128xf32, #tpu.memory_space<hbm>> -> memref<1x1x1x8x128xf32, #tpu.memory_space<hbm>>
      %dma_wait3A_1584 = tpu.memref_squeeze %dma_wait3A_1583 : memref<1x1x1x8x128xf32, #tpu.memory_space<hbm>> -> memref<8x128xf32, #tpu.memory_space<hbm>>
      %dma_wait3A_1585 = arith.constant 16 : i32
      %dma_wait3A_1586 = tpu.memref_slice %arg5[%dma_wait3A_1585, %multiple_of3A_587] : memref<32x4088xf32, #tpu.memory_space<vmem>> -> memref<8x128xf32, #tpu.memory_space<vmem>>
      tpu.wait_dma2 semaphore(%arg6 : memref<!tpu.dma_semaphore, #tpu.memory_space<semaphore_mem>>) src(%dma_wait3A_1586 : memref<8x128xf32, #tpu.memory_space<vmem>>) dst(%dma_wait3A_1584 : memref<8x128xf32, #tpu.memory_space<hbm>>)
      %dma_wait3A_1587 = arith.constant 2 : i32
      %dma_wait3A_1588 = arith.constant 2 : i32
      %dma_wait3A_1589 = arith.constant 16 : i32
      %dma_wait3A_1590 = tpu.memref_slice %arg5[%dma_wait3A_1589, %multiple_of3A_604] : memref<32x4088xf32, #tpu.memory_space<vmem>> -> memref<8x128xf32, #tpu.memory_space<vmem>>
      %dma_wait3A_1591 = arith.constant 0 : i32
      %dma_wait3A_1592 = arith.constant 0 : i32
      %dma_wait3A_1593 = tpu.memref_slice %arg4[%add3A_20, %dma_wait3A_1587, %dma_wait3A_1588, %dma_wait3A_1591, %dma_wait3A_1592] : memref<2048x4x16x8x128xf32, #tpu.memory_space<hbm>> -> memref<1x1x1x8x128xf32, #tpu.memory_space<hbm>>
      %dma_wait3A_1594 = tpu.memref_squeeze %dma_wait3A_1593 : memref<1x1x1x8x128xf32, #tpu.memory_space<hbm>> -> memref<8x128xf32, #tpu.memory_space<hbm>>
      %dma_wait3A_1595 = arith.constant 0 : i32
      %dma_wait3A_1596 = arith.constant 0 : i32
      %dma_wait3A_1597 = tpu.memref_slice %arg4[%add3A_20, %dma_wait3A_1587, %dma_wait3A_1588, %dma_wait3A_1595, %dma_wait3A_1596] : memref<2048x4x16x8x128xf32, #tpu.memory_space<hbm>> -> memref<1x1x1x8x128xf32, #tpu.memory_space<hbm>>
      %dma_wait3A_1598 = tpu.memref_squeeze %dma_wait3A_1597 : memref<1x1x1x8x128xf32, #tpu.memory_space<hbm>> -> memref<8x128xf32, #tpu.memory_space<hbm>>
      %dma_wait3A_1599 = arith.constant 16 : i32
      %dma_wait3A_1600 = tpu.memref_slice %arg5[%dma_wait3A_1599, %multiple_of3A_604] : memref<32x4088xf32, #tpu.memory_space<vmem>> -> memref<8x128xf32, #tpu.memory_space<vmem>>
      tpu.wait_dma2 semaphore(%arg6 : memref<!tpu.dma_semaphore, #tpu.memory_space<semaphore_mem>>) src(%dma_wait3A_1600 : memref<8x128xf32, #tpu.memory_space<vmem>>) dst(%dma_wait3A_1598 : memref<8x128xf32, #tpu.memory_space<hbm>>)
      %dma_wait3A_1601 = arith.constant 2 : i32
      %dma_wait3A_1602 = arith.constant 3 : i32
      %dma_wait3A_1603 = arith.constant 16 : i32
      %dma_wait3A_1604 = tpu.memref_slice %arg5[%dma_wait3A_1603, %multiple_of3A_621] : memref<32x4088xf32, #tpu.memory_space<vmem>> -> memref<8x128xf32, #tpu.memory_space<vmem>>
      %dma_wait3A_1605 = arith.constant 0 : i32
      %dma_wait3A_1606 = arith.constant 0 : i32
      %dma_wait3A_1607 = tpu.memref_slice %arg4[%add3A_20, %dma_wait3A_1601, %dma_wait3A_1602, %dma_wait3A_1605, %dma_wait3A_1606] : memref<2048x4x16x8x128xf32, #tpu.memory_space<hbm>> -> memref<1x1x1x8x128xf32, #tpu.memory_space<hbm>>
      %dma_wait3A_1608 = tpu.memref_squeeze %dma_wait3A_1607 : memref<1x1x1x8x128xf32, #tpu.memory_space<hbm>> -> memref<8x128xf32, #tpu.memory_space<hbm>>
      %dma_wait3A_1609 = arith.constant 0 : i32
      %dma_wait3A_1610 = arith.constant 0 : i32
      %dma_wait3A_1611 = tpu.memref_slice %arg4[%add3A_20, %dma_wait3A_1601, %dma_wait3A_1602, %dma_wait3A_1609, %dma_wait3A_1610] : memref<2048x4x16x8x128xf32, #tpu.memory_space<hbm>> -> memref<1x1x1x8x128xf32, #tpu.memory_space<hbm>>
      %dma_wait3A_1612 = tpu.memref_squeeze %dma_wait3A_1611 : memref<1x1x1x8x128xf32, #tpu.memory_space<hbm>> -> memref<8x128xf32, #tpu.memory_space<hbm>>
      %dma_wait3A_1613 = arith.constant 16 : i32
      %dma_wait3A_1614 = tpu.memref_slice %arg5[%dma_wait3A_1613, %multiple_of3A_621] : memref<32x4088xf32, #tpu.memory_space<vmem>> -> memref<8x128xf32, #tpu.memory_space<vmem>>
      tpu.wait_dma2 semaphore(%arg6 : memref<!tpu.dma_semaphore, #tpu.memory_space<semaphore_mem>>) src(%dma_wait3A_1614 : memref<8x128xf32, #tpu.memory_space<vmem>>) dst(%dma_wait3A_1612 : memref<8x128xf32, #tpu.memory_space<hbm>>)
      %dma_wait3A_1615 = arith.constant 2 : i32
      %dma_wait3A_1616 = arith.constant 4 : i32
      %dma_wait3A_1617 = arith.constant 16 : i32
      %dma_wait3A_1618 = tpu.memref_slice %arg5[%dma_wait3A_1617, %multiple_of3A_638] : memref<32x4088xf32, #tpu.memory_space<vmem>> -> memref<8x128xf32, #tpu.memory_space<vmem>>
      %dma_wait3A_1619 = arith.constant 0 : i32
      %dma_wait3A_1620 = arith.constant 0 : i32
      %dma_wait3A_1621 = tpu.memref_slice %arg4[%add3A_20, %dma_wait3A_1615, %dma_wait3A_1616, %dma_wait3A_1619, %dma_wait3A_1620] : memref<2048x4x16x8x128xf32, #tpu.memory_space<hbm>> -> memref<1x1x1x8x128xf32, #tpu.memory_space<hbm>>
      %dma_wait3A_1622 = tpu.memref_squeeze %dma_wait3A_1621 : memref<1x1x1x8x128xf32, #tpu.memory_space<hbm>> -> memref<8x128xf32, #tpu.memory_space<hbm>>
      %dma_wait3A_1623 = arith.constant 0 : i32
      %dma_wait3A_1624 = arith.constant 0 : i32
      %dma_wait3A_1625 = tpu.memref_slice %arg4[%add3A_20, %dma_wait3A_1615, %dma_wait3A_1616, %dma_wait3A_1623, %dma_wait3A_1624] : memref<2048x4x16x8x128xf32, #tpu.memory_space<hbm>> -> memref<1x1x1x8x128xf32, #tpu.memory_space<hbm>>
      %dma_wait3A_1626 = tpu.memref_squeeze %dma_wait3A_1625 : memref<1x1x1x8x128xf32, #tpu.memory_space<hbm>> -> memref<8x128xf32, #tpu.memory_space<hbm>>
      %dma_wait3A_1627 = arith.constant 16 : i32
      %dma_wait3A_1628 = tpu.memref_slice %arg5[%dma_wait3A_1627, %multiple_of3A_638] : memref<32x4088xf32, #tpu.memory_space<vmem>> -> memref<8x128xf32, #tpu.memory_space<vmem>>
      tpu.wait_dma2 semaphore(%arg6 : memref<!tpu.dma_semaphore, #tpu.memory_space<semaphore_mem>>) src(%dma_wait3A_1628 : memref<8x128xf32, #tpu.memory_space<vmem>>) dst(%dma_wait3A_1626 : memref<8x128xf32, #tpu.memory_space<hbm>>)
      %dma_wait3A_1629 = arith.constant 2 : i32
      %dma_wait3A_1630 = arith.constant 5 : i32
      %dma_wait3A_1631 = arith.constant 16 : i32
      %dma_wait3A_1632 = tpu.memref_slice %arg5[%dma_wait3A_1631, %multiple_of3A_655] : memref<32x4088xf32, #tpu.memory_space<vmem>> -> memref<8x128xf32, #tpu.memory_space<vmem>>
      %dma_wait3A_1633 = arith.constant 0 : i32
      %dma_wait3A_1634 = arith.constant 0 : i32
      %dma_wait3A_1635 = tpu.memref_slice %arg4[%add3A_20, %dma_wait3A_1629, %dma_wait3A_1630, %dma_wait3A_1633, %dma_wait3A_1634] : memref<2048x4x16x8x128xf32, #tpu.memory_space<hbm>> -> memref<1x1x1x8x128xf32, #tpu.memory_space<hbm>>
      %dma_wait3A_1636 = tpu.memref_squeeze %dma_wait3A_1635 : memref<1x1x1x8x128xf32, #tpu.memory_space<hbm>> -> memref<8x128xf32, #tpu.memory_space<hbm>>
      %dma_wait3A_1637 = arith.constant 0 : i32
      %dma_wait3A_1638 = arith.constant 0 : i32
      %dma_wait3A_1639 = tpu.memref_slice %arg4[%add3A_20, %dma_wait3A_1629, %dma_wait3A_1630, %dma_wait3A_1637, %dma_wait3A_1638] : memref<2048x4x16x8x128xf32, #tpu.memory_space<hbm>> -> memref<1x1x1x8x128xf32, #tpu.memory_space<hbm>>
      %dma_wait3A_1640 = tpu.memref_squeeze %dma_wait3A_1639 : memref<1x1x1x8x128xf32, #tpu.memory_space<hbm>> -> memref<8x128xf32, #tpu.memory_space<hbm>>
      %dma_wait3A_1641 = arith.constant 16 : i32
      %dma_wait3A_1642 = tpu.memref_slice %arg5[%dma_wait3A_1641, %multiple_of3A_655] : memref<32x4088xf32, #tpu.memory_space<vmem>> -> memref<8x128xf32, #tpu.memory_space<vmem>>
      tpu.wait_dma2 semaphore(%arg6 : memref<!tpu.dma_semaphore, #tpu.memory_space<semaphore_mem>>) src(%dma_wait3A_1642 : memref<8x128xf32, #tpu.memory_space<vmem>>) dst(%dma_wait3A_1640 : memref<8x128xf32, #tpu.memory_space<hbm>>)
      %dma_wait3A_1643 = arith.constant 2 : i32
      %dma_wait3A_1644 = arith.constant 6 : i32
      %dma_wait3A_1645 = arith.constant 16 : i32
      %dma_wait3A_1646 = tpu.memref_slice %arg5[%dma_wait3A_1645, %multiple_of3A_672] : memref<32x4088xf32, #tpu.memory_space<vmem>> -> memref<8x128xf32, #tpu.memory_space<vmem>>
      %dma_wait3A_1647 = arith.constant 0 : i32
      %dma_wait3A_1648 = arith.constant 0 : i32
      %dma_wait3A_1649 = tpu.memref_slice %arg4[%add3A_20, %dma_wait3A_1643, %dma_wait3A_1644, %dma_wait3A_1647, %dma_wait3A_1648] : memref<2048x4x16x8x128xf32, #tpu.memory_space<hbm>> -> memref<1x1x1x8x128xf32, #tpu.memory_space<hbm>>
      %dma_wait3A_1650 = tpu.memref_squeeze %dma_wait3A_1649 : memref<1x1x1x8x128xf32, #tpu.memory_space<hbm>> -> memref<8x128xf32, #tpu.memory_space<hbm>>
      %dma_wait3A_1651 = arith.constant 0 : i32
      %dma_wait3A_1652 = arith.constant 0 : i32
      %dma_wait3A_1653 = tpu.memref_slice %arg4[%add3A_20, %dma_wait3A_1643, %dma_wait3A_1644, %dma_wait3A_1651, %dma_wait3A_1652] : memref<2048x4x16x8x128xf32, #tpu.memory_space<hbm>> -> memref<1x1x1x8x128xf32, #tpu.memory_space<hbm>>
      %dma_wait3A_1654 = tpu.memref_squeeze %dma_wait3A_1653 : memref<1x1x1x8x128xf32, #tpu.memory_space<hbm>> -> memref<8x128xf32, #tpu.memory_space<hbm>>
      %dma_wait3A_1655 = arith.constant 16 : i32
      %dma_wait3A_1656 = tpu.memref_slice %arg5[%dma_wait3A_1655, %multiple_of3A_672] : memref<32x4088xf32, #tpu.memory_space<vmem>> -> memref<8x128xf32, #tpu.memory_space<vmem>>
      tpu.wait_dma2 semaphore(%arg6 : memref<!tpu.dma_semaphore, #tpu.memory_space<semaphore_mem>>) src(%dma_wait3A_1656 : memref<8x128xf32, #tpu.memory_space<vmem>>) dst(%dma_wait3A_1654 : memref<8x128xf32, #tpu.memory_space<hbm>>)
      %dma_wait3A_1657 = arith.constant 2 : i32
      %dma_wait3A_1658 = arith.constant 7 : i32
      %dma_wait3A_1659 = arith.constant 16 : i32
      %dma_wait3A_1660 = tpu.memref_slice %arg5[%dma_wait3A_1659, %multiple_of3A_689] : memref<32x4088xf32, #tpu.memory_space<vmem>> -> memref<8x128xf32, #tpu.memory_space<vmem>>
      %dma_wait3A_1661 = arith.constant 0 : i32
      %dma_wait3A_1662 = arith.constant 0 : i32
      %dma_wait3A_1663 = tpu.memref_slice %arg4[%add3A_20, %dma_wait3A_1657, %dma_wait3A_1658, %dma_wait3A_1661, %dma_wait3A_1662] : memref<2048x4x16x8x128xf32, #tpu.memory_space<hbm>> -> memref<1x1x1x8x128xf32, #tpu.memory_space<hbm>>
      %dma_wait3A_1664 = tpu.memref_squeeze %dma_wait3A_1663 : memref<1x1x1x8x128xf32, #tpu.memory_space<hbm>> -> memref<8x128xf32, #tpu.memory_space<hbm>>
      %dma_wait3A_1665 = arith.constant 0 : i32
      %dma_wait3A_1666 = arith.constant 0 : i32
      %dma_wait3A_1667 = tpu.memref_slice %arg4[%add3A_20, %dma_wait3A_1657, %dma_wait3A_1658, %dma_wait3A_1665, %dma_wait3A_1666] : memref<2048x4x16x8x128xf32, #tpu.memory_space<hbm>> -> memref<1x1x1x8x128xf32, #tpu.memory_space<hbm>>
      %dma_wait3A_1668 = tpu.memref_squeeze %dma_wait3A_1667 : memref<1x1x1x8x128xf32, #tpu.memory_space<hbm>> -> memref<8x128xf32, #tpu.memory_space<hbm>>
      %dma_wait3A_1669 = arith.constant 16 : i32
      %dma_wait3A_1670 = tpu.memref_slice %arg5[%dma_wait3A_1669, %multiple_of3A_689] : memref<32x4088xf32, #tpu.memory_space<vmem>> -> memref<8x128xf32, #tpu.memory_space<vmem>>
      tpu.wait_dma2 semaphore(%arg6 : memref<!tpu.dma_semaphore, #tpu.memory_space<semaphore_mem>>) src(%dma_wait3A_1670 : memref<8x128xf32, #tpu.memory_space<vmem>>) dst(%dma_wait3A_1668 : memref<8x128xf32, #tpu.memory_space<hbm>>)
      %dma_wait3A_1671 = arith.constant 2 : i32
      %dma_wait3A_1672 = arith.constant 8 : i32
      %dma_wait3A_1673 = arith.constant 16 : i32
      %dma_wait3A_1674 = tpu.memref_slice %arg5[%dma_wait3A_1673, %multiple_of3A_706] : memref<32x4088xf32, #tpu.memory_space<vmem>> -> memref<8x128xf32, #tpu.memory_space<vmem>>
      %dma_wait3A_1675 = arith.constant 0 : i32
      %dma_wait3A_1676 = arith.constant 0 : i32
      %dma_wait3A_1677 = tpu.memref_slice %arg4[%add3A_20, %dma_wait3A_1671, %dma_wait3A_1672, %dma_wait3A_1675, %dma_wait3A_1676] : memref<2048x4x16x8x128xf32, #tpu.memory_space<hbm>> -> memref<1x1x1x8x128xf32, #tpu.memory_space<hbm>>
      %dma_wait3A_1678 = tpu.memref_squeeze %dma_wait3A_1677 : memref<1x1x1x8x128xf32, #tpu.memory_space<hbm>> -> memref<8x128xf32, #tpu.memory_space<hbm>>
      %dma_wait3A_1679 = arith.constant 0 : i32
      %dma_wait3A_1680 = arith.constant 0 : i32
      %dma_wait3A_1681 = tpu.memref_slice %arg4[%add3A_20, %dma_wait3A_1671, %dma_wait3A_1672, %dma_wait3A_1679, %dma_wait3A_1680] : memref<2048x4x16x8x128xf32, #tpu.memory_space<hbm>> -> memref<1x1x1x8x128xf32, #tpu.memory_space<hbm>>
      %dma_wait3A_1682 = tpu.memref_squeeze %dma_wait3A_1681 : memref<1x1x1x8x128xf32, #tpu.memory_space<hbm>> -> memref<8x128xf32, #tpu.memory_space<hbm>>
      %dma_wait3A_1683 = arith.constant 16 : i32
      %dma_wait3A_1684 = tpu.memref_slice %arg5[%dma_wait3A_1683, %multiple_of3A_706] : memref<32x4088xf32, #tpu.memory_space<vmem>> -> memref<8x128xf32, #tpu.memory_space<vmem>>
      tpu.wait_dma2 semaphore(%arg6 : memref<!tpu.dma_semaphore, #tpu.memory_space<semaphore_mem>>) src(%dma_wait3A_1684 : memref<8x128xf32, #tpu.memory_space<vmem>>) dst(%dma_wait3A_1682 : memref<8x128xf32, #tpu.memory_space<hbm>>)
      %dma_wait3A_1685 = arith.constant 2 : i32
      %dma_wait3A_1686 = arith.constant 9 : i32
      %dma_wait3A_1687 = arith.constant 16 : i32
      %dma_wait3A_1688 = tpu.memref_slice %arg5[%dma_wait3A_1687, %multiple_of3A_723] : memref<32x4088xf32, #tpu.memory_space<vmem>> -> memref<8x128xf32, #tpu.memory_space<vmem>>
      %dma_wait3A_1689 = arith.constant 0 : i32
      %dma_wait3A_1690 = arith.constant 0 : i32
      %dma_wait3A_1691 = tpu.memref_slice %arg4[%add3A_20, %dma_wait3A_1685, %dma_wait3A_1686, %dma_wait3A_1689, %dma_wait3A_1690] : memref<2048x4x16x8x128xf32, #tpu.memory_space<hbm>> -> memref<1x1x1x8x128xf32, #tpu.memory_space<hbm>>
      %dma_wait3A_1692 = tpu.memref_squeeze %dma_wait3A_1691 : memref<1x1x1x8x128xf32, #tpu.memory_space<hbm>> -> memref<8x128xf32, #tpu.memory_space<hbm>>
      %dma_wait3A_1693 = arith.constant 0 : i32
      %dma_wait3A_1694 = arith.constant 0 : i32
      %dma_wait3A_1695 = tpu.memref_slice %arg4[%add3A_20, %dma_wait3A_1685, %dma_wait3A_1686, %dma_wait3A_1693, %dma_wait3A_1694] : memref<2048x4x16x8x128xf32, #tpu.memory_space<hbm>> -> memref<1x1x1x8x128xf32, #tpu.memory_space<hbm>>
      %dma_wait3A_1696 = tpu.memref_squeeze %dma_wait3A_1695 : memref<1x1x1x8x128xf32, #tpu.memory_space<hbm>> -> memref<8x128xf32, #tpu.memory_space<hbm>>
      %dma_wait3A_1697 = arith.constant 16 : i32
      %dma_wait3A_1698 = tpu.memref_slice %arg5[%dma_wait3A_1697, %multiple_of3A_723] : memref<32x4088xf32, #tpu.memory_space<vmem>> -> memref<8x128xf32, #tpu.memory_space<vmem>>
      tpu.wait_dma2 semaphore(%arg6 : memref<!tpu.dma_semaphore, #tpu.memory_space<semaphore_mem>>) src(%dma_wait3A_1698 : memref<8x128xf32, #tpu.memory_space<vmem>>) dst(%dma_wait3A_1696 : memref<8x128xf32, #tpu.memory_space<hbm>>)
      %dma_wait3A_1699 = arith.constant 2 : i32
      %dma_wait3A_1700 = arith.constant 10 : i32
      %dma_wait3A_1701 = arith.constant 16 : i32
      %dma_wait3A_1702 = tpu.memref_slice %arg5[%dma_wait3A_1701, %multiple_of3A_740] : memref<32x4088xf32, #tpu.memory_space<vmem>> -> memref<8x128xf32, #tpu.memory_space<vmem>>
      %dma_wait3A_1703 = arith.constant 0 : i32
      %dma_wait3A_1704 = arith.constant 0 : i32
      %dma_wait3A_1705 = tpu.memref_slice %arg4[%add3A_20, %dma_wait3A_1699, %dma_wait3A_1700, %dma_wait3A_1703, %dma_wait3A_1704] : memref<2048x4x16x8x128xf32, #tpu.memory_space<hbm>> -> memref<1x1x1x8x128xf32, #tpu.memory_space<hbm>>
      %dma_wait3A_1706 = tpu.memref_squeeze %dma_wait3A_1705 : memref<1x1x1x8x128xf32, #tpu.memory_space<hbm>> -> memref<8x128xf32, #tpu.memory_space<hbm>>
      %dma_wait3A_1707 = arith.constant 0 : i32
      %dma_wait3A_1708 = arith.constant 0 : i32
      %dma_wait3A_1709 = tpu.memref_slice %arg4[%add3A_20, %dma_wait3A_1699, %dma_wait3A_1700, %dma_wait3A_1707, %dma_wait3A_1708] : memref<2048x4x16x8x128xf32, #tpu.memory_space<hbm>> -> memref<1x1x1x8x128xf32, #tpu.memory_space<hbm>>
      %dma_wait3A_1710 = tpu.memref_squeeze %dma_wait3A_1709 : memref<1x1x1x8x128xf32, #tpu.memory_space<hbm>> -> memref<8x128xf32, #tpu.memory_space<hbm>>
      %dma_wait3A_1711 = arith.constant 16 : i32
      %dma_wait3A_1712 = tpu.memref_slice %arg5[%dma_wait3A_1711, %multiple_of3A_740] : memref<32x4088xf32, #tpu.memory_space<vmem>> -> memref<8x128xf32, #tpu.memory_space<vmem>>
      tpu.wait_dma2 semaphore(%arg6 : memref<!tpu.dma_semaphore, #tpu.memory_space<semaphore_mem>>) src(%dma_wait3A_1712 : memref<8x128xf32, #tpu.memory_space<vmem>>) dst(%dma_wait3A_1710 : memref<8x128xf32, #tpu.memory_space<hbm>>)
      %dma_wait3A_1713 = arith.constant 2 : i32
      %dma_wait3A_1714 = arith.constant 11 : i32
      %dma_wait3A_1715 = arith.constant 16 : i32
      %dma_wait3A_1716 = tpu.memref_slice %arg5[%dma_wait3A_1715, %multiple_of3A_757] : memref<32x4088xf32, #tpu.memory_space<vmem>> -> memref<8x128xf32, #tpu.memory_space<vmem>>
      %dma_wait3A_1717 = arith.constant 0 : i32
      %dma_wait3A_1718 = arith.constant 0 : i32
      %dma_wait3A_1719 = tpu.memref_slice %arg4[%add3A_20, %dma_wait3A_1713, %dma_wait3A_1714, %dma_wait3A_1717, %dma_wait3A_1718] : memref<2048x4x16x8x128xf32, #tpu.memory_space<hbm>> -> memref<1x1x1x8x128xf32, #tpu.memory_space<hbm>>
      %dma_wait3A_1720 = tpu.memref_squeeze %dma_wait3A_1719 : memref<1x1x1x8x128xf32, #tpu.memory_space<hbm>> -> memref<8x128xf32, #tpu.memory_space<hbm>>
      %dma_wait3A_1721 = arith.constant 0 : i32
      %dma_wait3A_1722 = arith.constant 0 : i32
      %dma_wait3A_1723 = tpu.memref_slice %arg4[%add3A_20, %dma_wait3A_1713, %dma_wait3A_1714, %dma_wait3A_1721, %dma_wait3A_1722] : memref<2048x4x16x8x128xf32, #tpu.memory_space<hbm>> -> memref<1x1x1x8x128xf32, #tpu.memory_space<hbm>>
      %dma_wait3A_1724 = tpu.memref_squeeze %dma_wait3A_1723 : memref<1x1x1x8x128xf32, #tpu.memory_space<hbm>> -> memref<8x128xf32, #tpu.memory_space<hbm>>
      %dma_wait3A_1725 = arith.constant 16 : i32
      %dma_wait3A_1726 = tpu.memref_slice %arg5[%dma_wait3A_1725, %multiple_of3A_757] : memref<32x4088xf32, #tpu.memory_space<vmem>> -> memref<8x128xf32, #tpu.memory_space<vmem>>
      tpu.wait_dma2 semaphore(%arg6 : memref<!tpu.dma_semaphore, #tpu.memory_space<semaphore_mem>>) src(%dma_wait3A_1726 : memref<8x128xf32, #tpu.memory_space<vmem>>) dst(%dma_wait3A_1724 : memref<8x128xf32, #tpu.memory_space<hbm>>)
      %dma_wait3A_1727 = arith.constant 2 : i32
      %dma_wait3A_1728 = arith.constant 12 : i32
      %dma_wait3A_1729 = arith.constant 16 : i32
      %dma_wait3A_1730 = tpu.memref_slice %arg5[%dma_wait3A_1729, %multiple_of3A_774] : memref<32x4088xf32, #tpu.memory_space<vmem>> -> memref<8x128xf32, #tpu.memory_space<vmem>>
      %dma_wait3A_1731 = arith.constant 0 : i32
      %dma_wait3A_1732 = arith.constant 0 : i32
      %dma_wait3A_1733 = tpu.memref_slice %arg4[%add3A_20, %dma_wait3A_1727, %dma_wait3A_1728, %dma_wait3A_1731, %dma_wait3A_1732] : memref<2048x4x16x8x128xf32, #tpu.memory_space<hbm>> -> memref<1x1x1x8x128xf32, #tpu.memory_space<hbm>>
      %dma_wait3A_1734 = tpu.memref_squeeze %dma_wait3A_1733 : memref<1x1x1x8x128xf32, #tpu.memory_space<hbm>> -> memref<8x128xf32, #tpu.memory_space<hbm>>
      %dma_wait3A_1735 = arith.constant 0 : i32
      %dma_wait3A_1736 = arith.constant 0 : i32
      %dma_wait3A_1737 = tpu.memref_slice %arg4[%add3A_20, %dma_wait3A_1727, %dma_wait3A_1728, %dma_wait3A_1735, %dma_wait3A_1736] : memref<2048x4x16x8x128xf32, #tpu.memory_space<hbm>> -> memref<1x1x1x8x128xf32, #tpu.memory_space<hbm>>
      %dma_wait3A_1738 = tpu.memref_squeeze %dma_wait3A_1737 : memref<1x1x1x8x128xf32, #tpu.memory_space<hbm>> -> memref<8x128xf32, #tpu.memory_space<hbm>>
      %dma_wait3A_1739 = arith.constant 16 : i32
      %dma_wait3A_1740 = tpu.memref_slice %arg5[%dma_wait3A_1739, %multiple_of3A_774] : memref<32x4088xf32, #tpu.memory_space<vmem>> -> memref<8x128xf32, #tpu.memory_space<vmem>>
      tpu.wait_dma2 semaphore(%arg6 : memref<!tpu.dma_semaphore, #tpu.memory_space<semaphore_mem>>) src(%dma_wait3A_1740 : memref<8x128xf32, #tpu.memory_space<vmem>>) dst(%dma_wait3A_1738 : memref<8x128xf32, #tpu.memory_space<hbm>>)
      %dma_wait3A_1741 = arith.constant 2 : i32
      %dma_wait3A_1742 = arith.constant 13 : i32
      %dma_wait3A_1743 = arith.constant 16 : i32
      %dma_wait3A_1744 = tpu.memref_slice %arg5[%dma_wait3A_1743, %multiple_of3A_791] : memref<32x4088xf32, #tpu.memory_space<vmem>> -> memref<8x128xf32, #tpu.memory_space<vmem>>
      %dma_wait3A_1745 = arith.constant 0 : i32
      %dma_wait3A_1746 = arith.constant 0 : i32
      %dma_wait3A_1747 = tpu.memref_slice %arg4[%add3A_20, %dma_wait3A_1741, %dma_wait3A_1742, %dma_wait3A_1745, %dma_wait3A_1746] : memref<2048x4x16x8x128xf32, #tpu.memory_space<hbm>> -> memref<1x1x1x8x128xf32, #tpu.memory_space<hbm>>
      %dma_wait3A_1748 = tpu.memref_squeeze %dma_wait3A_1747 : memref<1x1x1x8x128xf32, #tpu.memory_space<hbm>> -> memref<8x128xf32, #tpu.memory_space<hbm>>
      %dma_wait3A_1749 = arith.constant 0 : i32
      %dma_wait3A_1750 = arith.constant 0 : i32
      %dma_wait3A_1751 = tpu.memref_slice %arg4[%add3A_20, %dma_wait3A_1741, %dma_wait3A_1742, %dma_wait3A_1749, %dma_wait3A_1750] : memref<2048x4x16x8x128xf32, #tpu.memory_space<hbm>> -> memref<1x1x1x8x128xf32, #tpu.memory_space<hbm>>
      %dma_wait3A_1752 = tpu.memref_squeeze %dma_wait3A_1751 : memref<1x1x1x8x128xf32, #tpu.memory_space<hbm>> -> memref<8x128xf32, #tpu.memory_space<hbm>>
      %dma_wait3A_1753 = arith.constant 16 : i32
      %dma_wait3A_1754 = tpu.memref_slice %arg5[%dma_wait3A_1753, %multiple_of3A_791] : memref<32x4088xf32, #tpu.memory_space<vmem>> -> memref<8x128xf32, #tpu.memory_space<vmem>>
      tpu.wait_dma2 semaphore(%arg6 : memref<!tpu.dma_semaphore, #tpu.memory_space<semaphore_mem>>) src(%dma_wait3A_1754 : memref<8x128xf32, #tpu.memory_space<vmem>>) dst(%dma_wait3A_1752 : memref<8x128xf32, #tpu.memory_space<hbm>>)
      %dma_wait3A_1755 = arith.constant 2 : i32
      %dma_wait3A_1756 = arith.constant 14 : i32
      %dma_wait3A_1757 = arith.constant 16 : i32
      %dma_wait3A_1758 = tpu.memref_slice %arg5[%dma_wait3A_1757, %multiple_of3A_808] : memref<32x4088xf32, #tpu.memory_space<vmem>> -> memref<8x128xf32, #tpu.memory_space<vmem>>
      %dma_wait3A_1759 = arith.constant 0 : i32
      %dma_wait3A_1760 = arith.constant 0 : i32
      %dma_wait3A_1761 = tpu.memref_slice %arg4[%add3A_20, %dma_wait3A_1755, %dma_wait3A_1756, %dma_wait3A_1759, %dma_wait3A_1760] : memref<2048x4x16x8x128xf32, #tpu.memory_space<hbm>> -> memref<1x1x1x8x128xf32, #tpu.memory_space<hbm>>
      %dma_wait3A_1762 = tpu.memref_squeeze %dma_wait3A_1761 : memref<1x1x1x8x128xf32, #tpu.memory_space<hbm>> -> memref<8x128xf32, #tpu.memory_space<hbm>>
      %dma_wait3A_1763 = arith.constant 0 : i32
      %dma_wait3A_1764 = arith.constant 0 : i32
      %dma_wait3A_1765 = tpu.memref_slice %arg4[%add3A_20, %dma_wait3A_1755, %dma_wait3A_1756, %dma_wait3A_1763, %dma_wait3A_1764] : memref<2048x4x16x8x128xf32, #tpu.memory_space<hbm>> -> memref<1x1x1x8x128xf32, #tpu.memory_space<hbm>>
      %dma_wait3A_1766 = tpu.memref_squeeze %dma_wait3A_1765 : memref<1x1x1x8x128xf32, #tpu.memory_space<hbm>> -> memref<8x128xf32, #tpu.memory_space<hbm>>
      %dma_wait3A_1767 = arith.constant 16 : i32
      %dma_wait3A_1768 = tpu.memref_slice %arg5[%dma_wait3A_1767, %multiple_of3A_808] : memref<32x4088xf32, #tpu.memory_space<vmem>> -> memref<8x128xf32, #tpu.memory_space<vmem>>
      tpu.wait_dma2 semaphore(%arg6 : memref<!tpu.dma_semaphore, #tpu.memory_space<semaphore_mem>>) src(%dma_wait3A_1768 : memref<8x128xf32, #tpu.memory_space<vmem>>) dst(%dma_wait3A_1766 : memref<8x128xf32, #tpu.memory_space<hbm>>)
      %dma_wait3A_1769 = arith.constant 2 : i32
      %dma_wait3A_1770 = arith.constant 15 : i32
      %dma_wait3A_1771 = arith.constant 16 : i32
      %dma_wait3A_1772 = tpu.memref_slice %arg5[%dma_wait3A_1771, %multiple_of3A_825] : memref<32x4088xf32, #tpu.memory_space<vmem>> -> memref<8x128xf32, #tpu.memory_space<vmem>>
      %dma_wait3A_1773 = arith.constant 0 : i32
      %dma_wait3A_1774 = arith.constant 0 : i32
      %dma_wait3A_1775 = tpu.memref_slice %arg4[%add3A_20, %dma_wait3A_1769, %dma_wait3A_1770, %dma_wait3A_1773, %dma_wait3A_1774] : memref<2048x4x16x8x128xf32, #tpu.memory_space<hbm>> -> memref<1x1x1x8x128xf32, #tpu.memory_space<hbm>>
      %dma_wait3A_1776 = tpu.memref_squeeze %dma_wait3A_1775 : memref<1x1x1x8x128xf32, #tpu.memory_space<hbm>> -> memref<8x128xf32, #tpu.memory_space<hbm>>
      %dma_wait3A_1777 = arith.constant 0 : i32
      %dma_wait3A_1778 = arith.constant 0 : i32
      %dma_wait3A_1779 = tpu.memref_slice %arg4[%add3A_20, %dma_wait3A_1769, %dma_wait3A_1770, %dma_wait3A_1777, %dma_wait3A_1778] : memref<2048x4x16x8x128xf32, #tpu.memory_space<hbm>> -> memref<1x1x1x8x128xf32, #tpu.memory_space<hbm>>
      %dma_wait3A_1780 = tpu.memref_squeeze %dma_wait3A_1779 : memref<1x1x1x8x128xf32, #tpu.memory_space<hbm>> -> memref<8x128xf32, #tpu.memory_space<hbm>>
      %dma_wait3A_1781 = arith.constant 16 : i32
      %dma_wait3A_1782 = tpu.memref_slice %arg5[%dma_wait3A_1781, %multiple_of3A_825] : memref<32x4088xf32, #tpu.memory_space<vmem>> -> memref<8x128xf32, #tpu.memory_space<vmem>>
      tpu.wait_dma2 semaphore(%arg6 : memref<!tpu.dma_semaphore, #tpu.memory_space<semaphore_mem>>) src(%dma_wait3A_1782 : memref<8x128xf32, #tpu.memory_space<vmem>>) dst(%dma_wait3A_1780 : memref<8x128xf32, #tpu.memory_space<hbm>>)
      %dma_wait3A_1783 = arith.constant 3 : i32
      %dma_wait3A_1784 = arith.constant 0 : i32
      %dma_wait3A_1785 = arith.constant 24 : i32
      %dma_wait3A_1786 = tpu.memref_slice %arg5[%dma_wait3A_1785, %multiple_of3A_842] : memref<32x4088xf32, #tpu.memory_space<vmem>> -> memref<8x128xf32, #tpu.memory_space<vmem>>
      %dma_wait3A_1787 = arith.constant 0 : i32
      %dma_wait3A_1788 = arith.constant 0 : i32
      %dma_wait3A_1789 = tpu.memref_slice %arg4[%add3A_20, %dma_wait3A_1783, %dma_wait3A_1784, %dma_wait3A_1787, %dma_wait3A_1788] : memref<2048x4x16x8x128xf32, #tpu.memory_space<hbm>> -> memref<1x1x1x8x128xf32, #tpu.memory_space<hbm>>
      %dma_wait3A_1790 = tpu.memref_squeeze %dma_wait3A_1789 : memref<1x1x1x8x128xf32, #tpu.memory_space<hbm>> -> memref<8x128xf32, #tpu.memory_space<hbm>>
      %dma_wait3A_1791 = arith.constant 0 : i32
      %dma_wait3A_1792 = arith.constant 0 : i32
      %dma_wait3A_1793 = tpu.memref_slice %arg4[%add3A_20, %dma_wait3A_1783, %dma_wait3A_1784, %dma_wait3A_1791, %dma_wait3A_1792] : memref<2048x4x16x8x128xf32, #tpu.memory_space<hbm>> -> memref<1x1x1x8x128xf32, #tpu.memory_space<hbm>>
      %dma_wait3A_1794 = tpu.memref_squeeze %dma_wait3A_1793 : memref<1x1x1x8x128xf32, #tpu.memory_space<hbm>> -> memref<8x128xf32, #tpu.memory_space<hbm>>
      %dma_wait3A_1795 = arith.constant 24 : i32
      %dma_wait3A_1796 = tpu.memref_slice %arg5[%dma_wait3A_1795, %multiple_of3A_842] : memref<32x4088xf32, #tpu.memory_space<vmem>> -> memref<8x128xf32, #tpu.memory_space<vmem>>
      tpu.wait_dma2 semaphore(%arg6 : memref<!tpu.dma_semaphore, #tpu.memory_space<semaphore_mem>>) src(%dma_wait3A_1796 : memref<8x128xf32, #tpu.memory_space<vmem>>) dst(%dma_wait3A_1794 : memref<8x128xf32, #tpu.memory_space<hbm>>)
      %dma_wait3A_1797 = arith.constant 3 : i32
      %dma_wait3A_1798 = arith.constant 1 : i32
      %dma_wait3A_1799 = arith.constant 24 : i32
      %dma_wait3A_1800 = tpu.memref_slice %arg5[%dma_wait3A_1799, %multiple_of3A_859] : memref<32x4088xf32, #tpu.memory_space<vmem>> -> memref<8x128xf32, #tpu.memory_space<vmem>>
      %dma_wait3A_1801 = arith.constant 0 : i32
      %dma_wait3A_1802 = arith.constant 0 : i32
      %dma_wait3A_1803 = tpu.memref_slice %arg4[%add3A_20, %dma_wait3A_1797, %dma_wait3A_1798, %dma_wait3A_1801, %dma_wait3A_1802] : memref<2048x4x16x8x128xf32, #tpu.memory_space<hbm>> -> memref<1x1x1x8x128xf32, #tpu.memory_space<hbm>>
      %dma_wait3A_1804 = tpu.memref_squeeze %dma_wait3A_1803 : memref<1x1x1x8x128xf32, #tpu.memory_space<hbm>> -> memref<8x128xf32, #tpu.memory_space<hbm>>
      %dma_wait3A_1805 = arith.constant 0 : i32
      %dma_wait3A_1806 = arith.constant 0 : i32
      %dma_wait3A_1807 = tpu.memref_slice %arg4[%add3A_20, %dma_wait3A_1797, %dma_wait3A_1798, %dma_wait3A_1805, %dma_wait3A_1806] : memref<2048x4x16x8x128xf32, #tpu.memory_space<hbm>> -> memref<1x1x1x8x128xf32, #tpu.memory_space<hbm>>
      %dma_wait3A_1808 = tpu.memref_squeeze %dma_wait3A_1807 : memref<1x1x1x8x128xf32, #tpu.memory_space<hbm>> -> memref<8x128xf32, #tpu.memory_space<hbm>>
      %dma_wait3A_1809 = arith.constant 24 : i32
      %dma_wait3A_1810 = tpu.memref_slice %arg5[%dma_wait3A_1809, %multiple_of3A_859] : memref<32x4088xf32, #tpu.memory_space<vmem>> -> memref<8x128xf32, #tpu.memory_space<vmem>>
      tpu.wait_dma2 semaphore(%arg6 : memref<!tpu.dma_semaphore, #tpu.memory_space<semaphore_mem>>) src(%dma_wait3A_1810 : memref<8x128xf32, #tpu.memory_space<vmem>>) dst(%dma_wait3A_1808 : memref<8x128xf32, #tpu.memory_space<hbm>>)
      %dma_wait3A_1811 = arith.constant 3 : i32
      %dma_wait3A_1812 = arith.constant 2 : i32
      %dma_wait3A_1813 = arith.constant 24 : i32
      %dma_wait3A_1814 = tpu.memref_slice %arg5[%dma_wait3A_1813, %multiple_of3A_876] : memref<32x4088xf32, #tpu.memory_space<vmem>> -> memref<8x128xf32, #tpu.memory_space<vmem>>
      %dma_wait3A_1815 = arith.constant 0 : i32
      %dma_wait3A_1816 = arith.constant 0 : i32
      %dma_wait3A_1817 = tpu.memref_slice %arg4[%add3A_20, %dma_wait3A_1811, %dma_wait3A_1812, %dma_wait3A_1815, %dma_wait3A_1816] : memref<2048x4x16x8x128xf32, #tpu.memory_space<hbm>> -> memref<1x1x1x8x128xf32, #tpu.memory_space<hbm>>
      %dma_wait3A_1818 = tpu.memref_squeeze %dma_wait3A_1817 : memref<1x1x1x8x128xf32, #tpu.memory_space<hbm>> -> memref<8x128xf32, #tpu.memory_space<hbm>>
      %dma_wait3A_1819 = arith.constant 0 : i32
      %dma_wait3A_1820 = arith.constant 0 : i32
      %dma_wait3A_1821 = tpu.memref_slice %arg4[%add3A_20, %dma_wait3A_1811, %dma_wait3A_1812, %dma_wait3A_1819, %dma_wait3A_1820] : memref<2048x4x16x8x128xf32, #tpu.memory_space<hbm>> -> memref<1x1x1x8x128xf32, #tpu.memory_space<hbm>>
      %dma_wait3A_1822 = tpu.memref_squeeze %dma_wait3A_1821 : memref<1x1x1x8x128xf32, #tpu.memory_space<hbm>> -> memref<8x128xf32, #tpu.memory_space<hbm>>
      %dma_wait3A_1823 = arith.constant 24 : i32
      %dma_wait3A_1824 = tpu.memref_slice %arg5[%dma_wait3A_1823, %multiple_of3A_876] : memref<32x4088xf32, #tpu.memory_space<vmem>> -> memref<8x128xf32, #tpu.memory_space<vmem>>
      tpu.wait_dma2 semaphore(%arg6 : memref<!tpu.dma_semaphore, #tpu.memory_space<semaphore_mem>>) src(%dma_wait3A_1824 : memref<8x128xf32, #tpu.memory_space<vmem>>) dst(%dma_wait3A_1822 : memref<8x128xf32, #tpu.memory_space<hbm>>)
      %dma_wait3A_1825 = arith.constant 3 : i32
      %dma_wait3A_1826 = arith.constant 3 : i32
      %dma_wait3A_1827 = arith.constant 24 : i32
      %dma_wait3A_1828 = tpu.memref_slice %arg5[%dma_wait3A_1827, %multiple_of3A_893] : memref<32x4088xf32, #tpu.memory_space<vmem>> -> memref<8x128xf32, #tpu.memory_space<vmem>>
      %dma_wait3A_1829 = arith.constant 0 : i32
      %dma_wait3A_1830 = arith.constant 0 : i32
      %dma_wait3A_1831 = tpu.memref_slice %arg4[%add3A_20, %dma_wait3A_1825, %dma_wait3A_1826, %dma_wait3A_1829, %dma_wait3A_1830] : memref<2048x4x16x8x128xf32, #tpu.memory_space<hbm>> -> memref<1x1x1x8x128xf32, #tpu.memory_space<hbm>>
      %dma_wait3A_1832 = tpu.memref_squeeze %dma_wait3A_1831 : memref<1x1x1x8x128xf32, #tpu.memory_space<hbm>> -> memref<8x128xf32, #tpu.memory_space<hbm>>
      %dma_wait3A_1833 = arith.constant 0 : i32
      %dma_wait3A_1834 = arith.constant 0 : i32
      %dma_wait3A_1835 = tpu.memref_slice %arg4[%add3A_20, %dma_wait3A_1825, %dma_wait3A_1826, %dma_wait3A_1833, %dma_wait3A_1834] : memref<2048x4x16x8x128xf32, #tpu.memory_space<hbm>> -> memref<1x1x1x8x128xf32, #tpu.memory_space<hbm>>
      %dma_wait3A_1836 = tpu.memref_squeeze %dma_wait3A_1835 : memref<1x1x1x8x128xf32, #tpu.memory_space<hbm>> -> memref<8x128xf32, #tpu.memory_space<hbm>>
      %dma_wait3A_1837 = arith.constant 24 : i32
      %dma_wait3A_1838 = tpu.memref_slice %arg5[%dma_wait3A_1837, %multiple_of3A_893] : memref<32x4088xf32, #tpu.memory_space<vmem>> -> memref<8x128xf32, #tpu.memory_space<vmem>>
      tpu.wait_dma2 semaphore(%arg6 : memref<!tpu.dma_semaphore, #tpu.memory_space<semaphore_mem>>) src(%dma_wait3A_1838 : memref<8x128xf32, #tpu.memory_space<vmem>>) dst(%dma_wait3A_1836 : memref<8x128xf32, #tpu.memory_space<hbm>>)
      %dma_wait3A_1839 = arith.constant 3 : i32
      %dma_wait3A_1840 = arith.constant 4 : i32
      %dma_wait3A_1841 = arith.constant 24 : i32
      %dma_wait3A_1842 = tpu.memref_slice %arg5[%dma_wait3A_1841, %multiple_of3A_910] : memref<32x4088xf32, #tpu.memory_space<vmem>> -> memref<8x128xf32, #tpu.memory_space<vmem>>
      %dma_wait3A_1843 = arith.constant 0 : i32
      %dma_wait3A_1844 = arith.constant 0 : i32
      %dma_wait3A_1845 = tpu.memref_slice %arg4[%add3A_20, %dma_wait3A_1839, %dma_wait3A_1840, %dma_wait3A_1843, %dma_wait3A_1844] : memref<2048x4x16x8x128xf32, #tpu.memory_space<hbm>> -> memref<1x1x1x8x128xf32, #tpu.memory_space<hbm>>
      %dma_wait3A_1846 = tpu.memref_squeeze %dma_wait3A_1845 : memref<1x1x1x8x128xf32, #tpu.memory_space<hbm>> -> memref<8x128xf32, #tpu.memory_space<hbm>>
      %dma_wait3A_1847 = arith.constant 0 : i32
      %dma_wait3A_1848 = arith.constant 0 : i32
      %dma_wait3A_1849 = tpu.memref_slice %arg4[%add3A_20, %dma_wait3A_1839, %dma_wait3A_1840, %dma_wait3A_1847, %dma_wait3A_1848] : memref<2048x4x16x8x128xf32, #tpu.memory_space<hbm>> -> memref<1x1x1x8x128xf32, #tpu.memory_space<hbm>>
      %dma_wait3A_1850 = tpu.memref_squeeze %dma_wait3A_1849 : memref<1x1x1x8x128xf32, #tpu.memory_space<hbm>> -> memref<8x128xf32, #tpu.memory_space<hbm>>
      %dma_wait3A_1851 = arith.constant 24 : i32
      %dma_wait3A_1852 = tpu.memref_slice %arg5[%dma_wait3A_1851, %multiple_of3A_910] : memref<32x4088xf32, #tpu.memory_space<vmem>> -> memref<8x128xf32, #tpu.memory_space<vmem>>
      tpu.wait_dma2 semaphore(%arg6 : memref<!tpu.dma_semaphore, #tpu.memory_space<semaphore_mem>>) src(%dma_wait3A_1852 : memref<8x128xf32, #tpu.memory_space<vmem>>) dst(%dma_wait3A_1850 : memref<8x128xf32, #tpu.memory_space<hbm>>)
      %dma_wait3A_1853 = arith.constant 3 : i32
      %dma_wait3A_1854 = arith.constant 5 : i32
      %dma_wait3A_1855 = arith.constant 24 : i32
      %dma_wait3A_1856 = tpu.memref_slice %arg5[%dma_wait3A_1855, %multiple_of3A_927] : memref<32x4088xf32, #tpu.memory_space<vmem>> -> memref<8x128xf32, #tpu.memory_space<vmem>>
      %dma_wait3A_1857 = arith.constant 0 : i32
      %dma_wait3A_1858 = arith.constant 0 : i32
      %dma_wait3A_1859 = tpu.memref_slice %arg4[%add3A_20, %dma_wait3A_1853, %dma_wait3A_1854, %dma_wait3A_1857, %dma_wait3A_1858] : memref<2048x4x16x8x128xf32, #tpu.memory_space<hbm>> -> memref<1x1x1x8x128xf32, #tpu.memory_space<hbm>>
      %dma_wait3A_1860 = tpu.memref_squeeze %dma_wait3A_1859 : memref<1x1x1x8x128xf32, #tpu.memory_space<hbm>> -> memref<8x128xf32, #tpu.memory_space<hbm>>
      %dma_wait3A_1861 = arith.constant 0 : i32
      %dma_wait3A_1862 = arith.constant 0 : i32
      %dma_wait3A_1863 = tpu.memref_slice %arg4[%add3A_20, %dma_wait3A_1853, %dma_wait3A_1854, %dma_wait3A_1861, %dma_wait3A_1862] : memref<2048x4x16x8x128xf32, #tpu.memory_space<hbm>> -> memref<1x1x1x8x128xf32, #tpu.memory_space<hbm>>
      %dma_wait3A_1864 = tpu.memref_squeeze %dma_wait3A_1863 : memref<1x1x1x8x128xf32, #tpu.memory_space<hbm>> -> memref<8x128xf32, #tpu.memory_space<hbm>>
      %dma_wait3A_1865 = arith.constant 24 : i32
      %dma_wait3A_1866 = tpu.memref_slice %arg5[%dma_wait3A_1865, %multiple_of3A_927] : memref<32x4088xf32, #tpu.memory_space<vmem>> -> memref<8x128xf32, #tpu.memory_space<vmem>>
      tpu.wait_dma2 semaphore(%arg6 : memref<!tpu.dma_semaphore, #tpu.memory_space<semaphore_mem>>) src(%dma_wait3A_1866 : memref<8x128xf32, #tpu.memory_space<vmem>>) dst(%dma_wait3A_1864 : memref<8x128xf32, #tpu.memory_space<hbm>>)
      %dma_wait3A_1867 = arith.constant 3 : i32
      %dma_wait3A_1868 = arith.constant 6 : i32
      %dma_wait3A_1869 = arith.constant 24 : i32
      %dma_wait3A_1870 = tpu.memref_slice %arg5[%dma_wait3A_1869, %multiple_of3A_944] : memref<32x4088xf32, #tpu.memory_space<vmem>> -> memref<8x128xf32, #tpu.memory_space<vmem>>
      %dma_wait3A_1871 = arith.constant 0 : i32
      %dma_wait3A_1872 = arith.constant 0 : i32
      %dma_wait3A_1873 = tpu.memref_slice %arg4[%add3A_20, %dma_wait3A_1867, %dma_wait3A_1868, %dma_wait3A_1871, %dma_wait3A_1872] : memref<2048x4x16x8x128xf32, #tpu.memory_space<hbm>> -> memref<1x1x1x8x128xf32, #tpu.memory_space<hbm>>
      %dma_wait3A_1874 = tpu.memref_squeeze %dma_wait3A_1873 : memref<1x1x1x8x128xf32, #tpu.memory_space<hbm>> -> memref<8x128xf32, #tpu.memory_space<hbm>>
      %dma_wait3A_1875 = arith.constant 0 : i32
      %dma_wait3A_1876 = arith.constant 0 : i32
      %dma_wait3A_1877 = tpu.memref_slice %arg4[%add3A_20, %dma_wait3A_1867, %dma_wait3A_1868, %dma_wait3A_1875, %dma_wait3A_1876] : memref<2048x4x16x8x128xf32, #tpu.memory_space<hbm>> -> memref<1x1x1x8x128xf32, #tpu.memory_space<hbm>>
      %dma_wait3A_1878 = tpu.memref_squeeze %dma_wait3A_1877 : memref<1x1x1x8x128xf32, #tpu.memory_space<hbm>> -> memref<8x128xf32, #tpu.memory_space<hbm>>
      %dma_wait3A_1879 = arith.constant 24 : i32
      %dma_wait3A_1880 = tpu.memref_slice %arg5[%dma_wait3A_1879, %multiple_of3A_944] : memref<32x4088xf32, #tpu.memory_space<vmem>> -> memref<8x128xf32, #tpu.memory_space<vmem>>
      tpu.wait_dma2 semaphore(%arg6 : memref<!tpu.dma_semaphore, #tpu.memory_space<semaphore_mem>>) src(%dma_wait3A_1880 : memref<8x128xf32, #tpu.memory_space<vmem>>) dst(%dma_wait3A_1878 : memref<8x128xf32, #tpu.memory_space<hbm>>)
      %dma_wait3A_1881 = arith.constant 3 : i32
      %dma_wait3A_1882 = arith.constant 7 : i32
      %dma_wait3A_1883 = arith.constant 24 : i32
      %dma_wait3A_1884 = tpu.memref_slice %arg5[%dma_wait3A_1883, %multiple_of3A_961] : memref<32x4088xf32, #tpu.memory_space<vmem>> -> memref<8x128xf32, #tpu.memory_space<vmem>>
      %dma_wait3A_1885 = arith.constant 0 : i32
      %dma_wait3A_1886 = arith.constant 0 : i32
      %dma_wait3A_1887 = tpu.memref_slice %arg4[%add3A_20, %dma_wait3A_1881, %dma_wait3A_1882, %dma_wait3A_1885, %dma_wait3A_1886] : memref<2048x4x16x8x128xf32, #tpu.memory_space<hbm>> -> memref<1x1x1x8x128xf32, #tpu.memory_space<hbm>>
      %dma_wait3A_1888 = tpu.memref_squeeze %dma_wait3A_1887 : memref<1x1x1x8x128xf32, #tpu.memory_space<hbm>> -> memref<8x128xf32, #tpu.memory_space<hbm>>
      %dma_wait3A_1889 = arith.constant 0 : i32
      %dma_wait3A_1890 = arith.constant 0 : i32
      %dma_wait3A_1891 = tpu.memref_slice %arg4[%add3A_20, %dma_wait3A_1881, %dma_wait3A_1882, %dma_wait3A_1889, %dma_wait3A_1890] : memref<2048x4x16x8x128xf32, #tpu.memory_space<hbm>> -> memref<1x1x1x8x128xf32, #tpu.memory_space<hbm>>
      %dma_wait3A_1892 = tpu.memref_squeeze %dma_wait3A_1891 : memref<1x1x1x8x128xf32, #tpu.memory_space<hbm>> -> memref<8x128xf32, #tpu.memory_space<hbm>>
      %dma_wait3A_1893 = arith.constant 24 : i32
      %dma_wait3A_1894 = tpu.memref_slice %arg5[%dma_wait3A_1893, %multiple_of3A_961] : memref<32x4088xf32, #tpu.memory_space<vmem>> -> memref<8x128xf32, #tpu.memory_space<vmem>>
      tpu.wait_dma2 semaphore(%arg6 : memref<!tpu.dma_semaphore, #tpu.memory_space<semaphore_mem>>) src(%dma_wait3A_1894 : memref<8x128xf32, #tpu.memory_space<vmem>>) dst(%dma_wait3A_1892 : memref<8x128xf32, #tpu.memory_space<hbm>>)
      %dma_wait3A_1895 = arith.constant 3 : i32
      %dma_wait3A_1896 = arith.constant 8 : i32
      %dma_wait3A_1897 = arith.constant 24 : i32
      %dma_wait3A_1898 = tpu.memref_slice %arg5[%dma_wait3A_1897, %multiple_of3A_978] : memref<32x4088xf32, #tpu.memory_space<vmem>> -> memref<8x128xf32, #tpu.memory_space<vmem>>
      %dma_wait3A_1899 = arith.constant 0 : i32
      %dma_wait3A_1900 = arith.constant 0 : i32
      %dma_wait3A_1901 = tpu.memref_slice %arg4[%add3A_20, %dma_wait3A_1895, %dma_wait3A_1896, %dma_wait3A_1899, %dma_wait3A_1900] : memref<2048x4x16x8x128xf32, #tpu.memory_space<hbm>> -> memref<1x1x1x8x128xf32, #tpu.memory_space<hbm>>
      %dma_wait3A_1902 = tpu.memref_squeeze %dma_wait3A_1901 : memref<1x1x1x8x128xf32, #tpu.memory_space<hbm>> -> memref<8x128xf32, #tpu.memory_space<hbm>>
      %dma_wait3A_1903 = arith.constant 0 : i32
      %dma_wait3A_1904 = arith.constant 0 : i32
      %dma_wait3A_1905 = tpu.memref_slice %arg4[%add3A_20, %dma_wait3A_1895, %dma_wait3A_1896, %dma_wait3A_1903, %dma_wait3A_1904] : memref<2048x4x16x8x128xf32, #tpu.memory_space<hbm>> -> memref<1x1x1x8x128xf32, #tpu.memory_space<hbm>>
      %dma_wait3A_1906 = tpu.memref_squeeze %dma_wait3A_1905 : memref<1x1x1x8x128xf32, #tpu.memory_space<hbm>> -> memref<8x128xf32, #tpu.memory_space<hbm>>
      %dma_wait3A_1907 = arith.constant 24 : i32
      %dma_wait3A_1908 = tpu.memref_slice %arg5[%dma_wait3A_1907, %multiple_of3A_978] : memref<32x4088xf32, #tpu.memory_space<vmem>> -> memref<8x128xf32, #tpu.memory_space<vmem>>
      tpu.wait_dma2 semaphore(%arg6 : memref<!tpu.dma_semaphore, #tpu.memory_space<semaphore_mem>>) src(%dma_wait3A_1908 : memref<8x128xf32, #tpu.memory_space<vmem>>) dst(%dma_wait3A_1906 : memref<8x128xf32, #tpu.memory_space<hbm>>)
      %dma_wait3A_1909 = arith.constant 3 : i32
      %dma_wait3A_1910 = arith.constant 9 : i32
      %dma_wait3A_1911 = arith.constant 24 : i32
      %dma_wait3A_1912 = tpu.memref_slice %arg5[%dma_wait3A_1911, %multiple_of3A_995] : memref<32x4088xf32, #tpu.memory_space<vmem>> -> memref<8x128xf32, #tpu.memory_space<vmem>>
      %dma_wait3A_1913 = arith.constant 0 : i32
      %dma_wait3A_1914 = arith.constant 0 : i32
      %dma_wait3A_1915 = tpu.memref_slice %arg4[%add3A_20, %dma_wait3A_1909, %dma_wait3A_1910, %dma_wait3A_1913, %dma_wait3A_1914] : memref<2048x4x16x8x128xf32, #tpu.memory_space<hbm>> -> memref<1x1x1x8x128xf32, #tpu.memory_space<hbm>>
      %dma_wait3A_1916 = tpu.memref_squeeze %dma_wait3A_1915 : memref<1x1x1x8x128xf32, #tpu.memory_space<hbm>> -> memref<8x128xf32, #tpu.memory_space<hbm>>
      %dma_wait3A_1917 = arith.constant 0 : i32
      %dma_wait3A_1918 = arith.constant 0 : i32
      %dma_wait3A_1919 = tpu.memref_slice %arg4[%add3A_20, %dma_wait3A_1909, %dma_wait3A_1910, %dma_wait3A_1917, %dma_wait3A_1918] : memref<2048x4x16x8x128xf32, #tpu.memory_space<hbm>> -> memref<1x1x1x8x128xf32, #tpu.memory_space<hbm>>
      %dma_wait3A_1920 = tpu.memref_squeeze %dma_wait3A_1919 : memref<1x1x1x8x128xf32, #tpu.memory_space<hbm>> -> memref<8x128xf32, #tpu.memory_space<hbm>>
      %dma_wait3A_1921 = arith.constant 24 : i32
      %dma_wait3A_1922 = tpu.memref_slice %arg5[%dma_wait3A_1921, %multiple_of3A_995] : memref<32x4088xf32, #tpu.memory_space<vmem>> -> memref<8x128xf32, #tpu.memory_space<vmem>>
      tpu.wait_dma2 semaphore(%arg6 : memref<!tpu.dma_semaphore, #tpu.memory_space<semaphore_mem>>) src(%dma_wait3A_1922 : memref<8x128xf32, #tpu.memory_space<vmem>>) dst(%dma_wait3A_1920 : memref<8x128xf32, #tpu.memory_space<hbm>>)
      %dma_wait3A_1923 = arith.constant 3 : i32
      %dma_wait3A_1924 = arith.constant 10 : i32
      %dma_wait3A_1925 = arith.constant 24 : i32
      %dma_wait3A_1926 = tpu.memref_slice %arg5[%dma_wait3A_1925, %multiple_of3A_1012] : memref<32x4088xf32, #tpu.memory_space<vmem>> -> memref<8x128xf32, #tpu.memory_space<vmem>>
      %dma_wait3A_1927 = arith.constant 0 : i32
      %dma_wait3A_1928 = arith.constant 0 : i32
      %dma_wait3A_1929 = tpu.memref_slice %arg4[%add3A_20, %dma_wait3A_1923, %dma_wait3A_1924, %dma_wait3A_1927, %dma_wait3A_1928] : memref<2048x4x16x8x128xf32, #tpu.memory_space<hbm>> -> memref<1x1x1x8x128xf32, #tpu.memory_space<hbm>>
      %dma_wait3A_1930 = tpu.memref_squeeze %dma_wait3A_1929 : memref<1x1x1x8x128xf32, #tpu.memory_space<hbm>> -> memref<8x128xf32, #tpu.memory_space<hbm>>
      %dma_wait3A_1931 = arith.constant 0 : i32
      %dma_wait3A_1932 = arith.constant 0 : i32
      %dma_wait3A_1933 = tpu.memref_slice %arg4[%add3A_20, %dma_wait3A_1923, %dma_wait3A_1924, %dma_wait3A_1931, %dma_wait3A_1932] : memref<2048x4x16x8x128xf32, #tpu.memory_space<hbm>> -> memref<1x1x1x8x128xf32, #tpu.memory_space<hbm>>
      %dma_wait3A_1934 = tpu.memref_squeeze %dma_wait3A_1933 : memref<1x1x1x8x128xf32, #tpu.memory_space<hbm>> -> memref<8x128xf32, #tpu.memory_space<hbm>>
      %dma_wait3A_1935 = arith.constant 24 : i32
      %dma_wait3A_1936 = tpu.memref_slice %arg5[%dma_wait3A_1935, %multiple_of3A_1012] : memref<32x4088xf32, #tpu.memory_space<vmem>> -> memref<8x128xf32, #tpu.memory_space<vmem>>
      tpu.wait_dma2 semaphore(%arg6 : memref<!tpu.dma_semaphore, #tpu.memory_space<semaphore_mem>>) src(%dma_wait3A_1936 : memref<8x128xf32, #tpu.memory_space<vmem>>) dst(%dma_wait3A_1934 : memref<8x128xf32, #tpu.memory_space<hbm>>)
      %dma_wait3A_1937 = arith.constant 3 : i32
      %dma_wait3A_1938 = arith.constant 11 : i32
      %dma_wait3A_1939 = arith.constant 24 : i32
      %dma_wait3A_1940 = tpu.memref_slice %arg5[%dma_wait3A_1939, %multiple_of3A_1029] : memref<32x4088xf32, #tpu.memory_space<vmem>> -> memref<8x128xf32, #tpu.memory_space<vmem>>
      %dma_wait3A_1941 = arith.constant 0 : i32
      %dma_wait3A_1942 = arith.constant 0 : i32
      %dma_wait3A_1943 = tpu.memref_slice %arg4[%add3A_20, %dma_wait3A_1937, %dma_wait3A_1938, %dma_wait3A_1941, %dma_wait3A_1942] : memref<2048x4x16x8x128xf32, #tpu.memory_space<hbm>> -> memref<1x1x1x8x128xf32, #tpu.memory_space<hbm>>
      %dma_wait3A_1944 = tpu.memref_squeeze %dma_wait3A_1943 : memref<1x1x1x8x128xf32, #tpu.memory_space<hbm>> -> memref<8x128xf32, #tpu.memory_space<hbm>>
      %dma_wait3A_1945 = arith.constant 0 : i32
      %dma_wait3A_1946 = arith.constant 0 : i32
      %dma_wait3A_1947 = tpu.memref_slice %arg4[%add3A_20, %dma_wait3A_1937, %dma_wait3A_1938, %dma_wait3A_1945, %dma_wait3A_1946] : memref<2048x4x16x8x128xf32, #tpu.memory_space<hbm>> -> memref<1x1x1x8x128xf32, #tpu.memory_space<hbm>>
      %dma_wait3A_1948 = tpu.memref_squeeze %dma_wait3A_1947 : memref<1x1x1x8x128xf32, #tpu.memory_space<hbm>> -> memref<8x128xf32, #tpu.memory_space<hbm>>
      %dma_wait3A_1949 = arith.constant 24 : i32
      %dma_wait3A_1950 = tpu.memref_slice %arg5[%dma_wait3A_1949, %multiple_of3A_1029] : memref<32x4088xf32, #tpu.memory_space<vmem>> -> memref<8x128xf32, #tpu.memory_space<vmem>>
      tpu.wait_dma2 semaphore(%arg6 : memref<!tpu.dma_semaphore, #tpu.memory_space<semaphore_mem>>) src(%dma_wait3A_1950 : memref<8x128xf32, #tpu.memory_space<vmem>>) dst(%dma_wait3A_1948 : memref<8x128xf32, #tpu.memory_space<hbm>>)
      %dma_wait3A_1951 = arith.constant 3 : i32
      %dma_wait3A_1952 = arith.constant 12 : i32
      %dma_wait3A_1953 = arith.constant 24 : i32
      %dma_wait3A_1954 = tpu.memref_slice %arg5[%dma_wait3A_1953, %multiple_of3A_1046] : memref<32x4088xf32, #tpu.memory_space<vmem>> -> memref<8x128xf32, #tpu.memory_space<vmem>>
      %dma_wait3A_1955 = arith.constant 0 : i32
      %dma_wait3A_1956 = arith.constant 0 : i32
      %dma_wait3A_1957 = tpu.memref_slice %arg4[%add3A_20, %dma_wait3A_1951, %dma_wait3A_1952, %dma_wait3A_1955, %dma_wait3A_1956] : memref<2048x4x16x8x128xf32, #tpu.memory_space<hbm>> -> memref<1x1x1x8x128xf32, #tpu.memory_space<hbm>>
      %dma_wait3A_1958 = tpu.memref_squeeze %dma_wait3A_1957 : memref<1x1x1x8x128xf32, #tpu.memory_space<hbm>> -> memref<8x128xf32, #tpu.memory_space<hbm>>
      %dma_wait3A_1959 = arith.constant 0 : i32
      %dma_wait3A_1960 = arith.constant 0 : i32
      %dma_wait3A_1961 = tpu.memref_slice %arg4[%add3A_20, %dma_wait3A_1951, %dma_wait3A_1952, %dma_wait3A_1959, %dma_wait3A_1960] : memref<2048x4x16x8x128xf32, #tpu.memory_space<hbm>> -> memref<1x1x1x8x128xf32, #tpu.memory_space<hbm>>
      %dma_wait3A_1962 = tpu.memref_squeeze %dma_wait3A_1961 : memref<1x1x1x8x128xf32, #tpu.memory_space<hbm>> -> memref<8x128xf32, #tpu.memory_space<hbm>>
      %dma_wait3A_1963 = arith.constant 24 : i32
      %dma_wait3A_1964 = tpu.memref_slice %arg5[%dma_wait3A_1963, %multiple_of3A_1046] : memref<32x4088xf32, #tpu.memory_space<vmem>> -> memref<8x128xf32, #tpu.memory_space<vmem>>
      tpu.wait_dma2 semaphore(%arg6 : memref<!tpu.dma_semaphore, #tpu.memory_space<semaphore_mem>>) src(%dma_wait3A_1964 : memref<8x128xf32, #tpu.memory_space<vmem>>) dst(%dma_wait3A_1962 : memref<8x128xf32, #tpu.memory_space<hbm>>)
      %dma_wait3A_1965 = arith.constant 3 : i32
      %dma_wait3A_1966 = arith.constant 13 : i32
      %dma_wait3A_1967 = arith.constant 24 : i32
      %dma_wait3A_1968 = tpu.memref_slice %arg5[%dma_wait3A_1967, %multiple_of3A_1063] : memref<32x4088xf32, #tpu.memory_space<vmem>> -> memref<8x128xf32, #tpu.memory_space<vmem>>
      %dma_wait3A_1969 = arith.constant 0 : i32
      %dma_wait3A_1970 = arith.constant 0 : i32
      %dma_wait3A_1971 = tpu.memref_slice %arg4[%add3A_20, %dma_wait3A_1965, %dma_wait3A_1966, %dma_wait3A_1969, %dma_wait3A_1970] : memref<2048x4x16x8x128xf32, #tpu.memory_space<hbm>> -> memref<1x1x1x8x128xf32, #tpu.memory_space<hbm>>
      %dma_wait3A_1972 = tpu.memref_squeeze %dma_wait3A_1971 : memref<1x1x1x8x128xf32, #tpu.memory_space<hbm>> -> memref<8x128xf32, #tpu.memory_space<hbm>>
      %dma_wait3A_1973 = arith.constant 0 : i32
      %dma_wait3A_1974 = arith.constant 0 : i32
      %dma_wait3A_1975 = tpu.memref_slice %arg4[%add3A_20, %dma_wait3A_1965, %dma_wait3A_1966, %dma_wait3A_1973, %dma_wait3A_1974] : memref<2048x4x16x8x128xf32, #tpu.memory_space<hbm>> -> memref<1x1x1x8x128xf32, #tpu.memory_space<hbm>>
      %dma_wait3A_1976 = tpu.memref_squeeze %dma_wait3A_1975 : memref<1x1x1x8x128xf32, #tpu.memory_space<hbm>> -> memref<8x128xf32, #tpu.memory_space<hbm>>
      %dma_wait3A_1977 = arith.constant 24 : i32
      %dma_wait3A_1978 = tpu.memref_slice %arg5[%dma_wait3A_1977, %multiple_of3A_1063] : memref<32x4088xf32, #tpu.memory_space<vmem>> -> memref<8x128xf32, #tpu.memory_space<vmem>>
      tpu.wait_dma2 semaphore(%arg6 : memref<!tpu.dma_semaphore, #tpu.memory_space<semaphore_mem>>) src(%dma_wait3A_1978 : memref<8x128xf32, #tpu.memory_space<vmem>>) dst(%dma_wait3A_1976 : memref<8x128xf32, #tpu.memory_space<hbm>>)
      %dma_wait3A_1979 = arith.constant 3 : i32
      %dma_wait3A_1980 = arith.constant 14 : i32
      %dma_wait3A_1981 = arith.constant 24 : i32
      %dma_wait3A_1982 = tpu.memref_slice %arg5[%dma_wait3A_1981, %multiple_of3A_1080] : memref<32x4088xf32, #tpu.memory_space<vmem>> -> memref<8x128xf32, #tpu.memory_space<vmem>>
      %dma_wait3A_1983 = arith.constant 0 : i32
      %dma_wait3A_1984 = arith.constant 0 : i32
      %dma_wait3A_1985 = tpu.memref_slice %arg4[%add3A_20, %dma_wait3A_1979, %dma_wait3A_1980, %dma_wait3A_1983, %dma_wait3A_1984] : memref<2048x4x16x8x128xf32, #tpu.memory_space<hbm>> -> memref<1x1x1x8x128xf32, #tpu.memory_space<hbm>>
      %dma_wait3A_1986 = tpu.memref_squeeze %dma_wait3A_1985 : memref<1x1x1x8x128xf32, #tpu.memory_space<hbm>> -> memref<8x128xf32, #tpu.memory_space<hbm>>
      %dma_wait3A_1987 = arith.constant 0 : i32
      %dma_wait3A_1988 = arith.constant 0 : i32
      %dma_wait3A_1989 = tpu.memref_slice %arg4[%add3A_20, %dma_wait3A_1979, %dma_wait3A_1980, %dma_wait3A_1987, %dma_wait3A_1988] : memref<2048x4x16x8x128xf32, #tpu.memory_space<hbm>> -> memref<1x1x1x8x128xf32, #tpu.memory_space<hbm>>
      %dma_wait3A_1990 = tpu.memref_squeeze %dma_wait3A_1989 : memref<1x1x1x8x128xf32, #tpu.memory_space<hbm>> -> memref<8x128xf32, #tpu.memory_space<hbm>>
      %dma_wait3A_1991 = arith.constant 24 : i32
      %dma_wait3A_1992 = tpu.memref_slice %arg5[%dma_wait3A_1991, %multiple_of3A_1080] : memref<32x4088xf32, #tpu.memory_space<vmem>> -> memref<8x128xf32, #tpu.memory_space<vmem>>
      tpu.wait_dma2 semaphore(%arg6 : memref<!tpu.dma_semaphore, #tpu.memory_space<semaphore_mem>>) src(%dma_wait3A_1992 : memref<8x128xf32, #tpu.memory_space<vmem>>) dst(%dma_wait3A_1990 : memref<8x128xf32, #tpu.memory_space<hbm>>)
      %dma_wait3A_1993 = arith.constant 3 : i32
      %dma_wait3A_1994 = arith.constant 15 : i32
      %dma_wait3A_1995 = arith.constant 24 : i32
      %dma_wait3A_1996 = tpu.memref_slice %arg5[%dma_wait3A_1995, %multiple_of3A_1097] : memref<32x4088xf32, #tpu.memory_space<vmem>> -> memref<8x128xf32, #tpu.memory_space<vmem>>
      %dma_wait3A_1997 = arith.constant 0 : i32
      %dma_wait3A_1998 = arith.constant 0 : i32
      %dma_wait3A_1999 = tpu.memref_slice %arg4[%add3A_20, %dma_wait3A_1993, %dma_wait3A_1994, %dma_wait3A_1997, %dma_wait3A_1998] : memref<2048x4x16x8x128xf32, #tpu.memory_space<hbm>> -> memref<1x1x1x8x128xf32, #tpu.memory_space<hbm>>
      %dma_wait3A_2000 = tpu.memref_squeeze %dma_wait3A_1999 : memref<1x1x1x8x128xf32, #tpu.memory_space<hbm>> -> memref<8x128xf32, #tpu.memory_space<hbm>>
      %dma_wait3A_2001 = arith.constant 0 : i32
      %dma_wait3A_2002 = arith.constant 0 : i32
      %dma_wait3A_2003 = tpu.memref_slice %arg4[%add3A_20, %dma_wait3A_1993, %dma_wait3A_1994, %dma_wait3A_2001, %dma_wait3A_2002] : memref<2048x4x16x8x128xf32, #tpu.memory_space<hbm>> -> memref<1x1x1x8x128xf32, #tpu.memory_space<hbm>>
      %dma_wait3A_2004 = tpu.memref_squeeze %dma_wait3A_2003 : memref<1x1x1x8x128xf32, #tpu.memory_space<hbm>> -> memref<8x128xf32, #tpu.memory_space<hbm>>
      %dma_wait3A_2005 = arith.constant 24 : i32
      %dma_wait3A_2006 = tpu.memref_slice %arg5[%dma_wait3A_2005, %multiple_of3A_1097] : memref<32x4088xf32, #tpu.memory_space<vmem>> -> memref<8x128xf32, #tpu.memory_space<vmem>>
      tpu.wait_dma2 semaphore(%arg6 : memref<!tpu.dma_semaphore, #tpu.memory_space<semaphore_mem>>) src(%dma_wait3A_2006 : memref<8x128xf32, #tpu.memory_space<vmem>>) dst(%dma_wait3A_2004 : memref<8x128xf32, #tpu.memory_space<hbm>>)
    }
    %scan3A_12 = arith.constant 64 : i32
    return
  }
}

</mosaic_0001>

<sc_bundles>
// kernel: kernel.3.cloned.1.call-start
scs
__scs_entry_jumppad:
0x0: {  	(pc) =	sbr.rel $0x88, $3  }
0x1: {  	(tag) =	ssettag $0x0;
	lr =	simm.s32 $0x1  }
0x2: {  	[smem:$0x3FA0] =	sst lr;
	_ =	strace $0xD0000000  }
0x3: {  	_ = 	snop  }
0x4: {  	_ = 	snop  }
0x5: {  	_ = 	snop  }
0x6: {  	_ = 	snop  }
0x7: {  	_ = 	snop  }
__scs_overlays_trampoline_lowered:
0x8: {  	[smem:$0x3FAF] =	sst s0  }
0x9: {  	[smem:$0x3FB0] =	sst s1  }
0xa: {  	[smem:$0x3FB1] =	sst s2  }
0xb: {  	[smem:$0x3FB2] =	sst s3  }
0xc: {  	[smem:$0x3FB3] =	sst s4  }
0xd: {  	[smem:$0x3FB4] =	sst s5  }
0xe: {  	[smem:$0x3FB5] =	sst s6  }
0xf: {  	[smem:$0x3FB6] =	sst s7  }
0x10: {  	[smem:$0x3FB7] =	sst s8  }
0x11: {  	[smem:$0x3FB8] =	sst s9;
	s0 =	simm.s32 @!p0 $0x0  }
0x12: {  	s1 =	sld [smem:$0x3F9E];
	s0 =	simm.s32 @p0 $0x1  }
0x13: {  	[smem:$0x3FB9] =	sst s0;
	s0 =	simm.s32 @!p1 $0x0  }
0x14: {  	s2 =	sld [smem:$0x3F9D];
	s0 =	simm.s32 @p1 $0x1  }
0x15: {  	[smem:$0x3FBA] =	sst s0;
	s0 =	simm.s32 @!p2 $0x0  }
0x16: {  	s3 =	sld [smem:$0x3FDB];
	s0 =	simm.s32 @p2 $0x1  }
0x17: {  	s4 =	simm.s32 $0x1BF5;
	[smem:$0x3FBC] =	sst s0  }
0x18: {  	s0 =	sld [smem:$0x3F9F];
	_ =	swait.ge [sflag:s4], $0x0  }
0x19: {  	s7 =	sld [smem:$0x3FA0]  }
0x1a: {  	s8 =	sadd.s32 $0xFFFFE003, lr  }
0x1b: {  	s9 =	sadd.s32 $0xFFFFFEF7, lr;
	s5 =	simm.s32 $0xFFFFFFFF;
	p2 =	slt.u32 s8, $0xFFFFF086  }
0x1c: {  	p1 =	slt.u32 s9, $0xF7A;
	s5 =	simm.s32 @!p2 $0x0  }
0x1d: {  	s5 =	simm.s32 @p1 $0x1;
	p0 =	seq.s32 s7, s2  }
0x1e: {  	s7 =	smul.u32 @!p0 $0xF7A, s2;
	p2 =	seq.s32 @!p0 s5, $0x0  }
0x1f: {  	s9 =	smul.u32 $0xF7A, s1;
	s8 =	simm.s32 @!p0 $0x1BF5;
	p2 =	por !p2, p0  }
0x20: {  	[sflag:s8] =	ssyncset.s32 @!p0 $0xFFFFF086;
	s6 =	sadd.s32 @!p0 s3, s7;
	s7 =	simm.s32 @!p0 $0x108  }
0x21: {  	s3 =	sadd.s32 s3, s9;
	s6 =	sadd.s32 @!p0 $0x88, s6;
	s7 =	simm.s32 @p2 $0x1082  }
0x22: {  	[simem:s7], [sflag:s8] =	dma.local @!p0 [hbm:s6], $0xF7A  }
0x23: {  	s9 =	sor.u32 $0xD0000000, s2;
	s6 =	simm.s32 $0x108;
	_ =	swait.ge @!p0 [sflag:s8], $0x0  }
0x24: {  	s3 =	sadd.s32 $0x88, s3;
	s6 =	simm.s32 @!p1 $0x1082;
	[sflag:s4] =	ssyncset.s32 $0xFFFFF086  }
0x25: {  	[simem:s6], [sflag:s4] =	dma.local [hbm:s3], $0xF7A  }
0x26: {  	[smem:$0x3FA0] =	sst s1;
	(tag) =	ssettag s2;
	_ =	strace s9  }
0x27: {  	s1 =	sld [smem:$0x3FB0]  }
0x28: {  	s2 =	sld [smem:$0x3FB1]  }
0x29: {  	s4 =	sld [smem:$0x3FB3]  }
0x2a: {  	p0 =	seq.s32 s5, $0x0;
	s5 =	sld [smem:$0x3FB4]  }
0x2b: {  	s6 =	sld [smem:$0x3FB5]  }
0x2c: {  	s7 =	sld [smem:$0x3FB6]  }
0x2d: {  	s3 =	simm.s32 $0x108;
	s8 =	sld [smem:$0x3FB7]  }
0x2e: {  	s3 =	simm.s32 @!p0 $0x1082;
	s9 =	sld [smem:$0x3FB8]  }
0x2f: {  	lr =	sadd.s32 s0, s3;
	s0 =	sld [smem:$0x3FAF]  }
0x30: {  	s3 =	sld [smem:$0x3FB2]  }
0x31: {  	[smem:$0x3FBB] =	sst s10  }
0x32: {  	s10 =	sld [smem:$0x3FB9];
	_ =	sdelay $0x3  }
0x33: {  	p0 =	seq.s32 s10, $0x1;
	s10 =	sld [smem:$0x3FBB];
	_ =	sdelay $0x3  }
0x34: {  	[smem:$0x3FBB] =	sst s10  }
0x35: {  	s10 =	sld [smem:$0x3FBA];
	_ =	sdelay $0x3  }
0x36: {  	p1 =	seq.s32 s10, $0x1;
	s10 =	sld [smem:$0x3FBB];
	_ =	sdelay $0x3  }
0x37: {  	[smem:$0x3FBB] =	sst s10  }
0x38: {  	s10 =	sld [smem:$0x3FBC]  }
0x39: {  	_ = 	snop;
	(pc) =	sbr.ind lr, $3  }
0x3a: {  	_ = 	snop  }
0x3b: {  	_ = 	snop  }
0x3c: {  	p2 =	seq.s32 s10, $0x1;
	s10 =	sld [smem:$0x3FBB]  }
0x3d: {  	_ =	shalt  }
0x3e: {  	_ =	shalt  }
0x3f: {  	_ =	shalt  }
0x40: {  	_ =	shalt  }
0x41: {  	_ =	shalt  }
0x42: {  	_ =	shalt  }
0x43: {  	_ =	shalt  }
0x44: {  	_ =	shalt  }
0x45: {  	_ =	shalt  }
0x46: {  	_ =	shalt  }
0x47: {  	_ =	shalt  }
0x48: {  	_ =	shalt  }
0x49: {  	_ =	shalt  }
0x4a: {  	_ =	shalt  }
0x4b: {  	_ =	shalt  }
0x4c: {  	_ =	shalt  }
0x4d: {  	_ =	shalt  }
0x4e: {  	_ =	shalt  }
0x4f: {  	_ =	shalt  }
0x50: {  	_ =	shalt  }
0x51: {  	_ =	shalt  }
0x52: {  	_ =	shalt  }
0x53: {  	_ =	shalt  }
0x54: {  	_ =	shalt  }
0x55: {  	_ =	shalt  }
0x56: {  	_ =	shalt  }
0x57: {  	_ =	shalt  }
0x58: {  	_ =	shalt  }
0x59: {  	_ =	shalt  }
0x5a: {  	_ =	shalt  }
0x5b: {  	_ =	shalt  }
0x5c: {  	_ =	shalt  }
0x5d: {  	_ =	shalt  }
0x5e: {  	_ =	shalt  }
0x5f: {  	_ =	shalt  }
0x60: {  	_ =	shalt  }
0x61: {  	_ =	shalt  }
0x62: {  	_ =	shalt  }
0x63: {  	_ =	shalt  }
0x64: {  	_ =	shalt  }
0x65: {  	_ =	shalt  }
0x66: {  	_ =	shalt  }
0x67: {  	_ =	shalt  }
0x68: {  	_ =	shalt  }
0x69: {  	_ =	shalt  }
0x6a: {  	_ =	shalt  }
0x6b: {  	_ =	shalt  }
0x6c: {  	_ =	shalt  }
0x6d: {  	_ =	shalt  }
0x6e: {  	_ =	shalt  }
0x6f: {  	_ =	shalt  }
0x70: {  	_ =	shalt  }
0x71: {  	_ =	shalt  }
0x72: {  	_ =	shalt  }
0x73: {  	_ =	shalt  }
0x74: {  	_ =	shalt  }
0x75: {  	_ =	shalt  }
0x76: {  	_ =	shalt  }
0x77: {  	_ =	shalt  }
0x78: {  	_ =	shalt  }
0x79: {  	_ =	shalt  }
0x7a: {  	_ =	shalt  }
0x7b: {  	_ =	shalt  }
0x7c: {  	_ =	shalt  }
0x7d: {  	_ =	shalt  }
0x7e: {  	_ =	shalt  }
0x7f: {  	_ =	shalt  }
0x80: {  	_ =	shalt  }
0x81: {  	_ =	shalt  }
0x82: {  	_ =	shalt  }
0x83: {  	_ =	shalt  }
0x84: {  	_ =	shalt  }
0x85: {  	_ =	shalt  }
0x86: {  	_ =	shalt  }
0x87: {  	_ =	shalt  }
.Lfunc_end0:
.L_simem_size_0:
called_computation_lowered:
.L_overlay_start_0:
0x88: {  	s2 =	sld [smem:$0x3FD9]  }
0x89: {  	s3 =	sld [smem:$0x3FFE];
	_ =	sdelay $0x1  }
0x8a: {  	s1 =	srdreg.scid  }
0x8b: {  	s0 =	sand.u32 $0x1, s1  }
0x8c: {  	s17 =	sshll.u32 s0, $0xA;
	s2 =	sadd.s32 s3, s2  }
0x8d: {  	s2 =	sadd.s32 s2, s17  }
0x8e: {  	[smem:$0x3FC7] =	sst s2  }
0x8f: {  	_ = 	snop  }
0x90: {  	s2 =	sld [smem:$0x3FD0];
	(tm) =	ssettm $0x1  }
0x91: {  	s18 =	sld [smem:$0x3FFB];
	_ =	sdelay $0x3  }
0x92: {  	_ =	strace s18  }
0x93: {  	s3 =	sld [smem:$0x3FFC];
	_ =	sdelay $0x3  }
0x94: {  	_ =	strace s3  }
0x95: {  	s3 =	sld [smem:$0x3FFD];
	_ =	sdelay $0x3  }
0x96: {  	_ =	strace s3  }
0x97: {  	_ =	strace $0x8FFFFFFF  }
0x98: {  	s19 =	sld [smem:$0x3FDB];
	_ =	sdelay $0x1  }
0x99: {  	s4 =	simm.s32 $_scs_section_size  }
0x9a: {  	s5 =	simm.s32 $_size__tile_overlayer_lowered;
	s6 =	simm.s32 $_tile_overlayer_lowered  }
0x9b: {  	s22 =	simm.s32 $0x1BFF;
	s21 =	sshll.u32 s6, $0x1;
	s3 =	sadd.s32 s4, s19  }
0x9c: {  	s7 =	simm.s32 $0x0;
	s20 =	sshll.u32 s5, $0x1;
	s5 =	sadd.s32 s21, s3  }
0x9d: {  	[timem:s7], [sflag:s22] =	dma.local [hbm:s5], s20  }
0x9e: {  	_ =	swait.ge [sflag:s22], s20  }
0x9f: {  	s4 =	ssub.s32 $0x0, s20;
	[sflag:s22] =	ssyncset.done $0x0  }
0xa0: {  	[sflag:s22] =	ssyncadd.s32 s4;
	_ =	sdelay $0x1  }
0xa1: {  	s23 =	simm.s32 $0x1B8B  }
0xa2: {  	_ =	swait.ge [sflag:s23], $0x1  }
0xa3: {  	[sflag:s23] =	ssyncset.done $0x0  }
0xa4: {  	s25 =	simm.s32 $0x1B8E;
	s24 =	sld [smem:$0x3FFE];
	[sflag:s23] =	ssyncadd.s32 $0xFFFFFFFF  }
0xa5: {  	s26 =	simm.s32 $execute0_lowered;
	[smem:$0x3FD2] =	sst s25  }
0xa6: {  	s5 =	sshll.u32 s26, $0x1;
	_ =	strace $0x80000046;
	[dreg:$0x1] =	wrdreg $0xFFFFFFFF  }
0xa7: {  	s28 =	simm.s32 $_size_execute0_lowered;
	s3 =	sadd.s32 s3, s5;
	[dreg:$0x0] =	wrdreg $0x0  }
0xa8: {  	s5 =	sshll.u32 s28, $0x1;
	[dreg:$0x2] =	wrdreg s3  }
0xa9: {  	[dreg:$0x3] =	wrdreg s5  }
0xaa: {  	[dreg:$0x4] =	wrdreg $0xC0  }
0xab: {  	_ =	task [dreg:s7], $0x5FFFF  }
0xac: {  	[dreg:$0x1] =	wrdreg $0xFFFFFFFF  }
0xad: {  	[dreg:$0x0] =	wrdreg $0x60  }
0xae: {  	[dreg:$0x2] =	wrdreg s24  }
0xaf: {  	[dreg:$0x3] =	wrdreg s2  }
0xb0: {  	[dreg:$0x4] =	wrdreg $0x9  }
0xb1: {  	_ =	task.clear_ibuf [dreg:s7], $0x5FFFF;
	_ =	strace $0x90000046  }
0xb2: {  	s29 =	simm.s32 $0x9;
	_ =	strace $0x80000048  }
0xb3: {  	_ =	swait.ge [sflag:s29], $0x1  }
0xb4: {  	[sflag:s29] =	ssyncadd.s32 $0xFFFFFFFF  }
0xb5: {  	_ =	strace $0x90000048  }
0xb6: {  	_ =	sfence  }
0xb7: {  	s30 =	sld [smem:$0x0];
	_ =	sdelay $0x2  }
0xb8: {  	s31 =	sshll.u32 s1, $0xD;
	s1 =	sshrl.u32 s1, $0x2  }
0xb9: {  	s3 =	sand.u32 $0x4000, s31;
	s1 =	sadd.s32 s1, s30  }
0xba: {  	s0 =	sor.u32 s3, s0;
	s1 =	sshll.u32 s1, $0x11  }
0xbb: {  	s0 =	sor.u32 s1, s0  }
0xbc: {  	s0 =	sadd.s32 $0x8F2B, s0  }
0xbd: {  	[sflag:s0] =	ssyncadd.remote.s32 $0x1  }
0xbe: {  	_ =	sfence.sel $0xFFFF  }
0xbf: {  	[dreg:$0x0] =	wrdreg $0xFFFFFFFF;
	(pc) =	sbr.abs _section_cstart, $3  }
0xc0: {  	[dreg:$0x1] =	wrdreg $0xFFFFFFFF  }
0xc1: {  	_ =	task.clear_ibuf [dreg:s7], $0x2FFFF;
	_ =	strace $0x9FFFFFFF  }
0xc2: {  	(tm) =	ssettm $0x7FFFFFFF  }
0xc3: {  	_ =	shalt  }
tec
execute0_lowered:
.L_overlay_start_1:
0x0: {  	(tag) =	ssettag $0x1  }
0x1: {  	s1 =	srdreg.scid;
	s2 =	rddreg [dreg:$0x0]  }
0x2: {  	s0 =	stileid.u32;
	s5 =	rddreg [dreg:$0x1];
	s3 =	simm.s32 $0x0  }
0x3: {  	s6 =	sand.u32 $0x1, s1;
	s4 =	sshll.u32 s0, $0x1;
	[smem:$0x7FF] =	sst s3  }
0x4: {  	s30 =	sshll.u32 s0, $0xE;
	s7 =	sor.u32 s6, s4;
	_ =	strace $0x80000047  }
0x5: {  	s9 =	ssub.s32 $0x2, s6;
	s11 =	sshll.u32 s6, $0xD;
	s8 =	sand.u32 $0x7, s7  }
0x6: {  	s7 =	sxor.u32 $0xFFFFFFFF, s7;
	s10 =	sshrl.u32 s9, $0x1;
	s8 =	smul.u32 $0x11, s8  }
0x7: {  	s7 =	sand.u32 $0x7, s7;
	s9 =	ssub.s32 s9, s10;
	s10 =	sadd.s32 s30, s5  }
0x8: {  	s7 =	sadd.s32 s7, s4;
	s4 =	sadd.s32 $0xF8, s2;
	s31 =	sadd.s32 s11, s10  }
0x9: {  	s10 =	simm.s32 $0x0;
	s8 =	sadd.s32 s8, s2;
	s7 =	sadd.s32 s6, s7  }
0xa: {  	s6 =	smax.u32 s9, $0x1;
	[dreg:$0x3] =	wrdreg s31;
	s9 =	simm.s32 $0x1  }
0xb: {  	s5 =	sadd.s32 $0x3E00, s8;
	s7 =	sxor.u32 $0xF7F, s7;
	s8 =	simm.s32 $0x2  }
.LBB2_1:
0xc: {  	s11 =	simm.s32 $0x1F0  }
0xd: {  	s14 =	sadd.s32 $0x0, s2;
	s12 =	simm.s32 $0xFF8;
	s13 =	simm.s32 $0x0  }
.LBB2_2:
0xe: {  	[tilespmem:s13], [sflag:$0x2] =	stream.linear.gather [hbm4b:s14+s3], $0x7C0, $0x38;
	[tilespmem:$0x1FF00] =	vst v63  }
0xf: {  	s14 =	smov.u32 s11;
	s13 =	smov.u32 s12;
	p0 =	sne.s32 s11, $0x3C10  }
.Ltmp0:
0x10: {  	s11 =	sadd.s32 $0x1F0, s11;
	(pc) =	sbr.rel @p0 .LBB2_2-.Ltmp0, $2  }
0x11: {  	_ =	sdelay $0x2  }
0x12: {  	s12 =	sadd.s32 $0xFF8, s12;
	s14 =	sadd.s32 s14, s2  }
0x13: {  	[tilespmem:s13], [sflag:$0x2] =	stream.linear.gather [hbm4b:s14+s3], $0x7C0, $0x38;
	[tilespmem:$0x1FF00] =	vst v63  }
0x14: {  	_ =	swait.ge [sflag:s8], $0xF800  }
0x15: {  	s11 =	simm.s32 $0x838;
	s12 =	simm.s32 $0x1F0;
	[sflag:s8] =	ssyncset.done $0x0  }
0x16: {  	s14 =	sadd.s32 $0x0, s4;
	s13 =	simm.s32 $0x1830;
	[sflag:s8] =	ssyncadd.s32 $0xFFFF0800  }
.LBB2_4:
0x17: {  	[tilespmem:s11], [sflag:$0x2] =	stream.linear.gather [hbm4b:s14+s3], $0x7C0, $0x38;
	[tilespmem:$0x1FF00] =	vst v63  }
0x18: {  	s14 =	smov.u32 s12;
	s11 =	smov.u32 s13;
	p0 =	sne.s32 s12, $0x3C10  }
.Ltmp1:
0x19: {  	s12 =	sadd.s32 $0x1F0, s12;
	(pc) =	sbr.rel @p0 .LBB2_4-.Ltmp1, $2  }
0x1a: {  	_ =	sdelay $0x2  }
0x1b: {  	s13 =	sadd.s32 $0xFF8, s13;
	s14 =	sadd.s32 s14, s4  }
0x1c: {  	[tilespmem:s11], [sflag:$0x2] =	stream.linear.gather [hbm4b:s14+s3], $0x7C0, $0x38;
	[tilespmem:$0x1FF00] =	vst v63  }
0x1d: {  	_ =	swait.ge [sflag:s8], $0xF800  }
0x1e: {  	s11 =	simm.s32 $0x7B8;
	s12 =	simm.s32 $0x88;
	[sflag:s8] =	ssyncset.done $0x0  }
0x1f: {  	s14 =	sadd.s32 $0x0, s5;
	s13 =	simm.s32 $0x17B0;
	[sflag:s8] =	ssyncadd.s32 $0xFFFF0800  }
.LBB2_6:
0x20: {  	[tilespmem:s11], [sflag:$0x2] =	stream.linear.gather [hbm4b:s14+s3], $0x88, $0x38;
	[tilespmem:$0x1FF00] =	vst v63  }
0x21: {  	s14 =	smov.u32 s12;
	s11 =	smov.u32 s13;
	p0 =	sne.s32 s12, $0x1078  }
.Ltmp2:
0x22: {  	s12 =	sadd.s32 $0x88, s12;
	(pc) =	sbr.rel @p0 .LBB2_6-.Ltmp2, $2  }
0x23: {  	_ =	sdelay $0x2  }
0x24: {  	s13 =	sadd.s32 $0xFF8, s13;
	s14 =	sadd.s32 s14, s5  }
0x25: {  	[tilespmem:s11], [sflag:$0x2] =	stream.linear.gather [hbm4b:s14+s3], $0x88, $0x38;
	[tilespmem:$0x1FF00] =	vst v63  }
0x26: {  	_ =	swait.ge [sflag:s8], $0x1100  }
0x27: {  	[sflag:s8] =	ssyncset.done $0x0  }
0x28: {  	s11 =	simm.s32 $0x0;
	s12 =	smov.u32 s7;
	[sflag:s8] =	ssyncadd.s32 $0xFFFFEF00  }
.LBB2_8:
0x29: {  	s13 =	rddreg [dreg:$0x3];
	s14 =	sadd.s32 $0xFFFFF880, s12  }
0x2a: {  	s13 =	sadd.s32 s11, s13;
	s14 =	sand.u32 $0xFFFFFFF8, s14  }
0x2b: {  	[hbm4b:s13+s3] =	stream.linear.scatter [tilespmem:s14], [sflag:$0x1], $0x80, $0x38;
	[tilespmem:$0x1FF00] =	vst v63  }
0x2c: {  	s15 =	sadd.s32 $0xFF8, s14;
	s16 =	sadd.s32 $0x10, s13  }
0x2d: {  	[hbm4b:s16+s3] =	stream.linear.scatter [tilespmem:s15], [sflag:$0x1], $0x80, $0x38;
	[tilespmem:$0x1FF00] =	vst v63  }
0x2e: {  	s31 =	sadd.s32 $0x1FF0, s14;
	s1 =	sadd.s32 $0x20, s13  }
0x2f: {  	[hbm4b:s1+s3] =	stream.linear.scatter [tilespmem:s31], [sflag:$0x1], $0x80, $0x38;
	[tilespmem:$0x1FF00] =	vst v63  }
0x30: {  	s17 =	sadd.s32 $0x2FE8, s14;
	s18 =	sadd.s32 $0x30, s13  }
0x31: {  	[hbm4b:s18+s3] =	stream.linear.scatter [tilespmem:s17], [sflag:$0x1], $0x80, $0x38;
	[tilespmem:$0x1FF00] =	vst v63  }
0x32: {  	s19 =	sadd.s32 $0x3FE0, s14;
	s20 =	sadd.s32 $0x40, s13  }
0x33: {  	[hbm4b:s20+s3] =	stream.linear.scatter [tilespmem:s19], [sflag:$0x1], $0x80, $0x38;
	[tilespmem:$0x1FF00] =	vst v63  }
0x34: {  	s21 =	sadd.s32 $0x4FD8, s14;
	s22 =	sadd.s32 $0x50, s13  }
0x35: {  	[hbm4b:s22+s3] =	stream.linear.scatter [tilespmem:s21], [sflag:$0x1], $0x80, $0x38;
	[tilespmem:$0x1FF00] =	vst v63  }
0x36: {  	s23 =	sadd.s32 $0x5FD0, s14;
	s24 =	sadd.s32 $0x60, s13  }
0x37: {  	[hbm4b:s24+s3] =	stream.linear.scatter [tilespmem:s23], [sflag:$0x1], $0x80, $0x38;
	[tilespmem:$0x1FF00] =	vst v63  }
0x38: {  	s28 =	sadd.s32 $0xFFFFF900, s12;
	s25 =	sadd.s32 $0x6FC8, s14;
	s26 =	sadd.s32 $0x70, s13  }
0x39: {  	[hbm4b:s26+s3] =	stream.linear.scatter [tilespmem:s25], [sflag:$0x1], $0x80, $0x38;
	[tilespmem:$0x1FF00] =	vst v63  }
0x3a: {  	s29 =	sadd.s32 $0x80, s13;
	s15 =	sand.u32 $0xFFFFFFF8, s28  }
0x3b: {  	[hbm4b:s29+s3] =	stream.linear.scatter [tilespmem:s15], [sflag:$0x1], $0x80, $0x38;
	[tilespmem:$0x1FF00] =	vst v63  }
0x3c: {  	s30 =	sadd.s32 $0xFF8, s15;
	s17 =	sadd.s32 $0x90, s13  }
0x3d: {  	[hbm4b:s17+s3] =	stream.linear.scatter [tilespmem:s30], [sflag:$0x1], $0x80, $0x38;
	[tilespmem:$0x1FF00] =	vst v63  }
0x3e: {  	s31 =	sadd.s32 $0x1FF0, s15;
	s1 =	sadd.s32 $0xA0, s13  }
0x3f: {  	[hbm4b:s1+s3] =	stream.linear.scatter [tilespmem:s31], [sflag:$0x1], $0x80, $0x38;
	[tilespmem:$0x1FF00] =	vst v63  }
0x40: {  	s18 =	sadd.s32 $0xB0, s13;
	s17 =	sadd.s32 $0x2FE8, s15  }
0x41: {  	[hbm4b:s18+s3] =	stream.linear.scatter [tilespmem:s17], [sflag:$0x1], $0x80, $0x38;
	[tilespmem:$0x1FF00] =	vst v63  }
0x42: {  	s19 =	sadd.s32 $0x3FE0, s15;
	s20 =	sadd.s32 $0xC0, s13  }
0x43: {  	[hbm4b:s20+s3] =	stream.linear.scatter [tilespmem:s19], [sflag:$0x1], $0x80, $0x38;
	[tilespmem:$0x1FF00] =	vst v63  }
0x44: {  	s21 =	sadd.s32 $0x4FD8, s15;
	s22 =	sadd.s32 $0xD0, s13  }
0x45: {  	[hbm4b:s22+s3] =	stream.linear.scatter [tilespmem:s21], [sflag:$0x1], $0x80, $0x38;
	[tilespmem:$0x1FF00] =	vst v63  }
0x46: {  	s23 =	sadd.s32 $0x5FD0, s15;
	s24 =	sadd.s32 $0xE0, s13  }
0x47: {  	[hbm4b:s24+s3] =	stream.linear.scatter [tilespmem:s23], [sflag:$0x1], $0x80, $0x38;
	[tilespmem:$0x1FF00] =	vst v63  }
0x48: {  	s28 =	sadd.s32 $0xFFFFF980, s12;
	s25 =	sadd.s32 $0x6FC8, s15;
	s26 =	sadd.s32 $0xF0, s13  }
0x49: {  	[hbm4b:s26+s3] =	stream.linear.scatter [tilespmem:s25], [sflag:$0x1], $0x80, $0x38;
	[tilespmem:$0x1FF00] =	vst v63  }
0x4a: {  	s16 =	sand.u32 $0xFFFFFFF8, s28;
	s29 =	sadd.s32 $0x100, s13  }
0x4b: {  	[hbm4b:s29+s3] =	stream.linear.scatter [tilespmem:s16], [sflag:$0x1], $0x80, $0x38;
	[tilespmem:$0x1FF00] =	vst v63  }
0x4c: {  	s30 =	sadd.s32 $0xFF8, s16;
	s18 =	sadd.s32 $0x110, s13  }
0x4d: {  	[hbm4b:s18+s3] =	stream.linear.scatter [tilespmem:s30], [sflag:$0x1], $0x80, $0x38;
	[tilespmem:$0x1FF00] =	vst v63  }
0x4e: {  	s31 =	sadd.s32 $0x1FF0, s16;
	s1 =	sadd.s32 $0x120, s13  }
0x4f: {  	[hbm4b:s1+s3] =	stream.linear.scatter [tilespmem:s31], [sflag:$0x1], $0x80, $0x38;
	[tilespmem:$0x1FF00] =	vst v63  }
0x50: {  	s19 =	sadd.s32 $0x2FE8, s16;
	s20 =	sadd.s32 $0x130, s13  }
0x51: {  	[hbm4b:s20+s3] =	stream.linear.scatter [tilespmem:s19], [sflag:$0x1], $0x80, $0x38;
	[tilespmem:$0x1FF00] =	vst v63  }
0x52: {  	s21 =	sadd.s32 $0x3FE0, s16;
	s22 =	sadd.s32 $0x140, s13  }
0x53: {  	[hbm4b:s22+s3] =	stream.linear.scatter [tilespmem:s21], [sflag:$0x1], $0x80, $0x38;
	[tilespmem:$0x1FF00] =	vst v63  }
0x54: {  	s23 =	sadd.s32 $0x4FD8, s16;
	s24 =	sadd.s32 $0x150, s13  }
0x55: {  	[hbm4b:s24+s3] =	stream.linear.scatter [tilespmem:s23], [sflag:$0x1], $0x80, $0x38;
	[tilespmem:$0x1FF00] =	vst v63  }
0x56: {  	s25 =	sadd.s32 $0x5FD0, s16;
	s26 =	sadd.s32 $0x160, s13  }
0x57: {  	[hbm4b:s26+s3] =	stream.linear.scatter [tilespmem:s25], [sflag:$0x1], $0x80, $0x38;
	[tilespmem:$0x1FF00] =	vst v63  }
0x58: {  	s28 =	sadd.s32 $0x6FC8, s16;
	s29 =	sadd.s32 $0x170, s13;
	s30 =	sadd.s32 $0xFFFFFA00, s12  }
0x59: {  	[hbm4b:s29+s3] =	stream.linear.scatter [tilespmem:s28], [sflag:$0x1], $0x80, $0x38;
	[tilespmem:$0x1FF00] =	vst v63  }
0x5a: {  	s17 =	sand.u32 $0xFFFFFFF8, s30;
	s31 =	sadd.s32 $0x180, s13  }
0x5b: {  	[hbm4b:s31+s3] =	stream.linear.scatter [tilespmem:s17], [sflag:$0x1], $0x80, $0x38;
	[tilespmem:$0x1FF00] =	vst v63  }
0x5c: {  	s1 =	sadd.s32 $0xFF8, s17;
	s19 =	sadd.s32 $0x190, s13  }
0x5d: {  	[hbm4b:s19+s3] =	stream.linear.scatter [tilespmem:s1], [sflag:$0x1], $0x80, $0x38;
	[tilespmem:$0x1FF00] =	vst v63  }
0x5e: {  	s20 =	sadd.s32 $0x1FF0, s17;
	s21 =	sadd.s32 $0x1A0, s13  }
0x5f: {  	[hbm4b:s21+s3] =	stream.linear.scatter [tilespmem:s20], [sflag:$0x1], $0x80, $0x38;
	[tilespmem:$0x1FF00] =	vst v63  }
0x60: {  	s22 =	sadd.s32 $0x2FE8, s17;
	s23 =	sadd.s32 $0x1B0, s13  }
0x61: {  	[hbm4b:s23+s3] =	stream.linear.scatter [tilespmem:s22], [sflag:$0x1], $0x80, $0x38;
	[tilespmem:$0x1FF00] =	vst v63  }
0x62: {  	s24 =	sadd.s32 $0x3FE0, s17;
	s25 =	sadd.s32 $0x1C0, s13  }
0x63: {  	[hbm4b:s25+s3] =	stream.linear.scatter [tilespmem:s24], [sflag:$0x1], $0x80, $0x38;
	[tilespmem:$0x1FF00] =	vst v63  }
0x64: {  	s26 =	sadd.s32 $0x4FD8, s17;
	s28 =	sadd.s32 $0x1D0, s13  }
0x65: {  	[hbm4b:s28+s3] =	stream.linear.scatter [tilespmem:s26], [sflag:$0x1], $0x80, $0x38;
	[tilespmem:$0x1FF00] =	vst v63  }
0x66: {  	s30 =	sadd.s32 $0x1E0, s13;
	s29 =	sadd.s32 $0x5FD0, s17  }
0x67: {  	[hbm4b:s30+s3] =	stream.linear.scatter [tilespmem:s29], [sflag:$0x1], $0x80, $0x38;
	[tilespmem:$0x1FF00] =	vst v63  }
0x68: {  	s31 =	sadd.s32 $0x6FC8, s17;
	s1 =	sadd.s32 $0x1F0, s13;
	s19 =	sadd.s32 $0xFFFFFA80, s12  }
0x69: {  	[hbm4b:s1+s3] =	stream.linear.scatter [tilespmem:s31], [sflag:$0x1], $0x80, $0x38;
	[tilespmem:$0x1FF00] =	vst v63  }
0x6a: {  	s18 =	sand.u32 $0xFFFFFFF8, s19;
	s20 =	sadd.s32 $0x200, s13  }
0x6b: {  	[hbm4b:s20+s3] =	stream.linear.scatter [tilespmem:s18], [sflag:$0x1], $0x80, $0x38;
	[tilespmem:$0x1FF00] =	vst v63  }
0x6c: {  	s21 =	sadd.s32 $0xFF8, s18;
	s20 =	sadd.s32 $0x210, s13  }
0x6d: {  	[hbm4b:s20+s3] =	stream.linear.scatter [tilespmem:s21], [sflag:$0x1], $0x80, $0x38;
	[tilespmem:$0x1FF00] =	vst v63  }
0x6e: {  	s22 =	sadd.s32 $0x1FF0, s18;
	s23 =	sadd.s32 $0x220, s13  }
0x6f: {  	[hbm4b:s23+s3] =	stream.linear.scatter [tilespmem:s22], [sflag:$0x1], $0x80, $0x38;
	[tilespmem:$0x1FF00] =	vst v63  }
0x70: {  	s24 =	sadd.s32 $0x2FE8, s18;
	s25 =	sadd.s32 $0x230, s13  }
0x71: {  	[hbm4b:s25+s3] =	stream.linear.scatter [tilespmem:s24], [sflag:$0x1], $0x80, $0x38;
	[tilespmem:$0x1FF00] =	vst v63  }
0x72: {  	s26 =	sadd.s32 $0x3FE0, s18;
	s28 =	sadd.s32 $0x240, s13  }
0x73: {  	[hbm4b:s28+s3] =	stream.linear.scatter [tilespmem:s26], [sflag:$0x1], $0x80, $0x38;
	[tilespmem:$0x1FF00] =	vst v63  }
0x74: {  	s29 =	sadd.s32 $0x4FD8, s18;
	s30 =	sadd.s32 $0x250, s13  }
0x75: {  	[hbm4b:s30+s3] =	stream.linear.scatter [tilespmem:s29], [sflag:$0x1], $0x80, $0x38;
	[tilespmem:$0x1FF00] =	vst v63  }
0x76: {  	s31 =	sadd.s32 $0x5FD0, s18;
	s1 =	sadd.s32 $0x260, s13  }
0x77: {  	[hbm4b:s1+s3] =	stream.linear.scatter [tilespmem:s31], [sflag:$0x1], $0x80, $0x38;
	[tilespmem:$0x1FF00] =	vst v63  }
0x78: {  	s21 =	sadd.s32 $0x6FC8, s18;
	s22 =	sadd.s32 $0x270, s13;
	s23 =	sadd.s32 $0xFFFFFB00, s12  }
0x79: {  	[hbm4b:s22+s3] =	stream.linear.scatter [tilespmem:s21], [sflag:$0x1], $0x80, $0x38;
	[tilespmem:$0x1FF00] =	vst v63  }
0x7a: {  	s19 =	sand.u32 $0xFFFFFFF8, s23;
	s24 =	sadd.s32 $0x280, s13  }
0x7b: {  	[hbm4b:s24+s3] =	stream.linear.scatter [tilespmem:s19], [sflag:$0x1], $0x80, $0x38;
	[tilespmem:$0x1FF00] =	vst v63  }
0x7c: {  	s25 =	sadd.s32 $0xFF8, s19;
	s21 =	sadd.s32 $0x290, s13  }
0x7d: {  	[hbm4b:s21+s3] =	stream.linear.scatter [tilespmem:s25], [sflag:$0x1], $0x80, $0x38;
	[tilespmem:$0x1FF00] =	vst v63  }
0x7e: {  	s26 =	sadd.s32 $0x1FF0, s19;
	s28 =	sadd.s32 $0x2A0, s13  }
0x7f: {  	[hbm4b:s28+s3] =	stream.linear.scatter [tilespmem:s26], [sflag:$0x1], $0x80, $0x38;
	[tilespmem:$0x1FF00] =	vst v63  }
0x80: {  	s29 =	sadd.s32 $0x2FE8, s19;
	s30 =	sadd.s32 $0x2B0, s13  }
0x81: {  	[hbm4b:s30+s3] =	stream.linear.scatter [tilespmem:s29], [sflag:$0x1], $0x80, $0x38;
	[tilespmem:$0x1FF00] =	vst v63  }
0x82: {  	s31 =	sadd.s32 $0x3FE0, s19;
	s1 =	sadd.s32 $0x2C0, s13  }
0x83: {  	[hbm4b:s1+s3] =	stream.linear.scatter [tilespmem:s31], [sflag:$0x1], $0x80, $0x38;
	[tilespmem:$0x1FF00] =	vst v63  }
0x84: {  	s22 =	sadd.s32 $0x2D0, s13;
	s21 =	sadd.s32 $0x4FD8, s19  }
0x85: {  	[hbm4b:s22+s3] =	stream.linear.scatter [tilespmem:s21], [sflag:$0x1], $0x80, $0x38;
	[tilespmem:$0x1FF00] =	vst v63  }
0x86: {  	s23 =	sadd.s32 $0x5FD0, s19;
	s24 =	sadd.s32 $0x2E0, s13  }
0x87: {  	[hbm4b:s24+s3] =	stream.linear.scatter [tilespmem:s23], [sflag:$0x1], $0x80, $0x38;
	[tilespmem:$0x1FF00] =	vst v63  }
0x88: {  	s25 =	sadd.s32 $0x6FC8, s19;
	s26 =	sadd.s32 $0x2F0, s13;
	s28 =	sadd.s32 $0xFFFFFB80, s12  }
0x89: {  	[hbm4b:s26+s3] =	stream.linear.scatter [tilespmem:s25], [sflag:$0x1], $0x80, $0x38;
	[tilespmem:$0x1FF00] =	vst v63  }
0x8a: {  	s20 =	sand.u32 $0xFFFFFFF8, s28;
	s29 =	sadd.s32 $0x300, s13  }
0x8b: {  	[hbm4b:s29+s3] =	stream.linear.scatter [tilespmem:s20], [sflag:$0x1], $0x80, $0x38;
	[tilespmem:$0x1FF00] =	vst v63  }
0x8c: {  	s30 =	sadd.s32 $0xFF8, s20;
	s22 =	sadd.s32 $0x310, s13  }
0x8d: {  	[hbm4b:s22+s3] =	stream.linear.scatter [tilespmem:s30], [sflag:$0x1], $0x80, $0x38;
	[tilespmem:$0x1FF00] =	vst v63  }
0x8e: {  	s31 =	sadd.s32 $0x1FF0, s20;
	s1 =	sadd.s32 $0x320, s13  }
0x8f: {  	[hbm4b:s1+s3] =	stream.linear.scatter [tilespmem:s31], [sflag:$0x1], $0x80, $0x38;
	[tilespmem:$0x1FF00] =	vst v63  }
0x90: {  	s23 =	sadd.s32 $0x330, s13;
	s22 =	sadd.s32 $0x2FE8, s20  }
0x91: {  	[hbm4b:s23+s3] =	stream.linear.scatter [tilespmem:s22], [sflag:$0x1], $0x80, $0x38;
	[tilespmem:$0x1FF00] =	vst v63  }
0x92: {  	s24 =	sadd.s32 $0x3FE0, s20;
	s25 =	sadd.s32 $0x340, s13  }
0x93: {  	[hbm4b:s25+s3] =	stream.linear.scatter [tilespmem:s24], [sflag:$0x1], $0x80, $0x38;
	[tilespmem:$0x1FF00] =	vst v63  }
0x94: {  	s28 =	sadd.s32 $0x350, s13;
	s26 =	sadd.s32 $0x4FD8, s20  }
0x95: {  	[hbm4b:s28+s3] =	stream.linear.scatter [tilespmem:s26], [sflag:$0x1], $0x80, $0x38;
	[tilespmem:$0x1FF00] =	vst v63  }
0x96: {  	s29 =	sadd.s32 $0x5FD0, s20;
	s30 =	sadd.s32 $0x360, s13  }
0x97: {  	[hbm4b:s30+s3] =	stream.linear.scatter [tilespmem:s29], [sflag:$0x1], $0x80, $0x38;
	[tilespmem:$0x1FF00] =	vst v63  }
0x98: {  	s31 =	sadd.s32 $0x6FC8, s20;
	s1 =	sadd.s32 $0x370, s13;
	s23 =	sadd.s32 $0xFFFFFC00, s12  }
0x99: {  	[hbm4b:s1+s3] =	stream.linear.scatter [tilespmem:s31], [sflag:$0x1], $0x80, $0x38;
	[tilespmem:$0x1FF00] =	vst v63  }
0x9a: {  	s21 =	sand.u32 $0xFFFFFFF8, s23;
	s24 =	sadd.s32 $0x380, s13  }
0x9b: {  	[hbm4b:s24+s3] =	stream.linear.scatter [tilespmem:s21], [sflag:$0x1], $0x80, $0x38;
	[tilespmem:$0x1FF00] =	vst v63  }
0x9c: {  	s23 =	sadd.s32 $0x390, s13;
	s25 =	sadd.s32 $0xFF8, s21  }
0x9d: {  	[hbm4b:s23+s3] =	stream.linear.scatter [tilespmem:s25], [sflag:$0x1], $0x80, $0x38;
	[tilespmem:$0x1FF00] =	vst v63  }
0x9e: {  	s26 =	sadd.s32 $0x1FF0, s21;
	s28 =	sadd.s32 $0x3A0, s13  }
0x9f: {  	[hbm4b:s28+s3] =	stream.linear.scatter [tilespmem:s26], [sflag:$0x1], $0x80, $0x38;
	[tilespmem:$0x1FF00] =	vst v63  }
0xa0: {  	s29 =	sadd.s32 $0x2FE8, s21;
	s30 =	sadd.s32 $0x3B0, s13  }
0xa1: {  	[hbm4b:s30+s3] =	stream.linear.scatter [tilespmem:s29], [sflag:$0x1], $0x80, $0x38;
	[tilespmem:$0x1FF00] =	vst v63  }
0xa2: {  	s31 =	sadd.s32 $0x3FE0, s21;
	s1 =	sadd.s32 $0x3C0, s13  }
0xa3: {  	[hbm4b:s1+s3] =	stream.linear.scatter [tilespmem:s31], [sflag:$0x1], $0x80, $0x38;
	[tilespmem:$0x1FF00] =	vst v63  }
0xa4: {  	s24 =	sadd.s32 $0x3D0, s13;
	s23 =	sadd.s32 $0x4FD8, s21  }
0xa5: {  	[hbm4b:s24+s3] =	stream.linear.scatter [tilespmem:s23], [sflag:$0x1], $0x80, $0x38;
	[tilespmem:$0x1FF00] =	vst v63  }
0xa6: {  	s25 =	sadd.s32 $0x5FD0, s21;
	s26 =	sadd.s32 $0x3E0, s13  }
0xa7: {  	[hbm4b:s26+s3] =	stream.linear.scatter [tilespmem:s25], [sflag:$0x1], $0x80, $0x38;
	[tilespmem:$0x1FF00] =	vst v63  }
0xa8: {  	s28 =	sadd.s32 $0x6FC8, s21;
	s29 =	sadd.s32 $0x3F0, s13;
	s30 =	sadd.s32 $0xFFFFFC80, s12  }
0xa9: {  	[hbm4b:s29+s3] =	stream.linear.scatter [tilespmem:s28], [sflag:$0x1], $0x80, $0x38;
	[tilespmem:$0x1FF00] =	vst v63  }
0xaa: {  	s22 =	sand.u32 $0xFFFFFFF8, s30;
	s31 =	sadd.s32 $0x400, s13  }
0xab: {  	[hbm4b:s31+s3] =	stream.linear.scatter [tilespmem:s22], [sflag:$0x1], $0x80, $0x38;
	[tilespmem:$0x1FF00] =	vst v63  }
0xac: {  	s1 =	sadd.s32 $0xFF8, s22;
	s24 =	sadd.s32 $0x410, s13  }
0xad: {  	[hbm4b:s24+s3] =	stream.linear.scatter [tilespmem:s1], [sflag:$0x1], $0x80, $0x38;
	[tilespmem:$0x1FF00] =	vst v63  }
0xae: {  	s25 =	sadd.s32 $0x420, s13;
	s24 =	sadd.s32 $0x1FF0, s22  }
0xaf: {  	[hbm4b:s25+s3] =	stream.linear.scatter [tilespmem:s24], [sflag:$0x1], $0x80, $0x38;
	[tilespmem:$0x1FF00] =	vst v63  }
0xb0: {  	s26 =	sadd.s32 $0x2FE8, s22;
	s28 =	sadd.s32 $0x430, s13  }
0xb1: {  	[hbm4b:s28+s3] =	stream.linear.scatter [tilespmem:s26], [sflag:$0x1], $0x80, $0x38;
	[tilespmem:$0x1FF00] =	vst v63  }
0xb2: {  	s30 =	sadd.s32 $0x440, s13;
	s29 =	sadd.s32 $0x3FE0, s22  }
0xb3: {  	[hbm4b:s30+s3] =	stream.linear.scatter [tilespmem:s29], [sflag:$0x1], $0x80, $0x38;
	[tilespmem:$0x1FF00] =	vst v63  }
0xb4: {  	s31 =	sadd.s32 $0x4FD8, s22;
	s1 =	sadd.s32 $0x450, s13  }
0xb5: {  	[hbm4b:s1+s3] =	stream.linear.scatter [tilespmem:s31], [sflag:$0x1], $0x80, $0x38;
	[tilespmem:$0x1FF00] =	vst v63  }
0xb6: {  	s25 =	sadd.s32 $0x5FD0, s22;
	s26 =	sadd.s32 $0x460, s13  }
0xb7: {  	[hbm4b:s26+s3] =	stream.linear.scatter [tilespmem:s25], [sflag:$0x1], $0x80, $0x38;
	[tilespmem:$0x1FF00] =	vst v63  }
0xb8: {  	s28 =	sadd.s32 $0x6FC8, s22;
	s29 =	sadd.s32 $0x470, s13;
	s30 =	sadd.s32 $0xFFFFFD00, s12  }
0xb9: {  	[hbm4b:s29+s3] =	stream.linear.scatter [tilespmem:s28], [sflag:$0x1], $0x80, $0x38;
	[tilespmem:$0x1FF00] =	vst v63  }
0xba: {  	s23 =	sand.u32 $0xFFFFFFF8, s30;
	s31 =	sadd.s32 $0x480, s13  }
0xbb: {  	[hbm4b:s31+s3] =	stream.linear.scatter [tilespmem:s23], [sflag:$0x1], $0x80, $0x38;
	[tilespmem:$0x1FF00] =	vst v63  }
0xbc: {  	s1 =	sadd.s32 $0xFF8, s23;
	s25 =	sadd.s32 $0x490, s13  }
0xbd: {  	[hbm4b:s25+s3] =	stream.linear.scatter [tilespmem:s1], [sflag:$0x1], $0x80, $0x38;
	[tilespmem:$0x1FF00] =	vst v63  }
0xbe: {  	s26 =	sadd.s32 $0x1FF0, s23;
	s28 =	sadd.s32 $0x4A0, s13  }
0xbf: {  	[hbm4b:s28+s3] =	stream.linear.scatter [tilespmem:s26], [sflag:$0x1], $0x80, $0x38;
	[tilespmem:$0x1FF00] =	vst v63  }
0xc0: {  	s30 =	sadd.s32 $0x4B0, s13;
	s29 =	sadd.s32 $0x2FE8, s23  }
0xc1: {  	[hbm4b:s30+s3] =	stream.linear.scatter [tilespmem:s29], [sflag:$0x1], $0x80, $0x38;
	[tilespmem:$0x1FF00] =	vst v63  }
0xc2: {  	s31 =	sadd.s32 $0x3FE0, s23;
	s1 =	sadd.s32 $0x4C0, s13  }
0xc3: {  	[hbm4b:s1+s3] =	stream.linear.scatter [tilespmem:s31], [sflag:$0x1], $0x80, $0x38;
	[tilespmem:$0x1FF00] =	vst v63  }
0xc4: {  	s26 =	sadd.s32 $0x4FD8, s23;
	s28 =	sadd.s32 $0x4D0, s13  }
0xc5: {  	[hbm4b:s28+s3] =	stream.linear.scatter [tilespmem:s26], [sflag:$0x1], $0x80, $0x38;
	[tilespmem:$0x1FF00] =	vst v63  }
0xc6: {  	s29 =	sadd.s32 $0x5FD0, s23;
	s30 =	sadd.s32 $0x4E0, s13  }
0xc7: {  	[hbm4b:s30+s3] =	stream.linear.scatter [tilespmem:s29], [sflag:$0x1], $0x80, $0x38;
	[tilespmem:$0x1FF00] =	vst v63  }
0xc8: {  	s25 =	sadd.s32 $0xFFFFFD80, s12;
	s31 =	sadd.s32 $0x6FC8, s23;
	s1 =	sadd.s32 $0x4F0, s13  }
0xc9: {  	[hbm4b:s1+s3] =	stream.linear.scatter [tilespmem:s31], [sflag:$0x1], $0x80, $0x38;
	[tilespmem:$0x1FF00] =	vst v63  }
0xca: {  	s24 =	sand.u32 $0xFFFFFFF8, s25;
	s26 =	sadd.s32 $0x500, s13  }
0xcb: {  	[hbm4b:s26+s3] =	stream.linear.scatter [tilespmem:s24], [sflag:$0x1], $0x80, $0x38;
	[tilespmem:$0x1FF00] =	vst v63  }
0xcc: {  	s28 =	sadd.s32 $0xFF8, s24;
	s26 =	sadd.s32 $0x510, s13  }
0xcd: {  	[hbm4b:s26+s3] =	stream.linear.scatter [tilespmem:s28], [sflag:$0x1], $0x80, $0x38;
	[tilespmem:$0x1FF00] =	vst v63  }
0xce: {  	s29 =	sadd.s32 $0x1FF0, s24;
	s30 =	sadd.s32 $0x520, s13  }
0xcf: {  	[hbm4b:s30+s3] =	stream.linear.scatter [tilespmem:s29], [sflag:$0x1], $0x80, $0x38;
	[tilespmem:$0x1FF00] =	vst v63  }
0xd0: {  	s31 =	sadd.s32 $0x2FE8, s24;
	s1 =	sadd.s32 $0x530, s13  }
0xd1: {  	[hbm4b:s1+s3] =	stream.linear.scatter [tilespmem:s31], [sflag:$0x1], $0x80, $0x38;
	[tilespmem:$0x1FF00] =	vst v63  }
0xd2: {  	s26 =	sadd.s32 $0x3FE0, s24;
	s28 =	sadd.s32 $0x540, s13  }
0xd3: {  	[hbm4b:s28+s3] =	stream.linear.scatter [tilespmem:s26], [sflag:$0x1], $0x80, $0x38;
	[tilespmem:$0x1FF00] =	vst v63  }
0xd4: {  	s29 =	sadd.s32 $0x4FD8, s24;
	s30 =	sadd.s32 $0x550, s13  }
0xd5: {  	[hbm4b:s30+s3] =	stream.linear.scatter [tilespmem:s29], [sflag:$0x1], $0x80, $0x38;
	[tilespmem:$0x1FF00] =	vst v63  }
0xd6: {  	s31 =	sadd.s32 $0x5FD0, s24;
	s1 =	sadd.s32 $0x560, s13  }
0xd7: {  	[hbm4b:s1+s3] =	stream.linear.scatter [tilespmem:s31], [sflag:$0x1], $0x80, $0x38;
	[tilespmem:$0x1FF00] =	vst v63  }
0xd8: {  	s28 =	sadd.s32 $0x6FC8, s24;
	s29 =	sadd.s32 $0x570, s13;
	s30 =	sadd.s32 $0xFFFFFE00, s12  }
0xd9: {  	[hbm4b:s29+s3] =	stream.linear.scatter [tilespmem:s28], [sflag:$0x1], $0x80, $0x38;
	[tilespmem:$0x1FF00] =	vst v63  }
0xda: {  	s25 =	sand.u32 $0xFFFFFFF8, s30;
	s31 =	sadd.s32 $0x580, s13  }
0xdb: {  	[hbm4b:s31+s3] =	stream.linear.scatter [tilespmem:s25], [sflag:$0x1], $0x80, $0x38;
	[tilespmem:$0x1FF00] =	vst v63  }
0xdc: {  	s1 =	sadd.s32 $0xFF8, s25;
	s28 =	sadd.s32 $0x590, s13  }
0xdd: {  	[hbm4b:s28+s3] =	stream.linear.scatter [tilespmem:s1], [sflag:$0x1], $0x80, $0x38;
	[tilespmem:$0x1FF00] =	vst v63  }
0xde: {  	s30 =	sadd.s32 $0x5A0, s13;
	s29 =	sadd.s32 $0x1FF0, s25  }
0xdf: {  	[hbm4b:s30+s3] =	stream.linear.scatter [tilespmem:s29], [sflag:$0x1], $0x80, $0x38;
	[tilespmem:$0x1FF00] =	vst v63  }
0xe0: {  	s31 =	sadd.s32 $0x2FE8, s25;
	s1 =	sadd.s32 $0x5B0, s13  }
0xe1: {  	[hbm4b:s1+s3] =	stream.linear.scatter [tilespmem:s31], [sflag:$0x1], $0x80, $0x38;
	[tilespmem:$0x1FF00] =	vst v63  }
0xe2: {  	s29 =	sadd.s32 $0x3FE0, s25;
	s30 =	sadd.s32 $0x5C0, s13  }
0xe3: {  	[hbm4b:s30+s3] =	stream.linear.scatter [tilespmem:s29], [sflag:$0x1], $0x80, $0x38;
	[tilespmem:$0x1FF00] =	vst v63  }
0xe4: {  	s31 =	sadd.s32 $0x4FD8, s25;
	s1 =	sadd.s32 $0x5D0, s13  }
0xe5: {  	[hbm4b:s1+s3] =	stream.linear.scatter [tilespmem:s31], [sflag:$0x1], $0x80, $0x38;
	[tilespmem:$0x1FF00] =	vst v63  }
0xe6: {  	s29 =	sadd.s32 $0x5FD0, s25;
	s30 =	sadd.s32 $0x5E0, s13  }
0xe7: {  	[hbm4b:s30+s3] =	stream.linear.scatter [tilespmem:s29], [sflag:$0x1], $0x80, $0x38;
	[tilespmem:$0x1FF00] =	vst v63  }
0xe8: {  	s31 =	sadd.s32 $0x6FC8, s25;
	s1 =	sadd.s32 $0x5F0, s13;
	s29 =	sadd.s32 $0xFFFFFE80, s12  }
0xe9: {  	[hbm4b:s1+s3] =	stream.linear.scatter [tilespmem:s31], [sflag:$0x1], $0x80, $0x38;
	[tilespmem:$0x1FF00] =	vst v63  }
0xea: {  	s30 =	sadd.s32 $0x600, s13;
	s26 =	sand.u32 $0xFFFFFFF8, s29  }
0xeb: {  	[hbm4b:s30+s3] =	stream.linear.scatter [tilespmem:s26], [sflag:$0x1], $0x80, $0x38;
	[tilespmem:$0x1FF00] =	vst v63  }
0xec: {  	s29 =	sadd.s32 $0x610, s13;
	s31 =	sadd.s32 $0xFF8, s26  }
0xed: {  	[hbm4b:s29+s3] =	stream.linear.scatter [tilespmem:s31], [sflag:$0x1], $0x80, $0x38;
	[tilespmem:$0x1FF00] =	vst v63  }
0xee: {  	s1 =	sadd.s32 $0x1FF0, s26;
	s30 =	sadd.s32 $0x620, s13  }
0xef: {  	[hbm4b:s30+s3] =	stream.linear.scatter [tilespmem:s1], [sflag:$0x1], $0x80, $0x38;
	[tilespmem:$0x1FF00] =	vst v63  }
0xf0: {  	s31 =	sadd.s32 $0x2FE8, s26;
	s1 =	sadd.s32 $0x630, s13  }
0xf1: {  	[hbm4b:s1+s3] =	stream.linear.scatter [tilespmem:s31], [sflag:$0x1], $0x80, $0x38;
	[tilespmem:$0x1FF00] =	vst v63  }
0xf2: {  	s30 =	sadd.s32 $0x3FE0, s26;
	s31 =	sadd.s32 $0x640, s13  }
0xf3: {  	[hbm4b:s31+s3] =	stream.linear.scatter [tilespmem:s30], [sflag:$0x1], $0x80, $0x38;
	[tilespmem:$0x1FF00] =	vst v63  }
0xf4: {  	s1 =	sadd.s32 $0x4FD8, s26;
	s30 =	sadd.s32 $0x650, s13  }
0xf5: {  	[hbm4b:s30+s3] =	stream.linear.scatter [tilespmem:s1], [sflag:$0x1], $0x80, $0x38;
	[tilespmem:$0x1FF00] =	vst v63  }
0xf6: {  	s31 =	sadd.s32 $0x5FD0, s26;
	s1 =	sadd.s32 $0x660, s13  }
0xf7: {  	[hbm4b:s1+s3] =	stream.linear.scatter [tilespmem:s31], [sflag:$0x1], $0x80, $0x38;
	[tilespmem:$0x1FF00] =	vst v63  }
0xf8: {  	s30 =	sadd.s32 $0x6FC8, s26;
	s31 =	sadd.s32 $0x670, s13;
	s1 =	sadd.s32 $0xFFFFFF00, s12  }
0xf9: {  	[hbm4b:s31+s3] =	stream.linear.scatter [tilespmem:s30], [sflag:$0x1], $0x80, $0x38;
	[tilespmem:$0x1FF00] =	vst v63  }
0xfa: {  	s28 =	sand.u32 $0xFFFFFFF8, s1;
	s30 =	sadd.s32 $0x680, s13  }
0xfb: {  	[hbm4b:s30+s3] =	stream.linear.scatter [tilespmem:s28], [sflag:$0x1], $0x80, $0x38;
	[tilespmem:$0x1FF00] =	vst v63  }
0xfc: {  	s31 =	sadd.s32 $0xFF8, s28;
	s30 =	sadd.s32 $0x690, s13  }
0xfd: {  	[hbm4b:s30+s3] =	stream.linear.scatter [tilespmem:s31], [sflag:$0x1], $0x80, $0x38;
	[tilespmem:$0x1FF00] =	vst v63  }
0xfe: {  	s1 =	sadd.s32 $0x1FF0, s28;
	s31 =	sadd.s32 $0x6A0, s13  }
0xff: {  	[hbm4b:s31+s3] =	stream.linear.scatter [tilespmem:s1], [sflag:$0x1], $0x80, $0x38;
	[tilespmem:$0x1FF00] =	vst v63  }
0x100: {  	s1 =	sadd.s32 $0x2FE8, s28;
	s31 =	sadd.s32 $0x6B0, s13  }
0x101: {  	[hbm4b:s31+s3] =	stream.linear.scatter [tilespmem:s1], [sflag:$0x1], $0x80, $0x38;
	[tilespmem:$0x1FF00] =	vst v63  }
0x102: {  	s1 =	sadd.s32 $0x3FE0, s28;
	s31 =	sadd.s32 $0x6C0, s13  }
0x103: {  	[hbm4b:s31+s3] =	stream.linear.scatter [tilespmem:s1], [sflag:$0x1], $0x80, $0x38;
	[tilespmem:$0x1FF00] =	vst v63  }
0x104: {  	s1 =	sadd.s32 $0x4FD8, s28;
	s31 =	sadd.s32 $0x6D0, s13  }
0x105: {  	[hbm4b:s31+s3] =	stream.linear.scatter [tilespmem:s1], [sflag:$0x1], $0x80, $0x38;
	[tilespmem:$0x1FF00] =	vst v63  }
0x106: {  	s1 =	sadd.s32 $0x5FD0, s28;
	s31 =	sadd.s32 $0x6E0, s13  }
0x107: {  	[hbm4b:s31+s3] =	stream.linear.scatter [tilespmem:s1], [sflag:$0x1], $0x80, $0x38;
	[tilespmem:$0x1FF00] =	vst v63  }
0x108: {  	s1 =	sadd.s32 $0x6FC8, s28;
	s31 =	sadd.s32 $0x6F0, s13  }
0x109: {  	[hbm4b:s31+s3] =	stream.linear.scatter [tilespmem:s1], [sflag:$0x1], $0x80, $0x38;
	[tilespmem:$0x1FF00] =	vst v63  }
0x10a: {  	s1 =	sadd.s32 $0xFFFFFF80, s12  }
0x10b: {  	s31 =	sadd.s32 $0x700, s13;
	s29 =	sand.u32 $0xFFFFFFF8, s1  }
0x10c: {  	[hbm4b:s31+s3] =	stream.linear.scatter [tilespmem:s29], [sflag:$0x1], $0x80, $0x38;
	[tilespmem:$0x1FF00] =	vst v63  }
0x10d: {  	s1 =	sadd.s32 $0xFF8, s29;
	s31 =	sadd.s32 $0x710, s13  }
0x10e: {  	[hbm4b:s31+s3] =	stream.linear.scatter [tilespmem:s1], [sflag:$0x1], $0x80, $0x38;
	[tilespmem:$0x1FF00] =	vst v63  }
0x10f: {  	s30 =	sadd.s32 $0x1FF0, s29;
	s1 =	sadd.s32 $0x720, s13  }
0x110: {  	[hbm4b:s1+s3] =	stream.linear.scatter [tilespmem:s30], [sflag:$0x1], $0x80, $0x38;
	[tilespmem:$0x1FF00] =	vst v63  }
0x111: {  	s30 =	sadd.s32 $0x2FE8, s29;
	s1 =	sadd.s32 $0x730, s13  }
0x112: {  	[hbm4b:s1+s3] =	stream.linear.scatter [tilespmem:s30], [sflag:$0x1], $0x80, $0x38;
	[tilespmem:$0x1FF00] =	vst v63  }
0x113: {  	s30 =	sadd.s32 $0x3FE0, s29;
	s1 =	sadd.s32 $0x740, s13  }
0x114: {  	[hbm4b:s1+s3] =	stream.linear.scatter [tilespmem:s30], [sflag:$0x1], $0x80, $0x38;
	[tilespmem:$0x1FF00] =	vst v63  }
0x115: {  	s30 =	sadd.s32 $0x4FD8, s29;
	s1 =	sadd.s32 $0x750, s13  }
0x116: {  	[hbm4b:s1+s3] =	stream.linear.scatter [tilespmem:s30], [sflag:$0x1], $0x80, $0x38;
	[tilespmem:$0x1FF00] =	vst v63  }
0x117: {  	s30 =	sadd.s32 $0x5FD0, s29;
	s1 =	sadd.s32 $0x760, s13  }
0x118: {  	[hbm4b:s1+s3] =	stream.linear.scatter [tilespmem:s30], [sflag:$0x1], $0x80, $0x38;
	[tilespmem:$0x1FF00] =	vst v63  }
0x119: {  	s30 =	sadd.s32 $0x6FC8, s29;
	s1 =	sadd.s32 $0x770, s13  }
0x11a: {  	[hbm4b:s1+s3] =	stream.linear.scatter [tilespmem:s30], [sflag:$0x1], $0x80, $0x38;
	[tilespmem:$0x1FF00] =	vst v63  }
0x11b: {  	s1 =	sadd.s32 $0x780, s13;
	s30 =	sand.u32 $0xFFFFFFF8, s12  }
0x11c: {  	[hbm4b:s1+s3] =	stream.linear.scatter [tilespmem:s30], [sflag:$0x1], $0x80, $0x38;
	[tilespmem:$0x1FF00] =	vst v63  }
0x11d: {  	s31 =	sadd.s32 $0xFF8, s30;
	s1 =	sadd.s32 $0x790, s13  }
0x11e: {  	[hbm4b:s1+s3] =	stream.linear.scatter [tilespmem:s31], [sflag:$0x1], $0x80, $0x38;
	[tilespmem:$0x1FF00] =	vst v63  }
0x11f: {  	s1 =	sadd.s32 $0x1FF0, s30;
	s31 =	sadd.s32 $0x7A0, s13  }
0x120: {  	[hbm4b:s31+s3] =	stream.linear.scatter [tilespmem:s1], [sflag:$0x1], $0x80, $0x38;
	[tilespmem:$0x1FF00] =	vst v63  }
0x121: {  	s1 =	sadd.s32 $0x2FE8, s30;
	s31 =	sadd.s32 $0x7B0, s13  }
0x122: {  	[hbm4b:s31+s3] =	stream.linear.scatter [tilespmem:s1], [sflag:$0x1], $0x80, $0x38;
	[tilespmem:$0x1FF00] =	vst v63  }
0x123: {  	s1 =	sadd.s32 $0x3FE0, s30;
	s31 =	sadd.s32 $0x7C0, s13  }
0x124: {  	[hbm4b:s31+s3] =	stream.linear.scatter [tilespmem:s1], [sflag:$0x1], $0x80, $0x38;
	[tilespmem:$0x1FF00] =	vst v63  }
0x125: {  	s1 =	sadd.s32 $0x4FD8, s30;
	s31 =	sadd.s32 $0x7D0, s13  }
0x126: {  	[hbm4b:s31+s3] =	stream.linear.scatter [tilespmem:s1], [sflag:$0x1], $0x80, $0x38;
	[tilespmem:$0x1FF00] =	vst v63  }
0x127: {  	s1 =	sadd.s32 $0x5FD0, s30;
	s31 =	sadd.s32 $0x7E0, s13  }
0x128: {  	[hbm4b:s31+s3] =	stream.linear.scatter [tilespmem:s1], [sflag:$0x1], $0x80, $0x38;
	[tilespmem:$0x1FF00] =	vst v63  }
0x129: {  	s1 =	sadd.s32 $0x6FC8, s30;
	s31 =	sadd.s32 $0x7F0, s13  }
0x12a: {  	[hbm4b:s31+s3] =	stream.linear.scatter [tilespmem:s1], [sflag:$0x1], $0x80, $0x38;
	[tilespmem:$0x1FF00] =	vst v63  }
0x12b: {  	s1 =	sadd.s32 $0x800, s13;
	s31 =	sadd.s32 $0x7FC0, s14  }
0x12c: {  	[hbm4b:s1+s3] =	stream.linear.scatter [tilespmem:s31], [sflag:$0x1], $0x80, $0x38;
	[tilespmem:$0x1FF00] =	vst v63  }
0x12d: {  	s1 =	sadd.s32 $0x8FB8, s14;
	s31 =	sadd.s32 $0x810, s13  }
0x12e: {  	[hbm4b:s31+s3] =	stream.linear.scatter [tilespmem:s1], [sflag:$0x1], $0x80, $0x38;
	[tilespmem:$0x1FF00] =	vst v63  }
0x12f: {  	s1 =	sadd.s32 $0x9FB0, s14;
	s31 =	sadd.s32 $0x820, s13  }
0x130: {  	[hbm4b:s31+s3] =	stream.linear.scatter [tilespmem:s1], [sflag:$0x1], $0x80, $0x38;
	[tilespmem:$0x1FF00] =	vst v63  }
0x131: {  	s1 =	sadd.s32 $0xAFA8, s14;
	s31 =	sadd.s32 $0x830, s13  }
0x132: {  	[hbm4b:s31+s3] =	stream.linear.scatter [tilespmem:s1], [sflag:$0x1], $0x80, $0x38;
	[tilespmem:$0x1FF00] =	vst v63  }
0x133: {  	s1 =	sadd.s32 $0xBFA0, s14;
	s31 =	sadd.s32 $0x840, s13  }
0x134: {  	[hbm4b:s31+s3] =	stream.linear.scatter [tilespmem:s1], [sflag:$0x1], $0x80, $0x38;
	[tilespmem:$0x1FF00] =	vst v63  }
0x135: {  	s1 =	sadd.s32 $0xCF98, s14;
	s31 =	sadd.s32 $0x850, s13  }
0x136: {  	[hbm4b:s31+s3] =	stream.linear.scatter [tilespmem:s1], [sflag:$0x1], $0x80, $0x38;
	[tilespmem:$0x1FF00] =	vst v63  }
0x137: {  	s1 =	sadd.s32 $0xDF90, s14;
	s31 =	sadd.s32 $0x860, s13  }
0x138: {  	[hbm4b:s31+s3] =	stream.linear.scatter [tilespmem:s1], [sflag:$0x1], $0x80, $0x38;
	[tilespmem:$0x1FF00] =	vst v63  }
0x139: {  	s1 =	sadd.s32 $0xEF88, s14;
	s31 =	sadd.s32 $0x870, s13  }
0x13a: {  	[hbm4b:s31+s3] =	stream.linear.scatter [tilespmem:s1], [sflag:$0x1], $0x80, $0x38;
	[tilespmem:$0x1FF00] =	vst v63  }
0x13b: {  	s1 =	sadd.s32 $0x880, s13;
	s31 =	sadd.s32 $0x7FC0, s15  }
0x13c: {  	[hbm4b:s1+s3] =	stream.linear.scatter [tilespmem:s31], [sflag:$0x1], $0x80, $0x38;
	[tilespmem:$0x1FF00] =	vst v63  }
0x13d: {  	s1 =	sadd.s32 $0x8FB8, s15;
	s31 =	sadd.s32 $0x890, s13  }
0x13e: {  	[hbm4b:s31+s3] =	stream.linear.scatter [tilespmem:s1], [sflag:$0x1], $0x80, $0x38;
	[tilespmem:$0x1FF00] =	vst v63  }
0x13f: {  	s1 =	sadd.s32 $0x9FB0, s15;
	s31 =	sadd.s32 $0x8A0, s13  }
0x140: {  	[hbm4b:s31+s3] =	stream.linear.scatter [tilespmem:s1], [sflag:$0x1], $0x80, $0x38;
	[tilespmem:$0x1FF00] =	vst v63  }
0x141: {  	s1 =	sadd.s32 $0xAFA8, s15;
	s31 =	sadd.s32 $0x8B0, s13  }
0x142: {  	[hbm4b:s31+s3] =	stream.linear.scatter [tilespmem:s1], [sflag:$0x1], $0x80, $0x38;
	[tilespmem:$0x1FF00] =	vst v63  }
0x143: {  	s1 =	sadd.s32 $0xBFA0, s15;
	s31 =	sadd.s32 $0x8C0, s13  }
0x144: {  	[hbm4b:s31+s3] =	stream.linear.scatter [tilespmem:s1], [sflag:$0x1], $0x80, $0x38;
	[tilespmem:$0x1FF00] =	vst v63  }
0x145: {  	s1 =	sadd.s32 $0xCF98, s15;
	s31 =	sadd.s32 $0x8D0, s13  }
0x146: {  	[hbm4b:s31+s3] =	stream.linear.scatter [tilespmem:s1], [sflag:$0x1], $0x80, $0x38;
	[tilespmem:$0x1FF00] =	vst v63  }
0x147: {  	s1 =	sadd.s32 $0xDF90, s15;
	s31 =	sadd.s32 $0x8E0, s13  }
0x148: {  	[hbm4b:s31+s3] =	stream.linear.scatter [tilespmem:s1], [sflag:$0x1], $0x80, $0x38;
	[tilespmem:$0x1FF00] =	vst v63  }
0x149: {  	s1 =	sadd.s32 $0xEF88, s15;
	s31 =	sadd.s32 $0x8F0, s13  }
0x14a: {  	[hbm4b:s31+s3] =	stream.linear.scatter [tilespmem:s1], [sflag:$0x1], $0x80, $0x38;
	[tilespmem:$0x1FF00] =	vst v63  }
0x14b: {  	s1 =	sadd.s32 $0x900, s13;
	s31 =	sadd.s32 $0x7FC0, s16  }
0x14c: {  	[hbm4b:s1+s3] =	stream.linear.scatter [tilespmem:s31], [sflag:$0x1], $0x80, $0x38;
	[tilespmem:$0x1FF00] =	vst v63  }
0x14d: {  	s1 =	sadd.s32 $0x8FB8, s16;
	s31 =	sadd.s32 $0x910, s13  }
0x14e: {  	[hbm4b:s31+s3] =	stream.linear.scatter [tilespmem:s1], [sflag:$0x1], $0x80, $0x38;
	[tilespmem:$0x1FF00] =	vst v63  }
0x14f: {  	s1 =	sadd.s32 $0x9FB0, s16;
	s31 =	sadd.s32 $0x920, s13  }
0x150: {  	[hbm4b:s31+s3] =	stream.linear.scatter [tilespmem:s1], [sflag:$0x1], $0x80, $0x38;
	[tilespmem:$0x1FF00] =	vst v63  }
0x151: {  	s1 =	sadd.s32 $0xAFA8, s16;
	s31 =	sadd.s32 $0x930, s13  }
0x152: {  	[hbm4b:s31+s3] =	stream.linear.scatter [tilespmem:s1], [sflag:$0x1], $0x80, $0x38;
	[tilespmem:$0x1FF00] =	vst v63  }
0x153: {  	s1 =	sadd.s32 $0xBFA0, s16;
	s31 =	sadd.s32 $0x940, s13  }
0x154: {  	[hbm4b:s31+s3] =	stream.linear.scatter [tilespmem:s1], [sflag:$0x1], $0x80, $0x38;
	[tilespmem:$0x1FF00] =	vst v63  }
0x155: {  	s1 =	sadd.s32 $0xCF98, s16;
	s31 =	sadd.s32 $0x950, s13  }
0x156: {  	[hbm4b:s31+s3] =	stream.linear.scatter [tilespmem:s1], [sflag:$0x1], $0x80, $0x38;
	[tilespmem:$0x1FF00] =	vst v63  }
0x157: {  	s1 =	sadd.s32 $0xDF90, s16;
	s31 =	sadd.s32 $0x960, s13  }
0x158: {  	[hbm4b:s31+s3] =	stream.linear.scatter [tilespmem:s1], [sflag:$0x1], $0x80, $0x38;
	[tilespmem:$0x1FF00] =	vst v63  }
0x159: {  	s1 =	sadd.s32 $0xEF88, s16;
	s31 =	sadd.s32 $0x970, s13  }
0x15a: {  	[hbm4b:s31+s3] =	stream.linear.scatter [tilespmem:s1], [sflag:$0x1], $0x80, $0x38;
	[tilespmem:$0x1FF00] =	vst v63  }
0x15b: {  	s1 =	sadd.s32 $0x980, s13;
	s31 =	sadd.s32 $0x7FC0, s17  }
0x15c: {  	[hbm4b:s1+s3] =	stream.linear.scatter [tilespmem:s31], [sflag:$0x1], $0x80, $0x38;
	[tilespmem:$0x1FF00] =	vst v63  }
0x15d: {  	s1 =	sadd.s32 $0x8FB8, s17;
	s31 =	sadd.s32 $0x990, s13  }
0x15e: {  	[hbm4b:s31+s3] =	stream.linear.scatter [tilespmem:s1], [sflag:$0x1], $0x80, $0x38;
	[tilespmem:$0x1FF00] =	vst v63  }
0x15f: {  	s1 =	sadd.s32 $0x9FB0, s17;
	s31 =	sadd.s32 $0x9A0, s13  }
0x160: {  	[hbm4b:s31+s3] =	stream.linear.scatter [tilespmem:s1], [sflag:$0x1], $0x80, $0x38;
	[tilespmem:$0x1FF00] =	vst v63  }
0x161: {  	s1 =	sadd.s32 $0xAFA8, s17;
	s31 =	sadd.s32 $0x9B0, s13  }
0x162: {  	[hbm4b:s31+s3] =	stream.linear.scatter [tilespmem:s1], [sflag:$0x1], $0x80, $0x38;
	[tilespmem:$0x1FF00] =	vst v63  }
0x163: {  	s1 =	sadd.s32 $0xBFA0, s17;
	s31 =	sadd.s32 $0x9C0, s13  }
0x164: {  	[hbm4b:s31+s3] =	stream.linear.scatter [tilespmem:s1], [sflag:$0x1], $0x80, $0x38;
	[tilespmem:$0x1FF00] =	vst v63  }
0x165: {  	s1 =	sadd.s32 $0xCF98, s17;
	s31 =	sadd.s32 $0x9D0, s13  }
0x166: {  	[hbm4b:s31+s3] =	stream.linear.scatter [tilespmem:s1], [sflag:$0x1], $0x80, $0x38;
	[tilespmem:$0x1FF00] =	vst v63  }
0x167: {  	s1 =	sadd.s32 $0xDF90, s17;
	s31 =	sadd.s32 $0x9E0, s13  }
0x168: {  	[hbm4b:s31+s3] =	stream.linear.scatter [tilespmem:s1], [sflag:$0x1], $0x80, $0x38;
	[tilespmem:$0x1FF00] =	vst v63  }
0x169: {  	s1 =	sadd.s32 $0xEF88, s17;
	s31 =	sadd.s32 $0x9F0, s13  }
0x16a: {  	[hbm4b:s31+s3] =	stream.linear.scatter [tilespmem:s1], [sflag:$0x1], $0x80, $0x38;
	[tilespmem:$0x1FF00] =	vst v63  }
0x16b: {  	s1 =	sadd.s32 $0xA00, s13;
	s31 =	sadd.s32 $0x7FC0, s18  }
0x16c: {  	[hbm4b:s1+s3] =	stream.linear.scatter [tilespmem:s31], [sflag:$0x1], $0x80, $0x38;
	[tilespmem:$0x1FF00] =	vst v63  }
0x16d: {  	s1 =	sadd.s32 $0x8FB8, s18;
	s31 =	sadd.s32 $0xA10, s13  }
0x16e: {  	[hbm4b:s31+s3] =	stream.linear.scatter [tilespmem:s1], [sflag:$0x1], $0x80, $0x38;
	[tilespmem:$0x1FF00] =	vst v63  }
0x16f: {  	s1 =	sadd.s32 $0x9FB0, s18;
	s31 =	sadd.s32 $0xA20, s13  }
0x170: {  	[hbm4b:s31+s3] =	stream.linear.scatter [tilespmem:s1], [sflag:$0x1], $0x80, $0x38;
	[tilespmem:$0x1FF00] =	vst v63  }
0x171: {  	s1 =	sadd.s32 $0xAFA8, s18;
	s31 =	sadd.s32 $0xA30, s13  }
0x172: {  	[hbm4b:s31+s3] =	stream.linear.scatter [tilespmem:s1], [sflag:$0x1], $0x80, $0x38;
	[tilespmem:$0x1FF00] =	vst v63  }
0x173: {  	s1 =	sadd.s32 $0xBFA0, s18;
	s31 =	sadd.s32 $0xA40, s13  }
0x174: {  	[hbm4b:s31+s3] =	stream.linear.scatter [tilespmem:s1], [sflag:$0x1], $0x80, $0x38;
	[tilespmem:$0x1FF00] =	vst v63  }
0x175: {  	s1 =	sadd.s32 $0xCF98, s18;
	s31 =	sadd.s32 $0xA50, s13  }
0x176: {  	[hbm4b:s31+s3] =	stream.linear.scatter [tilespmem:s1], [sflag:$0x1], $0x80, $0x38;
	[tilespmem:$0x1FF00] =	vst v63  }
0x177: {  	s1 =	sadd.s32 $0xDF90, s18;
	s31 =	sadd.s32 $0xA60, s13  }
0x178: {  	[hbm4b:s31+s3] =	stream.linear.scatter [tilespmem:s1], [sflag:$0x1], $0x80, $0x38;
	[tilespmem:$0x1FF00] =	vst v63  }
0x179: {  	s1 =	sadd.s32 $0xEF88, s18;
	s31 =	sadd.s32 $0xA70, s13  }
0x17a: {  	[hbm4b:s31+s3] =	stream.linear.scatter [tilespmem:s1], [sflag:$0x1], $0x80, $0x38;
	[tilespmem:$0x1FF00] =	vst v63  }
0x17b: {  	s1 =	sadd.s32 $0xA80, s13;
	s31 =	sadd.s32 $0x7FC0, s19  }
0x17c: {  	[hbm4b:s1+s3] =	stream.linear.scatter [tilespmem:s31], [sflag:$0x1], $0x80, $0x38;
	[tilespmem:$0x1FF00] =	vst v63  }
0x17d: {  	s1 =	sadd.s32 $0x8FB8, s19;
	s31 =	sadd.s32 $0xA90, s13  }
0x17e: {  	[hbm4b:s31+s3] =	stream.linear.scatter [tilespmem:s1], [sflag:$0x1], $0x80, $0x38;
	[tilespmem:$0x1FF00] =	vst v63  }
0x17f: {  	s1 =	sadd.s32 $0x9FB0, s19;
	s31 =	sadd.s32 $0xAA0, s13  }
0x180: {  	[hbm4b:s31+s3] =	stream.linear.scatter [tilespmem:s1], [sflag:$0x1], $0x80, $0x38;
	[tilespmem:$0x1FF00] =	vst v63  }
0x181: {  	s1 =	sadd.s32 $0xAFA8, s19;
	s31 =	sadd.s32 $0xAB0, s13  }
0x182: {  	[hbm4b:s31+s3] =	stream.linear.scatter [tilespmem:s1], [sflag:$0x1], $0x80, $0x38;
	[tilespmem:$0x1FF00] =	vst v63  }
0x183: {  	s1 =	sadd.s32 $0xBFA0, s19;
	s31 =	sadd.s32 $0xAC0, s13  }
0x184: {  	[hbm4b:s31+s3] =	stream.linear.scatter [tilespmem:s1], [sflag:$0x1], $0x80, $0x38;
	[tilespmem:$0x1FF00] =	vst v63  }
0x185: {  	s1 =	sadd.s32 $0xCF98, s19;
	s31 =	sadd.s32 $0xAD0, s13  }
0x186: {  	[hbm4b:s31+s3] =	stream.linear.scatter [tilespmem:s1], [sflag:$0x1], $0x80, $0x38;
	[tilespmem:$0x1FF00] =	vst v63  }
0x187: {  	s1 =	sadd.s32 $0xDF90, s19;
	s31 =	sadd.s32 $0xAE0, s13  }
0x188: {  	[hbm4b:s31+s3] =	stream.linear.scatter [tilespmem:s1], [sflag:$0x1], $0x80, $0x38;
	[tilespmem:$0x1FF00] =	vst v63  }
0x189: {  	s1 =	sadd.s32 $0xEF88, s19;
	s31 =	sadd.s32 $0xAF0, s13  }
0x18a: {  	[hbm4b:s31+s3] =	stream.linear.scatter [tilespmem:s1], [sflag:$0x1], $0x80, $0x38;
	[tilespmem:$0x1FF00] =	vst v63  }
0x18b: {  	s1 =	sadd.s32 $0xB00, s13;
	s31 =	sadd.s32 $0x7FC0, s20  }
0x18c: {  	[hbm4b:s1+s3] =	stream.linear.scatter [tilespmem:s31], [sflag:$0x1], $0x80, $0x38;
	[tilespmem:$0x1FF00] =	vst v63  }
0x18d: {  	s1 =	sadd.s32 $0x8FB8, s20;
	s31 =	sadd.s32 $0xB10, s13  }
0x18e: {  	[hbm4b:s31+s3] =	stream.linear.scatter [tilespmem:s1], [sflag:$0x1], $0x80, $0x38;
	[tilespmem:$0x1FF00] =	vst v63  }
0x18f: {  	s1 =	sadd.s32 $0x9FB0, s20;
	s31 =	sadd.s32 $0xB20, s13  }
0x190: {  	[hbm4b:s31+s3] =	stream.linear.scatter [tilespmem:s1], [sflag:$0x1], $0x80, $0x38;
	[tilespmem:$0x1FF00] =	vst v63  }
0x191: {  	s1 =	sadd.s32 $0xAFA8, s20;
	s31 =	sadd.s32 $0xB30, s13  }
0x192: {  	[hbm4b:s31+s3] =	stream.linear.scatter [tilespmem:s1], [sflag:$0x1], $0x80, $0x38;
	[tilespmem:$0x1FF00] =	vst v63  }
0x193: {  	s1 =	sadd.s32 $0xBFA0, s20;
	s31 =	sadd.s32 $0xB40, s13  }
0x194: {  	[hbm4b:s31+s3] =	stream.linear.scatter [tilespmem:s1], [sflag:$0x1], $0x80, $0x38;
	[tilespmem:$0x1FF00] =	vst v63  }
0x195: {  	s1 =	sadd.s32 $0xCF98, s20;
	s31 =	sadd.s32 $0xB50, s13  }
0x196: {  	[hbm4b:s31+s3] =	stream.linear.scatter [tilespmem:s1], [sflag:$0x1], $0x80, $0x38;
	[tilespmem:$0x1FF00] =	vst v63  }
0x197: {  	s1 =	sadd.s32 $0xDF90, s20;
	s31 =	sadd.s32 $0xB60, s13  }
0x198: {  	[hbm4b:s31+s3] =	stream.linear.scatter [tilespmem:s1], [sflag:$0x1], $0x80, $0x38;
	[tilespmem:$0x1FF00] =	vst v63  }
0x199: {  	s1 =	sadd.s32 $0xEF88, s20;
	s31 =	sadd.s32 $0xB70, s13  }
0x19a: {  	[hbm4b:s31+s3] =	stream.linear.scatter [tilespmem:s1], [sflag:$0x1], $0x80, $0x38;
	[tilespmem:$0x1FF00] =	vst v63  }
0x19b: {  	s1 =	sadd.s32 $0xB80, s13;
	s31 =	sadd.s32 $0x7FC0, s21  }
0x19c: {  	[hbm4b:s1+s3] =	stream.linear.scatter [tilespmem:s31], [sflag:$0x1], $0x80, $0x38;
	[tilespmem:$0x1FF00] =	vst v63  }
0x19d: {  	s1 =	sadd.s32 $0x8FB8, s21;
	s31 =	sadd.s32 $0xB90, s13  }
0x19e: {  	[hbm4b:s31+s3] =	stream.linear.scatter [tilespmem:s1], [sflag:$0x1], $0x80, $0x38;
	[tilespmem:$0x1FF00] =	vst v63  }
0x19f: {  	s1 =	sadd.s32 $0x9FB0, s21;
	s31 =	sadd.s32 $0xBA0, s13  }
0x1a0: {  	[hbm4b:s31+s3] =	stream.linear.scatter [tilespmem:s1], [sflag:$0x1], $0x80, $0x38;
	[tilespmem:$0x1FF00] =	vst v63  }
0x1a1: {  	s1 =	sadd.s32 $0xAFA8, s21;
	s31 =	sadd.s32 $0xBB0, s13  }
0x1a2: {  	[hbm4b:s31+s3] =	stream.linear.scatter [tilespmem:s1], [sflag:$0x1], $0x80, $0x38;
	[tilespmem:$0x1FF00] =	vst v63  }
0x1a3: {  	s1 =	sadd.s32 $0xBFA0, s21;
	s31 =	sadd.s32 $0xBC0, s13  }
0x1a4: {  	[hbm4b:s31+s3] =	stream.linear.scatter [tilespmem:s1], [sflag:$0x1], $0x80, $0x38;
	[tilespmem:$0x1FF00] =	vst v63  }
0x1a5: {  	s1 =	sadd.s32 $0xCF98, s21;
	s31 =	sadd.s32 $0xBD0, s13  }
0x1a6: {  	[hbm4b:s31+s3] =	stream.linear.scatter [tilespmem:s1], [sflag:$0x1], $0x80, $0x38;
	[tilespmem:$0x1FF00] =	vst v63  }
0x1a7: {  	s1 =	sadd.s32 $0xDF90, s21;
	s31 =	sadd.s32 $0xBE0, s13  }
0x1a8: {  	[hbm4b:s31+s3] =	stream.linear.scatter [tilespmem:s1], [sflag:$0x1], $0x80, $0x38;
	[tilespmem:$0x1FF00] =	vst v63  }
0x1a9: {  	s1 =	sadd.s32 $0xEF88, s21;
	s31 =	sadd.s32 $0xBF0, s13  }
0x1aa: {  	[hbm4b:s31+s3] =	stream.linear.scatter [tilespmem:s1], [sflag:$0x1], $0x80, $0x38;
	[tilespmem:$0x1FF00] =	vst v63  }
0x1ab: {  	s1 =	sadd.s32 $0xC00, s13;
	s31 =	sadd.s32 $0x7FC0, s22  }
0x1ac: {  	[hbm4b:s1+s3] =	stream.linear.scatter [tilespmem:s31], [sflag:$0x1], $0x80, $0x38;
	[tilespmem:$0x1FF00] =	vst v63  }
0x1ad: {  	s1 =	sadd.s32 $0x8FB8, s22;
	s31 =	sadd.s32 $0xC10, s13  }
0x1ae: {  	[hbm4b:s31+s3] =	stream.linear.scatter [tilespmem:s1], [sflag:$0x1], $0x80, $0x38;
	[tilespmem:$0x1FF00] =	vst v63  }
0x1af: {  	s1 =	sadd.s32 $0x9FB0, s22;
	s31 =	sadd.s32 $0xC20, s13  }
0x1b0: {  	[hbm4b:s31+s3] =	stream.linear.scatter [tilespmem:s1], [sflag:$0x1], $0x80, $0x38;
	[tilespmem:$0x1FF00] =	vst v63  }
0x1b1: {  	s1 =	sadd.s32 $0xAFA8, s22;
	s31 =	sadd.s32 $0xC30, s13  }
0x1b2: {  	[hbm4b:s31+s3] =	stream.linear.scatter [tilespmem:s1], [sflag:$0x1], $0x80, $0x38;
	[tilespmem:$0x1FF00] =	vst v63  }
0x1b3: {  	s1 =	sadd.s32 $0xBFA0, s22;
	s31 =	sadd.s32 $0xC40, s13  }
0x1b4: {  	[hbm4b:s31+s3] =	stream.linear.scatter [tilespmem:s1], [sflag:$0x1], $0x80, $0x38;
	[tilespmem:$0x1FF00] =	vst v63  }
0x1b5: {  	s1 =	sadd.s32 $0xCF98, s22;
	s31 =	sadd.s32 $0xC50, s13  }
0x1b6: {  	[hbm4b:s31+s3] =	stream.linear.scatter [tilespmem:s1], [sflag:$0x1], $0x80, $0x38;
	[tilespmem:$0x1FF00] =	vst v63  }
0x1b7: {  	s1 =	sadd.s32 $0xDF90, s22;
	s31 =	sadd.s32 $0xC60, s13  }
0x1b8: {  	[hbm4b:s31+s3] =	stream.linear.scatter [tilespmem:s1], [sflag:$0x1], $0x80, $0x38;
	[tilespmem:$0x1FF00] =	vst v63  }
0x1b9: {  	s1 =	sadd.s32 $0xEF88, s22;
	s31 =	sadd.s32 $0xC70, s13  }
0x1ba: {  	[hbm4b:s31+s3] =	stream.linear.scatter [tilespmem:s1], [sflag:$0x1], $0x80, $0x38;
	[tilespmem:$0x1FF00] =	vst v63  }
0x1bb: {  	s1 =	sadd.s32 $0xC80, s13;
	s31 =	sadd.s32 $0x7FC0, s23  }
0x1bc: {  	[hbm4b:s1+s3] =	stream.linear.scatter [tilespmem:s31], [sflag:$0x1], $0x80, $0x38;
	[tilespmem:$0x1FF00] =	vst v63  }
0x1bd: {  	s1 =	sadd.s32 $0x8FB8, s23;
	s31 =	sadd.s32 $0xC90, s13  }
0x1be: {  	[hbm4b:s31+s3] =	stream.linear.scatter [tilespmem:s1], [sflag:$0x1], $0x80, $0x38;
	[tilespmem:$0x1FF00] =	vst v63  }
0x1bf: {  	s1 =	sadd.s32 $0x9FB0, s23;
	s31 =	sadd.s32 $0xCA0, s13  }
0x1c0: {  	[hbm4b:s31+s3] =	stream.linear.scatter [tilespmem:s1], [sflag:$0x1], $0x80, $0x38;
	[tilespmem:$0x1FF00] =	vst v63  }
0x1c1: {  	s1 =	sadd.s32 $0xAFA8, s23;
	s31 =	sadd.s32 $0xCB0, s13  }
0x1c2: {  	[hbm4b:s31+s3] =	stream.linear.scatter [tilespmem:s1], [sflag:$0x1], $0x80, $0x38;
	[tilespmem:$0x1FF00] =	vst v63  }
0x1c3: {  	s1 =	sadd.s32 $0xBFA0, s23;
	s31 =	sadd.s32 $0xCC0, s13  }
0x1c4: {  	[hbm4b:s31+s3] =	stream.linear.scatter [tilespmem:s1], [sflag:$0x1], $0x80, $0x38;
	[tilespmem:$0x1FF00] =	vst v63  }
0x1c5: {  	s1 =	sadd.s32 $0xCF98, s23;
	s31 =	sadd.s32 $0xCD0, s13  }
0x1c6: {  	[hbm4b:s31+s3] =	stream.linear.scatter [tilespmem:s1], [sflag:$0x1], $0x80, $0x38;
	[tilespmem:$0x1FF00] =	vst v63  }
0x1c7: {  	s1 =	sadd.s32 $0xDF90, s23;
	s31 =	sadd.s32 $0xCE0, s13  }
0x1c8: {  	[hbm4b:s31+s3] =	stream.linear.scatter [tilespmem:s1], [sflag:$0x1], $0x80, $0x38;
	[tilespmem:$0x1FF00] =	vst v63  }
0x1c9: {  	s1 =	sadd.s32 $0xEF88, s23;
	s31 =	sadd.s32 $0xCF0, s13  }
0x1ca: {  	[hbm4b:s31+s3] =	stream.linear.scatter [tilespmem:s1], [sflag:$0x1], $0x80, $0x38;
	[tilespmem:$0x1FF00] =	vst v63  }
0x1cb: {  	s1 =	sadd.s32 $0xD00, s13;
	s31 =	sadd.s32 $0x7FC0, s24  }
0x1cc: {  	[hbm4b:s1+s3] =	stream.linear.scatter [tilespmem:s31], [sflag:$0x1], $0x80, $0x38;
	[tilespmem:$0x1FF00] =	vst v63  }
0x1cd: {  	s1 =	sadd.s32 $0x8FB8, s24;
	s31 =	sadd.s32 $0xD10, s13  }
0x1ce: {  	[hbm4b:s31+s3] =	stream.linear.scatter [tilespmem:s1], [sflag:$0x1], $0x80, $0x38;
	[tilespmem:$0x1FF00] =	vst v63  }
0x1cf: {  	s1 =	sadd.s32 $0x9FB0, s24;
	s31 =	sadd.s32 $0xD20, s13  }
0x1d0: {  	[hbm4b:s31+s3] =	stream.linear.scatter [tilespmem:s1], [sflag:$0x1], $0x80, $0x38;
	[tilespmem:$0x1FF00] =	vst v63  }
0x1d1: {  	s1 =	sadd.s32 $0xAFA8, s24;
	s31 =	sadd.s32 $0xD30, s13  }
0x1d2: {  	[hbm4b:s31+s3] =	stream.linear.scatter [tilespmem:s1], [sflag:$0x1], $0x80, $0x38;
	[tilespmem:$0x1FF00] =	vst v63  }
0x1d3: {  	s1 =	sadd.s32 $0xBFA0, s24;
	s31 =	sadd.s32 $0xD40, s13  }
0x1d4: {  	[hbm4b:s31+s3] =	stream.linear.scatter [tilespmem:s1], [sflag:$0x1], $0x80, $0x38;
	[tilespmem:$0x1FF00] =	vst v63  }
0x1d5: {  	s1 =	sadd.s32 $0xCF98, s24;
	s31 =	sadd.s32 $0xD50, s13  }
0x1d6: {  	[hbm4b:s31+s3] =	stream.linear.scatter [tilespmem:s1], [sflag:$0x1], $0x80, $0x38;
	[tilespmem:$0x1FF00] =	vst v63  }
0x1d7: {  	s1 =	sadd.s32 $0xDF90, s24;
	s31 =	sadd.s32 $0xD60, s13  }
0x1d8: {  	[hbm4b:s31+s3] =	stream.linear.scatter [tilespmem:s1], [sflag:$0x1], $0x80, $0x38;
	[tilespmem:$0x1FF00] =	vst v63  }
0x1d9: {  	s1 =	sadd.s32 $0xEF88, s24;
	s31 =	sadd.s32 $0xD70, s13  }
0x1da: {  	[hbm4b:s31+s3] =	stream.linear.scatter [tilespmem:s1], [sflag:$0x1], $0x80, $0x38;
	[tilespmem:$0x1FF00] =	vst v63  }
0x1db: {  	s1 =	sadd.s32 $0xD80, s13;
	s31 =	sadd.s32 $0x7FC0, s25  }
0x1dc: {  	[hbm4b:s1+s3] =	stream.linear.scatter [tilespmem:s31], [sflag:$0x1], $0x80, $0x38;
	[tilespmem:$0x1FF00] =	vst v63  }
0x1dd: {  	s1 =	sadd.s32 $0x8FB8, s25;
	s31 =	sadd.s32 $0xD90, s13  }
0x1de: {  	[hbm4b:s31+s3] =	stream.linear.scatter [tilespmem:s1], [sflag:$0x1], $0x80, $0x38;
	[tilespmem:$0x1FF00] =	vst v63  }
0x1df: {  	s1 =	sadd.s32 $0x9FB0, s25;
	s31 =	sadd.s32 $0xDA0, s13  }
0x1e0: {  	[hbm4b:s31+s3] =	stream.linear.scatter [tilespmem:s1], [sflag:$0x1], $0x80, $0x38;
	[tilespmem:$0x1FF00] =	vst v63  }
0x1e1: {  	s1 =	sadd.s32 $0xAFA8, s25;
	s31 =	sadd.s32 $0xDB0, s13  }
0x1e2: {  	[hbm4b:s31+s3] =	stream.linear.scatter [tilespmem:s1], [sflag:$0x1], $0x80, $0x38;
	[tilespmem:$0x1FF00] =	vst v63  }
0x1e3: {  	s1 =	sadd.s32 $0xBFA0, s25;
	s31 =	sadd.s32 $0xDC0, s13  }
0x1e4: {  	[hbm4b:s31+s3] =	stream.linear.scatter [tilespmem:s1], [sflag:$0x1], $0x80, $0x38;
	[tilespmem:$0x1FF00] =	vst v63  }
0x1e5: {  	s1 =	sadd.s32 $0xCF98, s25;
	s31 =	sadd.s32 $0xDD0, s13  }
0x1e6: {  	[hbm4b:s31+s3] =	stream.linear.scatter [tilespmem:s1], [sflag:$0x1], $0x80, $0x38;
	[tilespmem:$0x1FF00] =	vst v63  }
0x1e7: {  	s1 =	sadd.s32 $0xDF90, s25;
	s31 =	sadd.s32 $0xDE0, s13  }
0x1e8: {  	[hbm4b:s31+s3] =	stream.linear.scatter [tilespmem:s1], [sflag:$0x1], $0x80, $0x38;
	[tilespmem:$0x1FF00] =	vst v63  }
0x1e9: {  	s1 =	sadd.s32 $0xEF88, s25;
	s31 =	sadd.s32 $0xDF0, s13  }
0x1ea: {  	[hbm4b:s31+s3] =	stream.linear.scatter [tilespmem:s1], [sflag:$0x1], $0x80, $0x38;
	[tilespmem:$0x1FF00] =	vst v63  }
0x1eb: {  	s1 =	sadd.s32 $0xE00, s13;
	s31 =	sadd.s32 $0x7FC0, s26  }
0x1ec: {  	[hbm4b:s1+s3] =	stream.linear.scatter [tilespmem:s31], [sflag:$0x1], $0x80, $0x38;
	[tilespmem:$0x1FF00] =	vst v63  }
0x1ed: {  	s1 =	sadd.s32 $0x8FB8, s26;
	s31 =	sadd.s32 $0xE10, s13  }
0x1ee: {  	[hbm4b:s31+s3] =	stream.linear.scatter [tilespmem:s1], [sflag:$0x1], $0x80, $0x38;
	[tilespmem:$0x1FF00] =	vst v63  }
0x1ef: {  	s1 =	sadd.s32 $0x9FB0, s26;
	s31 =	sadd.s32 $0xE20, s13  }
0x1f0: {  	[hbm4b:s31+s3] =	stream.linear.scatter [tilespmem:s1], [sflag:$0x1], $0x80, $0x38;
	[tilespmem:$0x1FF00] =	vst v63  }
0x1f1: {  	s1 =	sadd.s32 $0xAFA8, s26;
	s31 =	sadd.s32 $0xE30, s13  }
0x1f2: {  	[hbm4b:s31+s3] =	stream.linear.scatter [tilespmem:s1], [sflag:$0x1], $0x80, $0x38;
	[tilespmem:$0x1FF00] =	vst v63  }
0x1f3: {  	s1 =	sadd.s32 $0xBFA0, s26;
	s31 =	sadd.s32 $0xE40, s13  }
0x1f4: {  	[hbm4b:s31+s3] =	stream.linear.scatter [tilespmem:s1], [sflag:$0x1], $0x80, $0x38;
	[tilespmem:$0x1FF00] =	vst v63  }
0x1f5: {  	s1 =	sadd.s32 $0xCF98, s26;
	s31 =	sadd.s32 $0xE50, s13  }
0x1f6: {  	[hbm4b:s31+s3] =	stream.linear.scatter [tilespmem:s1], [sflag:$0x1], $0x80, $0x38;
	[tilespmem:$0x1FF00] =	vst v63  }
0x1f7: {  	s1 =	sadd.s32 $0xDF90, s26;
	s31 =	sadd.s32 $0xE60, s13  }
0x1f8: {  	[hbm4b:s31+s3] =	stream.linear.scatter [tilespmem:s1], [sflag:$0x1], $0x80, $0x38;
	[tilespmem:$0x1FF00] =	vst v63  }
0x1f9: {  	s1 =	sadd.s32 $0xEF88, s26;
	s31 =	sadd.s32 $0xE70, s13  }
0x1fa: {  	[hbm4b:s31+s3] =	stream.linear.scatter [tilespmem:s1], [sflag:$0x1], $0x80, $0x38;
	[tilespmem:$0x1FF00] =	vst v63  }
0x1fb: {  	s1 =	sadd.s32 $0xE80, s13;
	s31 =	sadd.s32 $0x7FC0, s28  }
0x1fc: {  	[hbm4b:s1+s3] =	stream.linear.scatter [tilespmem:s31], [sflag:$0x1], $0x80, $0x38;
	[tilespmem:$0x1FF00] =	vst v63  }
0x1fd: {  	s1 =	sadd.s32 $0x8FB8, s28;
	s31 =	sadd.s32 $0xE90, s13  }
0x1fe: {  	[hbm4b:s31+s3] =	stream.linear.scatter [tilespmem:s1], [sflag:$0x1], $0x80, $0x38;
	[tilespmem:$0x1FF00] =	vst v63  }
0x1ff: {  	s1 =	sadd.s32 $0x9FB0, s28;
	s31 =	sadd.s32 $0xEA0, s13  }
0x200: {  	[hbm4b:s31+s3] =	stream.linear.scatter [tilespmem:s1], [sflag:$0x1], $0x80, $0x38;
	[tilespmem:$0x1FF00] =	vst v63  }
0x201: {  	s1 =	sadd.s32 $0xAFA8, s28;
	s31 =	sadd.s32 $0xEB0, s13  }
0x202: {  	[hbm4b:s31+s3] =	stream.linear.scatter [tilespmem:s1], [sflag:$0x1], $0x80, $0x38;
	[tilespmem:$0x1FF00] =	vst v63  }
0x203: {  	s1 =	sadd.s32 $0xBFA0, s28;
	s31 =	sadd.s32 $0xEC0, s13  }
0x204: {  	[hbm4b:s31+s3] =	stream.linear.scatter [tilespmem:s1], [sflag:$0x1], $0x80, $0x38;
	[tilespmem:$0x1FF00] =	vst v63  }
0x205: {  	s1 =	sadd.s32 $0xCF98, s28;
	s31 =	sadd.s32 $0xED0, s13  }
0x206: {  	[hbm4b:s31+s3] =	stream.linear.scatter [tilespmem:s1], [sflag:$0x1], $0x80, $0x38;
	[tilespmem:$0x1FF00] =	vst v63  }
0x207: {  	s1 =	sadd.s32 $0xDF90, s28;
	s31 =	sadd.s32 $0xEE0, s13  }
0x208: {  	[hbm4b:s31+s3] =	stream.linear.scatter [tilespmem:s1], [sflag:$0x1], $0x80, $0x38;
	[tilespmem:$0x1FF00] =	vst v63  }
0x209: {  	s1 =	sadd.s32 $0xEF88, s28;
	s31 =	sadd.s32 $0xEF0, s13  }
0x20a: {  	[hbm4b:s31+s3] =	stream.linear.scatter [tilespmem:s1], [sflag:$0x1], $0x80, $0x38;
	[tilespmem:$0x1FF00] =	vst v63  }
0x20b: {  	s1 =	sadd.s32 $0xF00, s13;
	s31 =	sadd.s32 $0x7FC0, s29  }
0x20c: {  	[hbm4b:s1+s3] =	stream.linear.scatter [tilespmem:s31], [sflag:$0x1], $0x80, $0x38;
	[tilespmem:$0x1FF00] =	vst v63  }
0x20d: {  	s1 =	sadd.s32 $0x8FB8, s29;
	s31 =	sadd.s32 $0xF10, s13  }
0x20e: {  	[hbm4b:s31+s3] =	stream.linear.scatter [tilespmem:s1], [sflag:$0x1], $0x80, $0x38;
	[tilespmem:$0x1FF00] =	vst v63  }
0x20f: {  	s1 =	sadd.s32 $0x9FB0, s29;
	s31 =	sadd.s32 $0xF20, s13  }
0x210: {  	[hbm4b:s31+s3] =	stream.linear.scatter [tilespmem:s1], [sflag:$0x1], $0x80, $0x38;
	[tilespmem:$0x1FF00] =	vst v63  }
0x211: {  	s1 =	sadd.s32 $0xAFA8, s29;
	s31 =	sadd.s32 $0xF30, s13  }
0x212: {  	[hbm4b:s31+s3] =	stream.linear.scatter [tilespmem:s1], [sflag:$0x1], $0x80, $0x38;
	[tilespmem:$0x1FF00] =	vst v63  }
0x213: {  	s1 =	sadd.s32 $0xBFA0, s29;
	s31 =	sadd.s32 $0xF40, s13  }
0x214: {  	[hbm4b:s31+s3] =	stream.linear.scatter [tilespmem:s1], [sflag:$0x1], $0x80, $0x38;
	[tilespmem:$0x1FF00] =	vst v63  }
0x215: {  	s1 =	sadd.s32 $0xCF98, s29;
	s31 =	sadd.s32 $0xF50, s13  }
0x216: {  	[hbm4b:s31+s3] =	stream.linear.scatter [tilespmem:s1], [sflag:$0x1], $0x80, $0x38;
	[tilespmem:$0x1FF00] =	vst v63  }
0x217: {  	s1 =	sadd.s32 $0xDF90, s29;
	s31 =	sadd.s32 $0xF60, s13  }
0x218: {  	[hbm4b:s31+s3] =	stream.linear.scatter [tilespmem:s1], [sflag:$0x1], $0x80, $0x38;
	[tilespmem:$0x1FF00] =	vst v63  }
0x219: {  	s1 =	sadd.s32 $0xEF88, s29;
	s31 =	sadd.s32 $0xF70, s13  }
0x21a: {  	[hbm4b:s31+s3] =	stream.linear.scatter [tilespmem:s1], [sflag:$0x1], $0x80, $0x38;
	[tilespmem:$0x1FF00] =	vst v63  }
0x21b: {  	s1 =	sadd.s32 $0xF80, s13;
	s31 =	sadd.s32 $0x7FC0, s30  }
0x21c: {  	[hbm4b:s1+s3] =	stream.linear.scatter [tilespmem:s31], [sflag:$0x1], $0x80, $0x38;
	[tilespmem:$0x1FF00] =	vst v63  }
0x21d: {  	s1 =	sadd.s32 $0x8FB8, s30;
	s31 =	sadd.s32 $0xF90, s13  }
0x21e: {  	[hbm4b:s31+s3] =	stream.linear.scatter [tilespmem:s1], [sflag:$0x1], $0x80, $0x38;
	[tilespmem:$0x1FF00] =	vst v63  }
0x21f: {  	s1 =	sadd.s32 $0x9FB0, s30;
	s31 =	sadd.s32 $0xFA0, s13  }
0x220: {  	[hbm4b:s31+s3] =	stream.linear.scatter [tilespmem:s1], [sflag:$0x1], $0x80, $0x38;
	[tilespmem:$0x1FF00] =	vst v63  }
0x221: {  	s1 =	sadd.s32 $0xAFA8, s30;
	s31 =	sadd.s32 $0xFB0, s13  }
0x222: {  	[hbm4b:s31+s3] =	stream.linear.scatter [tilespmem:s1], [sflag:$0x1], $0x80, $0x38;
	[tilespmem:$0x1FF00] =	vst v63  }
0x223: {  	s1 =	sadd.s32 $0xBFA0, s30;
	s31 =	sadd.s32 $0xFC0, s13  }
0x224: {  	[hbm4b:s31+s3] =	stream.linear.scatter [tilespmem:s1], [sflag:$0x1], $0x80, $0x38;
	[tilespmem:$0x1FF00] =	vst v63  }
0x225: {  	s1 =	sadd.s32 $0xCF98, s30;
	s31 =	sadd.s32 $0xFD0, s13  }
0x226: {  	[hbm4b:s31+s3] =	stream.linear.scatter [tilespmem:s1], [sflag:$0x1], $0x80, $0x38;
	[tilespmem:$0x1FF00] =	vst v63  }
0x227: {  	s1 =	sadd.s32 $0xDF90, s30;
	s31 =	sadd.s32 $0xFE0, s13  }
0x228: {  	[hbm4b:s31+s3] =	stream.linear.scatter [tilespmem:s1], [sflag:$0x1], $0x80, $0x38;
	[tilespmem:$0x1FF00] =	vst v63  }
0x229: {  	s1 =	sadd.s32 $0xEF88, s30;
	s31 =	sadd.s32 $0xFF0, s13  }
0x22a: {  	[hbm4b:s31+s3] =	stream.linear.scatter [tilespmem:s1], [sflag:$0x1], $0x80, $0x38;
	[tilespmem:$0x1FF00] =	vst v63  }
0x22b: {  	s1 =	sadd.s32 $0x1000, s13;
	s31 =	sadd.s32 $0xFF80, s14  }
0x22c: {  	[hbm4b:s1+s3] =	stream.linear.scatter [tilespmem:s31], [sflag:$0x1], $0x80, $0x38;
	[tilespmem:$0x1FF00] =	vst v63  }
0x22d: {  	s1 =	sadd.s32 $0x10F78, s14;
	s31 =	sadd.s32 $0x1010, s13  }
0x22e: {  	[hbm4b:s31+s3] =	stream.linear.scatter [tilespmem:s1], [sflag:$0x1], $0x80, $0x38;
	[tilespmem:$0x1FF00] =	vst v63  }
0x22f: {  	s1 =	sadd.s32 $0x11F70, s14;
	s31 =	sadd.s32 $0x1020, s13  }
0x230: {  	[hbm4b:s31+s3] =	stream.linear.scatter [tilespmem:s1], [sflag:$0x1], $0x80, $0x38;
	[tilespmem:$0x1FF00] =	vst v63  }
0x231: {  	s1 =	sadd.s32 $0x12F68, s14;
	s31 =	sadd.s32 $0x1030, s13  }
0x232: {  	[hbm4b:s31+s3] =	stream.linear.scatter [tilespmem:s1], [sflag:$0x1], $0x80, $0x38;
	[tilespmem:$0x1FF00] =	vst v63  }
0x233: {  	s1 =	sadd.s32 $0x13F60, s14;
	s31 =	sadd.s32 $0x1040, s13  }
0x234: {  	[hbm4b:s31+s3] =	stream.linear.scatter [tilespmem:s1], [sflag:$0x1], $0x80, $0x38;
	[tilespmem:$0x1FF00] =	vst v63  }
0x235: {  	s1 =	sadd.s32 $0x14F58, s14;
	s31 =	sadd.s32 $0x1050, s13  }
0x236: {  	[hbm4b:s31+s3] =	stream.linear.scatter [tilespmem:s1], [sflag:$0x1], $0x80, $0x38;
	[tilespmem:$0x1FF00] =	vst v63  }
0x237: {  	s1 =	sadd.s32 $0x15F50, s14;
	s31 =	sadd.s32 $0x1060, s13  }
0x238: {  	[hbm4b:s31+s3] =	stream.linear.scatter [tilespmem:s1], [sflag:$0x1], $0x80, $0x38;
	[tilespmem:$0x1FF00] =	vst v63  }
0x239: {  	s1 =	sadd.s32 $0x16F48, s14;
	s31 =	sadd.s32 $0x1070, s13  }
0x23a: {  	[hbm4b:s31+s3] =	stream.linear.scatter [tilespmem:s1], [sflag:$0x1], $0x80, $0x38;
	[tilespmem:$0x1FF00] =	vst v63  }
0x23b: {  	s1 =	sadd.s32 $0x1080, s13;
	s31 =	sadd.s32 $0xFF80, s15  }
0x23c: {  	[hbm4b:s1+s3] =	stream.linear.scatter [tilespmem:s31], [sflag:$0x1], $0x80, $0x38;
	[tilespmem:$0x1FF00] =	vst v63  }
0x23d: {  	s1 =	sadd.s32 $0x10F78, s15;
	s31 =	sadd.s32 $0x1090, s13  }
0x23e: {  	[hbm4b:s31+s3] =	stream.linear.scatter [tilespmem:s1], [sflag:$0x1], $0x80, $0x38;
	[tilespmem:$0x1FF00] =	vst v63  }
0x23f: {  	s1 =	sadd.s32 $0x11F70, s15;
	s31 =	sadd.s32 $0x10A0, s13  }
0x240: {  	[hbm4b:s31+s3] =	stream.linear.scatter [tilespmem:s1], [sflag:$0x1], $0x80, $0x38;
	[tilespmem:$0x1FF00] =	vst v63  }
0x241: {  	s1 =	sadd.s32 $0x12F68, s15;
	s31 =	sadd.s32 $0x10B0, s13  }
0x242: {  	[hbm4b:s31+s3] =	stream.linear.scatter [tilespmem:s1], [sflag:$0x1], $0x80, $0x38;
	[tilespmem:$0x1FF00] =	vst v63  }
0x243: {  	s1 =	sadd.s32 $0x13F60, s15;
	s31 =	sadd.s32 $0x10C0, s13  }
0x244: {  	[hbm4b:s31+s3] =	stream.linear.scatter [tilespmem:s1], [sflag:$0x1], $0x80, $0x38;
	[tilespmem:$0x1FF00] =	vst v63  }
0x245: {  	s1 =	sadd.s32 $0x14F58, s15;
	s31 =	sadd.s32 $0x10D0, s13  }
0x246: {  	[hbm4b:s31+s3] =	stream.linear.scatter [tilespmem:s1], [sflag:$0x1], $0x80, $0x38;
	[tilespmem:$0x1FF00] =	vst v63  }
0x247: {  	s1 =	sadd.s32 $0x15F50, s15;
	s31 =	sadd.s32 $0x10E0, s13  }
0x248: {  	[hbm4b:s31+s3] =	stream.linear.scatter [tilespmem:s1], [sflag:$0x1], $0x80, $0x38;
	[tilespmem:$0x1FF00] =	vst v63  }
0x249: {  	s1 =	sadd.s32 $0x16F48, s15;
	s31 =	sadd.s32 $0x10F0, s13  }
0x24a: {  	[hbm4b:s31+s3] =	stream.linear.scatter [tilespmem:s1], [sflag:$0x1], $0x80, $0x38;
	[tilespmem:$0x1FF00] =	vst v63  }
0x24b: {  	s1 =	sadd.s32 $0x1100, s13;
	s31 =	sadd.s32 $0xFF80, s16  }
0x24c: {  	[hbm4b:s1+s3] =	stream.linear.scatter [tilespmem:s31], [sflag:$0x1], $0x80, $0x38;
	[tilespmem:$0x1FF00] =	vst v63  }
0x24d: {  	s1 =	sadd.s32 $0x10F78, s16;
	s31 =	sadd.s32 $0x1110, s13  }
0x24e: {  	[hbm4b:s31+s3] =	stream.linear.scatter [tilespmem:s1], [sflag:$0x1], $0x80, $0x38;
	[tilespmem:$0x1FF00] =	vst v63  }
0x24f: {  	s1 =	sadd.s32 $0x11F70, s16;
	s31 =	sadd.s32 $0x1120, s13  }
0x250: {  	[hbm4b:s31+s3] =	stream.linear.scatter [tilespmem:s1], [sflag:$0x1], $0x80, $0x38;
	[tilespmem:$0x1FF00] =	vst v63  }
0x251: {  	s1 =	sadd.s32 $0x12F68, s16;
	s31 =	sadd.s32 $0x1130, s13  }
0x252: {  	[hbm4b:s31+s3] =	stream.linear.scatter [tilespmem:s1], [sflag:$0x1], $0x80, $0x38;
	[tilespmem:$0x1FF00] =	vst v63  }
0x253: {  	s1 =	sadd.s32 $0x13F60, s16;
	s31 =	sadd.s32 $0x1140, s13  }
0x254: {  	[hbm4b:s31+s3] =	stream.linear.scatter [tilespmem:s1], [sflag:$0x1], $0x80, $0x38;
	[tilespmem:$0x1FF00] =	vst v63  }
0x255: {  	s1 =	sadd.s32 $0x14F58, s16;
	s31 =	sadd.s32 $0x1150, s13  }
0x256: {  	[hbm4b:s31+s3] =	stream.linear.scatter [tilespmem:s1], [sflag:$0x1], $0x80, $0x38;
	[tilespmem:$0x1FF00] =	vst v63  }
0x257: {  	s1 =	sadd.s32 $0x15F50, s16;
	s31 =	sadd.s32 $0x1160, s13  }
0x258: {  	[hbm4b:s31+s3] =	stream.linear.scatter [tilespmem:s1], [sflag:$0x1], $0x80, $0x38;
	[tilespmem:$0x1FF00] =	vst v63  }
0x259: {  	s1 =	sadd.s32 $0x16F48, s16;
	s31 =	sadd.s32 $0x1170, s13  }
0x25a: {  	[hbm4b:s31+s3] =	stream.linear.scatter [tilespmem:s1], [sflag:$0x1], $0x80, $0x38;
	[tilespmem:$0x1FF00] =	vst v63  }
0x25b: {  	s1 =	sadd.s32 $0x1180, s13;
	s31 =	sadd.s32 $0xFF80, s17  }
0x25c: {  	[hbm4b:s1+s3] =	stream.linear.scatter [tilespmem:s31], [sflag:$0x1], $0x80, $0x38;
	[tilespmem:$0x1FF00] =	vst v63  }
0x25d: {  	s1 =	sadd.s32 $0x10F78, s17;
	s31 =	sadd.s32 $0x1190, s13  }
0x25e: {  	[hbm4b:s31+s3] =	stream.linear.scatter [tilespmem:s1], [sflag:$0x1], $0x80, $0x38;
	[tilespmem:$0x1FF00] =	vst v63  }
0x25f: {  	s1 =	sadd.s32 $0x11F70, s17;
	s31 =	sadd.s32 $0x11A0, s13  }
0x260: {  	[hbm4b:s31+s3] =	stream.linear.scatter [tilespmem:s1], [sflag:$0x1], $0x80, $0x38;
	[tilespmem:$0x1FF00] =	vst v63  }
0x261: {  	s1 =	sadd.s32 $0x12F68, s17;
	s31 =	sadd.s32 $0x11B0, s13  }
0x262: {  	[hbm4b:s31+s3] =	stream.linear.scatter [tilespmem:s1], [sflag:$0x1], $0x80, $0x38;
	[tilespmem:$0x1FF00] =	vst v63  }
0x263: {  	s1 =	sadd.s32 $0x13F60, s17;
	s31 =	sadd.s32 $0x11C0, s13  }
0x264: {  	[hbm4b:s31+s3] =	stream.linear.scatter [tilespmem:s1], [sflag:$0x1], $0x80, $0x38;
	[tilespmem:$0x1FF00] =	vst v63  }
0x265: {  	s1 =	sadd.s32 $0x14F58, s17;
	s31 =	sadd.s32 $0x11D0, s13  }
0x266: {  	[hbm4b:s31+s3] =	stream.linear.scatter [tilespmem:s1], [sflag:$0x1], $0x80, $0x38;
	[tilespmem:$0x1FF00] =	vst v63  }
0x267: {  	s1 =	sadd.s32 $0x15F50, s17;
	s31 =	sadd.s32 $0x11E0, s13  }
0x268: {  	[hbm4b:s31+s3] =	stream.linear.scatter [tilespmem:s1], [sflag:$0x1], $0x80, $0x38;
	[tilespmem:$0x1FF00] =	vst v63  }
0x269: {  	s1 =	sadd.s32 $0x16F48, s17;
	s31 =	sadd.s32 $0x11F0, s13  }
0x26a: {  	[hbm4b:s31+s3] =	stream.linear.scatter [tilespmem:s1], [sflag:$0x1], $0x80, $0x38;
	[tilespmem:$0x1FF00] =	vst v63  }
0x26b: {  	s1 =	sadd.s32 $0x1200, s13;
	s31 =	sadd.s32 $0xFF80, s18  }
0x26c: {  	[hbm4b:s1+s3] =	stream.linear.scatter [tilespmem:s31], [sflag:$0x1], $0x80, $0x38;
	[tilespmem:$0x1FF00] =	vst v63  }
0x26d: {  	s1 =	sadd.s32 $0x10F78, s18;
	s31 =	sadd.s32 $0x1210, s13  }
0x26e: {  	[hbm4b:s31+s3] =	stream.linear.scatter [tilespmem:s1], [sflag:$0x1], $0x80, $0x38;
	[tilespmem:$0x1FF00] =	vst v63  }
0x26f: {  	s1 =	sadd.s32 $0x11F70, s18;
	s31 =	sadd.s32 $0x1220, s13  }
0x270: {  	[hbm4b:s31+s3] =	stream.linear.scatter [tilespmem:s1], [sflag:$0x1], $0x80, $0x38;
	[tilespmem:$0x1FF00] =	vst v63  }
0x271: {  	s1 =	sadd.s32 $0x12F68, s18;
	s31 =	sadd.s32 $0x1230, s13  }
0x272: {  	[hbm4b:s31+s3] =	stream.linear.scatter [tilespmem:s1], [sflag:$0x1], $0x80, $0x38;
	[tilespmem:$0x1FF00] =	vst v63  }
0x273: {  	s1 =	sadd.s32 $0x13F60, s18;
	s31 =	sadd.s32 $0x1240, s13  }
0x274: {  	[hbm4b:s31+s3] =	stream.linear.scatter [tilespmem:s1], [sflag:$0x1], $0x80, $0x38;
	[tilespmem:$0x1FF00] =	vst v63  }
0x275: {  	s1 =	sadd.s32 $0x14F58, s18;
	s31 =	sadd.s32 $0x1250, s13  }
0x276: {  	[hbm4b:s31+s3] =	stream.linear.scatter [tilespmem:s1], [sflag:$0x1], $0x80, $0x38;
	[tilespmem:$0x1FF00] =	vst v63  }
0x277: {  	s1 =	sadd.s32 $0x15F50, s18;
	s31 =	sadd.s32 $0x1260, s13  }
0x278: {  	[hbm4b:s31+s3] =	stream.linear.scatter [tilespmem:s1], [sflag:$0x1], $0x80, $0x38;
	[tilespmem:$0x1FF00] =	vst v63  }
0x279: {  	s1 =	sadd.s32 $0x16F48, s18;
	s31 =	sadd.s32 $0x1270, s13  }
0x27a: {  	[hbm4b:s31+s3] =	stream.linear.scatter [tilespmem:s1], [sflag:$0x1], $0x80, $0x38;
	[tilespmem:$0x1FF00] =	vst v63  }
0x27b: {  	s1 =	sadd.s32 $0x1280, s13;
	s31 =	sadd.s32 $0xFF80, s19  }
0x27c: {  	[hbm4b:s1+s3] =	stream.linear.scatter [tilespmem:s31], [sflag:$0x1], $0x80, $0x38;
	[tilespmem:$0x1FF00] =	vst v63  }
0x27d: {  	s1 =	sadd.s32 $0x10F78, s19;
	s31 =	sadd.s32 $0x1290, s13  }
0x27e: {  	[hbm4b:s31+s3] =	stream.linear.scatter [tilespmem:s1], [sflag:$0x1], $0x80, $0x38;
	[tilespmem:$0x1FF00] =	vst v63  }
0x27f: {  	s1 =	sadd.s32 $0x11F70, s19;
	s31 =	sadd.s32 $0x12A0, s13  }
0x280: {  	[hbm4b:s31+s3] =	stream.linear.scatter [tilespmem:s1], [sflag:$0x1], $0x80, $0x38;
	[tilespmem:$0x1FF00] =	vst v63  }
0x281: {  	s1 =	sadd.s32 $0x12F68, s19;
	s31 =	sadd.s32 $0x12B0, s13  }
0x282: {  	[hbm4b:s31+s3] =	stream.linear.scatter [tilespmem:s1], [sflag:$0x1], $0x80, $0x38;
	[tilespmem:$0x1FF00] =	vst v63  }
0x283: {  	s1 =	sadd.s32 $0x13F60, s19;
	s31 =	sadd.s32 $0x12C0, s13  }
0x284: {  	[hbm4b:s31+s3] =	stream.linear.scatter [tilespmem:s1], [sflag:$0x1], $0x80, $0x38;
	[tilespmem:$0x1FF00] =	vst v63  }
0x285: {  	s1 =	sadd.s32 $0x14F58, s19;
	s31 =	sadd.s32 $0x12D0, s13  }
0x286: {  	[hbm4b:s31+s3] =	stream.linear.scatter [tilespmem:s1], [sflag:$0x1], $0x80, $0x38;
	[tilespmem:$0x1FF00] =	vst v63  }
0x287: {  	s1 =	sadd.s32 $0x15F50, s19;
	s31 =	sadd.s32 $0x12E0, s13  }
0x288: {  	[hbm4b:s31+s3] =	stream.linear.scatter [tilespmem:s1], [sflag:$0x1], $0x80, $0x38;
	[tilespmem:$0x1FF00] =	vst v63  }
0x289: {  	s1 =	sadd.s32 $0x16F48, s19;
	s31 =	sadd.s32 $0x12F0, s13  }
0x28a: {  	[hbm4b:s31+s3] =	stream.linear.scatter [tilespmem:s1], [sflag:$0x1], $0x80, $0x38;
	[tilespmem:$0x1FF00] =	vst v63  }
0x28b: {  	s1 =	sadd.s32 $0x1300, s13;
	s31 =	sadd.s32 $0xFF80, s20  }
0x28c: {  	[hbm4b:s1+s3] =	stream.linear.scatter [tilespmem:s31], [sflag:$0x1], $0x80, $0x38;
	[tilespmem:$0x1FF00] =	vst v63  }
0x28d: {  	s1 =	sadd.s32 $0x10F78, s20;
	s31 =	sadd.s32 $0x1310, s13  }
0x28e: {  	[hbm4b:s31+s3] =	stream.linear.scatter [tilespmem:s1], [sflag:$0x1], $0x80, $0x38;
	[tilespmem:$0x1FF00] =	vst v63  }
0x28f: {  	s1 =	sadd.s32 $0x11F70, s20;
	s31 =	sadd.s32 $0x1320, s13  }
0x290: {  	[hbm4b:s31+s3] =	stream.linear.scatter [tilespmem:s1], [sflag:$0x1], $0x80, $0x38;
	[tilespmem:$0x1FF00] =	vst v63  }
0x291: {  	s1 =	sadd.s32 $0x12F68, s20;
	s31 =	sadd.s32 $0x1330, s13  }
0x292: {  	[hbm4b:s31+s3] =	stream.linear.scatter [tilespmem:s1], [sflag:$0x1], $0x80, $0x38;
	[tilespmem:$0x1FF00] =	vst v63  }
0x293: {  	s1 =	sadd.s32 $0x13F60, s20;
	s31 =	sadd.s32 $0x1340, s13  }
0x294: {  	[hbm4b:s31+s3] =	stream.linear.scatter [tilespmem:s1], [sflag:$0x1], $0x80, $0x38;
	[tilespmem:$0x1FF00] =	vst v63  }
0x295: {  	s1 =	sadd.s32 $0x14F58, s20;
	s31 =	sadd.s32 $0x1350, s13  }
0x296: {  	[hbm4b:s31+s3] =	stream.linear.scatter [tilespmem:s1], [sflag:$0x1], $0x80, $0x38;
	[tilespmem:$0x1FF00] =	vst v63  }
0x297: {  	s1 =	sadd.s32 $0x15F50, s20;
	s31 =	sadd.s32 $0x1360, s13  }
0x298: {  	[hbm4b:s31+s3] =	stream.linear.scatter [tilespmem:s1], [sflag:$0x1], $0x80, $0x38;
	[tilespmem:$0x1FF00] =	vst v63  }
0x299: {  	s1 =	sadd.s32 $0x16F48, s20;
	s31 =	sadd.s32 $0x1370, s13  }
0x29a: {  	[hbm4b:s31+s3] =	stream.linear.scatter [tilespmem:s1], [sflag:$0x1], $0x80, $0x38;
	[tilespmem:$0x1FF00] =	vst v63  }
0x29b: {  	s1 =	sadd.s32 $0x1380, s13;
	s31 =	sadd.s32 $0xFF80, s21  }
0x29c: {  	[hbm4b:s1+s3] =	stream.linear.scatter [tilespmem:s31], [sflag:$0x1], $0x80, $0x38;
	[tilespmem:$0x1FF00] =	vst v63  }
0x29d: {  	s1 =	sadd.s32 $0x10F78, s21;
	s31 =	sadd.s32 $0x1390, s13  }
0x29e: {  	[hbm4b:s31+s3] =	stream.linear.scatter [tilespmem:s1], [sflag:$0x1], $0x80, $0x38;
	[tilespmem:$0x1FF00] =	vst v63  }
0x29f: {  	s1 =	sadd.s32 $0x11F70, s21;
	s31 =	sadd.s32 $0x13A0, s13  }
0x2a0: {  	[hbm4b:s31+s3] =	stream.linear.scatter [tilespmem:s1], [sflag:$0x1], $0x80, $0x38;
	[tilespmem:$0x1FF00] =	vst v63  }
0x2a1: {  	s1 =	sadd.s32 $0x12F68, s21;
	s31 =	sadd.s32 $0x13B0, s13  }
0x2a2: {  	[hbm4b:s31+s3] =	stream.linear.scatter [tilespmem:s1], [sflag:$0x1], $0x80, $0x38;
	[tilespmem:$0x1FF00] =	vst v63  }
0x2a3: {  	s1 =	sadd.s32 $0x13F60, s21;
	s31 =	sadd.s32 $0x13C0, s13  }
0x2a4: {  	[hbm4b:s31+s3] =	stream.linear.scatter [tilespmem:s1], [sflag:$0x1], $0x80, $0x38;
	[tilespmem:$0x1FF00] =	vst v63  }
0x2a5: {  	s1 =	sadd.s32 $0x14F58, s21;
	s31 =	sadd.s32 $0x13D0, s13  }
0x2a6: {  	[hbm4b:s31+s3] =	stream.linear.scatter [tilespmem:s1], [sflag:$0x1], $0x80, $0x38;
	[tilespmem:$0x1FF00] =	vst v63  }
0x2a7: {  	s1 =	sadd.s32 $0x15F50, s21;
	s31 =	sadd.s32 $0x13E0, s13  }
0x2a8: {  	[hbm4b:s31+s3] =	stream.linear.scatter [tilespmem:s1], [sflag:$0x1], $0x80, $0x38;
	[tilespmem:$0x1FF00] =	vst v63  }
0x2a9: {  	s1 =	sadd.s32 $0x16F48, s21;
	s31 =	sadd.s32 $0x13F0, s13  }
0x2aa: {  	[hbm4b:s31+s3] =	stream.linear.scatter [tilespmem:s1], [sflag:$0x1], $0x80, $0x38;
	[tilespmem:$0x1FF00] =	vst v63  }
0x2ab: {  	s1 =	sadd.s32 $0x1400, s13;
	s31 =	sadd.s32 $0xFF80, s22  }
0x2ac: {  	[hbm4b:s1+s3] =	stream.linear.scatter [tilespmem:s31], [sflag:$0x1], $0x80, $0x38;
	[tilespmem:$0x1FF00] =	vst v63  }
0x2ad: {  	s1 =	sadd.s32 $0x10F78, s22;
	s31 =	sadd.s32 $0x1410, s13  }
0x2ae: {  	[hbm4b:s31+s3] =	stream.linear.scatter [tilespmem:s1], [sflag:$0x1], $0x80, $0x38;
	[tilespmem:$0x1FF00] =	vst v63  }
0x2af: {  	s1 =	sadd.s32 $0x11F70, s22;
	s31 =	sadd.s32 $0x1420, s13  }
0x2b0: {  	[hbm4b:s31+s3] =	stream.linear.scatter [tilespmem:s1], [sflag:$0x1], $0x80, $0x38;
	[tilespmem:$0x1FF00] =	vst v63  }
0x2b1: {  	s1 =	sadd.s32 $0x12F68, s22;
	s31 =	sadd.s32 $0x1430, s13  }
0x2b2: {  	[hbm4b:s31+s3] =	stream.linear.scatter [tilespmem:s1], [sflag:$0x1], $0x80, $0x38;
	[tilespmem:$0x1FF00] =	vst v63  }
0x2b3: {  	s1 =	sadd.s32 $0x13F60, s22;
	s31 =	sadd.s32 $0x1440, s13  }
0x2b4: {  	[hbm4b:s31+s3] =	stream.linear.scatter [tilespmem:s1], [sflag:$0x1], $0x80, $0x38;
	[tilespmem:$0x1FF00] =	vst v63  }
0x2b5: {  	s1 =	sadd.s32 $0x14F58, s22;
	s31 =	sadd.s32 $0x1450, s13  }
0x2b6: {  	[hbm4b:s31+s3] =	stream.linear.scatter [tilespmem:s1], [sflag:$0x1], $0x80, $0x38;
	[tilespmem:$0x1FF00] =	vst v63  }
0x2b7: {  	s1 =	sadd.s32 $0x15F50, s22;
	s31 =	sadd.s32 $0x1460, s13  }
0x2b8: {  	[hbm4b:s31+s3] =	stream.linear.scatter [tilespmem:s1], [sflag:$0x1], $0x80, $0x38;
	[tilespmem:$0x1FF00] =	vst v63  }
0x2b9: {  	s1 =	sadd.s32 $0x16F48, s22;
	s31 =	sadd.s32 $0x1470, s13  }
0x2ba: {  	[hbm4b:s31+s3] =	stream.linear.scatter [tilespmem:s1], [sflag:$0x1], $0x80, $0x38;
	[tilespmem:$0x1FF00] =	vst v63  }
0x2bb: {  	s1 =	sadd.s32 $0x1480, s13;
	s31 =	sadd.s32 $0xFF80, s23  }
0x2bc: {  	[hbm4b:s1+s3] =	stream.linear.scatter [tilespmem:s31], [sflag:$0x1], $0x80, $0x38;
	[tilespmem:$0x1FF00] =	vst v63  }
0x2bd: {  	s1 =	sadd.s32 $0x10F78, s23;
	s31 =	sadd.s32 $0x1490, s13  }
0x2be: {  	[hbm4b:s31+s3] =	stream.linear.scatter [tilespmem:s1], [sflag:$0x1], $0x80, $0x38;
	[tilespmem:$0x1FF00] =	vst v63  }
0x2bf: {  	s1 =	sadd.s32 $0x11F70, s23;
	s31 =	sadd.s32 $0x14A0, s13  }
0x2c0: {  	[hbm4b:s31+s3] =	stream.linear.scatter [tilespmem:s1], [sflag:$0x1], $0x80, $0x38;
	[tilespmem:$0x1FF00] =	vst v63  }
0x2c1: {  	s1 =	sadd.s32 $0x12F68, s23;
	s31 =	sadd.s32 $0x14B0, s13  }
0x2c2: {  	[hbm4b:s31+s3] =	stream.linear.scatter [tilespmem:s1], [sflag:$0x1], $0x80, $0x38;
	[tilespmem:$0x1FF00] =	vst v63  }
0x2c3: {  	s1 =	sadd.s32 $0x13F60, s23;
	s31 =	sadd.s32 $0x14C0, s13  }
0x2c4: {  	[hbm4b:s31+s3] =	stream.linear.scatter [tilespmem:s1], [sflag:$0x1], $0x80, $0x38;
	[tilespmem:$0x1FF00] =	vst v63  }
0x2c5: {  	s1 =	sadd.s32 $0x14F58, s23;
	s31 =	sadd.s32 $0x14D0, s13  }
0x2c6: {  	[hbm4b:s31+s3] =	stream.linear.scatter [tilespmem:s1], [sflag:$0x1], $0x80, $0x38;
	[tilespmem:$0x1FF00] =	vst v63  }
0x2c7: {  	s1 =	sadd.s32 $0x15F50, s23;
	s31 =	sadd.s32 $0x14E0, s13  }
0x2c8: {  	[hbm4b:s31+s3] =	stream.linear.scatter [tilespmem:s1], [sflag:$0x1], $0x80, $0x38;
	[tilespmem:$0x1FF00] =	vst v63  }
0x2c9: {  	s1 =	sadd.s32 $0x16F48, s23;
	s31 =	sadd.s32 $0x14F0, s13  }
0x2ca: {  	[hbm4b:s31+s3] =	stream.linear.scatter [tilespmem:s1], [sflag:$0x1], $0x80, $0x38;
	[tilespmem:$0x1FF00] =	vst v63  }
0x2cb: {  	s1 =	sadd.s32 $0x1500, s13;
	s31 =	sadd.s32 $0xFF80, s24  }
0x2cc: {  	[hbm4b:s1+s3] =	stream.linear.scatter [tilespmem:s31], [sflag:$0x1], $0x80, $0x38;
	[tilespmem:$0x1FF00] =	vst v63  }
0x2cd: {  	s1 =	sadd.s32 $0x10F78, s24;
	s31 =	sadd.s32 $0x1510, s13  }
0x2ce: {  	[hbm4b:s31+s3] =	stream.linear.scatter [tilespmem:s1], [sflag:$0x1], $0x80, $0x38;
	[tilespmem:$0x1FF00] =	vst v63  }
0x2cf: {  	s1 =	sadd.s32 $0x11F70, s24;
	s31 =	sadd.s32 $0x1520, s13  }
0x2d0: {  	[hbm4b:s31+s3] =	stream.linear.scatter [tilespmem:s1], [sflag:$0x1], $0x80, $0x38;
	[tilespmem:$0x1FF00] =	vst v63  }
0x2d1: {  	s1 =	sadd.s32 $0x12F68, s24;
	s31 =	sadd.s32 $0x1530, s13  }
0x2d2: {  	[hbm4b:s31+s3] =	stream.linear.scatter [tilespmem:s1], [sflag:$0x1], $0x80, $0x38;
	[tilespmem:$0x1FF00] =	vst v63  }
0x2d3: {  	s1 =	sadd.s32 $0x13F60, s24;
	s31 =	sadd.s32 $0x1540, s13  }
0x2d4: {  	[hbm4b:s31+s3] =	stream.linear.scatter [tilespmem:s1], [sflag:$0x1], $0x80, $0x38;
	[tilespmem:$0x1FF00] =	vst v63  }
0x2d5: {  	s1 =	sadd.s32 $0x14F58, s24;
	s31 =	sadd.s32 $0x1550, s13  }
0x2d6: {  	[hbm4b:s31+s3] =	stream.linear.scatter [tilespmem:s1], [sflag:$0x1], $0x80, $0x38;
	[tilespmem:$0x1FF00] =	vst v63  }
0x2d7: {  	s1 =	sadd.s32 $0x15F50, s24;
	s31 =	sadd.s32 $0x1560, s13  }
0x2d8: {  	[hbm4b:s31+s3] =	stream.linear.scatter [tilespmem:s1], [sflag:$0x1], $0x80, $0x38;
	[tilespmem:$0x1FF00] =	vst v63  }
0x2d9: {  	s1 =	sadd.s32 $0x16F48, s24;
	s31 =	sadd.s32 $0x1570, s13  }
0x2da: {  	[hbm4b:s31+s3] =	stream.linear.scatter [tilespmem:s1], [sflag:$0x1], $0x80, $0x38;
	[tilespmem:$0x1FF00] =	vst v63  }
0x2db: {  	s1 =	sadd.s32 $0x1580, s13;
	s31 =	sadd.s32 $0xFF80, s25  }
0x2dc: {  	[hbm4b:s1+s3] =	stream.linear.scatter [tilespmem:s31], [sflag:$0x1], $0x80, $0x38;
	[tilespmem:$0x1FF00] =	vst v63  }
0x2dd: {  	s1 =	sadd.s32 $0x10F78, s25;
	s31 =	sadd.s32 $0x1590, s13  }
0x2de: {  	[hbm4b:s31+s3] =	stream.linear.scatter [tilespmem:s1], [sflag:$0x1], $0x80, $0x38;
	[tilespmem:$0x1FF00] =	vst v63  }
0x2df: {  	s1 =	sadd.s32 $0x11F70, s25;
	s31 =	sadd.s32 $0x15A0, s13  }
0x2e0: {  	[hbm4b:s31+s3] =	stream.linear.scatter [tilespmem:s1], [sflag:$0x1], $0x80, $0x38;
	[tilespmem:$0x1FF00] =	vst v63  }
0x2e1: {  	s1 =	sadd.s32 $0x12F68, s25;
	s31 =	sadd.s32 $0x15B0, s13  }
0x2e2: {  	[hbm4b:s31+s3] =	stream.linear.scatter [tilespmem:s1], [sflag:$0x1], $0x80, $0x38;
	[tilespmem:$0x1FF00] =	vst v63  }
0x2e3: {  	s1 =	sadd.s32 $0x13F60, s25;
	s31 =	sadd.s32 $0x15C0, s13  }
0x2e4: {  	[hbm4b:s31+s3] =	stream.linear.scatter [tilespmem:s1], [sflag:$0x1], $0x80, $0x38;
	[tilespmem:$0x1FF00] =	vst v63  }
0x2e5: {  	s1 =	sadd.s32 $0x14F58, s25;
	s31 =	sadd.s32 $0x15D0, s13  }
0x2e6: {  	[hbm4b:s31+s3] =	stream.linear.scatter [tilespmem:s1], [sflag:$0x1], $0x80, $0x38;
	[tilespmem:$0x1FF00] =	vst v63  }
0x2e7: {  	s1 =	sadd.s32 $0x15F50, s25;
	s31 =	sadd.s32 $0x15E0, s13  }
0x2e8: {  	[hbm4b:s31+s3] =	stream.linear.scatter [tilespmem:s1], [sflag:$0x1], $0x80, $0x38;
	[tilespmem:$0x1FF00] =	vst v63  }
0x2e9: {  	s1 =	sadd.s32 $0x16F48, s25;
	s31 =	sadd.s32 $0x15F0, s13  }
0x2ea: {  	[hbm4b:s31+s3] =	stream.linear.scatter [tilespmem:s1], [sflag:$0x1], $0x80, $0x38;
	[tilespmem:$0x1FF00] =	vst v63  }
0x2eb: {  	s1 =	sadd.s32 $0x1600, s13;
	s31 =	sadd.s32 $0xFF80, s26  }
0x2ec: {  	[hbm4b:s1+s3] =	stream.linear.scatter [tilespmem:s31], [sflag:$0x1], $0x80, $0x38;
	[tilespmem:$0x1FF00] =	vst v63  }
0x2ed: {  	s1 =	sadd.s32 $0x10F78, s26;
	s31 =	sadd.s32 $0x1610, s13  }
0x2ee: {  	[hbm4b:s31+s3] =	stream.linear.scatter [tilespmem:s1], [sflag:$0x1], $0x80, $0x38;
	[tilespmem:$0x1FF00] =	vst v63  }
0x2ef: {  	s1 =	sadd.s32 $0x11F70, s26;
	s31 =	sadd.s32 $0x1620, s13  }
0x2f0: {  	[hbm4b:s31+s3] =	stream.linear.scatter [tilespmem:s1], [sflag:$0x1], $0x80, $0x38;
	[tilespmem:$0x1FF00] =	vst v63  }
0x2f1: {  	s1 =	sadd.s32 $0x12F68, s26;
	s31 =	sadd.s32 $0x1630, s13  }
0x2f2: {  	[hbm4b:s31+s3] =	stream.linear.scatter [tilespmem:s1], [sflag:$0x1], $0x80, $0x38;
	[tilespmem:$0x1FF00] =	vst v63  }
0x2f3: {  	s1 =	sadd.s32 $0x13F60, s26;
	s31 =	sadd.s32 $0x1640, s13  }
0x2f4: {  	[hbm4b:s31+s3] =	stream.linear.scatter [tilespmem:s1], [sflag:$0x1], $0x80, $0x38;
	[tilespmem:$0x1FF00] =	vst v63  }
0x2f5: {  	s1 =	sadd.s32 $0x14F58, s26;
	s31 =	sadd.s32 $0x1650, s13  }
0x2f6: {  	[hbm4b:s31+s3] =	stream.linear.scatter [tilespmem:s1], [sflag:$0x1], $0x80, $0x38;
	[tilespmem:$0x1FF00] =	vst v63  }
0x2f7: {  	s1 =	sadd.s32 $0x15F50, s26;
	s31 =	sadd.s32 $0x1660, s13  }
0x2f8: {  	[hbm4b:s31+s3] =	stream.linear.scatter [tilespmem:s1], [sflag:$0x1], $0x80, $0x38;
	[tilespmem:$0x1FF00] =	vst v63  }
0x2f9: {  	s1 =	sadd.s32 $0x16F48, s26;
	s31 =	sadd.s32 $0x1670, s13  }
0x2fa: {  	[hbm4b:s31+s3] =	stream.linear.scatter [tilespmem:s1], [sflag:$0x1], $0x80, $0x38;
	[tilespmem:$0x1FF00] =	vst v63  }
0x2fb: {  	s1 =	sadd.s32 $0x1680, s13;
	s31 =	sadd.s32 $0xFF80, s28  }
0x2fc: {  	[hbm4b:s1+s3] =	stream.linear.scatter [tilespmem:s31], [sflag:$0x1], $0x80, $0x38;
	[tilespmem:$0x1FF00] =	vst v63  }
0x2fd: {  	s1 =	sadd.s32 $0x10F78, s28;
	s31 =	sadd.s32 $0x1690, s13  }
0x2fe: {  	[hbm4b:s31+s3] =	stream.linear.scatter [tilespmem:s1], [sflag:$0x1], $0x80, $0x38;
	[tilespmem:$0x1FF00] =	vst v63  }
0x2ff: {  	s1 =	sadd.s32 $0x11F70, s28;
	s31 =	sadd.s32 $0x16A0, s13  }
0x300: {  	[hbm4b:s31+s3] =	stream.linear.scatter [tilespmem:s1], [sflag:$0x1], $0x80, $0x38;
	[tilespmem:$0x1FF00] =	vst v63  }
0x301: {  	s1 =	sadd.s32 $0x12F68, s28;
	s31 =	sadd.s32 $0x16B0, s13  }
0x302: {  	[hbm4b:s31+s3] =	stream.linear.scatter [tilespmem:s1], [sflag:$0x1], $0x80, $0x38;
	[tilespmem:$0x1FF00] =	vst v63  }
0x303: {  	s1 =	sadd.s32 $0x13F60, s28;
	s31 =	sadd.s32 $0x16C0, s13  }
0x304: {  	[hbm4b:s31+s3] =	stream.linear.scatter [tilespmem:s1], [sflag:$0x1], $0x80, $0x38;
	[tilespmem:$0x1FF00] =	vst v63  }
0x305: {  	s1 =	sadd.s32 $0x14F58, s28;
	s31 =	sadd.s32 $0x16D0, s13  }
0x306: {  	[hbm4b:s31+s3] =	stream.linear.scatter [tilespmem:s1], [sflag:$0x1], $0x80, $0x38;
	[tilespmem:$0x1FF00] =	vst v63  }
0x307: {  	s1 =	sadd.s32 $0x15F50, s28;
	s31 =	sadd.s32 $0x16E0, s13  }
0x308: {  	[hbm4b:s31+s3] =	stream.linear.scatter [tilespmem:s1], [sflag:$0x1], $0x80, $0x38;
	[tilespmem:$0x1FF00] =	vst v63  }
0x309: {  	s1 =	sadd.s32 $0x16F48, s28;
	s31 =	sadd.s32 $0x16F0, s13  }
0x30a: {  	[hbm4b:s31+s3] =	stream.linear.scatter [tilespmem:s1], [sflag:$0x1], $0x80, $0x38;
	[tilespmem:$0x1FF00] =	vst v63  }
0x30b: {  	s1 =	sadd.s32 $0x1700, s13;
	s31 =	sadd.s32 $0xFF80, s29  }
0x30c: {  	[hbm4b:s1+s3] =	stream.linear.scatter [tilespmem:s31], [sflag:$0x1], $0x80, $0x38;
	[tilespmem:$0x1FF00] =	vst v63  }
0x30d: {  	s1 =	sadd.s32 $0x10F78, s29;
	s31 =	sadd.s32 $0x1710, s13  }
0x30e: {  	[hbm4b:s31+s3] =	stream.linear.scatter [tilespmem:s1], [sflag:$0x1], $0x80, $0x38;
	[tilespmem:$0x1FF00] =	vst v63  }
0x30f: {  	s1 =	sadd.s32 $0x11F70, s29;
	s31 =	sadd.s32 $0x1720, s13  }
0x310: {  	[hbm4b:s31+s3] =	stream.linear.scatter [tilespmem:s1], [sflag:$0x1], $0x80, $0x38;
	[tilespmem:$0x1FF00] =	vst v63  }
0x311: {  	s1 =	sadd.s32 $0x12F68, s29;
	s31 =	sadd.s32 $0x1730, s13  }
0x312: {  	[hbm4b:s31+s3] =	stream.linear.scatter [tilespmem:s1], [sflag:$0x1], $0x80, $0x38;
	[tilespmem:$0x1FF00] =	vst v63  }
0x313: {  	s1 =	sadd.s32 $0x13F60, s29;
	s31 =	sadd.s32 $0x1740, s13  }
0x314: {  	[hbm4b:s31+s3] =	stream.linear.scatter [tilespmem:s1], [sflag:$0x1], $0x80, $0x38;
	[tilespmem:$0x1FF00] =	vst v63  }
0x315: {  	s1 =	sadd.s32 $0x14F58, s29;
	s31 =	sadd.s32 $0x1750, s13  }
0x316: {  	[hbm4b:s31+s3] =	stream.linear.scatter [tilespmem:s1], [sflag:$0x1], $0x80, $0x38;
	[tilespmem:$0x1FF00] =	vst v63  }
0x317: {  	s1 =	sadd.s32 $0x15F50, s29;
	s31 =	sadd.s32 $0x1760, s13  }
0x318: {  	[hbm4b:s31+s3] =	stream.linear.scatter [tilespmem:s1], [sflag:$0x1], $0x80, $0x38;
	[tilespmem:$0x1FF00] =	vst v63  }
0x319: {  	s1 =	sadd.s32 $0x16F48, s29;
	s31 =	sadd.s32 $0x1770, s13  }
0x31a: {  	[hbm4b:s31+s3] =	stream.linear.scatter [tilespmem:s1], [sflag:$0x1], $0x80, $0x38;
	[tilespmem:$0x1FF00] =	vst v63  }
0x31b: {  	s1 =	sadd.s32 $0x1780, s13;
	s31 =	sadd.s32 $0xFF80, s30  }
0x31c: {  	[hbm4b:s1+s3] =	stream.linear.scatter [tilespmem:s31], [sflag:$0x1], $0x80, $0x38;
	[tilespmem:$0x1FF00] =	vst v63  }
0x31d: {  	s1 =	sadd.s32 $0x10F78, s30;
	s31 =	sadd.s32 $0x1790, s13  }
0x31e: {  	[hbm4b:s31+s3] =	stream.linear.scatter [tilespmem:s1], [sflag:$0x1], $0x80, $0x38;
	[tilespmem:$0x1FF00] =	vst v63  }
0x31f: {  	s1 =	sadd.s32 $0x11F70, s30;
	s31 =	sadd.s32 $0x17A0, s13  }
0x320: {  	[hbm4b:s31+s3] =	stream.linear.scatter [tilespmem:s1], [sflag:$0x1], $0x80, $0x38;
	[tilespmem:$0x1FF00] =	vst v63  }
0x321: {  	s1 =	sadd.s32 $0x12F68, s30;
	s31 =	sadd.s32 $0x17B0, s13  }
0x322: {  	[hbm4b:s31+s3] =	stream.linear.scatter [tilespmem:s1], [sflag:$0x1], $0x80, $0x38;
	[tilespmem:$0x1FF00] =	vst v63  }
0x323: {  	s1 =	sadd.s32 $0x13F60, s30;
	s31 =	sadd.s32 $0x17C0, s13  }
0x324: {  	[hbm4b:s31+s3] =	stream.linear.scatter [tilespmem:s1], [sflag:$0x1], $0x80, $0x38;
	[tilespmem:$0x1FF00] =	vst v63  }
0x325: {  	s1 =	sadd.s32 $0x14F58, s30;
	s31 =	sadd.s32 $0x17D0, s13  }
0x326: {  	[hbm4b:s31+s3] =	stream.linear.scatter [tilespmem:s1], [sflag:$0x1], $0x80, $0x38;
	[tilespmem:$0x1FF00] =	vst v63  }
0x327: {  	s1 =	sadd.s32 $0x15F50, s30;
	s31 =	sadd.s32 $0x17E0, s13  }
0x328: {  	[hbm4b:s31+s3] =	stream.linear.scatter [tilespmem:s1], [sflag:$0x1], $0x80, $0x38;
	[tilespmem:$0x1FF00] =	vst v63  }
0x329: {  	s1 =	sadd.s32 $0x16F48, s30;
	s31 =	sadd.s32 $0x17F0, s13  }
0x32a: {  	[hbm4b:s31+s3] =	stream.linear.scatter [tilespmem:s1], [sflag:$0x1], $0x80, $0x38;
	[tilespmem:$0x1FF00] =	vst v63  }
0x32b: {  	s1 =	sadd.s32 $0x1800, s13;
	s31 =	sadd.s32 $0x17F40, s14  }
0x32c: {  	[hbm4b:s1+s3] =	stream.linear.scatter [tilespmem:s31], [sflag:$0x1], $0x80, $0x38;
	[tilespmem:$0x1FF00] =	vst v63  }
0x32d: {  	s1 =	sadd.s32 $0x18F38, s14;
	s31 =	sadd.s32 $0x1810, s13  }
0x32e: {  	[hbm4b:s31+s3] =	stream.linear.scatter [tilespmem:s1], [sflag:$0x1], $0x80, $0x38;
	[tilespmem:$0x1FF00] =	vst v63  }
0x32f: {  	s1 =	sadd.s32 $0x19F30, s14;
	s31 =	sadd.s32 $0x1820, s13  }
0x330: {  	[hbm4b:s31+s3] =	stream.linear.scatter [tilespmem:s1], [sflag:$0x1], $0x80, $0x38;
	[tilespmem:$0x1FF00] =	vst v63  }
0x331: {  	s1 =	sadd.s32 $0x1AF28, s14;
	s31 =	sadd.s32 $0x1830, s13  }
0x332: {  	[hbm4b:s31+s3] =	stream.linear.scatter [tilespmem:s1], [sflag:$0x1], $0x80, $0x38;
	[tilespmem:$0x1FF00] =	vst v63  }
0x333: {  	s1 =	sadd.s32 $0x1BF20, s14;
	s31 =	sadd.s32 $0x1840, s13  }
0x334: {  	[hbm4b:s31+s3] =	stream.linear.scatter [tilespmem:s1], [sflag:$0x1], $0x80, $0x38;
	[tilespmem:$0x1FF00] =	vst v63  }
0x335: {  	s1 =	sadd.s32 $0x1CF18, s14;
	s31 =	sadd.s32 $0x1850, s13  }
0x336: {  	[hbm4b:s31+s3] =	stream.linear.scatter [tilespmem:s1], [sflag:$0x1], $0x80, $0x38;
	[tilespmem:$0x1FF00] =	vst v63  }
0x337: {  	s1 =	sadd.s32 $0x1DF10, s14;
	s31 =	sadd.s32 $0x1860, s13  }
0x338: {  	[hbm4b:s31+s3] =	stream.linear.scatter [tilespmem:s1], [sflag:$0x1], $0x80, $0x38;
	[tilespmem:$0x1FF00] =	vst v63  }
0x339: {  	s14 =	sadd.s32 $0x1EF08, s14;
	s31 =	sadd.s32 $0x1870, s13  }
0x33a: {  	[hbm4b:s31+s3] =	stream.linear.scatter [tilespmem:s14], [sflag:$0x1], $0x80, $0x38;
	[tilespmem:$0x1FF00] =	vst v63  }
0x33b: {  	s14 =	sadd.s32 $0x1880, s13;
	s31 =	sadd.s32 $0x17F40, s15  }
0x33c: {  	[hbm4b:s14+s3] =	stream.linear.scatter [tilespmem:s31], [sflag:$0x1], $0x80, $0x38;
	[tilespmem:$0x1FF00] =	vst v63  }
0x33d: {  	s14 =	sadd.s32 $0x18F38, s15;
	s31 =	sadd.s32 $0x1890, s13  }
0x33e: {  	[hbm4b:s31+s3] =	stream.linear.scatter [tilespmem:s14], [sflag:$0x1], $0x80, $0x38;
	[tilespmem:$0x1FF00] =	vst v63  }
0x33f: {  	s14 =	sadd.s32 $0x19F30, s15;
	s31 =	sadd.s32 $0x18A0, s13  }
0x340: {  	[hbm4b:s31+s3] =	stream.linear.scatter [tilespmem:s14], [sflag:$0x1], $0x80, $0x38;
	[tilespmem:$0x1FF00] =	vst v63  }
0x341: {  	s14 =	sadd.s32 $0x1AF28, s15;
	s31 =	sadd.s32 $0x18B0, s13  }
0x342: {  	[hbm4b:s31+s3] =	stream.linear.scatter [tilespmem:s14], [sflag:$0x1], $0x80, $0x38;
	[tilespmem:$0x1FF00] =	vst v63  }
0x343: {  	s14 =	sadd.s32 $0x1BF20, s15;
	s31 =	sadd.s32 $0x18C0, s13  }
0x344: {  	[hbm4b:s31+s3] =	stream.linear.scatter [tilespmem:s14], [sflag:$0x1], $0x80, $0x38;
	[tilespmem:$0x1FF00] =	vst v63  }
0x345: {  	s14 =	sadd.s32 $0x1CF18, s15;
	s31 =	sadd.s32 $0x18D0, s13  }
0x346: {  	[hbm4b:s31+s3] =	stream.linear.scatter [tilespmem:s14], [sflag:$0x1], $0x80, $0x38;
	[tilespmem:$0x1FF00] =	vst v63  }
0x347: {  	s14 =	sadd.s32 $0x1DF10, s15;
	s31 =	sadd.s32 $0x18E0, s13  }
0x348: {  	[hbm4b:s31+s3] =	stream.linear.scatter [tilespmem:s14], [sflag:$0x1], $0x80, $0x38;
	[tilespmem:$0x1FF00] =	vst v63  }
0x349: {  	s15 =	sadd.s32 $0x1EF08, s15;
	s31 =	sadd.s32 $0x18F0, s13  }
0x34a: {  	[hbm4b:s31+s3] =	stream.linear.scatter [tilespmem:s15], [sflag:$0x1], $0x80, $0x38;
	[tilespmem:$0x1FF00] =	vst v63  }
0x34b: {  	s15 =	sadd.s32 $0x1900, s13;
	s31 =	sadd.s32 $0x17F40, s16  }
0x34c: {  	[hbm4b:s15+s3] =	stream.linear.scatter [tilespmem:s31], [sflag:$0x1], $0x80, $0x38;
	[tilespmem:$0x1FF00] =	vst v63  }
0x34d: {  	s15 =	sadd.s32 $0x18F38, s16;
	s31 =	sadd.s32 $0x1910, s13  }
0x34e: {  	[hbm4b:s31+s3] =	stream.linear.scatter [tilespmem:s15], [sflag:$0x1], $0x80, $0x38;
	[tilespmem:$0x1FF00] =	vst v63  }
0x34f: {  	s15 =	sadd.s32 $0x19F30, s16;
	s31 =	sadd.s32 $0x1920, s13  }
0x350: {  	[hbm4b:s31+s3] =	stream.linear.scatter [tilespmem:s15], [sflag:$0x1], $0x80, $0x38;
	[tilespmem:$0x1FF00] =	vst v63  }
0x351: {  	s15 =	sadd.s32 $0x1AF28, s16;
	s31 =	sadd.s32 $0x1930, s13  }
0x352: {  	[hbm4b:s31+s3] =	stream.linear.scatter [tilespmem:s15], [sflag:$0x1], $0x80, $0x38;
	[tilespmem:$0x1FF00] =	vst v63  }
0x353: {  	s15 =	sadd.s32 $0x1BF20, s16;
	s31 =	sadd.s32 $0x1940, s13  }
0x354: {  	[hbm4b:s31+s3] =	stream.linear.scatter [tilespmem:s15], [sflag:$0x1], $0x80, $0x38;
	[tilespmem:$0x1FF00] =	vst v63  }
0x355: {  	s15 =	sadd.s32 $0x1CF18, s16;
	s31 =	sadd.s32 $0x1950, s13  }
0x356: {  	[hbm4b:s31+s3] =	stream.linear.scatter [tilespmem:s15], [sflag:$0x1], $0x80, $0x38;
	[tilespmem:$0x1FF00] =	vst v63  }
0x357: {  	s15 =	sadd.s32 $0x1DF10, s16;
	s31 =	sadd.s32 $0x1960, s13  }
0x358: {  	[hbm4b:s31+s3] =	stream.linear.scatter [tilespmem:s15], [sflag:$0x1], $0x80, $0x38;
	[tilespmem:$0x1FF00] =	vst v63  }
0x359: {  	s14 =	sadd.s32 $0x1EF08, s16;
	s15 =	sadd.s32 $0x1970, s13  }
0x35a: {  	[hbm4b:s15+s3] =	stream.linear.scatter [tilespmem:s14], [sflag:$0x1], $0x80, $0x38;
	[tilespmem:$0x1FF00] =	vst v63  }
0x35b: {  	s16 =	sadd.s32 $0x1980, s13;
	s31 =	sadd.s32 $0x17F40, s17  }
0x35c: {  	[hbm4b:s16+s3] =	stream.linear.scatter [tilespmem:s31], [sflag:$0x1], $0x80, $0x38;
	[tilespmem:$0x1FF00] =	vst v63  }
0x35d: {  	s14 =	sadd.s32 $0x18F38, s17;
	s15 =	sadd.s32 $0x1990, s13  }
0x35e: {  	[hbm4b:s15+s3] =	stream.linear.scatter [tilespmem:s14], [sflag:$0x1], $0x80, $0x38;
	[tilespmem:$0x1FF00] =	vst v63  }
0x35f: {  	s16 =	sadd.s32 $0x19F30, s17;
	s31 =	sadd.s32 $0x19A0, s13  }
0x360: {  	[hbm4b:s31+s3] =	stream.linear.scatter [tilespmem:s16], [sflag:$0x1], $0x80, $0x38;
	[tilespmem:$0x1FF00] =	vst v63  }
0x361: {  	s14 =	sadd.s32 $0x1AF28, s17;
	s15 =	sadd.s32 $0x19B0, s13  }
0x362: {  	[hbm4b:s15+s3] =	stream.linear.scatter [tilespmem:s14], [sflag:$0x1], $0x80, $0x38;
	[tilespmem:$0x1FF00] =	vst v63  }
0x363: {  	s16 =	sadd.s32 $0x1BF20, s17;
	s31 =	sadd.s32 $0x19C0, s13  }
0x364: {  	[hbm4b:s31+s3] =	stream.linear.scatter [tilespmem:s16], [sflag:$0x1], $0x80, $0x38;
	[tilespmem:$0x1FF00] =	vst v63  }
0x365: {  	s14 =	sadd.s32 $0x1CF18, s17;
	s15 =	sadd.s32 $0x19D0, s13  }
0x366: {  	[hbm4b:s15+s3] =	stream.linear.scatter [tilespmem:s14], [sflag:$0x1], $0x80, $0x38;
	[tilespmem:$0x1FF00] =	vst v63  }
0x367: {  	s16 =	sadd.s32 $0x1DF10, s17;
	s31 =	sadd.s32 $0x19E0, s13  }
0x368: {  	[hbm4b:s31+s3] =	stream.linear.scatter [tilespmem:s16], [sflag:$0x1], $0x80, $0x38;
	[tilespmem:$0x1FF00] =	vst v63  }
0x369: {  	s15 =	sadd.s32 $0x1EF08, s17;
	s16 =	sadd.s32 $0x19F0, s13  }
0x36a: {  	[hbm4b:s16+s3] =	stream.linear.scatter [tilespmem:s15], [sflag:$0x1], $0x80, $0x38;
	[tilespmem:$0x1FF00] =	vst v63  }
0x36b: {  	s17 =	sadd.s32 $0x1A00, s13;
	s31 =	sadd.s32 $0x17F40, s18  }
0x36c: {  	[hbm4b:s17+s3] =	stream.linear.scatter [tilespmem:s31], [sflag:$0x1], $0x80, $0x38;
	[tilespmem:$0x1FF00] =	vst v63  }
0x36d: {  	s15 =	sadd.s32 $0x18F38, s18;
	s16 =	sadd.s32 $0x1A10, s13  }
0x36e: {  	[hbm4b:s16+s3] =	stream.linear.scatter [tilespmem:s15], [sflag:$0x1], $0x80, $0x38;
	[tilespmem:$0x1FF00] =	vst v63  }
0x36f: {  	s17 =	sadd.s32 $0x19F30, s18;
	s31 =	sadd.s32 $0x1A20, s13  }
0x370: {  	[hbm4b:s31+s3] =	stream.linear.scatter [tilespmem:s17], [sflag:$0x1], $0x80, $0x38;
	[tilespmem:$0x1FF00] =	vst v63  }
0x371: {  	s15 =	sadd.s32 $0x1AF28, s18;
	s16 =	sadd.s32 $0x1A30, s13  }
0x372: {  	[hbm4b:s16+s3] =	stream.linear.scatter [tilespmem:s15], [sflag:$0x1], $0x80, $0x38;
	[tilespmem:$0x1FF00] =	vst v63  }
0x373: {  	s17 =	sadd.s32 $0x1BF20, s18;
	s31 =	sadd.s32 $0x1A40, s13  }
0x374: {  	[hbm4b:s31+s3] =	stream.linear.scatter [tilespmem:s17], [sflag:$0x1], $0x80, $0x38;
	[tilespmem:$0x1FF00] =	vst v63  }
0x375: {  	s14 =	sadd.s32 $0x1CF18, s18;
	s15 =	sadd.s32 $0x1A50, s13  }
0x376: {  	[hbm4b:s15+s3] =	stream.linear.scatter [tilespmem:s14], [sflag:$0x1], $0x80, $0x38;
	[tilespmem:$0x1FF00] =	vst v63  }
0x377: {  	s16 =	sadd.s32 $0x1DF10, s18;
	s17 =	sadd.s32 $0x1A60, s13  }
0x378: {  	[hbm4b:s17+s3] =	stream.linear.scatter [tilespmem:s16], [sflag:$0x1], $0x80, $0x38;
	[tilespmem:$0x1FF00] =	vst v63  }
0x379: {  	s18 =	sadd.s32 $0x1EF08, s18;
	s31 =	sadd.s32 $0x1A70, s13  }
0x37a: {  	[hbm4b:s31+s3] =	stream.linear.scatter [tilespmem:s18], [sflag:$0x1], $0x80, $0x38;
	[tilespmem:$0x1FF00] =	vst v63  }
0x37b: {  	s14 =	sadd.s32 $0x1A80, s13;
	s15 =	sadd.s32 $0x17F40, s19  }
0x37c: {  	[hbm4b:s14+s3] =	stream.linear.scatter [tilespmem:s15], [sflag:$0x1], $0x80, $0x38;
	[tilespmem:$0x1FF00] =	vst v63  }
0x37d: {  	s16 =	sadd.s32 $0x18F38, s19;
	s17 =	sadd.s32 $0x1A90, s13  }
0x37e: {  	[hbm4b:s17+s3] =	stream.linear.scatter [tilespmem:s16], [sflag:$0x1], $0x80, $0x38;
	[tilespmem:$0x1FF00] =	vst v63  }
0x37f: {  	s18 =	sadd.s32 $0x19F30, s19;
	s31 =	sadd.s32 $0x1AA0, s13  }
0x380: {  	[hbm4b:s31+s3] =	stream.linear.scatter [tilespmem:s18], [sflag:$0x1], $0x80, $0x38;
	[tilespmem:$0x1FF00] =	vst v63  }
0x381: {  	s14 =	sadd.s32 $0x1AF28, s19;
	s15 =	sadd.s32 $0x1AB0, s13  }
0x382: {  	[hbm4b:s15+s3] =	stream.linear.scatter [tilespmem:s14], [sflag:$0x1], $0x80, $0x38;
	[tilespmem:$0x1FF00] =	vst v63  }
0x383: {  	s16 =	sadd.s32 $0x1BF20, s19;
	s17 =	sadd.s32 $0x1AC0, s13  }
0x384: {  	[hbm4b:s17+s3] =	stream.linear.scatter [tilespmem:s16], [sflag:$0x1], $0x80, $0x38;
	[tilespmem:$0x1FF00] =	vst v63  }
0x385: {  	s18 =	sadd.s32 $0x1CF18, s19;
	s31 =	sadd.s32 $0x1AD0, s13  }
0x386: {  	[hbm4b:s31+s3] =	stream.linear.scatter [tilespmem:s18], [sflag:$0x1], $0x80, $0x38;
	[tilespmem:$0x1FF00] =	vst v63  }
0x387: {  	s15 =	sadd.s32 $0x1DF10, s19;
	s16 =	sadd.s32 $0x1AE0, s13  }
0x388: {  	[hbm4b:s16+s3] =	stream.linear.scatter [tilespmem:s15], [sflag:$0x1], $0x80, $0x38;
	[tilespmem:$0x1FF00] =	vst v63  }
0x389: {  	s17 =	sadd.s32 $0x1EF08, s19;
	s18 =	sadd.s32 $0x1AF0, s13  }
0x38a: {  	[hbm4b:s18+s3] =	stream.linear.scatter [tilespmem:s17], [sflag:$0x1], $0x80, $0x38;
	[tilespmem:$0x1FF00] =	vst v63  }
0x38b: {  	s19 =	sadd.s32 $0x1B00, s13;
	s31 =	sadd.s32 $0x17F40, s20  }
0x38c: {  	[hbm4b:s19+s3] =	stream.linear.scatter [tilespmem:s31], [sflag:$0x1], $0x80, $0x38;
	[tilespmem:$0x1FF00] =	vst v63  }
0x38d: {  	s15 =	sadd.s32 $0x18F38, s20;
	s16 =	sadd.s32 $0x1B10, s13  }
0x38e: {  	[hbm4b:s16+s3] =	stream.linear.scatter [tilespmem:s15], [sflag:$0x1], $0x80, $0x38;
	[tilespmem:$0x1FF00] =	vst v63  }
0x38f: {  	s17 =	sadd.s32 $0x19F30, s20;
	s18 =	sadd.s32 $0x1B20, s13  }
0x390: {  	[hbm4b:s18+s3] =	stream.linear.scatter [tilespmem:s17], [sflag:$0x1], $0x80, $0x38;
	[tilespmem:$0x1FF00] =	vst v63  }
0x391: {  	s19 =	sadd.s32 $0x1AF28, s20;
	s31 =	sadd.s32 $0x1B30, s13  }
0x392: {  	[hbm4b:s31+s3] =	stream.linear.scatter [tilespmem:s19], [sflag:$0x1], $0x80, $0x38;
	[tilespmem:$0x1FF00] =	vst v63  }
0x393: {  	s15 =	sadd.s32 $0x1BF20, s20;
	s16 =	sadd.s32 $0x1B40, s13  }
0x394: {  	[hbm4b:s16+s3] =	stream.linear.scatter [tilespmem:s15], [sflag:$0x1], $0x80, $0x38;
	[tilespmem:$0x1FF00] =	vst v63  }
0x395: {  	s17 =	sadd.s32 $0x1CF18, s20;
	s18 =	sadd.s32 $0x1B50, s13  }
0x396: {  	[hbm4b:s18+s3] =	stream.linear.scatter [tilespmem:s17], [sflag:$0x1], $0x80, $0x38;
	[tilespmem:$0x1FF00] =	vst v63  }
0x397: {  	s19 =	sadd.s32 $0x1DF10, s20;
	s31 =	sadd.s32 $0x1B60, s13  }
0x398: {  	[hbm4b:s31+s3] =	stream.linear.scatter [tilespmem:s19], [sflag:$0x1], $0x80, $0x38;
	[tilespmem:$0x1FF00] =	vst v63  }
0x399: {  	s14 =	sadd.s32 $0x1EF08, s20;
	s15 =	sadd.s32 $0x1B70, s13  }
0x39a: {  	[hbm4b:s15+s3] =	stream.linear.scatter [tilespmem:s14], [sflag:$0x1], $0x80, $0x38;
	[tilespmem:$0x1FF00] =	vst v63  }
0x39b: {  	s16 =	sadd.s32 $0x1B80, s13;
	s17 =	sadd.s32 $0x17F40, s21  }
0x39c: {  	[hbm4b:s16+s3] =	stream.linear.scatter [tilespmem:s17], [sflag:$0x1], $0x80, $0x38;
	[tilespmem:$0x1FF00] =	vst v63  }
0x39d: {  	s18 =	sadd.s32 $0x18F38, s21;
	s19 =	sadd.s32 $0x1B90, s13  }
0x39e: {  	[hbm4b:s19+s3] =	stream.linear.scatter [tilespmem:s18], [sflag:$0x1], $0x80, $0x38;
	[tilespmem:$0x1FF00] =	vst v63  }
0x39f: {  	s20 =	sadd.s32 $0x19F30, s21;
	s31 =	sadd.s32 $0x1BA0, s13  }
0x3a0: {  	[hbm4b:s31+s3] =	stream.linear.scatter [tilespmem:s20], [sflag:$0x1], $0x80, $0x38;
	[tilespmem:$0x1FF00] =	vst v63  }
0x3a1: {  	s14 =	sadd.s32 $0x1AF28, s21;
	s15 =	sadd.s32 $0x1BB0, s13  }
0x3a2: {  	[hbm4b:s15+s3] =	stream.linear.scatter [tilespmem:s14], [sflag:$0x1], $0x80, $0x38;
	[tilespmem:$0x1FF00] =	vst v63  }
0x3a3: {  	s16 =	sadd.s32 $0x1BF20, s21;
	s17 =	sadd.s32 $0x1BC0, s13  }
0x3a4: {  	[hbm4b:s17+s3] =	stream.linear.scatter [tilespmem:s16], [sflag:$0x1], $0x80, $0x38;
	[tilespmem:$0x1FF00] =	vst v63  }
0x3a5: {  	s18 =	sadd.s32 $0x1CF18, s21;
	s19 =	sadd.s32 $0x1BD0, s13  }
0x3a6: {  	[hbm4b:s19+s3] =	stream.linear.scatter [tilespmem:s18], [sflag:$0x1], $0x80, $0x38;
	[tilespmem:$0x1FF00] =	vst v63  }
0x3a7: {  	s20 =	sadd.s32 $0x1DF10, s21;
	s31 =	sadd.s32 $0x1BE0, s13  }
0x3a8: {  	[hbm4b:s31+s3] =	stream.linear.scatter [tilespmem:s20], [sflag:$0x1], $0x80, $0x38;
	[tilespmem:$0x1FF00] =	vst v63  }
0x3a9: {  	s15 =	sadd.s32 $0x1EF08, s21;
	s16 =	sadd.s32 $0x1BF0, s13  }
0x3aa: {  	[hbm4b:s16+s3] =	stream.linear.scatter [tilespmem:s15], [sflag:$0x1], $0x80, $0x38;
	[tilespmem:$0x1FF00] =	vst v63  }
0x3ab: {  	s17 =	sadd.s32 $0x1C00, s13;
	s18 =	sadd.s32 $0x17F40, s22  }
0x3ac: {  	[hbm4b:s17+s3] =	stream.linear.scatter [tilespmem:s18], [sflag:$0x1], $0x80, $0x38;
	[tilespmem:$0x1FF00] =	vst v63  }
0x3ad: {  	s19 =	sadd.s32 $0x18F38, s22;
	s20 =	sadd.s32 $0x1C10, s13  }
0x3ae: {  	[hbm4b:s20+s3] =	stream.linear.scatter [tilespmem:s19], [sflag:$0x1], $0x80, $0x38;
	[tilespmem:$0x1FF00] =	vst v63  }
0x3af: {  	s21 =	sadd.s32 $0x19F30, s22;
	s31 =	sadd.s32 $0x1C20, s13  }
0x3b0: {  	[hbm4b:s31+s3] =	stream.linear.scatter [tilespmem:s21], [sflag:$0x1], $0x80, $0x38;
	[tilespmem:$0x1FF00] =	vst v63  }
0x3b1: {  	s15 =	sadd.s32 $0x1AF28, s22;
	s16 =	sadd.s32 $0x1C30, s13  }
0x3b2: {  	[hbm4b:s16+s3] =	stream.linear.scatter [tilespmem:s15], [sflag:$0x1], $0x80, $0x38;
	[tilespmem:$0x1FF00] =	vst v63  }
0x3b3: {  	s17 =	sadd.s32 $0x1BF20, s22;
	s18 =	sadd.s32 $0x1C40, s13  }
0x3b4: {  	[hbm4b:s18+s3] =	stream.linear.scatter [tilespmem:s17], [sflag:$0x1], $0x80, $0x38;
	[tilespmem:$0x1FF00] =	vst v63  }
0x3b5: {  	s19 =	sadd.s32 $0x1CF18, s22;
	s20 =	sadd.s32 $0x1C50, s13  }
0x3b6: {  	[hbm4b:s20+s3] =	stream.linear.scatter [tilespmem:s19], [sflag:$0x1], $0x80, $0x38;
	[tilespmem:$0x1FF00] =	vst v63  }
0x3b7: {  	s21 =	sadd.s32 $0x1DF10, s22;
	s31 =	sadd.s32 $0x1C60, s13  }
0x3b8: {  	[hbm4b:s31+s3] =	stream.linear.scatter [tilespmem:s21], [sflag:$0x1], $0x80, $0x38;
	[tilespmem:$0x1FF00] =	vst v63  }
0x3b9: {  	s14 =	sadd.s32 $0x1EF08, s22;
	s15 =	sadd.s32 $0x1C70, s13  }
0x3ba: {  	[hbm4b:s15+s3] =	stream.linear.scatter [tilespmem:s14], [sflag:$0x1], $0x80, $0x38;
	[tilespmem:$0x1FF00] =	vst v63  }
0x3bb: {  	s16 =	sadd.s32 $0x1C80, s13;
	s17 =	sadd.s32 $0x17F40, s23  }
0x3bc: {  	[hbm4b:s16+s3] =	stream.linear.scatter [tilespmem:s17], [sflag:$0x1], $0x80, $0x38;
	[tilespmem:$0x1FF00] =	vst v63  }
0x3bd: {  	s18 =	sadd.s32 $0x18F38, s23;
	s19 =	sadd.s32 $0x1C90, s13  }
0x3be: {  	[hbm4b:s19+s3] =	stream.linear.scatter [tilespmem:s18], [sflag:$0x1], $0x80, $0x38;
	[tilespmem:$0x1FF00] =	vst v63  }
0x3bf: {  	s20 =	sadd.s32 $0x19F30, s23;
	s21 =	sadd.s32 $0x1CA0, s13  }
0x3c0: {  	[hbm4b:s21+s3] =	stream.linear.scatter [tilespmem:s20], [sflag:$0x1], $0x80, $0x38;
	[tilespmem:$0x1FF00] =	vst v63  }
0x3c1: {  	s22 =	sadd.s32 $0x1AF28, s23;
	s31 =	sadd.s32 $0x1CB0, s13  }
0x3c2: {  	[hbm4b:s31+s3] =	stream.linear.scatter [tilespmem:s22], [sflag:$0x1], $0x80, $0x38;
	[tilespmem:$0x1FF00] =	vst v63  }
0x3c3: {  	s15 =	sadd.s32 $0x1BF20, s23;
	s16 =	sadd.s32 $0x1CC0, s13  }
0x3c4: {  	[hbm4b:s16+s3] =	stream.linear.scatter [tilespmem:s15], [sflag:$0x1], $0x80, $0x38;
	[tilespmem:$0x1FF00] =	vst v63  }
0x3c5: {  	s17 =	sadd.s32 $0x1CF18, s23;
	s18 =	sadd.s32 $0x1CD0, s13  }
0x3c6: {  	[hbm4b:s18+s3] =	stream.linear.scatter [tilespmem:s17], [sflag:$0x1], $0x80, $0x38;
	[tilespmem:$0x1FF00] =	vst v63  }
0x3c7: {  	s19 =	sadd.s32 $0x1DF10, s23;
	s20 =	sadd.s32 $0x1CE0, s13  }
0x3c8: {  	[hbm4b:s20+s3] =	stream.linear.scatter [tilespmem:s19], [sflag:$0x1], $0x80, $0x38;
	[tilespmem:$0x1FF00] =	vst v63  }
0x3c9: {  	s21 =	sadd.s32 $0x1EF08, s23;
	s22 =	sadd.s32 $0x1CF0, s13  }
0x3ca: {  	[hbm4b:s22+s3] =	stream.linear.scatter [tilespmem:s21], [sflag:$0x1], $0x80, $0x38;
	[tilespmem:$0x1FF00] =	vst v63  }
0x3cb: {  	s23 =	sadd.s32 $0x1D00, s13;
	s31 =	sadd.s32 $0x17F40, s24  }
0x3cc: {  	[hbm4b:s23+s3] =	stream.linear.scatter [tilespmem:s31], [sflag:$0x1], $0x80, $0x38;
	[tilespmem:$0x1FF00] =	vst v63  }
0x3cd: {  	s15 =	sadd.s32 $0x18F38, s24;
	s16 =	sadd.s32 $0x1D10, s13  }
0x3ce: {  	[hbm4b:s16+s3] =	stream.linear.scatter [tilespmem:s15], [sflag:$0x1], $0x80, $0x38;
	[tilespmem:$0x1FF00] =	vst v63  }
0x3cf: {  	s17 =	sadd.s32 $0x19F30, s24;
	s18 =	sadd.s32 $0x1D20, s13  }
0x3d0: {  	[hbm4b:s18+s3] =	stream.linear.scatter [tilespmem:s17], [sflag:$0x1], $0x80, $0x38;
	[tilespmem:$0x1FF00] =	vst v63  }
0x3d1: {  	s19 =	sadd.s32 $0x1AF28, s24;
	s20 =	sadd.s32 $0x1D30, s13  }
0x3d2: {  	[hbm4b:s20+s3] =	stream.linear.scatter [tilespmem:s19], [sflag:$0x1], $0x80, $0x38;
	[tilespmem:$0x1FF00] =	vst v63  }
0x3d3: {  	s21 =	sadd.s32 $0x1BF20, s24;
	s22 =	sadd.s32 $0x1D40, s13  }
0x3d4: {  	[hbm4b:s22+s3] =	stream.linear.scatter [tilespmem:s21], [sflag:$0x1], $0x80, $0x38;
	[tilespmem:$0x1FF00] =	vst v63  }
0x3d5: {  	s23 =	sadd.s32 $0x1CF18, s24;
	s31 =	sadd.s32 $0x1D50, s13  }
0x3d6: {  	[hbm4b:s31+s3] =	stream.linear.scatter [tilespmem:s23], [sflag:$0x1], $0x80, $0x38;
	[tilespmem:$0x1FF00] =	vst v63  }
0x3d7: {  	s14 =	sadd.s32 $0x1DF10, s24;
	s15 =	sadd.s32 $0x1D60, s13  }
0x3d8: {  	[hbm4b:s15+s3] =	stream.linear.scatter [tilespmem:s14], [sflag:$0x1], $0x80, $0x38;
	[tilespmem:$0x1FF00] =	vst v63  }
0x3d9: {  	s16 =	sadd.s32 $0x1EF08, s24;
	s17 =	sadd.s32 $0x1D70, s13  }
0x3da: {  	[hbm4b:s17+s3] =	stream.linear.scatter [tilespmem:s16], [sflag:$0x1], $0x80, $0x38;
	[tilespmem:$0x1FF00] =	vst v63  }
0x3db: {  	s18 =	sadd.s32 $0x1D80, s13;
	s19 =	sadd.s32 $0x17F40, s25  }
0x3dc: {  	[hbm4b:s18+s3] =	stream.linear.scatter [tilespmem:s19], [sflag:$0x1], $0x80, $0x38;
	[tilespmem:$0x1FF00] =	vst v63  }
0x3dd: {  	s20 =	sadd.s32 $0x18F38, s25;
	s21 =	sadd.s32 $0x1D90, s13  }
0x3de: {  	[hbm4b:s21+s3] =	stream.linear.scatter [tilespmem:s20], [sflag:$0x1], $0x80, $0x38;
	[tilespmem:$0x1FF00] =	vst v63  }
0x3df: {  	s22 =	sadd.s32 $0x19F30, s25;
	s23 =	sadd.s32 $0x1DA0, s13  }
0x3e0: {  	[hbm4b:s23+s3] =	stream.linear.scatter [tilespmem:s22], [sflag:$0x1], $0x80, $0x38;
	[tilespmem:$0x1FF00] =	vst v63  }
0x3e1: {  	s24 =	sadd.s32 $0x1AF28, s25;
	s31 =	sadd.s32 $0x1DB0, s13  }
0x3e2: {  	[hbm4b:s31+s3] =	stream.linear.scatter [tilespmem:s24], [sflag:$0x1], $0x80, $0x38;
	[tilespmem:$0x1FF00] =	vst v63  }
0x3e3: {  	s15 =	sadd.s32 $0x1BF20, s25;
	s16 =	sadd.s32 $0x1DC0, s13  }
0x3e4: {  	[hbm4b:s16+s3] =	stream.linear.scatter [tilespmem:s15], [sflag:$0x1], $0x80, $0x38;
	[tilespmem:$0x1FF00] =	vst v63  }
0x3e5: {  	s17 =	sadd.s32 $0x1CF18, s25;
	s18 =	sadd.s32 $0x1DD0, s13  }
0x3e6: {  	[hbm4b:s18+s3] =	stream.linear.scatter [tilespmem:s17], [sflag:$0x1], $0x80, $0x38;
	[tilespmem:$0x1FF00] =	vst v63  }
0x3e7: {  	s19 =	sadd.s32 $0x1DF10, s25;
	s20 =	sadd.s32 $0x1DE0, s13  }
0x3e8: {  	[hbm4b:s20+s3] =	stream.linear.scatter [tilespmem:s19], [sflag:$0x1], $0x80, $0x38;
	[tilespmem:$0x1FF00] =	vst v63  }
0x3e9: {  	s21 =	sadd.s32 $0x1EF08, s25;
	s22 =	sadd.s32 $0x1DF0, s13  }
0x3ea: {  	[hbm4b:s22+s3] =	stream.linear.scatter [tilespmem:s21], [sflag:$0x1], $0x80, $0x38;
	[tilespmem:$0x1FF00] =	vst v63  }
0x3eb: {  	s23 =	sadd.s32 $0x1E00, s13;
	s24 =	sadd.s32 $0x17F40, s26  }
0x3ec: {  	[hbm4b:s23+s3] =	stream.linear.scatter [tilespmem:s24], [sflag:$0x1], $0x80, $0x38;
	[tilespmem:$0x1FF00] =	vst v63  }
0x3ed: {  	s25 =	sadd.s32 $0x18F38, s26;
	s31 =	sadd.s32 $0x1E10, s13  }
0x3ee: {  	[hbm4b:s31+s3] =	stream.linear.scatter [tilespmem:s25], [sflag:$0x1], $0x80, $0x38;
	[tilespmem:$0x1FF00] =	vst v63  }
0x3ef: {  	s14 =	sadd.s32 $0x19F30, s26;
	s15 =	sadd.s32 $0x1E20, s13  }
0x3f0: {  	[hbm4b:s15+s3] =	stream.linear.scatter [tilespmem:s14], [sflag:$0x1], $0x80, $0x38;
	[tilespmem:$0x1FF00] =	vst v63  }
0x3f1: {  	s16 =	sadd.s32 $0x1AF28, s26;
	s17 =	sadd.s32 $0x1E30, s13  }
0x3f2: {  	[hbm4b:s17+s3] =	stream.linear.scatter [tilespmem:s16], [sflag:$0x1], $0x80, $0x38;
	[tilespmem:$0x1FF00] =	vst v63  }
0x3f3: {  	s18 =	sadd.s32 $0x1BF20, s26;
	s19 =	sadd.s32 $0x1E40, s13  }
0x3f4: {  	[hbm4b:s19+s3] =	stream.linear.scatter [tilespmem:s18], [sflag:$0x1], $0x80, $0x38;
	[tilespmem:$0x1FF00] =	vst v63  }
0x3f5: {  	s20 =	sadd.s32 $0x1CF18, s26;
	s21 =	sadd.s32 $0x1E50, s13  }
0x3f6: {  	[hbm4b:s21+s3] =	stream.linear.scatter [tilespmem:s20], [sflag:$0x1], $0x80, $0x38;
	[tilespmem:$0x1FF00] =	vst v63  }
0x3f7: {  	s22 =	sadd.s32 $0x1DF10, s26;
	s23 =	sadd.s32 $0x1E60, s13  }
0x3f8: {  	[hbm4b:s23+s3] =	stream.linear.scatter [tilespmem:s22], [sflag:$0x1], $0x80, $0x38;
	[tilespmem:$0x1FF00] =	vst v63  }
0x3f9: {  	s24 =	sadd.s32 $0x1EF08, s26;
	s25 =	sadd.s32 $0x1E70, s13  }
0x3fa: {  	[hbm4b:s25+s3] =	stream.linear.scatter [tilespmem:s24], [sflag:$0x1], $0x80, $0x38;
	[tilespmem:$0x1FF00] =	vst v63  }
0x3fb: {  	s26 =	sadd.s32 $0x1E80, s13;
	s31 =	sadd.s32 $0x17F40, s28  }
0x3fc: {  	[hbm4b:s26+s3] =	stream.linear.scatter [tilespmem:s31], [sflag:$0x1], $0x80, $0x38;
	[tilespmem:$0x1FF00] =	vst v63  }
0x3fd: {  	s15 =	sadd.s32 $0x18F38, s28;
	s16 =	sadd.s32 $0x1E90, s13  }
0x3fe: {  	[hbm4b:s16+s3] =	stream.linear.scatter [tilespmem:s15], [sflag:$0x1], $0x80, $0x38;
	[tilespmem:$0x1FF00] =	vst v63  }
0x3ff: {  	s17 =	sadd.s32 $0x19F30, s28;
	s18 =	sadd.s32 $0x1EA0, s13  }
0x400: {  	[hbm4b:s18+s3] =	stream.linear.scatter [tilespmem:s17], [sflag:$0x1], $0x80, $0x38;
	[tilespmem:$0x1FF00] =	vst v63  }
0x401: {  	s19 =	sadd.s32 $0x1AF28, s28;
	s20 =	sadd.s32 $0x1EB0, s13  }
0x402: {  	[hbm4b:s20+s3] =	stream.linear.scatter [tilespmem:s19], [sflag:$0x1], $0x80, $0x38;
	[tilespmem:$0x1FF00] =	vst v63  }
0x403: {  	s21 =	sadd.s32 $0x1BF20, s28;
	s22 =	sadd.s32 $0x1EC0, s13  }
0x404: {  	[hbm4b:s22+s3] =	stream.linear.scatter [tilespmem:s21], [sflag:$0x1], $0x80, $0x38;
	[tilespmem:$0x1FF00] =	vst v63  }
0x405: {  	s23 =	sadd.s32 $0x1CF18, s28;
	s24 =	sadd.s32 $0x1ED0, s13  }
0x406: {  	[hbm4b:s24+s3] =	stream.linear.scatter [tilespmem:s23], [sflag:$0x1], $0x80, $0x38;
	[tilespmem:$0x1FF00] =	vst v63  }
0x407: {  	s25 =	sadd.s32 $0x1DF10, s28;
	s26 =	sadd.s32 $0x1EE0, s13  }
0x408: {  	[hbm4b:s26+s3] =	stream.linear.scatter [tilespmem:s25], [sflag:$0x1], $0x80, $0x38;
	[tilespmem:$0x1FF00] =	vst v63  }
0x409: {  	s28 =	sadd.s32 $0x1EF08, s28;
	s31 =	sadd.s32 $0x1EF0, s13  }
0x40a: {  	[hbm4b:s31+s3] =	stream.linear.scatter [tilespmem:s28], [sflag:$0x1], $0x80, $0x38;
	[tilespmem:$0x1FF00] =	vst v63  }
0x40b: {  	s14 =	sadd.s32 $0x1F00, s13;
	s15 =	sadd.s32 $0x17F40, s29  }
0x40c: {  	[hbm4b:s14+s3] =	stream.linear.scatter [tilespmem:s15], [sflag:$0x1], $0x80, $0x38;
	[tilespmem:$0x1FF00] =	vst v63  }
0x40d: {  	s16 =	sadd.s32 $0x18F38, s29;
	s17 =	sadd.s32 $0x1F10, s13  }
0x40e: {  	[hbm4b:s17+s3] =	stream.linear.scatter [tilespmem:s16], [sflag:$0x1], $0x80, $0x38;
	[tilespmem:$0x1FF00] =	vst v63  }
0x40f: {  	s18 =	sadd.s32 $0x19F30, s29;
	s19 =	sadd.s32 $0x1F20, s13  }
0x410: {  	[hbm4b:s19+s3] =	stream.linear.scatter [tilespmem:s18], [sflag:$0x1], $0x80, $0x38;
	[tilespmem:$0x1FF00] =	vst v63  }
0x411: {  	s20 =	sadd.s32 $0x1AF28, s29;
	s21 =	sadd.s32 $0x1F30, s13  }
0x412: {  	[hbm4b:s21+s3] =	stream.linear.scatter [tilespmem:s20], [sflag:$0x1], $0x80, $0x38;
	[tilespmem:$0x1FF00] =	vst v63  }
0x413: {  	s22 =	sadd.s32 $0x1BF20, s29;
	s23 =	sadd.s32 $0x1F40, s13  }
0x414: {  	[hbm4b:s23+s3] =	stream.linear.scatter [tilespmem:s22], [sflag:$0x1], $0x80, $0x38;
	[tilespmem:$0x1FF00] =	vst v63  }
0x415: {  	s24 =	sadd.s32 $0x1CF18, s29;
	s25 =	sadd.s32 $0x1F50, s13  }
0x416: {  	[hbm4b:s25+s3] =	stream.linear.scatter [tilespmem:s24], [sflag:$0x1], $0x80, $0x38;
	[tilespmem:$0x1FF00] =	vst v63  }
0x417: {  	s26 =	sadd.s32 $0x1DF10, s29;
	s28 =	sadd.s32 $0x1F60, s13  }
0x418: {  	[hbm4b:s28+s3] =	stream.linear.scatter [tilespmem:s26], [sflag:$0x1], $0x80, $0x38;
	[tilespmem:$0x1FF00] =	vst v63  }
0x419: {  	s29 =	sadd.s32 $0x1EF08, s29;
	s31 =	sadd.s32 $0x1F70, s13  }
0x41a: {  	[hbm4b:s31+s3] =	stream.linear.scatter [tilespmem:s29], [sflag:$0x1], $0x80, $0x38;
	[tilespmem:$0x1FF00] =	vst v63  }
0x41b: {  	s15 =	sadd.s32 $0x1F80, s13;
	s16 =	sadd.s32 $0x17F40, s30  }
0x41c: {  	[hbm4b:s15+s3] =	stream.linear.scatter [tilespmem:s16], [sflag:$0x1], $0x80, $0x38;
	[tilespmem:$0x1FF00] =	vst v63  }
0x41d: {  	s17 =	sadd.s32 $0x18F38, s30;
	s18 =	sadd.s32 $0x1F90, s13  }
0x41e: {  	[hbm4b:s18+s3] =	stream.linear.scatter [tilespmem:s17], [sflag:$0x1], $0x80, $0x38;
	[tilespmem:$0x1FF00] =	vst v63  }
0x41f: {  	s19 =	sadd.s32 $0x19F30, s30;
	s20 =	sadd.s32 $0x1FA0, s13  }
0x420: {  	[hbm4b:s20+s3] =	stream.linear.scatter [tilespmem:s19], [sflag:$0x1], $0x80, $0x38;
	[tilespmem:$0x1FF00] =	vst v63  }
0x421: {  	s21 =	sadd.s32 $0x1AF28, s30;
	s22 =	sadd.s32 $0x1FB0, s13  }
0x422: {  	[hbm4b:s22+s3] =	stream.linear.scatter [tilespmem:s21], [sflag:$0x1], $0x80, $0x38;
	[tilespmem:$0x1FF00] =	vst v63  }
0x423: {  	s23 =	sadd.s32 $0x1BF20, s30;
	s24 =	sadd.s32 $0x1FC0, s13  }
0x424: {  	[hbm4b:s24+s3] =	stream.linear.scatter [tilespmem:s23], [sflag:$0x1], $0x80, $0x38;
	[tilespmem:$0x1FF00] =	vst v63  }
0x425: {  	s25 =	sadd.s32 $0x1CF18, s30;
	s26 =	sadd.s32 $0x1FD0, s13  }
0x426: {  	[hbm4b:s26+s3] =	stream.linear.scatter [tilespmem:s25], [sflag:$0x1], $0x80, $0x38;
	[tilespmem:$0x1FF00] =	vst v63  }
0x427: {  	s28 =	sadd.s32 $0x1DF10, s30;
	s29 =	sadd.s32 $0x1FE0, s13  }
0x428: {  	[hbm4b:s29+s3] =	stream.linear.scatter [tilespmem:s28], [sflag:$0x1], $0x80, $0x38;
	[tilespmem:$0x1FF00] =	vst v63  }
0x429: {  	s31 =	sadd.s32 $0x1EF08, s30;
	s13 =	sadd.s32 $0x1FF0, s13  }
0x42a: {  	[hbm4b:s13+s3] =	stream.linear.scatter [tilespmem:s31], [sflag:$0x1], $0x80, $0x38;
	[tilespmem:$0x1FF00] =	vst v63  }
0x42b: {  	_ =	swait.ge [sflag:s9], $0x400  }
0x42c: {  	[sflag:s9] =	ssyncset.done $0x0  }
0x42d: {  	[sflag:s9] =	ssyncadd.s32 $0xFFFFFC00  }
0x42e: {  	_ =	swait.ge [sflag:s9], $0x400  }
0x42f: {  	[sflag:s9] =	ssyncset.done $0x0  }
0x430: {  	[sflag:s9] =	ssyncadd.s32 $0xFFFFFC00  }
0x431: {  	_ =	swait.ge [sflag:s9], $0x400  }
0x432: {  	[sflag:s9] =	ssyncset.done $0x0  }
0x433: {  	[sflag:s9] =	ssyncadd.s32 $0xFFFFFC00  }
0x434: {  	_ =	swait.ge [sflag:s9], $0x400  }
0x435: {  	[sflag:s9] =	ssyncset.done $0x0  }
0x436: {  	[sflag:s9] =	ssyncadd.s32 $0xFFFFFC00  }
0x437: {  	_ =	swait.ge [sflag:s9], $0x400  }
0x438: {  	[sflag:s9] =	ssyncset.done $0x0  }
0x439: {  	[sflag:s9] =	ssyncadd.s32 $0xFFFFFC00  }
0x43a: {  	_ =	swait.ge [sflag:s9], $0x400  }
0x43b: {  	[sflag:s9] =	ssyncset.done $0x0  }
0x43c: {  	[sflag:s9] =	ssyncadd.s32 $0xFFFFFC00  }
0x43d: {  	_ =	swait.ge [sflag:s9], $0x400  }
0x43e: {  	[sflag:s9] =	ssyncset.done $0x0  }
0x43f: {  	[sflag:s9] =	ssyncadd.s32 $0xFFFFFC00  }
0x440: {  	_ =	swait.ge [sflag:s9], $0x400  }
0x441: {  	[sflag:s9] =	ssyncset.done $0x0  }
0x442: {  	[sflag:s9] =	ssyncadd.s32 $0xFFFFFC00  }
0x443: {  	_ =	swait.ge [sflag:s9], $0x400  }
0x444: {  	[sflag:s9] =	ssyncset.done $0x0  }
0x445: {  	[sflag:s9] =	ssyncadd.s32 $0xFFFFFC00  }
0x446: {  	_ =	swait.ge [sflag:s9], $0x400  }
0x447: {  	[sflag:s9] =	ssyncset.done $0x0  }
0x448: {  	[sflag:s9] =	ssyncadd.s32 $0xFFFFFC00  }
0x449: {  	_ =	swait.ge [sflag:s9], $0x400  }
0x44a: {  	[sflag:s9] =	ssyncset.done $0x0  }
0x44b: {  	[sflag:s9] =	ssyncadd.s32 $0xFFFFFC00  }
0x44c: {  	_ =	swait.ge [sflag:s9], $0x400  }
0x44d: {  	[sflag:s9] =	ssyncset.done $0x0  }
0x44e: {  	[sflag:s9] =	ssyncadd.s32 $0xFFFFFC00  }
0x44f: {  	_ =	swait.ge [sflag:s9], $0x400  }
0x450: {  	[sflag:s9] =	ssyncset.done $0x0  }
0x451: {  	[sflag:s9] =	ssyncadd.s32 $0xFFFFFC00  }
0x452: {  	_ =	swait.ge [sflag:s9], $0x400  }
0x453: {  	[sflag:s9] =	ssyncset.done $0x0  }
0x454: {  	[sflag:s9] =	ssyncadd.s32 $0xFFFFFC00  }
0x455: {  	_ =	swait.ge [sflag:s9], $0x400  }
0x456: {  	[sflag:s9] =	ssyncset.done $0x0  }
0x457: {  	[sflag:s9] =	ssyncadd.s32 $0xFFFFFC00  }
0x458: {  	_ =	swait.ge [sflag:s9], $0x400  }
0x459: {  	[sflag:s9] =	ssyncset.done $0x0  }
0x45a: {  	[sflag:s9] =	ssyncadd.s32 $0xFFFFFC00  }
0x45b: {  	_ =	swait.ge [sflag:s9], $0x400  }
0x45c: {  	[sflag:s9] =	ssyncset.done $0x0  }
0x45d: {  	[sflag:s9] =	ssyncadd.s32 $0xFFFFFC00  }
0x45e: {  	_ =	swait.ge [sflag:s9], $0x400  }
0x45f: {  	[sflag:s9] =	ssyncset.done $0x0  }
0x460: {  	[sflag:s9] =	ssyncadd.s32 $0xFFFFFC00  }
0x461: {  	_ =	swait.ge [sflag:s9], $0x400  }
0x462: {  	[sflag:s9] =	ssyncset.done $0x0  }
0x463: {  	[sflag:s9] =	ssyncadd.s32 $0xFFFFFC00  }
0x464: {  	_ =	swait.ge [sflag:s9], $0x400  }
0x465: {  	[sflag:s9] =	ssyncset.done $0x0  }
0x466: {  	[sflag:s9] =	ssyncadd.s32 $0xFFFFFC00  }
0x467: {  	_ =	swait.ge [sflag:s9], $0x400  }
0x468: {  	[sflag:s9] =	ssyncset.done $0x0  }
0x469: {  	[sflag:s9] =	ssyncadd.s32 $0xFFFFFC00  }
0x46a: {  	_ =	swait.ge [sflag:s9], $0x400  }
0x46b: {  	[sflag:s9] =	ssyncset.done $0x0  }
0x46c: {  	[sflag:s9] =	ssyncadd.s32 $0xFFFFFC00  }
0x46d: {  	_ =	swait.ge [sflag:s9], $0x400  }
0x46e: {  	[sflag:s9] =	ssyncset.done $0x0  }
0x46f: {  	[sflag:s9] =	ssyncadd.s32 $0xFFFFFC00  }
0x470: {  	_ =	swait.ge [sflag:s9], $0x400  }
0x471: {  	[sflag:s9] =	ssyncset.done $0x0  }
0x472: {  	[sflag:s9] =	ssyncadd.s32 $0xFFFFFC00  }
0x473: {  	_ =	swait.ge [sflag:s9], $0x400  }
0x474: {  	[sflag:s9] =	ssyncset.done $0x0  }
0x475: {  	[sflag:s9] =	ssyncadd.s32 $0xFFFFFC00  }
0x476: {  	_ =	swait.ge [sflag:s9], $0x400  }
0x477: {  	[sflag:s9] =	ssyncset.done $0x0  }
0x478: {  	[sflag:s9] =	ssyncadd.s32 $0xFFFFFC00  }
0x479: {  	_ =	swait.ge [sflag:s9], $0x400  }
0x47a: {  	[sflag:s9] =	ssyncset.done $0x0  }
0x47b: {  	[sflag:s9] =	ssyncadd.s32 $0xFFFFFC00  }
0x47c: {  	_ =	swait.ge [sflag:s9], $0x400  }
0x47d: {  	[sflag:s9] =	ssyncset.done $0x0  }
0x47e: {  	[sflag:s9] =	ssyncadd.s32 $0xFFFFFC00  }
0x47f: {  	_ =	swait.ge [sflag:s9], $0x400  }
0x480: {  	[sflag:s9] =	ssyncset.done $0x0  }
0x481: {  	[sflag:s9] =	ssyncadd.s32 $0xFFFFFC00  }
0x482: {  	_ =	swait.ge [sflag:s9], $0x400  }
0x483: {  	[sflag:s9] =	ssyncset.done $0x0  }
0x484: {  	[sflag:s9] =	ssyncadd.s32 $0xFFFFFC00  }
0x485: {  	_ =	swait.ge [sflag:s9], $0x400  }
0x486: {  	[sflag:s9] =	ssyncset.done $0x0  }
0x487: {  	[sflag:s9] =	ssyncadd.s32 $0xFFFFFC00  }
0x488: {  	_ =	swait.ge [sflag:s9], $0x400  }
0x489: {  	[sflag:s9] =	ssyncset.done $0x0  }
0x48a: {  	[sflag:s9] =	ssyncadd.s32 $0xFFFFFC00  }
0x48b: {  	_ =	swait.ge [sflag:s9], $0x400  }
0x48c: {  	[sflag:s9] =	ssyncset.done $0x0  }
0x48d: {  	[sflag:s9] =	ssyncadd.s32 $0xFFFFFC00  }
0x48e: {  	_ =	swait.ge [sflag:s9], $0x400  }
0x48f: {  	[sflag:s9] =	ssyncset.done $0x0  }
0x490: {  	[sflag:s9] =	ssyncadd.s32 $0xFFFFFC00  }
0x491: {  	_ =	swait.ge [sflag:s9], $0x400  }
0x492: {  	[sflag:s9] =	ssyncset.done $0x0  }
0x493: {  	[sflag:s9] =	ssyncadd.s32 $0xFFFFFC00  }
0x494: {  	_ =	swait.ge [sflag:s9], $0x400  }
0x495: {  	[sflag:s9] =	ssyncset.done $0x0  }
0x496: {  	[sflag:s9] =	ssyncadd.s32 $0xFFFFFC00  }
0x497: {  	_ =	swait.ge [sflag:s9], $0x400  }
0x498: {  	[sflag:s9] =	ssyncset.done $0x0  }
0x499: {  	[sflag:s9] =	ssyncadd.s32 $0xFFFFFC00  }
0x49a: {  	_ =	swait.ge [sflag:s9], $0x400  }
0x49b: {  	[sflag:s9] =	ssyncset.done $0x0  }
0x49c: {  	[sflag:s9] =	ssyncadd.s32 $0xFFFFFC00  }
0x49d: {  	_ =	swait.ge [sflag:s9], $0x400  }
0x49e: {  	[sflag:s9] =	ssyncset.done $0x0  }
0x49f: {  	[sflag:s9] =	ssyncadd.s32 $0xFFFFFC00  }
0x4a0: {  	_ =	swait.ge [sflag:s9], $0x400  }
0x4a1: {  	[sflag:s9] =	ssyncset.done $0x0  }
0x4a2: {  	[sflag:s9] =	ssyncadd.s32 $0xFFFFFC00  }
0x4a3: {  	_ =	swait.ge [sflag:s9], $0x400  }
0x4a4: {  	[sflag:s9] =	ssyncset.done $0x0  }
0x4a5: {  	[sflag:s9] =	ssyncadd.s32 $0xFFFFFC00  }
0x4a6: {  	_ =	swait.ge [sflag:s9], $0x400  }
0x4a7: {  	[sflag:s9] =	ssyncset.done $0x0  }
0x4a8: {  	[sflag:s9] =	ssyncadd.s32 $0xFFFFFC00  }
0x4a9: {  	_ =	swait.ge [sflag:s9], $0x400  }
0x4aa: {  	[sflag:s9] =	ssyncset.done $0x0  }
0x4ab: {  	[sflag:s9] =	ssyncadd.s32 $0xFFFFFC00  }
0x4ac: {  	_ =	swait.ge [sflag:s9], $0x400  }
0x4ad: {  	[sflag:s9] =	ssyncset.done $0x0  }
0x4ae: {  	[sflag:s9] =	ssyncadd.s32 $0xFFFFFC00  }
0x4af: {  	_ =	swait.ge [sflag:s9], $0x400  }
0x4b0: {  	[sflag:s9] =	ssyncset.done $0x0  }
0x4b1: {  	[sflag:s9] =	ssyncadd.s32 $0xFFFFFC00  }
0x4b2: {  	_ =	swait.ge [sflag:s9], $0x400  }
0x4b3: {  	[sflag:s9] =	ssyncset.done $0x0  }
0x4b4: {  	[sflag:s9] =	ssyncadd.s32 $0xFFFFFC00  }
0x4b5: {  	_ =	swait.ge [sflag:s9], $0x400  }
0x4b6: {  	[sflag:s9] =	ssyncset.done $0x0  }
0x4b7: {  	[sflag:s9] =	ssyncadd.s32 $0xFFFFFC00  }
0x4b8: {  	_ =	swait.ge [sflag:s9], $0x400  }
0x4b9: {  	[sflag:s9] =	ssyncset.done $0x0  }
0x4ba: {  	[sflag:s9] =	ssyncadd.s32 $0xFFFFFC00  }
0x4bb: {  	_ =	swait.ge [sflag:s9], $0x400  }
0x4bc: {  	[sflag:s9] =	ssyncset.done $0x0  }
0x4bd: {  	[sflag:s9] =	ssyncadd.s32 $0xFFFFFC00  }
0x4be: {  	_ =	swait.ge [sflag:s9], $0x400  }
0x4bf: {  	[sflag:s9] =	ssyncset.done $0x0  }
0x4c0: {  	[sflag:s9] =	ssyncadd.s32 $0xFFFFFC00  }
0x4c1: {  	_ =	swait.ge [sflag:s9], $0x400  }
0x4c2: {  	[sflag:s9] =	ssyncset.done $0x0  }
0x4c3: {  	[sflag:s9] =	ssyncadd.s32 $0xFFFFFC00  }
0x4c4: {  	_ =	swait.ge [sflag:s9], $0x400  }
0x4c5: {  	[sflag:s9] =	ssyncset.done $0x0  }
0x4c6: {  	[sflag:s9] =	ssyncadd.s32 $0xFFFFFC00  }
0x4c7: {  	_ =	swait.ge [sflag:s9], $0x400  }
0x4c8: {  	[sflag:s9] =	ssyncset.done $0x0  }
0x4c9: {  	[sflag:s9] =	ssyncadd.s32 $0xFFFFFC00  }
0x4ca: {  	_ =	swait.ge [sflag:s9], $0x400  }
0x4cb: {  	[sflag:s9] =	ssyncset.done $0x0  }
0x4cc: {  	[sflag:s9] =	ssyncadd.s32 $0xFFFFFC00  }
0x4cd: {  	_ =	swait.ge [sflag:s9], $0x400  }
0x4ce: {  	[sflag:s9] =	ssyncset.done $0x0  }
0x4cf: {  	[sflag:s9] =	ssyncadd.s32 $0xFFFFFC00  }
0x4d0: {  	_ =	swait.ge [sflag:s9], $0x400  }
0x4d1: {  	[sflag:s9] =	ssyncset.done $0x0  }
0x4d2: {  	[sflag:s9] =	ssyncadd.s32 $0xFFFFFC00  }
0x4d3: {  	_ =	swait.ge [sflag:s9], $0x400  }
0x4d4: {  	[sflag:s9] =	ssyncset.done $0x0  }
0x4d5: {  	[sflag:s9] =	ssyncadd.s32 $0xFFFFFC00  }
0x4d6: {  	_ =	swait.ge [sflag:s9], $0x400  }
0x4d7: {  	[sflag:s9] =	ssyncset.done $0x0  }
0x4d8: {  	[sflag:s9] =	ssyncadd.s32 $0xFFFFFC00  }
0x4d9: {  	_ =	swait.ge [sflag:s9], $0x400  }
0x4da: {  	[sflag:s9] =	ssyncset.done $0x0  }
0x4db: {  	[sflag:s9] =	ssyncadd.s32 $0xFFFFFC00  }
0x4dc: {  	_ =	swait.ge [sflag:s9], $0x400  }
0x4dd: {  	[sflag:s9] =	ssyncset.done $0x0  }
0x4de: {  	[sflag:s9] =	ssyncadd.s32 $0xFFFFFC00  }
0x4df: {  	_ =	swait.ge [sflag:s9], $0x400  }
0x4e0: {  	[sflag:s9] =	ssyncset.done $0x0  }
0x4e1: {  	[sflag:s9] =	ssyncadd.s32 $0xFFFFFC00  }
0x4e2: {  	_ =	swait.ge [sflag:s9], $0x400  }
0x4e3: {  	[sflag:s9] =	ssyncset.done $0x0  }
0x4e4: {  	[sflag:s9] =	ssyncadd.s32 $0xFFFFFC00  }
0x4e5: {  	p0 =	sne.s32 s11, $0xFC0000;
	_ =	swait.ge [sflag:s9], $0x400  }
.Ltmp3:
0x4e6: {  	[sflag:s9] =	ssyncset.done $0x0;
	(pc) =	sbr.rel @p0 .LBB2_8-.Ltmp3, $4  }
0x4e7: {  	[sflag:s9] =	ssyncadd.s32 $0xFFFFFC00  }
0x4e8: {  	_ =	swait.ge [sflag:s9], $0x400  }
0x4e9: {  	[sflag:s9] =	ssyncset.done $0x0  }
0x4ea: {  	s11 =	sadd.s32 $0x40000, s11;
	s12 =	sadd.s32 $0xFFFFFFE0, s12;
	[sflag:s9] =	ssyncadd.s32 $0xFFFFFC00  }
0x4eb: {  	s10 =	sadd.s32 $0x1, s10  }
0x4ec: {  	p0 =	sne.s32 s10, s6  }
.Ltmp4:
0x4ed: {  	_ = 	snop;
	(pc) =	sbr.rel @p0 .LBB2_1-.Ltmp4, $1  }
0x4ee: {  	_ =	sdelay $0x3  }
0x4ef: {  	_ =	sfence.sel $0x180000  }
0x4f0: {  	[bflag:$0x0] =	sbarrier.arrive $0xFFFF  }
0x4f1: {  	_ =	strace $0x90000047  }
0x4f2: {  	[bflag:$0x2] =	sbarrier.arrive $0xFFFF  }
0x4f3: {  	p0 =	sne.s32 s0, $0x0;
	s0 =	rddreg [dreg:$0x2]  }
0x4f4: {  	s0 =	sadd.s32 @!p0 $0x100000, s0  }
0x4f5: {  	[sflag:s0] =	ssyncadd.tile.s32 @!p0 $0x1;
	_ =	shalt  }
.Lfunc_end2:
_tile_overlayer_lowered:
.L_overlay_start_2:
0x4f6: {  	(tag) =	ssettag $0x2  }
0x4f7: {  	s0 =	rddreg [dreg:$0x0];
	s2 =	stileid.u32  }
0x4f8: {  	s1 =	rddreg [dreg:$0x1];
	p0 =	sne.s32 s2, $0x0  }
0x4f9: {  	s3 =	rddreg [dreg:$0x2];
	[bflag:$0x3] =	sbarrier.arrive $0xFFFF;
	s2 =	simm.s32 @!p0 $0x1C02  }
0x4fa: {  	[timem:s3], [sflag:s2] =	dma.local @!p0 [hbm:s0], s1  }
0x4fb: {  	s0 =	simm.s32 @!p0 $0x2  }
0x4fc: {  	_ =	swait.ge @!p0 [sflag:s0], s1  }
0x4fd: {  	s1 =	ssub.s32 @!p0 $0x0, s1;
	[sflag:s0] =	ssyncset.done @!p0 $0x0  }
0x4fe: {  	[sflag:s0] =	ssyncadd.s32 @!p0 s1  }
0x4ff: {  	[bflag:$0x3] =	sbarrier.arrive $0xFFFF  }
0x500: {  	_ =	shalt  }

</sc_bundles>
